<compile_context>
chip_gen: v7x
topology: tpu7x:2x2x1
jax: 0.10.2.dev20260603
libtpu: 0.0.44.dev20260713+nightly
codegen_flags: <defaults>
</compile_context>

<pallas_src>
import functools

import jax
import jax.numpy as jnp
from jax import lax
from jax.experimental import pallas as pl
from jax.experimental.pallas import tpu as pltpu
from jax.experimental.pallas import tpu_sc as plsc

_NC = 2
_NS = 16
_NW = _NC * _NS
_L = 16

_B = 16384
_F = 26
_D = 64
_ND = _D // _L
_ROWS_PER_W = _B // _NW
_CHUNK = 16
_NCHUNK = _ROWS_PER_W // _CHUNK
_GROWS = _CHUNK * _F
_CBLK = 128
_NBLK = _ROWS_PER_W // _CBLK
_FLAT = _ROWS_PER_W * _F + _L // 2

_V = 1000000
_TC_C = 24576
_SPLIT = 516096
_TC_NBLK = _SPLIT // _TC_C
_TC_LASTBLK = (_V - 1) // _TC_C


def _detrans_body(a_ref, b_ref, out_ref):
    out_ref[:, 0:_D] = a_ref[...].T
    out_ref[:, _D:2 * _D] = b_ref[...].T


def _detranspose(table):
    tt = table.T
    paired = pl.pallas_call(
        _detrans_body,
        grid=(_TC_NBLK,),
        in_specs=[
            pl.BlockSpec((_D, _TC_C), lambda i: (0, i)),
            pl.BlockSpec((_D, _TC_C),
                         lambda i: (0, jnp.minimum(i + _TC_NBLK, _TC_LASTBLK))),
        ],
        out_specs=pl.BlockSpec((_TC_C, 2 * _D), lambda i: (i, 0)),
        out_shape=jax.ShapeDtypeStruct((_SPLIT, 2 * _D), jnp.float32),
        compiler_params=pltpu.CompilerParams(vmem_limit_bytes=100 * 2**20),
    )(tt, tt)
    return paired.reshape(2 * _SPLIT, _D)


def _remap(r):
    return jnp.where(r < _SPLIT, r * 2, r * 2 - (2 * _SPLIT - 1))


def _reorder_indices(ft, base, stage, flat, lane):
    lo_rows = lane
    hi_rows = jnp.minimum(lane + _L, _F - 1)
    for blk in range(_NBLK):
        col0 = base + blk * _CBLK
        pltpu.sync_copy(ft.at[:, pl.ds(col0, _CBLK)], stage)

        def reorder_body(b2, carry, blk=blk):
            col = jnp.full((_L,), b2, jnp.int32)
            off = (blk * _CBLK + b2) * _F
            flat[pl.ds(off, _L)] = _remap(
                plsc.load_gather(stage, [lo_rows, col]))
            flat[pl.ds(off + _L, _L)] = _remap(
                plsc.load_gather(stage, [hi_rows, col]))
            return carry

        lax.fori_loop(0, _CBLK, reorder_body, 0)


def _colsum(part):
    svec = part[0, :]
    for l in range(1, _L):
        svec = svec + part[l, :]
    return svec


def _item_body(ift, uft, ie, w, isum_out, ft_out, uflat_out,
               stage, flat, rows_a, rows_b, w_v, part, isum_v, ft_v,
               sem_a, sem_b, sem_o):
    wid = lax.axis_index("s") * _NC + lax.axis_index("c")
    base = wid * _ROWS_PER_W
    pltpu.sync_copy(w, w_v)
    wb = [w_v[pl.ds(k * _L, _L)] for k in range(_ND)]
    lane = lax.iota(jnp.int32, _L)

    _reorder_indices(uft, base, stage, flat, lane)
    pltpu.async_copy(flat, uflat_out.at[wid], sem_o).wait()
    _reorder_indices(ift, base, stage, flat, lane)

    sems = (sem_a, sem_b)

    def issue(c, p):
        pltpu.async_copy(ie.at[flat.at[pl.ds(c * _GROWS, _GROWS)]],
                         (rows_a, rows_b)[p], sems[p])

    def drain(p):
        pltpu.make_async_copy(ie.at[pl.ds(0, _GROWS)], (rows_a, rows_b)[p],
                              sems[p]).wait()

    issue(0, 0)

    def super_body(s, carry):
        for par in range(2):
            c = s * 2 + par

            @pl.when(c < _NCHUNK - 1)
            def _():
                issue(c + 1, 1 - par)

            drain(par)

            def row_body(b, carry2, par=par):
                buf = (rows_a, rows_b)[par]
                rb = b * _F
                sa = [jnp.zeros((_L,), jnp.float32) for _ in range(_ND)]
                qa = [jnp.zeros((_L,), jnp.float32) for _ in range(_ND)]
                for f in range(_F):
                    for k in range(_ND):
                        x = buf[rb + f, pl.ds(k * _L, _L)]
                        sa[k] = sa[k] + x
                        qa[k] = qa[k] + x * x
                tot = jnp.zeros((_L,), jnp.float32)
                for k in range(_ND):
                    tot = tot + wb[k] * sa[k] \
                        + 0.5 * (sa[k] * sa[k] - qa[k])
                    isum_v[(s * 2 + par) * _CHUNK + b,
                           pl.ds(k * _L, _L)] = sa[k]
                plsc.store_scatter(part, [lane, jnp.full((_L,), b, jnp.int32)],
                                   tot)
                return carry2

            lax.fori_loop(0, _CHUNK, row_body, 0)
            ft_v[pl.ds((s * 2 + par) * _CHUNK, _CHUNK)] = _colsum(part)
        return carry

    lax.fori_loop(0, _NCHUNK // 2, super_body, 0)
    pltpu.async_copy(isum_v, isum_out.at[pl.ds(base, _ROWS_PER_W)],
                     sem_o).wait()
    pltpu.async_copy(ft_v, ft_out.at[pl.ds(base, _ROWS_PER_W)], sem_o).wait()


def _user_body(ue, isum_in, ft_in, uflat_in, out,
               flat, rows_a, rows_b, part, isum_v, ft_v, scores,
               sem_a, sem_b, sem_o):
    wid = lax.axis_index("s") * _NC + lax.axis_index("c")
    base = wid * _ROWS_PER_W
    lane = lax.iota(jnp.int32, _L)

    pltpu.sync_copy(uflat_in.at[wid], flat)

    sems = (sem_a, sem_b)

    def issue(c, p):
        pltpu.async_copy(ue.at[flat.at[pl.ds(c * _GROWS, _GROWS)]],
                         (rows_a, rows_b)[p], sems[p])

    def drain(p):
        pltpu.make_async_copy(ue.at[pl.ds(0, _GROWS)], (rows_a, rows_b)[p],
                              sems[p]).wait()

    issue(0, 0)
    pltpu.sync_copy(isum_in.at[pl.ds(base, _ROWS_PER_W)], isum_v)
    pltpu.sync_copy(ft_in.at[pl.ds(base, _ROWS_PER_W)], ft_v)

    def super_body(s, carry):
        for par in range(2):
            c = s * 2 + par

            @pl.when(c < _NCHUNK - 1)
            def _():
                issue(c + 1, 1 - par)

            drain(par)

            def row_body(b, carry2, par=par):
                buf = (rows_a, rows_b)[par]
                rb = b * _F
                ua = [jnp.zeros((_L,), jnp.float32) for _ in range(_ND)]
                for f in range(_F):
                    for k in range(_ND):
                        ua[k] = ua[k] + buf[rb + f, pl.ds(k * _L, _L)]
                tot = jnp.zeros((_L,), jnp.float32)
                row = (s * 2 + par) * _CHUNK + b
                for k in range(_ND):
                    tot = tot + ua[k] * isum_v[row, pl.ds(k * _L, _L)]
                plsc.store_scatter(part, [lane, jnp.full((_L,), b, jnp.int32)],
                                   tot)
                return carry2

            lax.fori_loop(0, _CHUNK, row_body, 0)
            off = (s * 2 + par) * _CHUNK
            scores[pl.ds(off, _CHUNK)] = _colsum(part) \
                + ft_v[pl.ds(off, _CHUNK)]
        return carry

    lax.fori_loop(0, _NCHUNK // 2, super_body, 0)
    pltpu.async_copy(scores, out.at[pl.ds(base, _ROWS_PER_W)], sem_o).wait()


@jax.jit
def kernel(user_features, item_features, user_emb, item_emb, linear_w):
    mesh = plsc.VectorSubcoreMesh(core_axis_name="c", subcore_axis_name="s",
                                  num_cores=_NC, num_subcores=_NS)
    params = pltpu.CompilerParams(needs_layout_passes=False,
                                  use_tc_tiling_on_sc=False)
    item_fm = functools.partial(
        pl.kernel,
        out_type=(jax.ShapeDtypeStruct((_B, _D), jnp.float32),
                  jax.ShapeDtypeStruct((_B,), jnp.float32),
                  jax.ShapeDtypeStruct((_NW, _FLAT), jnp.int32)),
        mesh=mesh,
        compiler_params=params,
        scratch_types=[
            pltpu.VMEM((_F, _CBLK), jnp.int32),
            pltpu.VMEM((_FLAT,), jnp.int32),
            pltpu.VMEM((_GROWS, _D), jnp.float32),
            pltpu.VMEM((_GROWS, _D), jnp.float32),
            pltpu.VMEM((_D,), jnp.float32),
            pltpu.VMEM((_L, _CHUNK), jnp.float32),
            pltpu.VMEM((_ROWS_PER_W, _D), jnp.float32),
            pltpu.VMEM((_ROWS_PER_W,), jnp.float32),
            pltpu.SemaphoreType.DMA,
            pltpu.SemaphoreType.DMA,
            pltpu.SemaphoreType.DMA,
        ],
    )(_item_body)
    user_fm = functools.partial(
        pl.kernel,
        out_type=jax.ShapeDtypeStruct((_B,), jnp.float32),
        mesh=mesh,
        compiler_params=params,
        scratch_types=[
            pltpu.VMEM((_FLAT,), jnp.int32),
            pltpu.VMEM((_GROWS, _D), jnp.float32),
            pltpu.VMEM((_GROWS, _D), jnp.float32),
            pltpu.VMEM((_L, _CHUNK), jnp.float32),
            pltpu.VMEM((_ROWS_PER_W, _D), jnp.float32),
            pltpu.VMEM((_ROWS_PER_W,), jnp.float32),
            pltpu.VMEM((_ROWS_PER_W,), jnp.float32),
            pltpu.SemaphoreType.DMA,
            pltpu.SemaphoreType.DMA,
            pltpu.SemaphoreType.DMA,
        ],
    )(_user_body)
    ie_t = _detranspose(item_emb)
    ue_t = _detranspose(user_emb)
    isum, ft, uflat = item_fm(item_features.T, user_features.T, ie_t,
                              linear_w.reshape(-1))
    return user_fm(ue_t, isum, ft, uflat)

# --- scband reference (transcript-rebuilt; emitter-appended) ---
"""Pipeline reference for scband-two-tower-fm-56006373540338 (READ-ONLY COPY).

The authoritative reference and input builder live on the scoring server;
editing this copy changes nothing except your own understanding.
"""

import jax, jax.numpy as jnp
import numpy as np

VOCAB_USER = 1000000
VOCAB_ITEM = 1000000
EMBED_DIM = 64
BATCH = 16384
FIELDS = 26


def setup_inputs(seed: int = 0) -> dict:
    key = jax.random.key(seed)
    k1, k2, k3, k4, k5 = jax.random.split(key, 5)
    user_features = jax.random.randint(k1, (BATCH, FIELDS), 0, VOCAB_USER, dtype=jnp.int64 if jax.config.jax_enable_x64 else jnp.int32).astype(jnp.int32)
    item_features = jax.random.randint(k2, (BATCH, FIELDS), 0, VOCAB_ITEM, dtype=jnp.int64 if jax.config.jax_enable_x64 else jnp.int32).astype(jnp.int32)
    user_emb = jax.random.normal(k3, (VOCAB_USER, EMBED_DIM), dtype=jnp.float32) * 0.02
    item_emb = jax.random.normal(k4, (VOCAB_ITEM, EMBED_DIM), dtype=jnp.float32) * 0.02
    linear_w = jax.random.normal(k5, (1, EMBED_DIM), dtype=jnp.float32) * 0.02
    return {"user_features": user_features, "item_features": item_features, "user_emb": user_emb, "item_emb": item_emb, "linear_w": linear_w}


def reference(user_features, item_features, user_emb, item_emb, linear_w):
    # User tower
    user_embeddings = jnp.take(user_emb, user_features, axis=0)  # [B, F, D]
    user_embedding_sum = jnp.sum(user_embeddings, axis=1)  # [B, D]
    ones = jnp.ones((user_embedding_sum.shape[0], 1), dtype=user_embedding_sum.dtype)
    user_vector = jnp.concatenate([ones, user_embedding_sum], axis=1)  # [B, 1+D]
    # Item tower
    item_embeddings = jnp.take(item_emb, item_features, axis=0)  # [B, F, D]
    item_embedding_sum = jnp.sum(item_embeddings, axis=1)  # [B, D]
    item_linear = item_embedding_sum @ linear_w.T  # [B, 1]
    sum_square = item_embedding_sum ** 2
    square = item_embeddings ** 2
    squared_sum = jnp.sum(square, axis=1)
    fm_vector = sum_square - squared_sum
    fm_interaction = 0.5 * jnp.sum(fm_vector, axis=1, keepdims=True)
    first_term = item_linear + fm_interaction
    item_vector = jnp.concatenate([first_term, item_embedding_sum], axis=1)  # [B, 1+D]
    score = jnp.sum(user_vector * item_vector, axis=1)  # [B]
    return score

if __name__ == "__main__":
    import jax
    _d = setup_inputs()
    print(jax.jit(kernel)(*tuple(_d.values())))

</pallas_src>

<mosaic_0001>
#map = affine_map<(d0, d1) -> (0, 0)>
#map1 = affine_map<(d0, d1) -> (0)>
module attributes {stable_mosaic.version = 14 : i64} {
  func.func @_user_body(%arg0: i32, %arg1: i32, %arg2: memref<1032192x64xf32, #tpu.memory_space<hbm>>, %arg3: memref<16384x64xf32, #tpu.memory_space<hbm>>, %arg4: memref<16384xf32, #tpu.memory_space<hbm>>, %arg5: memref<32x13320xi32, #tpu.memory_space<hbm>>, %arg6: memref<16384xf32, #tpu.memory_space<hbm>>, %arg7: memref<13320xi32, #tpu.memory_space<vmem>>, %arg8: memref<416x64xf32, #tpu.memory_space<vmem>>, %arg9: memref<416x64xf32, #tpu.memory_space<vmem>>, %arg10: memref<16x16xf32, #tpu.memory_space<vmem>>, %arg11: memref<512x64xf32, #tpu.memory_space<vmem>>, %arg12: memref<512xf32, #tpu.memory_space<vmem>>, %arg13: memref<512xf32, #tpu.memory_space<vmem>>, %arg14: memref<!tpu.dma_semaphore, #tpu.memory_space<semaphore_mem>>, %arg15: memref<!tpu.dma_semaphore, #tpu.memory_space<semaphore_mem>>, %arg16: memref<!tpu.dma_semaphore, #tpu.memory_space<semaphore_mem>>) attributes {dimension_semantics = [#tpu.dimension_semantics<core_parallel>, #tpu.dimension_semantics<subcore_parallel>], iteration_bounds = array<i64: 2, 16>, scalar_prefetch = 0 : i64, scratch_operands = 10 : i64, tpu.core_type = #tpu.core_type<sc_vector_subcore>, window_params = [{transform_indices = #map}, {transform_indices = #map}, {transform_indices = #map1}, {transform_indices = #map}, {transform_indices = #map1}]} {
    %mul3A = arith.constant 2 : i32
    %mul3A_0 = arith.muli %arg1, %mul3A : i32
    %add3A = arith.addi %mul3A_0, %arg0 : i32
    %mul3A_1 = arith.constant 512 : i32
    %mul3A_2 = arith.muli %add3A, %mul3A_1 : i32
    %iota3A = tpu.iota {dimensions = array<i32: 0>} : vector<16xi32>
    "tpu.region"() ({
      %run_scoped3A = tpu.sem_alloc : memref<!tpu.dma_semaphore, #tpu.memory_space<semaphore_mem>>
      %dma_start3A_15 = arith.constant 0 : i32
      %dma_start3A_16 = tpu.memref_slice %arg5[%add3A, %dma_start3A_15] : memref<32x13320xi32, #tpu.memory_space<hbm>> -> memref<1x13320xi32, #tpu.memory_space<hbm>>
      %dma_start3A_17 = tpu.memref_squeeze %dma_start3A_16 : memref<1x13320xi32, #tpu.memory_space<hbm>> -> memref<13320xi32, #tpu.memory_space<hbm>>
      %dma_start3A_18 = arith.constant 0 : i32
      %dma_start3A_19 = tpu.memref_slice %arg5[%add3A, %dma_start3A_18] : memref<32x13320xi32, #tpu.memory_space<hbm>> -> memref<1x13320xi32, #tpu.memory_space<hbm>>
      %dma_start3A_20 = tpu.memref_squeeze %dma_start3A_19 : memref<1x13320xi32, #tpu.memory_space<hbm>> -> memref<13320xi32, #tpu.memory_space<hbm>>
      tpu.enqueue_dma source(%dma_start3A_20 : memref<13320xi32, #tpu.memory_space<hbm>>) target(%arg7 : memref<13320xi32, #tpu.memory_space<vmem>>) target_semaphore(%run_scoped3A : memref<!tpu.dma_semaphore, #tpu.memory_space<semaphore_mem>>)
      %dma_wait3A_21 = arith.constant 0 : i32
      %dma_wait3A_22 = tpu.memref_slice %arg5[%add3A, %dma_wait3A_21] : memref<32x13320xi32, #tpu.memory_space<hbm>> -> memref<1x13320xi32, #tpu.memory_space<hbm>>
      %dma_wait3A_23 = tpu.memref_squeeze %dma_wait3A_22 : memref<1x13320xi32, #tpu.memory_space<hbm>> -> memref<13320xi32, #tpu.memory_space<hbm>>
      %dma_wait3A_24 = arith.constant 0 : i32
      %dma_wait3A_25 = tpu.memref_slice %arg5[%add3A, %dma_wait3A_24] : memref<32x13320xi32, #tpu.memory_space<hbm>> -> memref<1x13320xi32, #tpu.memory_space<hbm>>
      %dma_wait3A_26 = tpu.memref_squeeze %dma_wait3A_25 : memref<1x13320xi32, #tpu.memory_space<hbm>> -> memref<13320xi32, #tpu.memory_space<hbm>>
      tpu.wait_dma2 semaphore(%run_scoped3A : memref<!tpu.dma_semaphore, #tpu.memory_space<semaphore_mem>>) src(%dma_wait3A_26 : memref<13320xi32, #tpu.memory_space<hbm>>) dst(%arg7 : memref<13320xi32, #tpu.memory_space<vmem>>)
      tpu.yield
    }) : () -> ()
    %dma_start3A = arith.constant 0 : i32
    %dma_start3A_3 = tpu.memref_slice %arg7[%dma_start3A] : memref<13320xi32, #tpu.memory_space<vmem>> -> memref<416xi32, #tpu.memory_space<vmem>>
    %dma_start3A_4 = arith.constant 0 : i32
    %dma_start3A_5 = arith.constant 0 : i32
    %dma_start3A_6 = tpu.memref_slice %arg2[%dma_start3A_4, %dma_start3A_5] : memref<1032192x64xf32, #tpu.memory_space<hbm>> -> memref<1032192x64xf32, #tpu.memory_space<hbm>>
    tpu.enqueue_indirect_dma source(%dma_start3A_6 : memref<1032192x64xf32, #tpu.memory_space<hbm>>) target(%arg8 : memref<416x64xf32, #tpu.memory_space<vmem>>) offsets(%dma_start3A_3 : memref<416xi32, #tpu.memory_space<vmem>>) semaphore(%arg14 : memref<!tpu.dma_semaphore, #tpu.memory_space<semaphore_mem>>)
    "tpu.region"() ({
      %run_scoped3A = tpu.sem_alloc : memref<!tpu.dma_semaphore, #tpu.memory_space<semaphore_mem>>
      %dma_start3A_15 = arith.constant 0 : i32
      %dma_start3A_16 = tpu.memref_slice %arg3[%mul3A_2, %dma_start3A_15] : memref<16384x64xf32, #tpu.memory_space<hbm>> -> memref<512x64xf32, #tpu.memory_space<hbm>>
      %dma_start3A_17 = arith.constant 0 : i32
      %dma_start3A_18 = tpu.memref_slice %arg3[%mul3A_2, %dma_start3A_17] : memref<16384x64xf32, #tpu.memory_space<hbm>> -> memref<512x64xf32, #tpu.memory_space<hbm>>
      tpu.enqueue_dma source(%dma_start3A_18 : memref<512x64xf32, #tpu.memory_space<hbm>>) target(%arg11 : memref<512x64xf32, #tpu.memory_space<vmem>>) target_semaphore(%run_scoped3A : memref<!tpu.dma_semaphore, #tpu.memory_space<semaphore_mem>>)
      %dma_wait3A_19 = arith.constant 0 : i32
      %dma_wait3A_20 = tpu.memref_slice %arg3[%mul3A_2, %dma_wait3A_19] : memref<16384x64xf32, #tpu.memory_space<hbm>> -> memref<512x64xf32, #tpu.memory_space<hbm>>
      %dma_wait3A_21 = arith.constant 0 : i32
      %dma_wait3A_22 = tpu.memref_slice %arg3[%mul3A_2, %dma_wait3A_21] : memref<16384x64xf32, #tpu.memory_space<hbm>> -> memref<512x64xf32, #tpu.memory_space<hbm>>
      tpu.wait_dma2 semaphore(%run_scoped3A : memref<!tpu.dma_semaphore, #tpu.memory_space<semaphore_mem>>) src(%dma_wait3A_22 : memref<512x64xf32, #tpu.memory_space<hbm>>) dst(%arg11 : memref<512x64xf32, #tpu.memory_space<vmem>>)
      tpu.yield
    }) : () -> ()
    "tpu.region"() ({
      %run_scoped3A = tpu.sem_alloc : memref<!tpu.dma_semaphore, #tpu.memory_space<semaphore_mem>>
      %dma_start3A_15 = tpu.memref_slice %arg4[%mul3A_2] : memref<16384xf32, #tpu.memory_space<hbm>> -> memref<512xf32, #tpu.memory_space<hbm>>
      %dma_start3A_16 = tpu.memref_slice %arg4[%mul3A_2] : memref<16384xf32, #tpu.memory_space<hbm>> -> memref<512xf32, #tpu.memory_space<hbm>>
      tpu.enqueue_dma source(%dma_start3A_16 : memref<512xf32, #tpu.memory_space<hbm>>) target(%arg12 : memref<512xf32, #tpu.memory_space<vmem>>) target_semaphore(%run_scoped3A : memref<!tpu.dma_semaphore, #tpu.memory_space<semaphore_mem>>)
      %dma_wait3A_17 = tpu.memref_slice %arg4[%mul3A_2] : memref<16384xf32, #tpu.memory_space<hbm>> -> memref<512xf32, #tpu.memory_space<hbm>>
      %dma_wait3A_18 = tpu.memref_slice %arg4[%mul3A_2] : memref<16384xf32, #tpu.memory_space<hbm>> -> memref<512xf32, #tpu.memory_space<hbm>>
      tpu.wait_dma2 semaphore(%run_scoped3A : memref<!tpu.dma_semaphore, #tpu.memory_space<semaphore_mem>>) src(%dma_wait3A_18 : memref<512xf32, #tpu.memory_space<hbm>>) dst(%arg12 : memref<512xf32, #tpu.memory_space<vmem>>)
      tpu.yield
    }) : () -> ()
    %scan3A = arith.constant 0 : i32
    %scan3A_7 = arith.constant 0 : i32
    %scan3A_8 = arith.constant 16 : i32
    %scan3A_9 = arith.addi %scan3A_7, %scan3A_8 : i32
    %scan3A_10 = arith.constant 1 : i32
    scf.for %scan3A_15 = %scan3A_7 to %scan3A_9 step %scan3A_10  : i32 {
      %mul3A_16 = arith.constant 2 : i32
      %mul3A_17 = arith.muli %scan3A_15, %mul3A_16 : i32
      %add3A_18 = arith.constant 0 : i32
      %add3A_19 = arith.addi %mul3A_17, %add3A_18 : i32
      %lt3A = arith.constant 31 : i32
      %lt3A_20 = arith.cmpi slt, %add3A_19, %lt3A : i32
      %convert_element_type3A = arith.extui %lt3A_20 : i1 to i32
      %cond3A = arith.constant 0 : i32
      %cond3A_21 = arith.cmpi ne, %convert_element_type3A, %cond3A : i32
      scf.if %cond3A_21 {
        %add3A_233 = arith.constant 1 : i32
        %add3A_234 = arith.addi %add3A_19, %add3A_233 : i32
        %mul3A_235 = arith.constant 416 : i32
        %mul3A_236 = arith.muli %add3A_234, %mul3A_235 : i32
        %dma_start3A_237 = tpu.memref_slice %arg7[%mul3A_236] : memref<13320xi32, #tpu.memory_space<vmem>> -> memref<416xi32, #tpu.memory_space<vmem>>
        %dma_start3A_238 = arith.constant 0 : i32
        %dma_start3A_239 = arith.constant 0 : i32
        %dma_start3A_240 = tpu.memref_slice %arg2[%dma_start3A_238, %dma_start3A_239] : memref<1032192x64xf32, #tpu.memory_space<hbm>> -> memref<1032192x64xf32, #tpu.memory_space<hbm>>
        tpu.enqueue_indirect_dma source(%dma_start3A_240 : memref<1032192x64xf32, #tpu.memory_space<hbm>>) target(%arg9 : memref<416x64xf32, #tpu.memory_space<vmem>>) offsets(%dma_start3A_237 : memref<416xi32, #tpu.memory_space<vmem>>) semaphore(%arg15 : memref<!tpu.dma_semaphore, #tpu.memory_space<semaphore_mem>>)
      } else {
      }
      %dma_wait3A_22 = arith.constant 0 : i32
      %dma_wait3A_23 = arith.constant 0 : i32
      %dma_wait3A_24 = tpu.memref_slice %arg2[%dma_wait3A_22, %dma_wait3A_23] : memref<1032192x64xf32, #tpu.memory_space<hbm>> -> memref<416x64xf32, #tpu.memory_space<hbm>>
      %dma_wait3A_25 = arith.constant 0 : i32
      %dma_wait3A_26 = arith.constant 0 : i32
      %dma_wait3A_27 = tpu.memref_slice %arg2[%dma_wait3A_25, %dma_wait3A_26] : memref<1032192x64xf32, #tpu.memory_space<hbm>> -> memref<416x64xf32, #tpu.memory_space<hbm>>
      tpu.wait_dma2 semaphore(%arg14 : memref<!tpu.dma_semaphore, #tpu.memory_space<semaphore_mem>>) src(%dma_wait3A_27 : memref<416x64xf32, #tpu.memory_space<hbm>>) dst(%arg8 : memref<416x64xf32, #tpu.memory_space<vmem>>)
      %scan3A_28 = arith.constant 0 : i32
      %scan3A_29 = arith.constant 0 : i32
      %scan3A_30 = arith.constant 16 : i32
      %scan3A_31 = arith.addi %scan3A_29, %scan3A_30 : i32
      %scan3A_32 = arith.constant 1 : i32
      scf.for %scan3A_233 = %scan3A_29 to %scan3A_31 step %scan3A_32  : i32 {
        %mul3A_234 = arith.constant 26 : i32
        %mul3A_235 = arith.muli %scan3A_233, %mul3A_234 : i32
        %broadcast_in_dim3A = arith.constant 0.000000e+00 : f32
        %broadcast_in_dim3A_236 = vector.broadcast %broadcast_in_dim3A : f32 to vector<16xf32>
        %broadcast_in_dim3A_237 = arith.constant 0.000000e+00 : f32
        %broadcast_in_dim3A_238 = vector.broadcast %broadcast_in_dim3A_237 : f32 to vector<16xf32>
        %broadcast_in_dim3A_239 = arith.constant 0.000000e+00 : f32
        %broadcast_in_dim3A_240 = vector.broadcast %broadcast_in_dim3A_239 : f32 to vector<16xf32>
        %broadcast_in_dim3A_241 = arith.constant 0.000000e+00 : f32
        %broadcast_in_dim3A_242 = vector.broadcast %broadcast_in_dim3A_241 : f32 to vector<16xf32>
        %add3A_243 = arith.constant 0 : i32
        %add3A_244 = arith.addi %mul3A_235, %add3A_243 : i32
        %get3A_245 = arith.index_cast %add3A_244 : i32 to index
        %get3A_246 = arith.constant 0 : index
        %get3A_247 = tpu.vector_load %arg8[%get3A_245, %get3A_246] {strides = array<i32>} : memref<416x64xf32, #tpu.memory_space<vmem>>, vector<16xf32>,
        %add3A_248 = arith.addf %broadcast_in_dim3A_236, %get3A_247 : vector<16xf32>
        %add3A_249 = arith.constant 0 : i32
        %add3A_250 = arith.addi %mul3A_235, %add3A_249 : i32
        %get3A_251 = arith.index_cast %add3A_250 : i32 to index
        %get3A_252 = arith.constant 16 : index
        %get3A_253 = tpu.vector_load %arg8[%get3A_251, %get3A_252] {strides = array<i32>} : memref<416x64xf32, #tpu.memory_space<vmem>>, vector<16xf32>,
        %add3A_254 = arith.addf %broadcast_in_dim3A_238, %get3A_253 : vector<16xf32>
        %add3A_255 = arith.constant 0 : i32
        %add3A_256 = arith.addi %mul3A_235, %add3A_255 : i32
        %get3A_257 = arith.index_cast %add3A_256 : i32 to index
        %get3A_258 = arith.constant 32 : index
        %get3A_259 = tpu.vector_load %arg8[%get3A_257, %get3A_258] {strides = array<i32>} : memref<416x64xf32, #tpu.memory_space<vmem>>, vector<16xf32>,
        %add3A_260 = arith.addf %broadcast_in_dim3A_240, %get3A_259 : vector<16xf32>
        %add3A_261 = arith.constant 0 : i32
        %add3A_262 = arith.addi %mul3A_235, %add3A_261 : i32
        %get3A_263 = arith.index_cast %add3A_262 : i32 to index
        %get3A_264 = arith.constant 48 : index
        %get3A_265 = tpu.vector_load %arg8[%get3A_263, %get3A_264] {strides = array<i32>} : memref<416x64xf32, #tpu.memory_space<vmem>>, vector<16xf32>,
        %add3A_266 = arith.addf %broadcast_in_dim3A_242, %get3A_265 : vector<16xf32>
        %add3A_267 = arith.constant 1 : i32
        %add3A_268 = arith.addi %mul3A_235, %add3A_267 : i32
        %get3A_269 = arith.index_cast %add3A_268 : i32 to index
        %get3A_270 = arith.constant 0 : index
        %get3A_271 = tpu.vector_load %arg8[%get3A_269, %get3A_270] {strides = array<i32>} : memref<416x64xf32, #tpu.memory_space<vmem>>, vector<16xf32>,
        %add3A_272 = arith.addf %add3A_248, %get3A_271 : vector<16xf32>
        %add3A_273 = arith.constant 1 : i32
        %add3A_274 = arith.addi %mul3A_235, %add3A_273 : i32
        %get3A_275 = arith.index_cast %add3A_274 : i32 to index
        %get3A_276 = arith.constant 16 : index
        %get3A_277 = tpu.vector_load %arg8[%get3A_275, %get3A_276] {strides = array<i32>} : memref<416x64xf32, #tpu.memory_space<vmem>>, vector<16xf32>,
        %add3A_278 = arith.addf %add3A_254, %get3A_277 : vector<16xf32>
        %add3A_279 = arith.constant 1 : i32
        %add3A_280 = arith.addi %mul3A_235, %add3A_279 : i32
        %get3A_281 = arith.index_cast %add3A_280 : i32 to index
        %get3A_282 = arith.constant 32 : index
        %get3A_283 = tpu.vector_load %arg8[%get3A_281, %get3A_282] {strides = array<i32>} : memref<416x64xf32, #tpu.memory_space<vmem>>, vector<16xf32>,
        %add3A_284 = arith.addf %add3A_260, %get3A_283 : vector<16xf32>
        %add3A_285 = arith.constant 1 : i32
        %add3A_286 = arith.addi %mul3A_235, %add3A_285 : i32
        %get3A_287 = arith.index_cast %add3A_286 : i32 to index
        %get3A_288 = arith.constant 48 : index
        %get3A_289 = tpu.vector_load %arg8[%get3A_287, %get3A_288] {strides = array<i32>} : memref<416x64xf32, #tpu.memory_space<vmem>>, vector<16xf32>,
        %add3A_290 = arith.addf %add3A_266, %get3A_289 : vector<16xf32>
        %add3A_291 = arith.constant 2 : i32
        %add3A_292 = arith.addi %mul3A_235, %add3A_291 : i32
        %get3A_293 = arith.index_cast %add3A_292 : i32 to index
        %get3A_294 = arith.constant 0 : index
        %get3A_295 = tpu.vector_load %arg8[%get3A_293, %get3A_294] {strides = array<i32>} : memref<416x64xf32, #tpu.memory_space<vmem>>, vector<16xf32>,
        %add3A_296 = arith.addf %add3A_272, %get3A_295 : vector<16xf32>
        %add3A_297 = arith.constant 2 : i32
        %add3A_298 = arith.addi %mul3A_235, %add3A_297 : i32
        %get3A_299 = arith.index_cast %add3A_298 : i32 to index
        %get3A_300 = arith.constant 16 : index
        %get3A_301 = tpu.vector_load %arg8[%get3A_299, %get3A_300] {strides = array<i32>} : memref<416x64xf32, #tpu.memory_space<vmem>>, vector<16xf32>,
        %add3A_302 = arith.addf %add3A_278, %get3A_301 : vector<16xf32>
        %add3A_303 = arith.constant 2 : i32
        %add3A_304 = arith.addi %mul3A_235, %add3A_303 : i32
        %get3A_305 = arith.index_cast %add3A_304 : i32 to index
        %get3A_306 = arith.constant 32 : index
        %get3A_307 = tpu.vector_load %arg8[%get3A_305, %get3A_306] {strides = array<i32>} : memref<416x64xf32, #tpu.memory_space<vmem>>, vector<16xf32>,
        %add3A_308 = arith.addf %add3A_284, %get3A_307 : vector<16xf32>
        %add3A_309 = arith.constant 2 : i32
        %add3A_310 = arith.addi %mul3A_235, %add3A_309 : i32
        %get3A_311 = arith.index_cast %add3A_310 : i32 to index
        %get3A_312 = arith.constant 48 : index
        %get3A_313 = tpu.vector_load %arg8[%get3A_311, %get3A_312] {strides = array<i32>} : memref<416x64xf32, #tpu.memory_space<vmem>>, vector<16xf32>,
        %add3A_314 = arith.addf %add3A_290, %get3A_313 : vector<16xf32>
        %add3A_315 = arith.constant 3 : i32
        %add3A_316 = arith.addi %mul3A_235, %add3A_315 : i32
        %get3A_317 = arith.index_cast %add3A_316 : i32 to index
        %get3A_318 = arith.constant 0 : index
        %get3A_319 = tpu.vector_load %arg8[%get3A_317, %get3A_318] {strides = array<i32>} : memref<416x64xf32, #tpu.memory_space<vmem>>, vector<16xf32>,
        %add3A_320 = arith.addf %add3A_296, %get3A_319 : vector<16xf32>
        %add3A_321 = arith.constant 3 : i32
        %add3A_322 = arith.addi %mul3A_235, %add3A_321 : i32
        %get3A_323 = arith.index_cast %add3A_322 : i32 to index
        %get3A_324 = arith.constant 16 : index
        %get3A_325 = tpu.vector_load %arg8[%get3A_323, %get3A_324] {strides = array<i32>} : memref<416x64xf32, #tpu.memory_space<vmem>>, vector<16xf32>,
        %add3A_326 = arith.addf %add3A_302, %get3A_325 : vector<16xf32>
        %add3A_327 = arith.constant 3 : i32
        %add3A_328 = arith.addi %mul3A_235, %add3A_327 : i32
        %get3A_329 = arith.index_cast %add3A_328 : i32 to index
        %get3A_330 = arith.constant 32 : index
        %get3A_331 = tpu.vector_load %arg8[%get3A_329, %get3A_330] {strides = array<i32>} : memref<416x64xf32, #tpu.memory_space<vmem>>, vector<16xf32>,
        %add3A_332 = arith.addf %add3A_308, %get3A_331 : vector<16xf32>
        %add3A_333 = arith.constant 3 : i32
        %add3A_334 = arith.addi %mul3A_235, %add3A_333 : i32
        %get3A_335 = arith.index_cast %add3A_334 : i32 to index
        %get3A_336 = arith.constant 48 : index
        %get3A_337 = tpu.vector_load %arg8[%get3A_335, %get3A_336] {strides = array<i32>} : memref<416x64xf32, #tpu.memory_space<vmem>>, vector<16xf32>,
        %add3A_338 = arith.addf %add3A_314, %get3A_337 : vector<16xf32>
        %add3A_339 = arith.constant 4 : i32
        %add3A_340 = arith.addi %mul3A_235, %add3A_339 : i32
        %get3A_341 = arith.index_cast %add3A_340 : i32 to index
        %get3A_342 = arith.constant 0 : index
        %get3A_343 = tpu.vector_load %arg8[%get3A_341, %get3A_342] {strides = array<i32>} : memref<416x64xf32, #tpu.memory_space<vmem>>, vector<16xf32>,
        %add3A_344 = arith.addf %add3A_320, %get3A_343 : vector<16xf32>
        %add3A_345 = arith.constant 4 : i32
        %add3A_346 = arith.addi %mul3A_235, %add3A_345 : i32
        %get3A_347 = arith.index_cast %add3A_346 : i32 to index
        %get3A_348 = arith.constant 16 : index
        %get3A_349 = tpu.vector_load %arg8[%get3A_347, %get3A_348] {strides = array<i32>} : memref<416x64xf32, #tpu.memory_space<vmem>>, vector<16xf32>,
        %add3A_350 = arith.addf %add3A_326, %get3A_349 : vector<16xf32>
        %add3A_351 = arith.constant 4 : i32
        %add3A_352 = arith.addi %mul3A_235, %add3A_351 : i32
        %get3A_353 = arith.index_cast %add3A_352 : i32 to index
        %get3A_354 = arith.constant 32 : index
        %get3A_355 = tpu.vector_load %arg8[%get3A_353, %get3A_354] {strides = array<i32>} : memref<416x64xf32, #tpu.memory_space<vmem>>, vector<16xf32>,
        %add3A_356 = arith.addf %add3A_332, %get3A_355 : vector<16xf32>
        %add3A_357 = arith.constant 4 : i32
        %add3A_358 = arith.addi %mul3A_235, %add3A_357 : i32
        %get3A_359 = arith.index_cast %add3A_358 : i32 to index
        %get3A_360 = arith.constant 48 : index
        %get3A_361 = tpu.vector_load %arg8[%get3A_359, %get3A_360] {strides = array<i32>} : memref<416x64xf32, #tpu.memory_space<vmem>>, vector<16xf32>,
        %add3A_362 = arith.addf %add3A_338, %get3A_361 : vector<16xf32>
        %add3A_363 = arith.constant 5 : i32
        %add3A_364 = arith.addi %mul3A_235, %add3A_363 : i32
        %get3A_365 = arith.index_cast %add3A_364 : i32 to index
        %get3A_366 = arith.constant 0 : index
        %get3A_367 = tpu.vector_load %arg8[%get3A_365, %get3A_366] {strides = array<i32>} : memref<416x64xf32, #tpu.memory_space<vmem>>, vector<16xf32>,
        %add3A_368 = arith.addf %add3A_344, %get3A_367 : vector<16xf32>
        %add3A_369 = arith.constant 5 : i32
        %add3A_370 = arith.addi %mul3A_235, %add3A_369 : i32
        %get3A_371 = arith.index_cast %add3A_370 : i32 to index
        %get3A_372 = arith.constant 16 : index
        %get3A_373 = tpu.vector_load %arg8[%get3A_371, %get3A_372] {strides = array<i32>} : memref<416x64xf32, #tpu.memory_space<vmem>>, vector<16xf32>,
        %add3A_374 = arith.addf %add3A_350, %get3A_373 : vector<16xf32>
        %add3A_375 = arith.constant 5 : i32
        %add3A_376 = arith.addi %mul3A_235, %add3A_375 : i32
        %get3A_377 = arith.index_cast %add3A_376 : i32 to index
        %get3A_378 = arith.constant 32 : index
        %get3A_379 = tpu.vector_load %arg8[%get3A_377, %get3A_378] {strides = array<i32>} : memref<416x64xf32, #tpu.memory_space<vmem>>, vector<16xf32>,
        %add3A_380 = arith.addf %add3A_356, %get3A_379 : vector<16xf32>
        %add3A_381 = arith.constant 5 : i32
        %add3A_382 = arith.addi %mul3A_235, %add3A_381 : i32
        %get3A_383 = arith.index_cast %add3A_382 : i32 to index
        %get3A_384 = arith.constant 48 : index
        %get3A_385 = tpu.vector_load %arg8[%get3A_383, %get3A_384] {strides = array<i32>} : memref<416x64xf32, #tpu.memory_space<vmem>>, vector<16xf32>,
        %add3A_386 = arith.addf %add3A_362, %get3A_385 : vector<16xf32>
        %add3A_387 = arith.constant 6 : i32
        %add3A_388 = arith.addi %mul3A_235, %add3A_387 : i32
        %get3A_389 = arith.index_cast %add3A_388 : i32 to index
        %get3A_390 = arith.constant 0 : index
        %get3A_391 = tpu.vector_load %arg8[%get3A_389, %get3A_390] {strides = array<i32>} : memref<416x64xf32, #tpu.memory_space<vmem>>, vector<16xf32>,
        %add3A_392 = arith.addf %add3A_368, %get3A_391 : vector<16xf32>
        %add3A_393 = arith.constant 6 : i32
        %add3A_394 = arith.addi %mul3A_235, %add3A_393 : i32
        %get3A_395 = arith.index_cast %add3A_394 : i32 to index
        %get3A_396 = arith.constant 16 : index
        %get3A_397 = tpu.vector_load %arg8[%get3A_395, %get3A_396] {strides = array<i32>} : memref<416x64xf32, #tpu.memory_space<vmem>>, vector<16xf32>,
        %add3A_398 = arith.addf %add3A_374, %get3A_397 : vector<16xf32>
        %add3A_399 = arith.constant 6 : i32
        %add3A_400 = arith.addi %mul3A_235, %add3A_399 : i32
        %get3A_401 = arith.index_cast %add3A_400 : i32 to index
        %get3A_402 = arith.constant 32 : index
        %get3A_403 = tpu.vector_load %arg8[%get3A_401, %get3A_402] {strides = array<i32>} : memref<416x64xf32, #tpu.memory_space<vmem>>, vector<16xf32>,
        %add3A_404 = arith.addf %add3A_380, %get3A_403 : vector<16xf32>
        %add3A_405 = arith.constant 6 : i32
        %add3A_406 = arith.addi %mul3A_235, %add3A_405 : i32
        %get3A_407 = arith.index_cast %add3A_406 : i32 to index
        %get3A_408 = arith.constant 48 : index
        %get3A_409 = tpu.vector_load %arg8[%get3A_407, %get3A_408] {strides = array<i32>} : memref<416x64xf32, #tpu.memory_space<vmem>>, vector<16xf32>,
        %add3A_410 = arith.addf %add3A_386, %get3A_409 : vector<16xf32>
        %add3A_411 = arith.constant 7 : i32
        %add3A_412 = arith.addi %mul3A_235, %add3A_411 : i32
        %get3A_413 = arith.index_cast %add3A_412 : i32 to index
        %get3A_414 = arith.constant 0 : index
        %get3A_415 = tpu.vector_load %arg8[%get3A_413, %get3A_414] {strides = array<i32>} : memref<416x64xf32, #tpu.memory_space<vmem>>, vector<16xf32>,
        %add3A_416 = arith.addf %add3A_392, %get3A_415 : vector<16xf32>
        %add3A_417 = arith.constant 7 : i32
        %add3A_418 = arith.addi %mul3A_235, %add3A_417 : i32
        %get3A_419 = arith.index_cast %add3A_418 : i32 to index
        %get3A_420 = arith.constant 16 : index
        %get3A_421 = tpu.vector_load %arg8[%get3A_419, %get3A_420] {strides = array<i32>} : memref<416x64xf32, #tpu.memory_space<vmem>>, vector<16xf32>,
        %add3A_422 = arith.addf %add3A_398, %get3A_421 : vector<16xf32>
        %add3A_423 = arith.constant 7 : i32
        %add3A_424 = arith.addi %mul3A_235, %add3A_423 : i32
        %get3A_425 = arith.index_cast %add3A_424 : i32 to index
        %get3A_426 = arith.constant 32 : index
        %get3A_427 = tpu.vector_load %arg8[%get3A_425, %get3A_426] {strides = array<i32>} : memref<416x64xf32, #tpu.memory_space<vmem>>, vector<16xf32>,
        %add3A_428 = arith.addf %add3A_404, %get3A_427 : vector<16xf32>
        %add3A_429 = arith.constant 7 : i32
        %add3A_430 = arith.addi %mul3A_235, %add3A_429 : i32
        %get3A_431 = arith.index_cast %add3A_430 : i32 to index
        %get3A_432 = arith.constant 48 : index
        %get3A_433 = tpu.vector_load %arg8[%get3A_431, %get3A_432] {strides = array<i32>} : memref<416x64xf32, #tpu.memory_space<vmem>>, vector<16xf32>,
        %add3A_434 = arith.addf %add3A_410, %get3A_433 : vector<16xf32>
        %add3A_435 = arith.constant 8 : i32
        %add3A_436 = arith.addi %mul3A_235, %add3A_435 : i32
        %get3A_437 = arith.index_cast %add3A_436 : i32 to index
        %get3A_438 = arith.constant 0 : index
        %get3A_439 = tpu.vector_load %arg8[%get3A_437, %get3A_438] {strides = array<i32>} : memref<416x64xf32, #tpu.memory_space<vmem>>, vector<16xf32>,
        %add3A_440 = arith.addf %add3A_416, %get3A_439 : vector<16xf32>
        %add3A_441 = arith.constant 8 : i32
        %add3A_442 = arith.addi %mul3A_235, %add3A_441 : i32
        %get3A_443 = arith.index_cast %add3A_442 : i32 to index
        %get3A_444 = arith.constant 16 : index
        %get3A_445 = tpu.vector_load %arg8[%get3A_443, %get3A_444] {strides = array<i32>} : memref<416x64xf32, #tpu.memory_space<vmem>>, vector<16xf32>,
        %add3A_446 = arith.addf %add3A_422, %get3A_445 : vector<16xf32>
        %add3A_447 = arith.constant 8 : i32
        %add3A_448 = arith.addi %mul3A_235, %add3A_447 : i32
        %get3A_449 = arith.index_cast %add3A_448 : i32 to index
        %get3A_450 = arith.constant 32 : index
        %get3A_451 = tpu.vector_load %arg8[%get3A_449, %get3A_450] {strides = array<i32>} : memref<416x64xf32, #tpu.memory_space<vmem>>, vector<16xf32>,
        %add3A_452 = arith.addf %add3A_428, %get3A_451 : vector<16xf32>
        %add3A_453 = arith.constant 8 : i32
        %add3A_454 = arith.addi %mul3A_235, %add3A_453 : i32
        %get3A_455 = arith.index_cast %add3A_454 : i32 to index
        %get3A_456 = arith.constant 48 : index
        %get3A_457 = tpu.vector_load %arg8[%get3A_455, %get3A_456] {strides = array<i32>} : memref<416x64xf32, #tpu.memory_space<vmem>>, vector<16xf32>,
        %add3A_458 = arith.addf %add3A_434, %get3A_457 : vector<16xf32>
        %add3A_459 = arith.constant 9 : i32
        %add3A_460 = arith.addi %mul3A_235, %add3A_459 : i32
        %get3A_461 = arith.index_cast %add3A_460 : i32 to index
        %get3A_462 = arith.constant 0 : index
        %get3A_463 = tpu.vector_load %arg8[%get3A_461, %get3A_462] {strides = array<i32>} : memref<416x64xf32, #tpu.memory_space<vmem>>, vector<16xf32>,
        %add3A_464 = arith.addf %add3A_440, %get3A_463 : vector<16xf32>
        %add3A_465 = arith.constant 9 : i32
        %add3A_466 = arith.addi %mul3A_235, %add3A_465 : i32
        %get3A_467 = arith.index_cast %add3A_466 : i32 to index
        %get3A_468 = arith.constant 16 : index
        %get3A_469 = tpu.vector_load %arg8[%get3A_467, %get3A_468] {strides = array<i32>} : memref<416x64xf32, #tpu.memory_space<vmem>>, vector<16xf32>,
        %add3A_470 = arith.addf %add3A_446, %get3A_469 : vector<16xf32>
        %add3A_471 = arith.constant 9 : i32
        %add3A_472 = arith.addi %mul3A_235, %add3A_471 : i32
        %get3A_473 = arith.index_cast %add3A_472 : i32 to index
        %get3A_474 = arith.constant 32 : index
        %get3A_475 = tpu.vector_load %arg8[%get3A_473, %get3A_474] {strides = array<i32>} : memref<416x64xf32, #tpu.memory_space<vmem>>, vector<16xf32>,
        %add3A_476 = arith.addf %add3A_452, %get3A_475 : vector<16xf32>
        %add3A_477 = arith.constant 9 : i32
        %add3A_478 = arith.addi %mul3A_235, %add3A_477 : i32
        %get3A_479 = arith.index_cast %add3A_478 : i32 to index
        %get3A_480 = arith.constant 48 : index
        %get3A_481 = tpu.vector_load %arg8[%get3A_479, %get3A_480] {strides = array<i32>} : memref<416x64xf32, #tpu.memory_space<vmem>>, vector<16xf32>,
        %add3A_482 = arith.addf %add3A_458, %get3A_481 : vector<16xf32>
        %add3A_483 = arith.constant 10 : i32
        %add3A_484 = arith.addi %mul3A_235, %add3A_483 : i32
        %get3A_485 = arith.index_cast %add3A_484 : i32 to index
        %get3A_486 = arith.constant 0 : index
        %get3A_487 = tpu.vector_load %arg8[%get3A_485, %get3A_486] {strides = array<i32>} : memref<416x64xf32, #tpu.memory_space<vmem>>, vector<16xf32>,
        %add3A_488 = arith.addf %add3A_464, %get3A_487 : vector<16xf32>
        %add3A_489 = arith.constant 10 : i32
        %add3A_490 = arith.addi %mul3A_235, %add3A_489 : i32
        %get3A_491 = arith.index_cast %add3A_490 : i32 to index
        %get3A_492 = arith.constant 16 : index
        %get3A_493 = tpu.vector_load %arg8[%get3A_491, %get3A_492] {strides = array<i32>} : memref<416x64xf32, #tpu.memory_space<vmem>>, vector<16xf32>,
        %add3A_494 = arith.addf %add3A_470, %get3A_493 : vector<16xf32>
        %add3A_495 = arith.constant 10 : i32
        %add3A_496 = arith.addi %mul3A_235, %add3A_495 : i32
        %get3A_497 = arith.index_cast %add3A_496 : i32 to index
        %get3A_498 = arith.constant 32 : index
        %get3A_499 = tpu.vector_load %arg8[%get3A_497, %get3A_498] {strides = array<i32>} : memref<416x64xf32, #tpu.memory_space<vmem>>, vector<16xf32>,
        %add3A_500 = arith.addf %add3A_476, %get3A_499 : vector<16xf32>
        %add3A_501 = arith.constant 10 : i32
        %add3A_502 = arith.addi %mul3A_235, %add3A_501 : i32
        %get3A_503 = arith.index_cast %add3A_502 : i32 to index
        %get3A_504 = arith.constant 48 : index
        %get3A_505 = tpu.vector_load %arg8[%get3A_503, %get3A_504] {strides = array<i32>} : memref<416x64xf32, #tpu.memory_space<vmem>>, vector<16xf32>,
        %add3A_506 = arith.addf %add3A_482, %get3A_505 : vector<16xf32>
        %add3A_507 = arith.constant 11 : i32
        %add3A_508 = arith.addi %mul3A_235, %add3A_507 : i32
        %get3A_509 = arith.index_cast %add3A_508 : i32 to index
        %get3A_510 = arith.constant 0 : index
        %get3A_511 = tpu.vector_load %arg8[%get3A_509, %get3A_510] {strides = array<i32>} : memref<416x64xf32, #tpu.memory_space<vmem>>, vector<16xf32>,
        %add3A_512 = arith.addf %add3A_488, %get3A_511 : vector<16xf32>
        %add3A_513 = arith.constant 11 : i32
        %add3A_514 = arith.addi %mul3A_235, %add3A_513 : i32
        %get3A_515 = arith.index_cast %add3A_514 : i32 to index
        %get3A_516 = arith.constant 16 : index
        %get3A_517 = tpu.vector_load %arg8[%get3A_515, %get3A_516] {strides = array<i32>} : memref<416x64xf32, #tpu.memory_space<vmem>>, vector<16xf32>,
        %add3A_518 = arith.addf %add3A_494, %get3A_517 : vector<16xf32>
        %add3A_519 = arith.constant 11 : i32
        %add3A_520 = arith.addi %mul3A_235, %add3A_519 : i32
        %get3A_521 = arith.index_cast %add3A_520 : i32 to index
        %get3A_522 = arith.constant 32 : index
        %get3A_523 = tpu.vector_load %arg8[%get3A_521, %get3A_522] {strides = array<i32>} : memref<416x64xf32, #tpu.memory_space<vmem>>, vector<16xf32>,
        %add3A_524 = arith.addf %add3A_500, %get3A_523 : vector<16xf32>
        %add3A_525 = arith.constant 11 : i32
        %add3A_526 = arith.addi %mul3A_235, %add3A_525 : i32
        %get3A_527 = arith.index_cast %add3A_526 : i32 to index
        %get3A_528 = arith.constant 48 : index
        %get3A_529 = tpu.vector_load %arg8[%get3A_527, %get3A_528] {strides = array<i32>} : memref<416x64xf32, #tpu.memory_space<vmem>>, vector<16xf32>,
        %add3A_530 = arith.addf %add3A_506, %get3A_529 : vector<16xf32>
        %add3A_531 = arith.constant 12 : i32
        %add3A_532 = arith.addi %mul3A_235, %add3A_531 : i32
        %get3A_533 = arith.index_cast %add3A_532 : i32 to index
        %get3A_534 = arith.constant 0 : index
        %get3A_535 = tpu.vector_load %arg8[%get3A_533, %get3A_534] {strides = array<i32>} : memref<416x64xf32, #tpu.memory_space<vmem>>, vector<16xf32>,
        %add3A_536 = arith.addf %add3A_512, %get3A_535 : vector<16xf32>
        %add3A_537 = arith.constant 12 : i32
        %add3A_538 = arith.addi %mul3A_235, %add3A_537 : i32
        %get3A_539 = arith.index_cast %add3A_538 : i32 to index
        %get3A_540 = arith.constant 16 : index
        %get3A_541 = tpu.vector_load %arg8[%get3A_539, %get3A_540] {strides = array<i32>} : memref<416x64xf32, #tpu.memory_space<vmem>>, vector<16xf32>,
        %add3A_542 = arith.addf %add3A_518, %get3A_541 : vector<16xf32>
        %add3A_543 = arith.constant 12 : i32
        %add3A_544 = arith.addi %mul3A_235, %add3A_543 : i32
        %get3A_545 = arith.index_cast %add3A_544 : i32 to index
        %get3A_546 = arith.constant 32 : index
        %get3A_547 = tpu.vector_load %arg8[%get3A_545, %get3A_546] {strides = array<i32>} : memref<416x64xf32, #tpu.memory_space<vmem>>, vector<16xf32>,
        %add3A_548 = arith.addf %add3A_524, %get3A_547 : vector<16xf32>
        %add3A_549 = arith.constant 12 : i32
        %add3A_550 = arith.addi %mul3A_235, %add3A_549 : i32
        %get3A_551 = arith.index_cast %add3A_550 : i32 to index
        %get3A_552 = arith.constant 48 : index
        %get3A_553 = tpu.vector_load %arg8[%get3A_551, %get3A_552] {strides = array<i32>} : memref<416x64xf32, #tpu.memory_space<vmem>>, vector<16xf32>,
        %add3A_554 = arith.addf %add3A_530, %get3A_553 : vector<16xf32>
        %add3A_555 = arith.constant 13 : i32
        %add3A_556 = arith.addi %mul3A_235, %add3A_555 : i32
        %get3A_557 = arith.index_cast %add3A_556 : i32 to index
        %get3A_558 = arith.constant 0 : index
        %get3A_559 = tpu.vector_load %arg8[%get3A_557, %get3A_558] {strides = array<i32>} : memref<416x64xf32, #tpu.memory_space<vmem>>, vector<16xf32>,
        %add3A_560 = arith.addf %add3A_536, %get3A_559 : vector<16xf32>
        %add3A_561 = arith.constant 13 : i32
        %add3A_562 = arith.addi %mul3A_235, %add3A_561 : i32
        %get3A_563 = arith.index_cast %add3A_562 : i32 to index
        %get3A_564 = arith.constant 16 : index
        %get3A_565 = tpu.vector_load %arg8[%get3A_563, %get3A_564] {strides = array<i32>} : memref<416x64xf32, #tpu.memory_space<vmem>>, vector<16xf32>,
        %add3A_566 = arith.addf %add3A_542, %get3A_565 : vector<16xf32>
        %add3A_567 = arith.constant 13 : i32
        %add3A_568 = arith.addi %mul3A_235, %add3A_567 : i32
        %get3A_569 = arith.index_cast %add3A_568 : i32 to index
        %get3A_570 = arith.constant 32 : index
        %get3A_571 = tpu.vector_load %arg8[%get3A_569, %get3A_570] {strides = array<i32>} : memref<416x64xf32, #tpu.memory_space<vmem>>, vector<16xf32>,
        %add3A_572 = arith.addf %add3A_548, %get3A_571 : vector<16xf32>
        %add3A_573 = arith.constant 13 : i32
        %add3A_574 = arith.addi %mul3A_235, %add3A_573 : i32
        %get3A_575 = arith.index_cast %add3A_574 : i32 to index
        %get3A_576 = arith.constant 48 : index
        %get3A_577 = tpu.vector_load %arg8[%get3A_575, %get3A_576] {strides = array<i32>} : memref<416x64xf32, #tpu.memory_space<vmem>>, vector<16xf32>,
        %add3A_578 = arith.addf %add3A_554, %get3A_577 : vector<16xf32>
        %add3A_579 = arith.constant 14 : i32
        %add3A_580 = arith.addi %mul3A_235, %add3A_579 : i32
        %get3A_581 = arith.index_cast %add3A_580 : i32 to index
        %get3A_582 = arith.constant 0 : index
        %get3A_583 = tpu.vector_load %arg8[%get3A_581, %get3A_582] {strides = array<i32>} : memref<416x64xf32, #tpu.memory_space<vmem>>, vector<16xf32>,
        %add3A_584 = arith.addf %add3A_560, %get3A_583 : vector<16xf32>
        %add3A_585 = arith.constant 14 : i32
        %add3A_586 = arith.addi %mul3A_235, %add3A_585 : i32
        %get3A_587 = arith.index_cast %add3A_586 : i32 to index
        %get3A_588 = arith.constant 16 : index
        %get3A_589 = tpu.vector_load %arg8[%get3A_587, %get3A_588] {strides = array<i32>} : memref<416x64xf32, #tpu.memory_space<vmem>>, vector<16xf32>,
        %add3A_590 = arith.addf %add3A_566, %get3A_589 : vector<16xf32>
        %add3A_591 = arith.constant 14 : i32
        %add3A_592 = arith.addi %mul3A_235, %add3A_591 : i32
        %get3A_593 = arith.index_cast %add3A_592 : i32 to index
        %get3A_594 = arith.constant 32 : index
        %get3A_595 = tpu.vector_load %arg8[%get3A_593, %get3A_594] {strides = array<i32>} : memref<416x64xf32, #tpu.memory_space<vmem>>, vector<16xf32>,
        %add3A_596 = arith.addf %add3A_572, %get3A_595 : vector<16xf32>
        %add3A_597 = arith.constant 14 : i32
        %add3A_598 = arith.addi %mul3A_235, %add3A_597 : i32
        %get3A_599 = arith.index_cast %add3A_598 : i32 to index
        %get3A_600 = arith.constant 48 : index
        %get3A_601 = tpu.vector_load %arg8[%get3A_599, %get3A_600] {strides = array<i32>} : memref<416x64xf32, #tpu.memory_space<vmem>>, vector<16xf32>,
        %add3A_602 = arith.addf %add3A_578, %get3A_601 : vector<16xf32>
        %add3A_603 = arith.constant 15 : i32
        %add3A_604 = arith.addi %mul3A_235, %add3A_603 : i32
        %get3A_605 = arith.index_cast %add3A_604 : i32 to index
        %get3A_606 = arith.constant 0 : index
        %get3A_607 = tpu.vector_load %arg8[%get3A_605, %get3A_606] {strides = array<i32>} : memref<416x64xf32, #tpu.memory_space<vmem>>, vector<16xf32>,
        %add3A_608 = arith.addf %add3A_584, %get3A_607 : vector<16xf32>
        %add3A_609 = arith.constant 15 : i32
        %add3A_610 = arith.addi %mul3A_235, %add3A_609 : i32
        %get3A_611 = arith.index_cast %add3A_610 : i32 to index
        %get3A_612 = arith.constant 16 : index
        %get3A_613 = tpu.vector_load %arg8[%get3A_611, %get3A_612] {strides = array<i32>} : memref<416x64xf32, #tpu.memory_space<vmem>>, vector<16xf32>,
        %add3A_614 = arith.addf %add3A_590, %get3A_613 : vector<16xf32>
        %add3A_615 = arith.constant 15 : i32
        %add3A_616 = arith.addi %mul3A_235, %add3A_615 : i32
        %get3A_617 = arith.index_cast %add3A_616 : i32 to index
        %get3A_618 = arith.constant 32 : index
        %get3A_619 = tpu.vector_load %arg8[%get3A_617, %get3A_618] {strides = array<i32>} : memref<416x64xf32, #tpu.memory_space<vmem>>, vector<16xf32>,
        %add3A_620 = arith.addf %add3A_596, %get3A_619 : vector<16xf32>
        %add3A_621 = arith.constant 15 : i32
        %add3A_622 = arith.addi %mul3A_235, %add3A_621 : i32
        %get3A_623 = arith.index_cast %add3A_622 : i32 to index
        %get3A_624 = arith.constant 48 : index
        %get3A_625 = tpu.vector_load %arg8[%get3A_623, %get3A_624] {strides = array<i32>} : memref<416x64xf32, #tpu.memory_space<vmem>>, vector<16xf32>,
        %add3A_626 = arith.addf %add3A_602, %get3A_625 : vector<16xf32>
        %add3A_627 = arith.constant 16 : i32
        %add3A_628 = arith.addi %mul3A_235, %add3A_627 : i32
        %get3A_629 = arith.index_cast %add3A_628 : i32 to index
        %get3A_630 = arith.constant 0 : index
        %get3A_631 = tpu.vector_load %arg8[%get3A_629, %get3A_630] {strides = array<i32>} : memref<416x64xf32, #tpu.memory_space<vmem>>, vector<16xf32>,
        %add3A_632 = arith.addf %add3A_608, %get3A_631 : vector<16xf32>
        %add3A_633 = arith.constant 16 : i32
        %add3A_634 = arith.addi %mul3A_235, %add3A_633 : i32
        %get3A_635 = arith.index_cast %add3A_634 : i32 to index
        %get3A_636 = arith.constant 16 : index
        %get3A_637 = tpu.vector_load %arg8[%get3A_635, %get3A_636] {strides = array<i32>} : memref<416x64xf32, #tpu.memory_space<vmem>>, vector<16xf32>,
        %add3A_638 = arith.addf %add3A_614, %get3A_637 : vector<16xf32>
        %add3A_639 = arith.constant 16 : i32
        %add3A_640 = arith.addi %mul3A_235, %add3A_639 : i32
        %get3A_641 = arith.index_cast %add3A_640 : i32 to index
        %get3A_642 = arith.constant 32 : index
        %get3A_643 = tpu.vector_load %arg8[%get3A_641, %get3A_642] {strides = array<i32>} : memref<416x64xf32, #tpu.memory_space<vmem>>, vector<16xf32>,
        %add3A_644 = arith.addf %add3A_620, %get3A_643 : vector<16xf32>
        %add3A_645 = arith.constant 16 : i32
        %add3A_646 = arith.addi %mul3A_235, %add3A_645 : i32
        %get3A_647 = arith.index_cast %add3A_646 : i32 to index
        %get3A_648 = arith.constant 48 : index
        %get3A_649 = tpu.vector_load %arg8[%get3A_647, %get3A_648] {strides = array<i32>} : memref<416x64xf32, #tpu.memory_space<vmem>>, vector<16xf32>,
        %add3A_650 = arith.addf %add3A_626, %get3A_649 : vector<16xf32>
        %add3A_651 = arith.constant 17 : i32
        %add3A_652 = arith.addi %mul3A_235, %add3A_651 : i32
        %get3A_653 = arith.index_cast %add3A_652 : i32 to index
        %get3A_654 = arith.constant 0 : index
        %get3A_655 = tpu.vector_load %arg8[%get3A_653, %get3A_654] {strides = array<i32>} : memref<416x64xf32, #tpu.memory_space<vmem>>, vector<16xf32>,
        %add3A_656 = arith.addf %add3A_632, %get3A_655 : vector<16xf32>
        %add3A_657 = arith.constant 17 : i32
        %add3A_658 = arith.addi %mul3A_235, %add3A_657 : i32
        %get3A_659 = arith.index_cast %add3A_658 : i32 to index
        %get3A_660 = arith.constant 16 : index
        %get3A_661 = tpu.vector_load %arg8[%get3A_659, %get3A_660] {strides = array<i32>} : memref<416x64xf32, #tpu.memory_space<vmem>>, vector<16xf32>,
        %add3A_662 = arith.addf %add3A_638, %get3A_661 : vector<16xf32>
        %add3A_663 = arith.constant 17 : i32
        %add3A_664 = arith.addi %mul3A_235, %add3A_663 : i32
        %get3A_665 = arith.index_cast %add3A_664 : i32 to index
        %get3A_666 = arith.constant 32 : index
        %get3A_667 = tpu.vector_load %arg8[%get3A_665, %get3A_666] {strides = array<i32>} : memref<416x64xf32, #tpu.memory_space<vmem>>, vector<16xf32>,
        %add3A_668 = arith.addf %add3A_644, %get3A_667 : vector<16xf32>
        %add3A_669 = arith.constant 17 : i32
        %add3A_670 = arith.addi %mul3A_235, %add3A_669 : i32
        %get3A_671 = arith.index_cast %add3A_670 : i32 to index
        %get3A_672 = arith.constant 48 : index
        %get3A_673 = tpu.vector_load %arg8[%get3A_671, %get3A_672] {strides = array<i32>} : memref<416x64xf32, #tpu.memory_space<vmem>>, vector<16xf32>,
        %add3A_674 = arith.addf %add3A_650, %get3A_673 : vector<16xf32>
        %add3A_675 = arith.constant 18 : i32
        %add3A_676 = arith.addi %mul3A_235, %add3A_675 : i32
        %get3A_677 = arith.index_cast %add3A_676 : i32 to index
        %get3A_678 = arith.constant 0 : index
        %get3A_679 = tpu.vector_load %arg8[%get3A_677, %get3A_678] {strides = array<i32>} : memref<416x64xf32, #tpu.memory_space<vmem>>, vector<16xf32>,
        %add3A_680 = arith.addf %add3A_656, %get3A_679 : vector<16xf32>
        %add3A_681 = arith.constant 18 : i32
        %add3A_682 = arith.addi %mul3A_235, %add3A_681 : i32
        %get3A_683 = arith.index_cast %add3A_682 : i32 to index
        %get3A_684 = arith.constant 16 : index
        %get3A_685 = tpu.vector_load %arg8[%get3A_683, %get3A_684] {strides = array<i32>} : memref<416x64xf32, #tpu.memory_space<vmem>>, vector<16xf32>,
        %add3A_686 = arith.addf %add3A_662, %get3A_685 : vector<16xf32>
        %add3A_687 = arith.constant 18 : i32
        %add3A_688 = arith.addi %mul3A_235, %add3A_687 : i32
        %get3A_689 = arith.index_cast %add3A_688 : i32 to index
        %get3A_690 = arith.constant 32 : index
        %get3A_691 = tpu.vector_load %arg8[%get3A_689, %get3A_690] {strides = array<i32>} : memref<416x64xf32, #tpu.memory_space<vmem>>, vector<16xf32>,
        %add3A_692 = arith.addf %add3A_668, %get3A_691 : vector<16xf32>
        %add3A_693 = arith.constant 18 : i32
        %add3A_694 = arith.addi %mul3A_235, %add3A_693 : i32
        %get3A_695 = arith.index_cast %add3A_694 : i32 to index
        %get3A_696 = arith.constant 48 : index
        %get3A_697 = tpu.vector_load %arg8[%get3A_695, %get3A_696] {strides = array<i32>} : memref<416x64xf32, #tpu.memory_space<vmem>>, vector<16xf32>,
        %add3A_698 = arith.addf %add3A_674, %get3A_697 : vector<16xf32>
        %add3A_699 = arith.constant 19 : i32
        %add3A_700 = arith.addi %mul3A_235, %add3A_699 : i32
        %get3A_701 = arith.index_cast %add3A_700 : i32 to index
        %get3A_702 = arith.constant 0 : index
        %get3A_703 = tpu.vector_load %arg8[%get3A_701, %get3A_702] {strides = array<i32>} : memref<416x64xf32, #tpu.memory_space<vmem>>, vector<16xf32>,
        %add3A_704 = arith.addf %add3A_680, %get3A_703 : vector<16xf32>
        %add3A_705 = arith.constant 19 : i32
        %add3A_706 = arith.addi %mul3A_235, %add3A_705 : i32
        %get3A_707 = arith.index_cast %add3A_706 : i32 to index
        %get3A_708 = arith.constant 16 : index
        %get3A_709 = tpu.vector_load %arg8[%get3A_707, %get3A_708] {strides = array<i32>} : memref<416x64xf32, #tpu.memory_space<vmem>>, vector<16xf32>,
        %add3A_710 = arith.addf %add3A_686, %get3A_709 : vector<16xf32>
        %add3A_711 = arith.constant 19 : i32
        %add3A_712 = arith.addi %mul3A_235, %add3A_711 : i32
        %get3A_713 = arith.index_cast %add3A_712 : i32 to index
        %get3A_714 = arith.constant 32 : index
        %get3A_715 = tpu.vector_load %arg8[%get3A_713, %get3A_714] {strides = array<i32>} : memref<416x64xf32, #tpu.memory_space<vmem>>, vector<16xf32>,
        %add3A_716 = arith.addf %add3A_692, %get3A_715 : vector<16xf32>
        %add3A_717 = arith.constant 19 : i32
        %add3A_718 = arith.addi %mul3A_235, %add3A_717 : i32
        %get3A_719 = arith.index_cast %add3A_718 : i32 to index
        %get3A_720 = arith.constant 48 : index
        %get3A_721 = tpu.vector_load %arg8[%get3A_719, %get3A_720] {strides = array<i32>} : memref<416x64xf32, #tpu.memory_space<vmem>>, vector<16xf32>,
        %add3A_722 = arith.addf %add3A_698, %get3A_721 : vector<16xf32>
        %add3A_723 = arith.constant 20 : i32
        %add3A_724 = arith.addi %mul3A_235, %add3A_723 : i32
        %get3A_725 = arith.index_cast %add3A_724 : i32 to index
        %get3A_726 = arith.constant 0 : index
        %get3A_727 = tpu.vector_load %arg8[%get3A_725, %get3A_726] {strides = array<i32>} : memref<416x64xf32, #tpu.memory_space<vmem>>, vector<16xf32>,
        %add3A_728 = arith.addf %add3A_704, %get3A_727 : vector<16xf32>
        %add3A_729 = arith.constant 20 : i32
        %add3A_730 = arith.addi %mul3A_235, %add3A_729 : i32
        %get3A_731 = arith.index_cast %add3A_730 : i32 to index
        %get3A_732 = arith.constant 16 : index
        %get3A_733 = tpu.vector_load %arg8[%get3A_731, %get3A_732] {strides = array<i32>} : memref<416x64xf32, #tpu.memory_space<vmem>>, vector<16xf32>,
        %add3A_734 = arith.addf %add3A_710, %get3A_733 : vector<16xf32>
        %add3A_735 = arith.constant 20 : i32
        %add3A_736 = arith.addi %mul3A_235, %add3A_735 : i32
        %get3A_737 = arith.index_cast %add3A_736 : i32 to index
        %get3A_738 = arith.constant 32 : index
        %get3A_739 = tpu.vector_load %arg8[%get3A_737, %get3A_738] {strides = array<i32>} : memref<416x64xf32, #tpu.memory_space<vmem>>, vector<16xf32>,
        %add3A_740 = arith.addf %add3A_716, %get3A_739 : vector<16xf32>
        %add3A_741 = arith.constant 20 : i32
        %add3A_742 = arith.addi %mul3A_235, %add3A_741 : i32
        %get3A_743 = arith.index_cast %add3A_742 : i32 to index
        %get3A_744 = arith.constant 48 : index
        %get3A_745 = tpu.vector_load %arg8[%get3A_743, %get3A_744] {strides = array<i32>} : memref<416x64xf32, #tpu.memory_space<vmem>>, vector<16xf32>,
        %add3A_746 = arith.addf %add3A_722, %get3A_745 : vector<16xf32>
        %add3A_747 = arith.constant 21 : i32
        %add3A_748 = arith.addi %mul3A_235, %add3A_747 : i32
        %get3A_749 = arith.index_cast %add3A_748 : i32 to index
        %get3A_750 = arith.constant 0 : index
        %get3A_751 = tpu.vector_load %arg8[%get3A_749, %get3A_750] {strides = array<i32>} : memref<416x64xf32, #tpu.memory_space<vmem>>, vector<16xf32>,
        %add3A_752 = arith.addf %add3A_728, %get3A_751 : vector<16xf32>
        %add3A_753 = arith.constant 21 : i32
        %add3A_754 = arith.addi %mul3A_235, %add3A_753 : i32
        %get3A_755 = arith.index_cast %add3A_754 : i32 to index
        %get3A_756 = arith.constant 16 : index
        %get3A_757 = tpu.vector_load %arg8[%get3A_755, %get3A_756] {strides = array<i32>} : memref<416x64xf32, #tpu.memory_space<vmem>>, vector<16xf32>,
        %add3A_758 = arith.addf %add3A_734, %get3A_757 : vector<16xf32>
        %add3A_759 = arith.constant 21 : i32
        %add3A_760 = arith.addi %mul3A_235, %add3A_759 : i32
        %get3A_761 = arith.index_cast %add3A_760 : i32 to index
        %get3A_762 = arith.constant 32 : index
        %get3A_763 = tpu.vector_load %arg8[%get3A_761, %get3A_762] {strides = array<i32>} : memref<416x64xf32, #tpu.memory_space<vmem>>, vector<16xf32>,
        %add3A_764 = arith.addf %add3A_740, %get3A_763 : vector<16xf32>
        %add3A_765 = arith.constant 21 : i32
        %add3A_766 = arith.addi %mul3A_235, %add3A_765 : i32
        %get3A_767 = arith.index_cast %add3A_766 : i32 to index
        %get3A_768 = arith.constant 48 : index
        %get3A_769 = tpu.vector_load %arg8[%get3A_767, %get3A_768] {strides = array<i32>} : memref<416x64xf32, #tpu.memory_space<vmem>>, vector<16xf32>,
        %add3A_770 = arith.addf %add3A_746, %get3A_769 : vector<16xf32>
        %add3A_771 = arith.constant 22 : i32
        %add3A_772 = arith.addi %mul3A_235, %add3A_771 : i32
        %get3A_773 = arith.index_cast %add3A_772 : i32 to index
        %get3A_774 = arith.constant 0 : index
        %get3A_775 = tpu.vector_load %arg8[%get3A_773, %get3A_774] {strides = array<i32>} : memref<416x64xf32, #tpu.memory_space<vmem>>, vector<16xf32>,
        %add3A_776 = arith.addf %add3A_752, %get3A_775 : vector<16xf32>
        %add3A_777 = arith.constant 22 : i32
        %add3A_778 = arith.addi %mul3A_235, %add3A_777 : i32
        %get3A_779 = arith.index_cast %add3A_778 : i32 to index
        %get3A_780 = arith.constant 16 : index
        %get3A_781 = tpu.vector_load %arg8[%get3A_779, %get3A_780] {strides = array<i32>} : memref<416x64xf32, #tpu.memory_space<vmem>>, vector<16xf32>,
        %add3A_782 = arith.addf %add3A_758, %get3A_781 : vector<16xf32>
        %add3A_783 = arith.constant 22 : i32
        %add3A_784 = arith.addi %mul3A_235, %add3A_783 : i32
        %get3A_785 = arith.index_cast %add3A_784 : i32 to index
        %get3A_786 = arith.constant 32 : index
        %get3A_787 = tpu.vector_load %arg8[%get3A_785, %get3A_786] {strides = array<i32>} : memref<416x64xf32, #tpu.memory_space<vmem>>, vector<16xf32>,
        %add3A_788 = arith.addf %add3A_764, %get3A_787 : vector<16xf32>
        %add3A_789 = arith.constant 22 : i32
        %add3A_790 = arith.addi %mul3A_235, %add3A_789 : i32
        %get3A_791 = arith.index_cast %add3A_790 : i32 to index
        %get3A_792 = arith.constant 48 : index
        %get3A_793 = tpu.vector_load %arg8[%get3A_791, %get3A_792] {strides = array<i32>} : memref<416x64xf32, #tpu.memory_space<vmem>>, vector<16xf32>,
        %add3A_794 = arith.addf %add3A_770, %get3A_793 : vector<16xf32>
        %add3A_795 = arith.constant 23 : i32
        %add3A_796 = arith.addi %mul3A_235, %add3A_795 : i32
        %get3A_797 = arith.index_cast %add3A_796 : i32 to index
        %get3A_798 = arith.constant 0 : index
        %get3A_799 = tpu.vector_load %arg8[%get3A_797, %get3A_798] {strides = array<i32>} : memref<416x64xf32, #tpu.memory_space<vmem>>, vector<16xf32>,
        %add3A_800 = arith.addf %add3A_776, %get3A_799 : vector<16xf32>
        %add3A_801 = arith.constant 23 : i32
        %add3A_802 = arith.addi %mul3A_235, %add3A_801 : i32
        %get3A_803 = arith.index_cast %add3A_802 : i32 to index
        %get3A_804 = arith.constant 16 : index
        %get3A_805 = tpu.vector_load %arg8[%get3A_803, %get3A_804] {strides = array<i32>} : memref<416x64xf32, #tpu.memory_space<vmem>>, vector<16xf32>,
        %add3A_806 = arith.addf %add3A_782, %get3A_805 : vector<16xf32>
        %add3A_807 = arith.constant 23 : i32
        %add3A_808 = arith.addi %mul3A_235, %add3A_807 : i32
        %get3A_809 = arith.index_cast %add3A_808 : i32 to index
        %get3A_810 = arith.constant 32 : index
        %get3A_811 = tpu.vector_load %arg8[%get3A_809, %get3A_810] {strides = array<i32>} : memref<416x64xf32, #tpu.memory_space<vmem>>, vector<16xf32>,
        %add3A_812 = arith.addf %add3A_788, %get3A_811 : vector<16xf32>
        %add3A_813 = arith.constant 23 : i32
        %add3A_814 = arith.addi %mul3A_235, %add3A_813 : i32
        %get3A_815 = arith.index_cast %add3A_814 : i32 to index
        %get3A_816 = arith.constant 48 : index
        %get3A_817 = tpu.vector_load %arg8[%get3A_815, %get3A_816] {strides = array<i32>} : memref<416x64xf32, #tpu.memory_space<vmem>>, vector<16xf32>,
        %add3A_818 = arith.addf %add3A_794, %get3A_817 : vector<16xf32>
        %add3A_819 = arith.constant 24 : i32
        %add3A_820 = arith.addi %mul3A_235, %add3A_819 : i32
        %get3A_821 = arith.index_cast %add3A_820 : i32 to index
        %get3A_822 = arith.constant 0 : index
        %get3A_823 = tpu.vector_load %arg8[%get3A_821, %get3A_822] {strides = array<i32>} : memref<416x64xf32, #tpu.memory_space<vmem>>, vector<16xf32>,
        %add3A_824 = arith.addf %add3A_800, %get3A_823 : vector<16xf32>
        %add3A_825 = arith.constant 24 : i32
        %add3A_826 = arith.addi %mul3A_235, %add3A_825 : i32
        %get3A_827 = arith.index_cast %add3A_826 : i32 to index
        %get3A_828 = arith.constant 16 : index
        %get3A_829 = tpu.vector_load %arg8[%get3A_827, %get3A_828] {strides = array<i32>} : memref<416x64xf32, #tpu.memory_space<vmem>>, vector<16xf32>,
        %add3A_830 = arith.addf %add3A_806, %get3A_829 : vector<16xf32>
        %add3A_831 = arith.constant 24 : i32
        %add3A_832 = arith.addi %mul3A_235, %add3A_831 : i32
        %get3A_833 = arith.index_cast %add3A_832 : i32 to index
        %get3A_834 = arith.constant 32 : index
        %get3A_835 = tpu.vector_load %arg8[%get3A_833, %get3A_834] {strides = array<i32>} : memref<416x64xf32, #tpu.memory_space<vmem>>, vector<16xf32>,
        %add3A_836 = arith.addf %add3A_812, %get3A_835 : vector<16xf32>
        %add3A_837 = arith.constant 24 : i32
        %add3A_838 = arith.addi %mul3A_235, %add3A_837 : i32
        %get3A_839 = arith.index_cast %add3A_838 : i32 to index
        %get3A_840 = arith.constant 48 : index
        %get3A_841 = tpu.vector_load %arg8[%get3A_839, %get3A_840] {strides = array<i32>} : memref<416x64xf32, #tpu.memory_space<vmem>>, vector<16xf32>,
        %add3A_842 = arith.addf %add3A_818, %get3A_841 : vector<16xf32>
        %add3A_843 = arith.constant 25 : i32
        %add3A_844 = arith.addi %mul3A_235, %add3A_843 : i32
        %get3A_845 = arith.index_cast %add3A_844 : i32 to index
        %get3A_846 = arith.constant 0 : index
        %get3A_847 = tpu.vector_load %arg8[%get3A_845, %get3A_846] {strides = array<i32>} : memref<416x64xf32, #tpu.memory_space<vmem>>, vector<16xf32>,
        %add3A_848 = arith.addf %add3A_824, %get3A_847 : vector<16xf32>
        %add3A_849 = arith.constant 25 : i32
        %add3A_850 = arith.addi %mul3A_235, %add3A_849 : i32
        %get3A_851 = arith.index_cast %add3A_850 : i32 to index
        %get3A_852 = arith.constant 16 : index
        %get3A_853 = tpu.vector_load %arg8[%get3A_851, %get3A_852] {strides = array<i32>} : memref<416x64xf32, #tpu.memory_space<vmem>>, vector<16xf32>,
        %add3A_854 = arith.addf %add3A_830, %get3A_853 : vector<16xf32>
        %add3A_855 = arith.constant 25 : i32
        %add3A_856 = arith.addi %mul3A_235, %add3A_855 : i32
        %get3A_857 = arith.index_cast %add3A_856 : i32 to index
        %get3A_858 = arith.constant 32 : index
        %get3A_859 = tpu.vector_load %arg8[%get3A_857, %get3A_858] {strides = array<i32>} : memref<416x64xf32, #tpu.memory_space<vmem>>, vector<16xf32>,
        %add3A_860 = arith.addf %add3A_836, %get3A_859 : vector<16xf32>
        %add3A_861 = arith.constant 25 : i32
        %add3A_862 = arith.addi %mul3A_235, %add3A_861 : i32
        %get3A_863 = arith.index_cast %add3A_862 : i32 to index
        %get3A_864 = arith.constant 48 : index
        %get3A_865 = tpu.vector_load %arg8[%get3A_863, %get3A_864] {strides = array<i32>} : memref<416x64xf32, #tpu.memory_space<vmem>>, vector<16xf32>,
        %add3A_866 = arith.addf %add3A_842, %get3A_865 : vector<16xf32>
        %broadcast_in_dim3A_867 = arith.constant 0.000000e+00 : f32
        %broadcast_in_dim3A_868 = vector.broadcast %broadcast_in_dim3A_867 : f32 to vector<16xf32>
        %mul3A_869 = arith.constant 2 : i32
        %mul3A_870 = arith.muli %scan3A_15, %mul3A_869 : i32
        %add3A_871 = arith.constant 0 : i32
        %add3A_872 = arith.addi %mul3A_870, %add3A_871 : i32
        %mul3A_873 = arith.constant 16 : i32
        %mul3A_874 = arith.muli %add3A_872, %mul3A_873 : i32
        %add3A_875 = arith.addi %mul3A_874, %scan3A_233 : i32
        %get3A_876 = arith.index_cast %add3A_875 : i32 to index
        %get3A_877 = arith.constant 0 : index
        %get3A_878 = tpu.vector_load %arg11[%get3A_876, %get3A_877] {strides = array<i32>} : memref<512x64xf32, #tpu.memory_space<vmem>>, vector<16xf32>,
        %mul3A_879 = arith.mulf %add3A_848, %get3A_878 : vector<16xf32>
        %add3A_880 = arith.addf %broadcast_in_dim3A_868, %mul3A_879 : vector<16xf32>
        %get3A_881 = arith.index_cast %add3A_875 : i32 to index
        %get3A_882 = arith.constant 16 : index
        %get3A_883 = tpu.vector_load %arg11[%get3A_881, %get3A_882] {strides = array<i32>} : memref<512x64xf32, #tpu.memory_space<vmem>>, vector<16xf32>,
        %mul3A_884 = arith.mulf %add3A_854, %get3A_883 : vector<16xf32>
        %add3A_885 = arith.addf %add3A_880, %mul3A_884 : vector<16xf32>
        %get3A_886 = arith.index_cast %add3A_875 : i32 to index
        %get3A_887 = arith.constant 32 : index
        %get3A_888 = tpu.vector_load %arg11[%get3A_886, %get3A_887] {strides = array<i32>} : memref<512x64xf32, #tpu.memory_space<vmem>>, vector<16xf32>,
        %mul3A_889 = arith.mulf %add3A_860, %get3A_888 : vector<16xf32>
        %add3A_890 = arith.addf %add3A_885, %mul3A_889 : vector<16xf32>
        %get3A_891 = arith.index_cast %add3A_875 : i32 to index
        %get3A_892 = arith.constant 48 : index
        %get3A_893 = tpu.vector_load %arg11[%get3A_891, %get3A_892] {strides = array<i32>} : memref<512x64xf32, #tpu.memory_space<vmem>>, vector<16xf32>,
        %mul3A_894 = arith.mulf %add3A_866, %get3A_893 : vector<16xf32>
        %add3A_895 = arith.addf %add3A_890, %mul3A_894 : vector<16xf32>
        %broadcast_in_dim3A_896 = vector.broadcast %scan3A_233 : i32 to vector<16xi32>
        tpu.vector_store_idx %arg10[%iota3A, %broadcast_in_dim3A_896], %add3A_895 : memref<16x16xf32, #tpu.memory_space<vmem>>[vector<16xi32>, vector<16xi32>], vector<16xf32>,
      }
      %scan3A_33 = arith.constant 16 : i32
      %mul3A_34 = arith.constant 2 : i32
      %mul3A_35 = arith.muli %scan3A_15, %mul3A_34 : i32
      %add3A_36 = arith.constant 0 : i32
      %add3A_37 = arith.addi %mul3A_35, %add3A_36 : i32
      %mul3A_38 = arith.constant 16 : i32
      %mul3A_39 = arith.muli %add3A_37, %mul3A_38 : i32
      %get3A = arith.constant 0 : i32
      %get3A_40 = arith.index_cast %get3A : i32 to index
      %get3A_41 = arith.constant 0 : index
      %get3A_42 = tpu.vector_load %arg10[%get3A_40, %get3A_41] {strides = array<i32>} : memref<16x16xf32, #tpu.memory_space<vmem>>, vector<16xf32>,
      %get3A_43 = arith.constant 1 : i32
      %get3A_44 = arith.index_cast %get3A_43 : i32 to index
      %get3A_45 = arith.constant 0 : index
      %get3A_46 = tpu.vector_load %arg10[%get3A_44, %get3A_45] {strides = array<i32>} : memref<16x16xf32, #tpu.memory_space<vmem>>, vector<16xf32>,
      %add3A_47 = arith.addf %get3A_42, %get3A_46 : vector<16xf32>
      %get3A_48 = arith.constant 2 : i32
      %get3A_49 = arith.index_cast %get3A_48 : i32 to index
      %get3A_50 = arith.constant 0 : index
      %get3A_51 = tpu.vector_load %arg10[%get3A_49, %get3A_50] {strides = array<i32>} : memref<16x16xf32, #tpu.memory_space<vmem>>, vector<16xf32>,
      %add3A_52 = arith.addf %add3A_47, %get3A_51 : vector<16xf32>
      %get3A_53 = arith.constant 3 : i32
      %get3A_54 = arith.index_cast %get3A_53 : i32 to index
      %get3A_55 = arith.constant 0 : index
      %get3A_56 = tpu.vector_load %arg10[%get3A_54, %get3A_55] {strides = array<i32>} : memref<16x16xf32, #tpu.memory_space<vmem>>, vector<16xf32>,
      %add3A_57 = arith.addf %add3A_52, %get3A_56 : vector<16xf32>
      %get3A_58 = arith.constant 4 : i32
      %get3A_59 = arith.index_cast %get3A_58 : i32 to index
      %get3A_60 = arith.constant 0 : index
      %get3A_61 = tpu.vector_load %arg10[%get3A_59, %get3A_60] {strides = array<i32>} : memref<16x16xf32, #tpu.memory_space<vmem>>, vector<16xf32>,
      %add3A_62 = arith.addf %add3A_57, %get3A_61 : vector<16xf32>
      %get3A_63 = arith.constant 5 : i32
      %get3A_64 = arith.index_cast %get3A_63 : i32 to index
      %get3A_65 = arith.constant 0 : index
      %get3A_66 = tpu.vector_load %arg10[%get3A_64, %get3A_65] {strides = array<i32>} : memref<16x16xf32, #tpu.memory_space<vmem>>, vector<16xf32>,
      %add3A_67 = arith.addf %add3A_62, %get3A_66 : vector<16xf32>
      %get3A_68 = arith.constant 6 : i32
      %get3A_69 = arith.index_cast %get3A_68 : i32 to index
      %get3A_70 = arith.constant 0 : index
      %get3A_71 = tpu.vector_load %arg10[%get3A_69, %get3A_70] {strides = array<i32>} : memref<16x16xf32, #tpu.memory_space<vmem>>, vector<16xf32>,
      %add3A_72 = arith.addf %add3A_67, %get3A_71 : vector<16xf32>
      %get3A_73 = arith.constant 7 : i32
      %get3A_74 = arith.index_cast %get3A_73 : i32 to index
      %get3A_75 = arith.constant 0 : index
      %get3A_76 = tpu.vector_load %arg10[%get3A_74, %get3A_75] {strides = array<i32>} : memref<16x16xf32, #tpu.memory_space<vmem>>, vector<16xf32>,
      %add3A_77 = arith.addf %add3A_72, %get3A_76 : vector<16xf32>
      %get3A_78 = arith.constant 8 : i32
      %get3A_79 = arith.index_cast %get3A_78 : i32 to index
      %get3A_80 = arith.constant 0 : index
      %get3A_81 = tpu.vector_load %arg10[%get3A_79, %get3A_80] {strides = array<i32>} : memref<16x16xf32, #tpu.memory_space<vmem>>, vector<16xf32>,
      %add3A_82 = arith.addf %add3A_77, %get3A_81 : vector<16xf32>
      %get3A_83 = arith.constant 9 : i32
      %get3A_84 = arith.index_cast %get3A_83 : i32 to index
      %get3A_85 = arith.constant 0 : index
      %get3A_86 = tpu.vector_load %arg10[%get3A_84, %get3A_85] {strides = array<i32>} : memref<16x16xf32, #tpu.memory_space<vmem>>, vector<16xf32>,
      %add3A_87 = arith.addf %add3A_82, %get3A_86 : vector<16xf32>
      %get3A_88 = arith.constant 10 : i32
      %get3A_89 = arith.index_cast %get3A_88 : i32 to index
      %get3A_90 = arith.constant 0 : index
      %get3A_91 = tpu.vector_load %arg10[%get3A_89, %get3A_90] {strides = array<i32>} : memref<16x16xf32, #tpu.memory_space<vmem>>, vector<16xf32>,
      %add3A_92 = arith.addf %add3A_87, %get3A_91 : vector<16xf32>
      %get3A_93 = arith.constant 11 : i32
      %get3A_94 = arith.index_cast %get3A_93 : i32 to index
      %get3A_95 = arith.constant 0 : index
      %get3A_96 = tpu.vector_load %arg10[%get3A_94, %get3A_95] {strides = array<i32>} : memref<16x16xf32, #tpu.memory_space<vmem>>, vector<16xf32>,
      %add3A_97 = arith.addf %add3A_92, %get3A_96 : vector<16xf32>
      %get3A_98 = arith.constant 12 : i32
      %get3A_99 = arith.index_cast %get3A_98 : i32 to index
      %get3A_100 = arith.constant 0 : index
      %get3A_101 = tpu.vector_load %arg10[%get3A_99, %get3A_100] {strides = array<i32>} : memref<16x16xf32, #tpu.memory_space<vmem>>, vector<16xf32>,
      %add3A_102 = arith.addf %add3A_97, %get3A_101 : vector<16xf32>
      %get3A_103 = arith.constant 13 : i32
      %get3A_104 = arith.index_cast %get3A_103 : i32 to index
      %get3A_105 = arith.constant 0 : index
      %get3A_106 = tpu.vector_load %arg10[%get3A_104, %get3A_105] {strides = array<i32>} : memref<16x16xf32, #tpu.memory_space<vmem>>, vector<16xf32>,
      %add3A_107 = arith.addf %add3A_102, %get3A_106 : vector<16xf32>
      %get3A_108 = arith.constant 14 : i32
      %get3A_109 = arith.index_cast %get3A_108 : i32 to index
      %get3A_110 = arith.constant 0 : index
      %get3A_111 = tpu.vector_load %arg10[%get3A_109, %get3A_110] {strides = array<i32>} : memref<16x16xf32, #tpu.memory_space<vmem>>, vector<16xf32>,
      %add3A_112 = arith.addf %add3A_107, %get3A_111 : vector<16xf32>
      %get3A_113 = arith.constant 15 : i32
      %get3A_114 = arith.index_cast %get3A_113 : i32 to index
      %get3A_115 = arith.constant 0 : index
      %get3A_116 = tpu.vector_load %arg10[%get3A_114, %get3A_115] {strides = array<i32>} : memref<16x16xf32, #tpu.memory_space<vmem>>, vector<16xf32>,
      %add3A_117 = arith.addf %add3A_112, %get3A_116 : vector<16xf32>
      %get3A_118 = arith.index_cast %mul3A_39 : i32 to index
      %get3A_119 = tpu.vector_load %arg12[%get3A_118] {strides = array<i32>} : memref<512xf32, #tpu.memory_space<vmem>>, vector<16xf32>,
      %add3A_120 = arith.addf %add3A_117, %get3A_119 : vector<16xf32>
      %swap3A = arith.index_cast %mul3A_39 : i32 to index
      %swap3A_121 = tpu.vector_load %arg13[%swap3A] {strides = array<i32>} : memref<512xf32, #tpu.memory_space<vmem>>, vector<16xf32>,
      tpu.vector_store %arg13[%swap3A], %add3A_120 {strides = array<i32>} : memref<512xf32, #tpu.memory_space<vmem>>, vector<16xf32>,
      %mul3A_122 = arith.constant 2 : i32
      %mul3A_123 = arith.muli %scan3A_15, %mul3A_122 : i32
      %add3A_124 = arith.constant 1 : i32
      %add3A_125 = arith.addi %mul3A_123, %add3A_124 : i32
      %lt3A_126 = arith.constant 31 : i32
      %lt3A_127 = arith.cmpi slt, %add3A_125, %lt3A_126 : i32
      %convert_element_type3A_128 = arith.extui %lt3A_127 : i1 to i32
      %cond3A_129 = arith.constant 0 : i32
      %cond3A_130 = arith.cmpi ne, %convert_element_type3A_128, %cond3A_129 : i32
      scf.if %cond3A_130 {
        %add3A_233 = arith.constant 1 : i32
        %add3A_234 = arith.addi %add3A_125, %add3A_233 : i32
        %mul3A_235 = arith.constant 416 : i32
        %mul3A_236 = arith.muli %add3A_234, %mul3A_235 : i32
        %dma_start3A_237 = tpu.memref_slice %arg7[%mul3A_236] : memref<13320xi32, #tpu.memory_space<vmem>> -> memref<416xi32, #tpu.memory_space<vmem>>
        %dma_start3A_238 = arith.constant 0 : i32
        %dma_start3A_239 = arith.constant 0 : i32
        %dma_start3A_240 = tpu.memref_slice %arg2[%dma_start3A_238, %dma_start3A_239] : memref<1032192x64xf32, #tpu.memory_space<hbm>> -> memref<1032192x64xf32, #tpu.memory_space<hbm>>
        tpu.enqueue_indirect_dma source(%dma_start3A_240 : memref<1032192x64xf32, #tpu.memory_space<hbm>>) target(%arg8 : memref<416x64xf32, #tpu.memory_space<vmem>>) offsets(%dma_start3A_237 : memref<416xi32, #tpu.memory_space<vmem>>) semaphore(%arg14 : memref<!tpu.dma_semaphore, #tpu.memory_space<semaphore_mem>>)
      } else {
      }
      %dma_wait3A_131 = arith.constant 0 : i32
      %dma_wait3A_132 = arith.constant 0 : i32
      %dma_wait3A_133 = tpu.memref_slice %arg2[%dma_wait3A_131, %dma_wait3A_132] : memref<1032192x64xf32, #tpu.memory_space<hbm>> -> memref<416x64xf32, #tpu.memory_space<hbm>>
      %dma_wait3A_134 = arith.constant 0 : i32
      %dma_wait3A_135 = arith.constant 0 : i32
      %dma_wait3A_136 = tpu.memref_slice %arg2[%dma_wait3A_134, %dma_wait3A_135] : memref<1032192x64xf32, #tpu.memory_space<hbm>> -> memref<416x64xf32, #tpu.memory_space<hbm>>
      tpu.wait_dma2 semaphore(%arg15 : memref<!tpu.dma_semaphore, #tpu.memory_space<semaphore_mem>>) src(%dma_wait3A_136 : memref<416x64xf32, #tpu.memory_space<hbm>>) dst(%arg9 : memref<416x64xf32, #tpu.memory_space<vmem>>)
      %scan3A_137 = arith.constant 0 : i32
      %scan3A_138 = arith.constant 0 : i32
      %scan3A_139 = arith.constant 16 : i32
      %scan3A_140 = arith.addi %scan3A_138, %scan3A_139 : i32
      %scan3A_141 = arith.constant 1 : i32
      scf.for %scan3A_233 = %scan3A_138 to %scan3A_140 step %scan3A_141  : i32 {
        %mul3A_234 = arith.constant 26 : i32
        %mul3A_235 = arith.muli %scan3A_233, %mul3A_234 : i32
        %broadcast_in_dim3A = arith.constant 0.000000e+00 : f32
        %broadcast_in_dim3A_236 = vector.broadcast %broadcast_in_dim3A : f32 to vector<16xf32>
        %broadcast_in_dim3A_237 = arith.constant 0.000000e+00 : f32
        %broadcast_in_dim3A_238 = vector.broadcast %broadcast_in_dim3A_237 : f32 to vector<16xf32>
        %broadcast_in_dim3A_239 = arith.constant 0.000000e+00 : f32
        %broadcast_in_dim3A_240 = vector.broadcast %broadcast_in_dim3A_239 : f32 to vector<16xf32>
        %broadcast_in_dim3A_241 = arith.constant 0.000000e+00 : f32
        %broadcast_in_dim3A_242 = vector.broadcast %broadcast_in_dim3A_241 : f32 to vector<16xf32>
        %add3A_243 = arith.constant 0 : i32
        %add3A_244 = arith.addi %mul3A_235, %add3A_243 : i32
        %get3A_245 = arith.index_cast %add3A_244 : i32 to index
        %get3A_246 = arith.constant 0 : index
        %get3A_247 = tpu.vector_load %arg9[%get3A_245, %get3A_246] {strides = array<i32>} : memref<416x64xf32, #tpu.memory_space<vmem>>, vector<16xf32>,
        %add3A_248 = arith.addf %broadcast_in_dim3A_236, %get3A_247 : vector<16xf32>
        %add3A_249 = arith.constant 0 : i32
        %add3A_250 = arith.addi %mul3A_235, %add3A_249 : i32
        %get3A_251 = arith.index_cast %add3A_250 : i32 to index
        %get3A_252 = arith.constant 16 : index
        %get3A_253 = tpu.vector_load %arg9[%get3A_251, %get3A_252] {strides = array<i32>} : memref<416x64xf32, #tpu.memory_space<vmem>>, vector<16xf32>,
        %add3A_254 = arith.addf %broadcast_in_dim3A_238, %get3A_253 : vector<16xf32>
        %add3A_255 = arith.constant 0 : i32
        %add3A_256 = arith.addi %mul3A_235, %add3A_255 : i32
        %get3A_257 = arith.index_cast %add3A_256 : i32 to index
        %get3A_258 = arith.constant 32 : index
        %get3A_259 = tpu.vector_load %arg9[%get3A_257, %get3A_258] {strides = array<i32>} : memref<416x64xf32, #tpu.memory_space<vmem>>, vector<16xf32>,
        %add3A_260 = arith.addf %broadcast_in_dim3A_240, %get3A_259 : vector<16xf32>
        %add3A_261 = arith.constant 0 : i32
        %add3A_262 = arith.addi %mul3A_235, %add3A_261 : i32
        %get3A_263 = arith.index_cast %add3A_262 : i32 to index
        %get3A_264 = arith.constant 48 : index
        %get3A_265 = tpu.vector_load %arg9[%get3A_263, %get3A_264] {strides = array<i32>} : memref<416x64xf32, #tpu.memory_space<vmem>>, vector<16xf32>,
        %add3A_266 = arith.addf %broadcast_in_dim3A_242, %get3A_265 : vector<16xf32>
        %add3A_267 = arith.constant 1 : i32
        %add3A_268 = arith.addi %mul3A_235, %add3A_267 : i32
        %get3A_269 = arith.index_cast %add3A_268 : i32 to index
        %get3A_270 = arith.constant 0 : index
        %get3A_271 = tpu.vector_load %arg9[%get3A_269, %get3A_270] {strides = array<i32>} : memref<416x64xf32, #tpu.memory_space<vmem>>, vector<16xf32>,
        %add3A_272 = arith.addf %add3A_248, %get3A_271 : vector<16xf32>
        %add3A_273 = arith.constant 1 : i32
        %add3A_274 = arith.addi %mul3A_235, %add3A_273 : i32
        %get3A_275 = arith.index_cast %add3A_274 : i32 to index
        %get3A_276 = arith.constant 16 : index
        %get3A_277 = tpu.vector_load %arg9[%get3A_275, %get3A_276] {strides = array<i32>} : memref<416x64xf32, #tpu.memory_space<vmem>>, vector<16xf32>,
        %add3A_278 = arith.addf %add3A_254, %get3A_277 : vector<16xf32>
        %add3A_279 = arith.constant 1 : i32
        %add3A_280 = arith.addi %mul3A_235, %add3A_279 : i32
        %get3A_281 = arith.index_cast %add3A_280 : i32 to index
        %get3A_282 = arith.constant 32 : index
        %get3A_283 = tpu.vector_load %arg9[%get3A_281, %get3A_282] {strides = array<i32>} : memref<416x64xf32, #tpu.memory_space<vmem>>, vector<16xf32>,
        %add3A_284 = arith.addf %add3A_260, %get3A_283 : vector<16xf32>
        %add3A_285 = arith.constant 1 : i32
        %add3A_286 = arith.addi %mul3A_235, %add3A_285 : i32
        %get3A_287 = arith.index_cast %add3A_286 : i32 to index
        %get3A_288 = arith.constant 48 : index
        %get3A_289 = tpu.vector_load %arg9[%get3A_287, %get3A_288] {strides = array<i32>} : memref<416x64xf32, #tpu.memory_space<vmem>>, vector<16xf32>,
        %add3A_290 = arith.addf %add3A_266, %get3A_289 : vector<16xf32>
        %add3A_291 = arith.constant 2 : i32
        %add3A_292 = arith.addi %mul3A_235, %add3A_291 : i32
        %get3A_293 = arith.index_cast %add3A_292 : i32 to index
        %get3A_294 = arith.constant 0 : index
        %get3A_295 = tpu.vector_load %arg9[%get3A_293, %get3A_294] {strides = array<i32>} : memref<416x64xf32, #tpu.memory_space<vmem>>, vector<16xf32>,
        %add3A_296 = arith.addf %add3A_272, %get3A_295 : vector<16xf32>
        %add3A_297 = arith.constant 2 : i32
        %add3A_298 = arith.addi %mul3A_235, %add3A_297 : i32
        %get3A_299 = arith.index_cast %add3A_298 : i32 to index
        %get3A_300 = arith.constant 16 : index
        %get3A_301 = tpu.vector_load %arg9[%get3A_299, %get3A_300] {strides = array<i32>} : memref<416x64xf32, #tpu.memory_space<vmem>>, vector<16xf32>,
        %add3A_302 = arith.addf %add3A_278, %get3A_301 : vector<16xf32>
        %add3A_303 = arith.constant 2 : i32
        %add3A_304 = arith.addi %mul3A_235, %add3A_303 : i32
        %get3A_305 = arith.index_cast %add3A_304 : i32 to index
        %get3A_306 = arith.constant 32 : index
        %get3A_307 = tpu.vector_load %arg9[%get3A_305, %get3A_306] {strides = array<i32>} : memref<416x64xf32, #tpu.memory_space<vmem>>, vector<16xf32>,
        %add3A_308 = arith.addf %add3A_284, %get3A_307 : vector<16xf32>
        %add3A_309 = arith.constant 2 : i32
        %add3A_310 = arith.addi %mul3A_235, %add3A_309 : i32
        %get3A_311 = arith.index_cast %add3A_310 : i32 to index
        %get3A_312 = arith.constant 48 : index
        %get3A_313 = tpu.vector_load %arg9[%get3A_311, %get3A_312] {strides = array<i32>} : memref<416x64xf32, #tpu.memory_space<vmem>>, vector<16xf32>,
        %add3A_314 = arith.addf %add3A_290, %get3A_313 : vector<16xf32>
        %add3A_315 = arith.constant 3 : i32
        %add3A_316 = arith.addi %mul3A_235, %add3A_315 : i32
        %get3A_317 = arith.index_cast %add3A_316 : i32 to index
        %get3A_318 = arith.constant 0 : index
        %get3A_319 = tpu.vector_load %arg9[%get3A_317, %get3A_318] {strides = array<i32>} : memref<416x64xf32, #tpu.memory_space<vmem>>, vector<16xf32>,
        %add3A_320 = arith.addf %add3A_296, %get3A_319 : vector<16xf32>
        %add3A_321 = arith.constant 3 : i32
        %add3A_322 = arith.addi %mul3A_235, %add3A_321 : i32
        %get3A_323 = arith.index_cast %add3A_322 : i32 to index
        %get3A_324 = arith.constant 16 : index
        %get3A_325 = tpu.vector_load %arg9[%get3A_323, %get3A_324] {strides = array<i32>} : memref<416x64xf32, #tpu.memory_space<vmem>>, vector<16xf32>,
        %add3A_326 = arith.addf %add3A_302, %get3A_325 : vector<16xf32>
        %add3A_327 = arith.constant 3 : i32
        %add3A_328 = arith.addi %mul3A_235, %add3A_327 : i32
        %get3A_329 = arith.index_cast %add3A_328 : i32 to index
        %get3A_330 = arith.constant 32 : index
        %get3A_331 = tpu.vector_load %arg9[%get3A_329, %get3A_330] {strides = array<i32>} : memref<416x64xf32, #tpu.memory_space<vmem>>, vector<16xf32>,
        %add3A_332 = arith.addf %add3A_308, %get3A_331 : vector<16xf32>
        %add3A_333 = arith.constant 3 : i32
        %add3A_334 = arith.addi %mul3A_235, %add3A_333 : i32
        %get3A_335 = arith.index_cast %add3A_334 : i32 to index
        %get3A_336 = arith.constant 48 : index
        %get3A_337 = tpu.vector_load %arg9[%get3A_335, %get3A_336] {strides = array<i32>} : memref<416x64xf32, #tpu.memory_space<vmem>>, vector<16xf32>,
        %add3A_338 = arith.addf %add3A_314, %get3A_337 : vector<16xf32>
        %add3A_339 = arith.constant 4 : i32
        %add3A_340 = arith.addi %mul3A_235, %add3A_339 : i32
        %get3A_341 = arith.index_cast %add3A_340 : i32 to index
        %get3A_342 = arith.constant 0 : index
        %get3A_343 = tpu.vector_load %arg9[%get3A_341, %get3A_342] {strides = array<i32>} : memref<416x64xf32, #tpu.memory_space<vmem>>, vector<16xf32>,
        %add3A_344 = arith.addf %add3A_320, %get3A_343 : vector<16xf32>
        %add3A_345 = arith.constant 4 : i32
        %add3A_346 = arith.addi %mul3A_235, %add3A_345 : i32
        %get3A_347 = arith.index_cast %add3A_346 : i32 to index
        %get3A_348 = arith.constant 16 : index
        %get3A_349 = tpu.vector_load %arg9[%get3A_347, %get3A_348] {strides = array<i32>} : memref<416x64xf32, #tpu.memory_space<vmem>>, vector<16xf32>,
        %add3A_350 = arith.addf %add3A_326, %get3A_349 : vector<16xf32>
        %add3A_351 = arith.constant 4 : i32
        %add3A_352 = arith.addi %mul3A_235, %add3A_351 : i32
        %get3A_353 = arith.index_cast %add3A_352 : i32 to index
        %get3A_354 = arith.constant 32 : index
        %get3A_355 = tpu.vector_load %arg9[%get3A_353, %get3A_354] {strides = array<i32>} : memref<416x64xf32, #tpu.memory_space<vmem>>, vector<16xf32>,
        %add3A_356 = arith.addf %add3A_332, %get3A_355 : vector<16xf32>
        %add3A_357 = arith.constant 4 : i32
        %add3A_358 = arith.addi %mul3A_235, %add3A_357 : i32
        %get3A_359 = arith.index_cast %add3A_358 : i32 to index
        %get3A_360 = arith.constant 48 : index
        %get3A_361 = tpu.vector_load %arg9[%get3A_359, %get3A_360] {strides = array<i32>} : memref<416x64xf32, #tpu.memory_space<vmem>>, vector<16xf32>,
        %add3A_362 = arith.addf %add3A_338, %get3A_361 : vector<16xf32>
        %add3A_363 = arith.constant 5 : i32
        %add3A_364 = arith.addi %mul3A_235, %add3A_363 : i32
        %get3A_365 = arith.index_cast %add3A_364 : i32 to index
        %get3A_366 = arith.constant 0 : index
        %get3A_367 = tpu.vector_load %arg9[%get3A_365, %get3A_366] {strides = array<i32>} : memref<416x64xf32, #tpu.memory_space<vmem>>, vector<16xf32>,
        %add3A_368 = arith.addf %add3A_344, %get3A_367 : vector<16xf32>
        %add3A_369 = arith.constant 5 : i32
        %add3A_370 = arith.addi %mul3A_235, %add3A_369 : i32
        %get3A_371 = arith.index_cast %add3A_370 : i32 to index
        %get3A_372 = arith.constant 16 : index
        %get3A_373 = tpu.vector_load %arg9[%get3A_371, %get3A_372] {strides = array<i32>} : memref<416x64xf32, #tpu.memory_space<vmem>>, vector<16xf32>,
        %add3A_374 = arith.addf %add3A_350, %get3A_373 : vector<16xf32>
        %add3A_375 = arith.constant 5 : i32
        %add3A_376 = arith.addi %mul3A_235, %add3A_375 : i32
        %get3A_377 = arith.index_cast %add3A_376 : i32 to index
        %get3A_378 = arith.constant 32 : index
        %get3A_379 = tpu.vector_load %arg9[%get3A_377, %get3A_378] {strides = array<i32>} : memref<416x64xf32, #tpu.memory_space<vmem>>, vector<16xf32>,
        %add3A_380 = arith.addf %add3A_356, %get3A_379 : vector<16xf32>
        %add3A_381 = arith.constant 5 : i32
        %add3A_382 = arith.addi %mul3A_235, %add3A_381 : i32
        %get3A_383 = arith.index_cast %add3A_382 : i32 to index
        %get3A_384 = arith.constant 48 : index
        %get3A_385 = tpu.vector_load %arg9[%get3A_383, %get3A_384] {strides = array<i32>} : memref<416x64xf32, #tpu.memory_space<vmem>>, vector<16xf32>,
        %add3A_386 = arith.addf %add3A_362, %get3A_385 : vector<16xf32>
        %add3A_387 = arith.constant 6 : i32
        %add3A_388 = arith.addi %mul3A_235, %add3A_387 : i32
        %get3A_389 = arith.index_cast %add3A_388 : i32 to index
        %get3A_390 = arith.constant 0 : index
        %get3A_391 = tpu.vector_load %arg9[%get3A_389, %get3A_390] {strides = array<i32>} : memref<416x64xf32, #tpu.memory_space<vmem>>, vector<16xf32>,
        %add3A_392 = arith.addf %add3A_368, %get3A_391 : vector<16xf32>
        %add3A_393 = arith.constant 6 : i32
        %add3A_394 = arith.addi %mul3A_235, %add3A_393 : i32
        %get3A_395 = arith.index_cast %add3A_394 : i32 to index
        %get3A_396 = arith.constant 16 : index
        %get3A_397 = tpu.vector_load %arg9[%get3A_395, %get3A_396] {strides = array<i32>} : memref<416x64xf32, #tpu.memory_space<vmem>>, vector<16xf32>,
        %add3A_398 = arith.addf %add3A_374, %get3A_397 : vector<16xf32>
        %add3A_399 = arith.constant 6 : i32
        %add3A_400 = arith.addi %mul3A_235, %add3A_399 : i32
        %get3A_401 = arith.index_cast %add3A_400 : i32 to index
        %get3A_402 = arith.constant 32 : index
        %get3A_403 = tpu.vector_load %arg9[%get3A_401, %get3A_402] {strides = array<i32>} : memref<416x64xf32, #tpu.memory_space<vmem>>, vector<16xf32>,
        %add3A_404 = arith.addf %add3A_380, %get3A_403 : vector<16xf32>
        %add3A_405 = arith.constant 6 : i32
        %add3A_406 = arith.addi %mul3A_235, %add3A_405 : i32
        %get3A_407 = arith.index_cast %add3A_406 : i32 to index
        %get3A_408 = arith.constant 48 : index
        %get3A_409 = tpu.vector_load %arg9[%get3A_407, %get3A_408] {strides = array<i32>} : memref<416x64xf32, #tpu.memory_space<vmem>>, vector<16xf32>,
        %add3A_410 = arith.addf %add3A_386, %get3A_409 : vector<16xf32>
        %add3A_411 = arith.constant 7 : i32
        %add3A_412 = arith.addi %mul3A_235, %add3A_411 : i32
        %get3A_413 = arith.index_cast %add3A_412 : i32 to index
        %get3A_414 = arith.constant 0 : index
        %get3A_415 = tpu.vector_load %arg9[%get3A_413, %get3A_414] {strides = array<i32>} : memref<416x64xf32, #tpu.memory_space<vmem>>, vector<16xf32>,
        %add3A_416 = arith.addf %add3A_392, %get3A_415 : vector<16xf32>
        %add3A_417 = arith.constant 7 : i32
        %add3A_418 = arith.addi %mul3A_235, %add3A_417 : i32
        %get3A_419 = arith.index_cast %add3A_418 : i32 to index
        %get3A_420 = arith.constant 16 : index
        %get3A_421 = tpu.vector_load %arg9[%get3A_419, %get3A_420] {strides = array<i32>} : memref<416x64xf32, #tpu.memory_space<vmem>>, vector<16xf32>,
        %add3A_422 = arith.addf %add3A_398, %get3A_421 : vector<16xf32>
        %add3A_423 = arith.constant 7 : i32
        %add3A_424 = arith.addi %mul3A_235, %add3A_423 : i32
        %get3A_425 = arith.index_cast %add3A_424 : i32 to index
        %get3A_426 = arith.constant 32 : index
        %get3A_427 = tpu.vector_load %arg9[%get3A_425, %get3A_426] {strides = array<i32>} : memref<416x64xf32, #tpu.memory_space<vmem>>, vector<16xf32>,
        %add3A_428 = arith.addf %add3A_404, %get3A_427 : vector<16xf32>
        %add3A_429 = arith.constant 7 : i32
        %add3A_430 = arith.addi %mul3A_235, %add3A_429 : i32
        %get3A_431 = arith.index_cast %add3A_430 : i32 to index
        %get3A_432 = arith.constant 48 : index
        %get3A_433 = tpu.vector_load %arg9[%get3A_431, %get3A_432] {strides = array<i32>} : memref<416x64xf32, #tpu.memory_space<vmem>>, vector<16xf32>,
        %add3A_434 = arith.addf %add3A_410, %get3A_433 : vector<16xf32>
        %add3A_435 = arith.constant 8 : i32
        %add3A_436 = arith.addi %mul3A_235, %add3A_435 : i32
        %get3A_437 = arith.index_cast %add3A_436 : i32 to index
        %get3A_438 = arith.constant 0 : index
        %get3A_439 = tpu.vector_load %arg9[%get3A_437, %get3A_438] {strides = array<i32>} : memref<416x64xf32, #tpu.memory_space<vmem>>, vector<16xf32>,
        %add3A_440 = arith.addf %add3A_416, %get3A_439 : vector<16xf32>
        %add3A_441 = arith.constant 8 : i32
        %add3A_442 = arith.addi %mul3A_235, %add3A_441 : i32
        %get3A_443 = arith.index_cast %add3A_442 : i32 to index
        %get3A_444 = arith.constant 16 : index
        %get3A_445 = tpu.vector_load %arg9[%get3A_443, %get3A_444] {strides = array<i32>} : memref<416x64xf32, #tpu.memory_space<vmem>>, vector<16xf32>,
        %add3A_446 = arith.addf %add3A_422, %get3A_445 : vector<16xf32>
        %add3A_447 = arith.constant 8 : i32
        %add3A_448 = arith.addi %mul3A_235, %add3A_447 : i32
        %get3A_449 = arith.index_cast %add3A_448 : i32 to index
        %get3A_450 = arith.constant 32 : index
        %get3A_451 = tpu.vector_load %arg9[%get3A_449, %get3A_450] {strides = array<i32>} : memref<416x64xf32, #tpu.memory_space<vmem>>, vector<16xf32>,
        %add3A_452 = arith.addf %add3A_428, %get3A_451 : vector<16xf32>
        %add3A_453 = arith.constant 8 : i32
        %add3A_454 = arith.addi %mul3A_235, %add3A_453 : i32
        %get3A_455 = arith.index_cast %add3A_454 : i32 to index
        %get3A_456 = arith.constant 48 : index
        %get3A_457 = tpu.vector_load %arg9[%get3A_455, %get3A_456] {strides = array<i32>} : memref<416x64xf32, #tpu.memory_space<vmem>>, vector<16xf32>,
        %add3A_458 = arith.addf %add3A_434, %get3A_457 : vector<16xf32>
        %add3A_459 = arith.constant 9 : i32
        %add3A_460 = arith.addi %mul3A_235, %add3A_459 : i32
        %get3A_461 = arith.index_cast %add3A_460 : i32 to index
        %get3A_462 = arith.constant 0 : index
        %get3A_463 = tpu.vector_load %arg9[%get3A_461, %get3A_462] {strides = array<i32>} : memref<416x64xf32, #tpu.memory_space<vmem>>, vector<16xf32>,
        %add3A_464 = arith.addf %add3A_440, %get3A_463 : vector<16xf32>
        %add3A_465 = arith.constant 9 : i32
        %add3A_466 = arith.addi %mul3A_235, %add3A_465 : i32
        %get3A_467 = arith.index_cast %add3A_466 : i32 to index
        %get3A_468 = arith.constant 16 : index
        %get3A_469 = tpu.vector_load %arg9[%get3A_467, %get3A_468] {strides = array<i32>} : memref<416x64xf32, #tpu.memory_space<vmem>>, vector<16xf32>,
        %add3A_470 = arith.addf %add3A_446, %get3A_469 : vector<16xf32>
        %add3A_471 = arith.constant 9 : i32
        %add3A_472 = arith.addi %mul3A_235, %add3A_471 : i32
        %get3A_473 = arith.index_cast %add3A_472 : i32 to index
        %get3A_474 = arith.constant 32 : index
        %get3A_475 = tpu.vector_load %arg9[%get3A_473, %get3A_474] {strides = array<i32>} : memref<416x64xf32, #tpu.memory_space<vmem>>, vector<16xf32>,
        %add3A_476 = arith.addf %add3A_452, %get3A_475 : vector<16xf32>
        %add3A_477 = arith.constant 9 : i32
        %add3A_478 = arith.addi %mul3A_235, %add3A_477 : i32
        %get3A_479 = arith.index_cast %add3A_478 : i32 to index
        %get3A_480 = arith.constant 48 : index
        %get3A_481 = tpu.vector_load %arg9[%get3A_479, %get3A_480] {strides = array<i32>} : memref<416x64xf32, #tpu.memory_space<vmem>>, vector<16xf32>,
        %add3A_482 = arith.addf %add3A_458, %get3A_481 : vector<16xf32>
        %add3A_483 = arith.constant 10 : i32
        %add3A_484 = arith.addi %mul3A_235, %add3A_483 : i32
        %get3A_485 = arith.index_cast %add3A_484 : i32 to index
        %get3A_486 = arith.constant 0 : index
        %get3A_487 = tpu.vector_load %arg9[%get3A_485, %get3A_486] {strides = array<i32>} : memref<416x64xf32, #tpu.memory_space<vmem>>, vector<16xf32>,
        %add3A_488 = arith.addf %add3A_464, %get3A_487 : vector<16xf32>
        %add3A_489 = arith.constant 10 : i32
        %add3A_490 = arith.addi %mul3A_235, %add3A_489 : i32
        %get3A_491 = arith.index_cast %add3A_490 : i32 to index
        %get3A_492 = arith.constant 16 : index
        %get3A_493 = tpu.vector_load %arg9[%get3A_491, %get3A_492] {strides = array<i32>} : memref<416x64xf32, #tpu.memory_space<vmem>>, vector<16xf32>,
        %add3A_494 = arith.addf %add3A_470, %get3A_493 : vector<16xf32>
        %add3A_495 = arith.constant 10 : i32
        %add3A_496 = arith.addi %mul3A_235, %add3A_495 : i32
        %get3A_497 = arith.index_cast %add3A_496 : i32 to index
        %get3A_498 = arith.constant 32 : index
        %get3A_499 = tpu.vector_load %arg9[%get3A_497, %get3A_498] {strides = array<i32>} : memref<416x64xf32, #tpu.memory_space<vmem>>, vector<16xf32>,
        %add3A_500 = arith.addf %add3A_476, %get3A_499 : vector<16xf32>
        %add3A_501 = arith.constant 10 : i32
        %add3A_502 = arith.addi %mul3A_235, %add3A_501 : i32
        %get3A_503 = arith.index_cast %add3A_502 : i32 to index
        %get3A_504 = arith.constant 48 : index
        %get3A_505 = tpu.vector_load %arg9[%get3A_503, %get3A_504] {strides = array<i32>} : memref<416x64xf32, #tpu.memory_space<vmem>>, vector<16xf32>,
        %add3A_506 = arith.addf %add3A_482, %get3A_505 : vector<16xf32>
        %add3A_507 = arith.constant 11 : i32
        %add3A_508 = arith.addi %mul3A_235, %add3A_507 : i32
        %get3A_509 = arith.index_cast %add3A_508 : i32 to index
        %get3A_510 = arith.constant 0 : index
        %get3A_511 = tpu.vector_load %arg9[%get3A_509, %get3A_510] {strides = array<i32>} : memref<416x64xf32, #tpu.memory_space<vmem>>, vector<16xf32>,
        %add3A_512 = arith.addf %add3A_488, %get3A_511 : vector<16xf32>
        %add3A_513 = arith.constant 11 : i32
        %add3A_514 = arith.addi %mul3A_235, %add3A_513 : i32
        %get3A_515 = arith.index_cast %add3A_514 : i32 to index
        %get3A_516 = arith.constant 16 : index
        %get3A_517 = tpu.vector_load %arg9[%get3A_515, %get3A_516] {strides = array<i32>} : memref<416x64xf32, #tpu.memory_space<vmem>>, vector<16xf32>,
        %add3A_518 = arith.addf %add3A_494, %get3A_517 : vector<16xf32>
        %add3A_519 = arith.constant 11 : i32
        %add3A_520 = arith.addi %mul3A_235, %add3A_519 : i32
        %get3A_521 = arith.index_cast %add3A_520 : i32 to index
        %get3A_522 = arith.constant 32 : index
        %get3A_523 = tpu.vector_load %arg9[%get3A_521, %get3A_522] {strides = array<i32>} : memref<416x64xf32, #tpu.memory_space<vmem>>, vector<16xf32>,
        %add3A_524 = arith.addf %add3A_500, %get3A_523 : vector<16xf32>
        %add3A_525 = arith.constant 11 : i32
        %add3A_526 = arith.addi %mul3A_235, %add3A_525 : i32
        %get3A_527 = arith.index_cast %add3A_526 : i32 to index
        %get3A_528 = arith.constant 48 : index
        %get3A_529 = tpu.vector_load %arg9[%get3A_527, %get3A_528] {strides = array<i32>} : memref<416x64xf32, #tpu.memory_space<vmem>>, vector<16xf32>,
        %add3A_530 = arith.addf %add3A_506, %get3A_529 : vector<16xf32>
        %add3A_531 = arith.constant 12 : i32
        %add3A_532 = arith.addi %mul3A_235, %add3A_531 : i32
        %get3A_533 = arith.index_cast %add3A_532 : i32 to index
        %get3A_534 = arith.constant 0 : index
        %get3A_535 = tpu.vector_load %arg9[%get3A_533, %get3A_534] {strides = array<i32>} : memref<416x64xf32, #tpu.memory_space<vmem>>, vector<16xf32>,
        %add3A_536 = arith.addf %add3A_512, %get3A_535 : vector<16xf32>
        %add3A_537 = arith.constant 12 : i32
        %add3A_538 = arith.addi %mul3A_235, %add3A_537 : i32
        %get3A_539 = arith.index_cast %add3A_538 : i32 to index
        %get3A_540 = arith.constant 16 : index
        %get3A_541 = tpu.vector_load %arg9[%get3A_539, %get3A_540] {strides = array<i32>} : memref<416x64xf32, #tpu.memory_space<vmem>>, vector<16xf32>,
        %add3A_542 = arith.addf %add3A_518, %get3A_541 : vector<16xf32>
        %add3A_543 = arith.constant 12 : i32
        %add3A_544 = arith.addi %mul3A_235, %add3A_543 : i32
        %get3A_545 = arith.index_cast %add3A_544 : i32 to index
        %get3A_546 = arith.constant 32 : index
        %get3A_547 = tpu.vector_load %arg9[%get3A_545, %get3A_546] {strides = array<i32>} : memref<416x64xf32, #tpu.memory_space<vmem>>, vector<16xf32>,
        %add3A_548 = arith.addf %add3A_524, %get3A_547 : vector<16xf32>
        %add3A_549 = arith.constant 12 : i32
        %add3A_550 = arith.addi %mul3A_235, %add3A_549 : i32
        %get3A_551 = arith.index_cast %add3A_550 : i32 to index
        %get3A_552 = arith.constant 48 : index
        %get3A_553 = tpu.vector_load %arg9[%get3A_551, %get3A_552] {strides = array<i32>} : memref<416x64xf32, #tpu.memory_space<vmem>>, vector<16xf32>,
        %add3A_554 = arith.addf %add3A_530, %get3A_553 : vector<16xf32>
        %add3A_555 = arith.constant 13 : i32
        %add3A_556 = arith.addi %mul3A_235, %add3A_555 : i32
        %get3A_557 = arith.index_cast %add3A_556 : i32 to index
        %get3A_558 = arith.constant 0 : index
        %get3A_559 = tpu.vector_load %arg9[%get3A_557, %get3A_558] {strides = array<i32>} : memref<416x64xf32, #tpu.memory_space<vmem>>, vector<16xf32>,
        %add3A_560 = arith.addf %add3A_536, %get3A_559 : vector<16xf32>
        %add3A_561 = arith.constant 13 : i32
        %add3A_562 = arith.addi %mul3A_235, %add3A_561 : i32
        %get3A_563 = arith.index_cast %add3A_562 : i32 to index
        %get3A_564 = arith.constant 16 : index
        %get3A_565 = tpu.vector_load %arg9[%get3A_563, %get3A_564] {strides = array<i32>} : memref<416x64xf32, #tpu.memory_space<vmem>>, vector<16xf32>,
        %add3A_566 = arith.addf %add3A_542, %get3A_565 : vector<16xf32>
        %add3A_567 = arith.constant 13 : i32
        %add3A_568 = arith.addi %mul3A_235, %add3A_567 : i32
        %get3A_569 = arith.index_cast %add3A_568 : i32 to index
        %get3A_570 = arith.constant 32 : index
        %get3A_571 = tpu.vector_load %arg9[%get3A_569, %get3A_570] {strides = array<i32>} : memref<416x64xf32, #tpu.memory_space<vmem>>, vector<16xf32>,
        %add3A_572 = arith.addf %add3A_548, %get3A_571 : vector<16xf32>
        %add3A_573 = arith.constant 13 : i32
        %add3A_574 = arith.addi %mul3A_235, %add3A_573 : i32
        %get3A_575 = arith.index_cast %add3A_574 : i32 to index
        %get3A_576 = arith.constant 48 : index
        %get3A_577 = tpu.vector_load %arg9[%get3A_575, %get3A_576] {strides = array<i32>} : memref<416x64xf32, #tpu.memory_space<vmem>>, vector<16xf32>,
        %add3A_578 = arith.addf %add3A_554, %get3A_577 : vector<16xf32>
        %add3A_579 = arith.constant 14 : i32
        %add3A_580 = arith.addi %mul3A_235, %add3A_579 : i32
        %get3A_581 = arith.index_cast %add3A_580 : i32 to index
        %get3A_582 = arith.constant 0 : index
        %get3A_583 = tpu.vector_load %arg9[%get3A_581, %get3A_582] {strides = array<i32>} : memref<416x64xf32, #tpu.memory_space<vmem>>, vector<16xf32>,
        %add3A_584 = arith.addf %add3A_560, %get3A_583 : vector<16xf32>
        %add3A_585 = arith.constant 14 : i32
        %add3A_586 = arith.addi %mul3A_235, %add3A_585 : i32
        %get3A_587 = arith.index_cast %add3A_586 : i32 to index
        %get3A_588 = arith.constant 16 : index
        %get3A_589 = tpu.vector_load %arg9[%get3A_587, %get3A_588] {strides = array<i32>} : memref<416x64xf32, #tpu.memory_space<vmem>>, vector<16xf32>,
        %add3A_590 = arith.addf %add3A_566, %get3A_589 : vector<16xf32>
        %add3A_591 = arith.constant 14 : i32
        %add3A_592 = arith.addi %mul3A_235, %add3A_591 : i32
        %get3A_593 = arith.index_cast %add3A_592 : i32 to index
        %get3A_594 = arith.constant 32 : index
        %get3A_595 = tpu.vector_load %arg9[%get3A_593, %get3A_594] {strides = array<i32>} : memref<416x64xf32, #tpu.memory_space<vmem>>, vector<16xf32>,
        %add3A_596 = arith.addf %add3A_572, %get3A_595 : vector<16xf32>
        %add3A_597 = arith.constant 14 : i32
        %add3A_598 = arith.addi %mul3A_235, %add3A_597 : i32
        %get3A_599 = arith.index_cast %add3A_598 : i32 to index
        %get3A_600 = arith.constant 48 : index
        %get3A_601 = tpu.vector_load %arg9[%get3A_599, %get3A_600] {strides = array<i32>} : memref<416x64xf32, #tpu.memory_space<vmem>>, vector<16xf32>,
        %add3A_602 = arith.addf %add3A_578, %get3A_601 : vector<16xf32>
        %add3A_603 = arith.constant 15 : i32
        %add3A_604 = arith.addi %mul3A_235, %add3A_603 : i32
        %get3A_605 = arith.index_cast %add3A_604 : i32 to index
        %get3A_606 = arith.constant 0 : index
        %get3A_607 = tpu.vector_load %arg9[%get3A_605, %get3A_606] {strides = array<i32>} : memref<416x64xf32, #tpu.memory_space<vmem>>, vector<16xf32>,
        %add3A_608 = arith.addf %add3A_584, %get3A_607 : vector<16xf32>
        %add3A_609 = arith.constant 15 : i32
        %add3A_610 = arith.addi %mul3A_235, %add3A_609 : i32
        %get3A_611 = arith.index_cast %add3A_610 : i32 to index
        %get3A_612 = arith.constant 16 : index
        %get3A_613 = tpu.vector_load %arg9[%get3A_611, %get3A_612] {strides = array<i32>} : memref<416x64xf32, #tpu.memory_space<vmem>>, vector<16xf32>,
        %add3A_614 = arith.addf %add3A_590, %get3A_613 : vector<16xf32>
        %add3A_615 = arith.constant 15 : i32
        %add3A_616 = arith.addi %mul3A_235, %add3A_615 : i32
        %get3A_617 = arith.index_cast %add3A_616 : i32 to index
        %get3A_618 = arith.constant 32 : index
        %get3A_619 = tpu.vector_load %arg9[%get3A_617, %get3A_618] {strides = array<i32>} : memref<416x64xf32, #tpu.memory_space<vmem>>, vector<16xf32>,
        %add3A_620 = arith.addf %add3A_596, %get3A_619 : vector<16xf32>
        %add3A_621 = arith.constant 15 : i32
        %add3A_622 = arith.addi %mul3A_235, %add3A_621 : i32
        %get3A_623 = arith.index_cast %add3A_622 : i32 to index
        %get3A_624 = arith.constant 48 : index
        %get3A_625 = tpu.vector_load %arg9[%get3A_623, %get3A_624] {strides = array<i32>} : memref<416x64xf32, #tpu.memory_space<vmem>>, vector<16xf32>,
        %add3A_626 = arith.addf %add3A_602, %get3A_625 : vector<16xf32>
        %add3A_627 = arith.constant 16 : i32
        %add3A_628 = arith.addi %mul3A_235, %add3A_627 : i32
        %get3A_629 = arith.index_cast %add3A_628 : i32 to index
        %get3A_630 = arith.constant 0 : index
        %get3A_631 = tpu.vector_load %arg9[%get3A_629, %get3A_630] {strides = array<i32>} : memref<416x64xf32, #tpu.memory_space<vmem>>, vector<16xf32>,
        %add3A_632 = arith.addf %add3A_608, %get3A_631 : vector<16xf32>
        %add3A_633 = arith.constant 16 : i32
        %add3A_634 = arith.addi %mul3A_235, %add3A_633 : i32
        %get3A_635 = arith.index_cast %add3A_634 : i32 to index
        %get3A_636 = arith.constant 16 : index
        %get3A_637 = tpu.vector_load %arg9[%get3A_635, %get3A_636] {strides = array<i32>} : memref<416x64xf32, #tpu.memory_space<vmem>>, vector<16xf32>,
        %add3A_638 = arith.addf %add3A_614, %get3A_637 : vector<16xf32>
        %add3A_639 = arith.constant 16 : i32
        %add3A_640 = arith.addi %mul3A_235, %add3A_639 : i32
        %get3A_641 = arith.index_cast %add3A_640 : i32 to index
        %get3A_642 = arith.constant 32 : index
        %get3A_643 = tpu.vector_load %arg9[%get3A_641, %get3A_642] {strides = array<i32>} : memref<416x64xf32, #tpu.memory_space<vmem>>, vector<16xf32>,
        %add3A_644 = arith.addf %add3A_620, %get3A_643 : vector<16xf32>
        %add3A_645 = arith.constant 16 : i32
        %add3A_646 = arith.addi %mul3A_235, %add3A_645 : i32
        %get3A_647 = arith.index_cast %add3A_646 : i32 to index
        %get3A_648 = arith.constant 48 : index
        %get3A_649 = tpu.vector_load %arg9[%get3A_647, %get3A_648] {strides = array<i32>} : memref<416x64xf32, #tpu.memory_space<vmem>>, vector<16xf32>,
        %add3A_650 = arith.addf %add3A_626, %get3A_649 : vector<16xf32>
        %add3A_651 = arith.constant 17 : i32
        %add3A_652 = arith.addi %mul3A_235, %add3A_651 : i32
        %get3A_653 = arith.index_cast %add3A_652 : i32 to index
        %get3A_654 = arith.constant 0 : index
        %get3A_655 = tpu.vector_load %arg9[%get3A_653, %get3A_654] {strides = array<i32>} : memref<416x64xf32, #tpu.memory_space<vmem>>, vector<16xf32>,
        %add3A_656 = arith.addf %add3A_632, %get3A_655 : vector<16xf32>
        %add3A_657 = arith.constant 17 : i32
        %add3A_658 = arith.addi %mul3A_235, %add3A_657 : i32
        %get3A_659 = arith.index_cast %add3A_658 : i32 to index
        %get3A_660 = arith.constant 16 : index
        %get3A_661 = tpu.vector_load %arg9[%get3A_659, %get3A_660] {strides = array<i32>} : memref<416x64xf32, #tpu.memory_space<vmem>>, vector<16xf32>,
        %add3A_662 = arith.addf %add3A_638, %get3A_661 : vector<16xf32>
        %add3A_663 = arith.constant 17 : i32
        %add3A_664 = arith.addi %mul3A_235, %add3A_663 : i32
        %get3A_665 = arith.index_cast %add3A_664 : i32 to index
        %get3A_666 = arith.constant 32 : index
        %get3A_667 = tpu.vector_load %arg9[%get3A_665, %get3A_666] {strides = array<i32>} : memref<416x64xf32, #tpu.memory_space<vmem>>, vector<16xf32>,
        %add3A_668 = arith.addf %add3A_644, %get3A_667 : vector<16xf32>
        %add3A_669 = arith.constant 17 : i32
        %add3A_670 = arith.addi %mul3A_235, %add3A_669 : i32
        %get3A_671 = arith.index_cast %add3A_670 : i32 to index
        %get3A_672 = arith.constant 48 : index
        %get3A_673 = tpu.vector_load %arg9[%get3A_671, %get3A_672] {strides = array<i32>} : memref<416x64xf32, #tpu.memory_space<vmem>>, vector<16xf32>,
        %add3A_674 = arith.addf %add3A_650, %get3A_673 : vector<16xf32>
        %add3A_675 = arith.constant 18 : i32
        %add3A_676 = arith.addi %mul3A_235, %add3A_675 : i32
        %get3A_677 = arith.index_cast %add3A_676 : i32 to index
        %get3A_678 = arith.constant 0 : index
        %get3A_679 = tpu.vector_load %arg9[%get3A_677, %get3A_678] {strides = array<i32>} : memref<416x64xf32, #tpu.memory_space<vmem>>, vector<16xf32>,
        %add3A_680 = arith.addf %add3A_656, %get3A_679 : vector<16xf32>
        %add3A_681 = arith.constant 18 : i32
        %add3A_682 = arith.addi %mul3A_235, %add3A_681 : i32
        %get3A_683 = arith.index_cast %add3A_682 : i32 to index
        %get3A_684 = arith.constant 16 : index
        %get3A_685 = tpu.vector_load %arg9[%get3A_683, %get3A_684] {strides = array<i32>} : memref<416x64xf32, #tpu.memory_space<vmem>>, vector<16xf32>,
        %add3A_686 = arith.addf %add3A_662, %get3A_685 : vector<16xf32>
        %add3A_687 = arith.constant 18 : i32
        %add3A_688 = arith.addi %mul3A_235, %add3A_687 : i32
        %get3A_689 = arith.index_cast %add3A_688 : i32 to index
        %get3A_690 = arith.constant 32 : index
        %get3A_691 = tpu.vector_load %arg9[%get3A_689, %get3A_690] {strides = array<i32>} : memref<416x64xf32, #tpu.memory_space<vmem>>, vector<16xf32>,
        %add3A_692 = arith.addf %add3A_668, %get3A_691 : vector<16xf32>
        %add3A_693 = arith.constant 18 : i32
        %add3A_694 = arith.addi %mul3A_235, %add3A_693 : i32
        %get3A_695 = arith.index_cast %add3A_694 : i32 to index
        %get3A_696 = arith.constant 48 : index
        %get3A_697 = tpu.vector_load %arg9[%get3A_695, %get3A_696] {strides = array<i32>} : memref<416x64xf32, #tpu.memory_space<vmem>>, vector<16xf32>,
        %add3A_698 = arith.addf %add3A_674, %get3A_697 : vector<16xf32>
        %add3A_699 = arith.constant 19 : i32
        %add3A_700 = arith.addi %mul3A_235, %add3A_699 : i32
        %get3A_701 = arith.index_cast %add3A_700 : i32 to index
        %get3A_702 = arith.constant 0 : index
        %get3A_703 = tpu.vector_load %arg9[%get3A_701, %get3A_702] {strides = array<i32>} : memref<416x64xf32, #tpu.memory_space<vmem>>, vector<16xf32>,
        %add3A_704 = arith.addf %add3A_680, %get3A_703 : vector<16xf32>
        %add3A_705 = arith.constant 19 : i32
        %add3A_706 = arith.addi %mul3A_235, %add3A_705 : i32
        %get3A_707 = arith.index_cast %add3A_706 : i32 to index
        %get3A_708 = arith.constant 16 : index
        %get3A_709 = tpu.vector_load %arg9[%get3A_707, %get3A_708] {strides = array<i32>} : memref<416x64xf32, #tpu.memory_space<vmem>>, vector<16xf32>,
        %add3A_710 = arith.addf %add3A_686, %get3A_709 : vector<16xf32>
        %add3A_711 = arith.constant 19 : i32
        %add3A_712 = arith.addi %mul3A_235, %add3A_711 : i32
        %get3A_713 = arith.index_cast %add3A_712 : i32 to index
        %get3A_714 = arith.constant 32 : index
        %get3A_715 = tpu.vector_load %arg9[%get3A_713, %get3A_714] {strides = array<i32>} : memref<416x64xf32, #tpu.memory_space<vmem>>, vector<16xf32>,
        %add3A_716 = arith.addf %add3A_692, %get3A_715 : vector<16xf32>
        %add3A_717 = arith.constant 19 : i32
        %add3A_718 = arith.addi %mul3A_235, %add3A_717 : i32
        %get3A_719 = arith.index_cast %add3A_718 : i32 to index
        %get3A_720 = arith.constant 48 : index
        %get3A_721 = tpu.vector_load %arg9[%get3A_719, %get3A_720] {strides = array<i32>} : memref<416x64xf32, #tpu.memory_space<vmem>>, vector<16xf32>,
        %add3A_722 = arith.addf %add3A_698, %get3A_721 : vector<16xf32>
        %add3A_723 = arith.constant 20 : i32
        %add3A_724 = arith.addi %mul3A_235, %add3A_723 : i32
        %get3A_725 = arith.index_cast %add3A_724 : i32 to index
        %get3A_726 = arith.constant 0 : index
        %get3A_727 = tpu.vector_load %arg9[%get3A_725, %get3A_726] {strides = array<i32>} : memref<416x64xf32, #tpu.memory_space<vmem>>, vector<16xf32>,
        %add3A_728 = arith.addf %add3A_704, %get3A_727 : vector<16xf32>
        %add3A_729 = arith.constant 20 : i32
        %add3A_730 = arith.addi %mul3A_235, %add3A_729 : i32
        %get3A_731 = arith.index_cast %add3A_730 : i32 to index
        %get3A_732 = arith.constant 16 : index
        %get3A_733 = tpu.vector_load %arg9[%get3A_731, %get3A_732] {strides = array<i32>} : memref<416x64xf32, #tpu.memory_space<vmem>>, vector<16xf32>,
        %add3A_734 = arith.addf %add3A_710, %get3A_733 : vector<16xf32>
        %add3A_735 = arith.constant 20 : i32
        %add3A_736 = arith.addi %mul3A_235, %add3A_735 : i32
        %get3A_737 = arith.index_cast %add3A_736 : i32 to index
        %get3A_738 = arith.constant 32 : index
        %get3A_739 = tpu.vector_load %arg9[%get3A_737, %get3A_738] {strides = array<i32>} : memref<416x64xf32, #tpu.memory_space<vmem>>, vector<16xf32>,
        %add3A_740 = arith.addf %add3A_716, %get3A_739 : vector<16xf32>
        %add3A_741 = arith.constant 20 : i32
        %add3A_742 = arith.addi %mul3A_235, %add3A_741 : i32
        %get3A_743 = arith.index_cast %add3A_742 : i32 to index
        %get3A_744 = arith.constant 48 : index
        %get3A_745 = tpu.vector_load %arg9[%get3A_743, %get3A_744] {strides = array<i32>} : memref<416x64xf32, #tpu.memory_space<vmem>>, vector<16xf32>,
        %add3A_746 = arith.addf %add3A_722, %get3A_745 : vector<16xf32>
        %add3A_747 = arith.constant 21 : i32
        %add3A_748 = arith.addi %mul3A_235, %add3A_747 : i32
        %get3A_749 = arith.index_cast %add3A_748 : i32 to index
        %get3A_750 = arith.constant 0 : index
        %get3A_751 = tpu.vector_load %arg9[%get3A_749, %get3A_750] {strides = array<i32>} : memref<416x64xf32, #tpu.memory_space<vmem>>, vector<16xf32>,
        %add3A_752 = arith.addf %add3A_728, %get3A_751 : vector<16xf32>
        %add3A_753 = arith.constant 21 : i32
        %add3A_754 = arith.addi %mul3A_235, %add3A_753 : i32
        %get3A_755 = arith.index_cast %add3A_754 : i32 to index
        %get3A_756 = arith.constant 16 : index
        %get3A_757 = tpu.vector_load %arg9[%get3A_755, %get3A_756] {strides = array<i32>} : memref<416x64xf32, #tpu.memory_space<vmem>>, vector<16xf32>,
        %add3A_758 = arith.addf %add3A_734, %get3A_757 : vector<16xf32>
        %add3A_759 = arith.constant 21 : i32
        %add3A_760 = arith.addi %mul3A_235, %add3A_759 : i32
        %get3A_761 = arith.index_cast %add3A_760 : i32 to index
        %get3A_762 = arith.constant 32 : index
        %get3A_763 = tpu.vector_load %arg9[%get3A_761, %get3A_762] {strides = array<i32>} : memref<416x64xf32, #tpu.memory_space<vmem>>, vector<16xf32>,
        %add3A_764 = arith.addf %add3A_740, %get3A_763 : vector<16xf32>
        %add3A_765 = arith.constant 21 : i32
        %add3A_766 = arith.addi %mul3A_235, %add3A_765 : i32
        %get3A_767 = arith.index_cast %add3A_766 : i32 to index
        %get3A_768 = arith.constant 48 : index
        %get3A_769 = tpu.vector_load %arg9[%get3A_767, %get3A_768] {strides = array<i32>} : memref<416x64xf32, #tpu.memory_space<vmem>>, vector<16xf32>,
        %add3A_770 = arith.addf %add3A_746, %get3A_769 : vector<16xf32>
        %add3A_771 = arith.constant 22 : i32
        %add3A_772 = arith.addi %mul3A_235, %add3A_771 : i32
        %get3A_773 = arith.index_cast %add3A_772 : i32 to index
        %get3A_774 = arith.constant 0 : index
        %get3A_775 = tpu.vector_load %arg9[%get3A_773, %get3A_774] {strides = array<i32>} : memref<416x64xf32, #tpu.memory_space<vmem>>, vector<16xf32>,
        %add3A_776 = arith.addf %add3A_752, %get3A_775 : vector<16xf32>
        %add3A_777 = arith.constant 22 : i32
        %add3A_778 = arith.addi %mul3A_235, %add3A_777 : i32
        %get3A_779 = arith.index_cast %add3A_778 : i32 to index
        %get3A_780 = arith.constant 16 : index
        %get3A_781 = tpu.vector_load %arg9[%get3A_779, %get3A_780] {strides = array<i32>} : memref<416x64xf32, #tpu.memory_space<vmem>>, vector<16xf32>,
        %add3A_782 = arith.addf %add3A_758, %get3A_781 : vector<16xf32>
        %add3A_783 = arith.constant 22 : i32
        %add3A_784 = arith.addi %mul3A_235, %add3A_783 : i32
        %get3A_785 = arith.index_cast %add3A_784 : i32 to index
        %get3A_786 = arith.constant 32 : index
        %get3A_787 = tpu.vector_load %arg9[%get3A_785, %get3A_786] {strides = array<i32>} : memref<416x64xf32, #tpu.memory_space<vmem>>, vector<16xf32>,
        %add3A_788 = arith.addf %add3A_764, %get3A_787 : vector<16xf32>
        %add3A_789 = arith.constant 22 : i32
        %add3A_790 = arith.addi %mul3A_235, %add3A_789 : i32
        %get3A_791 = arith.index_cast %add3A_790 : i32 to index
        %get3A_792 = arith.constant 48 : index
        %get3A_793 = tpu.vector_load %arg9[%get3A_791, %get3A_792] {strides = array<i32>} : memref<416x64xf32, #tpu.memory_space<vmem>>, vector<16xf32>,
        %add3A_794 = arith.addf %add3A_770, %get3A_793 : vector<16xf32>
        %add3A_795 = arith.constant 23 : i32
        %add3A_796 = arith.addi %mul3A_235, %add3A_795 : i32
        %get3A_797 = arith.index_cast %add3A_796 : i32 to index
        %get3A_798 = arith.constant 0 : index
        %get3A_799 = tpu.vector_load %arg9[%get3A_797, %get3A_798] {strides = array<i32>} : memref<416x64xf32, #tpu.memory_space<vmem>>, vector<16xf32>,
        %add3A_800 = arith.addf %add3A_776, %get3A_799 : vector<16xf32>
        %add3A_801 = arith.constant 23 : i32
        %add3A_802 = arith.addi %mul3A_235, %add3A_801 : i32
        %get3A_803 = arith.index_cast %add3A_802 : i32 to index
        %get3A_804 = arith.constant 16 : index
        %get3A_805 = tpu.vector_load %arg9[%get3A_803, %get3A_804] {strides = array<i32>} : memref<416x64xf32, #tpu.memory_space<vmem>>, vector<16xf32>,
        %add3A_806 = arith.addf %add3A_782, %get3A_805 : vector<16xf32>
        %add3A_807 = arith.constant 23 : i32
        %add3A_808 = arith.addi %mul3A_235, %add3A_807 : i32
        %get3A_809 = arith.index_cast %add3A_808 : i32 to index
        %get3A_810 = arith.constant 32 : index
        %get3A_811 = tpu.vector_load %arg9[%get3A_809, %get3A_810] {strides = array<i32>} : memref<416x64xf32, #tpu.memory_space<vmem>>, vector<16xf32>,
        %add3A_812 = arith.addf %add3A_788, %get3A_811 : vector<16xf32>
        %add3A_813 = arith.constant 23 : i32
        %add3A_814 = arith.addi %mul3A_235, %add3A_813 : i32
        %get3A_815 = arith.index_cast %add3A_814 : i32 to index
        %get3A_816 = arith.constant 48 : index
        %get3A_817 = tpu.vector_load %arg9[%get3A_815, %get3A_816] {strides = array<i32>} : memref<416x64xf32, #tpu.memory_space<vmem>>, vector<16xf32>,
        %add3A_818 = arith.addf %add3A_794, %get3A_817 : vector<16xf32>
        %add3A_819 = arith.constant 24 : i32
        %add3A_820 = arith.addi %mul3A_235, %add3A_819 : i32
        %get3A_821 = arith.index_cast %add3A_820 : i32 to index
        %get3A_822 = arith.constant 0 : index
        %get3A_823 = tpu.vector_load %arg9[%get3A_821, %get3A_822] {strides = array<i32>} : memref<416x64xf32, #tpu.memory_space<vmem>>, vector<16xf32>,
        %add3A_824 = arith.addf %add3A_800, %get3A_823 : vector<16xf32>
        %add3A_825 = arith.constant 24 : i32
        %add3A_826 = arith.addi %mul3A_235, %add3A_825 : i32
        %get3A_827 = arith.index_cast %add3A_826 : i32 to index
        %get3A_828 = arith.constant 16 : index
        %get3A_829 = tpu.vector_load %arg9[%get3A_827, %get3A_828] {strides = array<i32>} : memref<416x64xf32, #tpu.memory_space<vmem>>, vector<16xf32>,
        %add3A_830 = arith.addf %add3A_806, %get3A_829 : vector<16xf32>
        %add3A_831 = arith.constant 24 : i32
        %add3A_832 = arith.addi %mul3A_235, %add3A_831 : i32
        %get3A_833 = arith.index_cast %add3A_832 : i32 to index
        %get3A_834 = arith.constant 32 : index
        %get3A_835 = tpu.vector_load %arg9[%get3A_833, %get3A_834] {strides = array<i32>} : memref<416x64xf32, #tpu.memory_space<vmem>>, vector<16xf32>,
        %add3A_836 = arith.addf %add3A_812, %get3A_835 : vector<16xf32>
        %add3A_837 = arith.constant 24 : i32
        %add3A_838 = arith.addi %mul3A_235, %add3A_837 : i32
        %get3A_839 = arith.index_cast %add3A_838 : i32 to index
        %get3A_840 = arith.constant 48 : index
        %get3A_841 = tpu.vector_load %arg9[%get3A_839, %get3A_840] {strides = array<i32>} : memref<416x64xf32, #tpu.memory_space<vmem>>, vector<16xf32>,
        %add3A_842 = arith.addf %add3A_818, %get3A_841 : vector<16xf32>
        %add3A_843 = arith.constant 25 : i32
        %add3A_844 = arith.addi %mul3A_235, %add3A_843 : i32
        %get3A_845 = arith.index_cast %add3A_844 : i32 to index
        %get3A_846 = arith.constant 0 : index
        %get3A_847 = tpu.vector_load %arg9[%get3A_845, %get3A_846] {strides = array<i32>} : memref<416x64xf32, #tpu.memory_space<vmem>>, vector<16xf32>,
        %add3A_848 = arith.addf %add3A_824, %get3A_847 : vector<16xf32>
        %add3A_849 = arith.constant 25 : i32
        %add3A_850 = arith.addi %mul3A_235, %add3A_849 : i32
        %get3A_851 = arith.index_cast %add3A_850 : i32 to index
        %get3A_852 = arith.constant 16 : index
        %get3A_853 = tpu.vector_load %arg9[%get3A_851, %get3A_852] {strides = array<i32>} : memref<416x64xf32, #tpu.memory_space<vmem>>, vector<16xf32>,
        %add3A_854 = arith.addf %add3A_830, %get3A_853 : vector<16xf32>
        %add3A_855 = arith.constant 25 : i32
        %add3A_856 = arith.addi %mul3A_235, %add3A_855 : i32
        %get3A_857 = arith.index_cast %add3A_856 : i32 to index
        %get3A_858 = arith.constant 32 : index
        %get3A_859 = tpu.vector_load %arg9[%get3A_857, %get3A_858] {strides = array<i32>} : memref<416x64xf32, #tpu.memory_space<vmem>>, vector<16xf32>,
        %add3A_860 = arith.addf %add3A_836, %get3A_859 : vector<16xf32>
        %add3A_861 = arith.constant 25 : i32
        %add3A_862 = arith.addi %mul3A_235, %add3A_861 : i32
        %get3A_863 = arith.index_cast %add3A_862 : i32 to index
        %get3A_864 = arith.constant 48 : index
        %get3A_865 = tpu.vector_load %arg9[%get3A_863, %get3A_864] {strides = array<i32>} : memref<416x64xf32, #tpu.memory_space<vmem>>, vector<16xf32>,
        %add3A_866 = arith.addf %add3A_842, %get3A_865 : vector<16xf32>
        %broadcast_in_dim3A_867 = arith.constant 0.000000e+00 : f32
        %broadcast_in_dim3A_868 = vector.broadcast %broadcast_in_dim3A_867 : f32 to vector<16xf32>
        %mul3A_869 = arith.constant 2 : i32
        %mul3A_870 = arith.muli %scan3A_15, %mul3A_869 : i32
        %add3A_871 = arith.constant 1 : i32
        %add3A_872 = arith.addi %mul3A_870, %add3A_871 : i32
        %mul3A_873 = arith.constant 16 : i32
        %mul3A_874 = arith.muli %add3A_872, %mul3A_873 : i32
        %add3A_875 = arith.addi %mul3A_874, %scan3A_233 : i32
        %get3A_876 = arith.index_cast %add3A_875 : i32 to index
        %get3A_877 = arith.constant 0 : index
        %get3A_878 = tpu.vector_load %arg11[%get3A_876, %get3A_877] {strides = array<i32>} : memref<512x64xf32, #tpu.memory_space<vmem>>, vector<16xf32>,
        %mul3A_879 = arith.mulf %add3A_848, %get3A_878 : vector<16xf32>
        %add3A_880 = arith.addf %broadcast_in_dim3A_868, %mul3A_879 : vector<16xf32>
        %get3A_881 = arith.index_cast %add3A_875 : i32 to index
        %get3A_882 = arith.constant 16 : index
        %get3A_883 = tpu.vector_load %arg11[%get3A_881, %get3A_882] {strides = array<i32>} : memref<512x64xf32, #tpu.memory_space<vmem>>, vector<16xf32>,
        %mul3A_884 = arith.mulf %add3A_854, %get3A_883 : vector<16xf32>
        %add3A_885 = arith.addf %add3A_880, %mul3A_884 : vector<16xf32>
        %get3A_886 = arith.index_cast %add3A_875 : i32 to index
        %get3A_887 = arith.constant 32 : index
        %get3A_888 = tpu.vector_load %arg11[%get3A_886, %get3A_887] {strides = array<i32>} : memref<512x64xf32, #tpu.memory_space<vmem>>, vector<16xf32>,
        %mul3A_889 = arith.mulf %add3A_860, %get3A_888 : vector<16xf32>
        %add3A_890 = arith.addf %add3A_885, %mul3A_889 : vector<16xf32>
        %get3A_891 = arith.index_cast %add3A_875 : i32 to index
        %get3A_892 = arith.constant 48 : index
        %get3A_893 = tpu.vector_load %arg11[%get3A_891, %get3A_892] {strides = array<i32>} : memref<512x64xf32, #tpu.memory_space<vmem>>, vector<16xf32>,
        %mul3A_894 = arith.mulf %add3A_866, %get3A_893 : vector<16xf32>
        %add3A_895 = arith.addf %add3A_890, %mul3A_894 : vector<16xf32>
        %broadcast_in_dim3A_896 = vector.broadcast %scan3A_233 : i32 to vector<16xi32>
        tpu.vector_store_idx %arg10[%iota3A, %broadcast_in_dim3A_896], %add3A_895 : memref<16x16xf32, #tpu.memory_space<vmem>>[vector<16xi32>, vector<16xi32>], vector<16xf32>,
      }
      %scan3A_142 = arith.constant 16 : i32
      %mul3A_143 = arith.constant 2 : i32
      %mul3A_144 = arith.muli %scan3A_15, %mul3A_143 : i32
      %add3A_145 = arith.constant 1 : i32
      %add3A_146 = arith.addi %mul3A_144, %add3A_145 : i32
      %mul3A_147 = arith.constant 16 : i32
      %mul3A_148 = arith.muli %add3A_146, %mul3A_147 : i32
      %get3A_149 = arith.constant 0 : i32
      %get3A_150 = arith.index_cast %get3A_149 : i32 to index
      %get3A_151 = arith.constant 0 : index
      %get3A_152 = tpu.vector_load %arg10[%get3A_150, %get3A_151] {strides = array<i32>} : memref<16x16xf32, #tpu.memory_space<vmem>>, vector<16xf32>,
      %get3A_153 = arith.constant 1 : i32
      %get3A_154 = arith.index_cast %get3A_153 : i32 to index
      %get3A_155 = arith.constant 0 : index
      %get3A_156 = tpu.vector_load %arg10[%get3A_154, %get3A_155] {strides = array<i32>} : memref<16x16xf32, #tpu.memory_space<vmem>>, vector<16xf32>,
      %add3A_157 = arith.addf %get3A_152, %get3A_156 : vector<16xf32>
      %get3A_158 = arith.constant 2 : i32
      %get3A_159 = arith.index_cast %get3A_158 : i32 to index
      %get3A_160 = arith.constant 0 : index
      %get3A_161 = tpu.vector_load %arg10[%get3A_159, %get3A_160] {strides = array<i32>} : memref<16x16xf32, #tpu.memory_space<vmem>>, vector<16xf32>,
      %add3A_162 = arith.addf %add3A_157, %get3A_161 : vector<16xf32>
      %get3A_163 = arith.constant 3 : i32
      %get3A_164 = arith.index_cast %get3A_163 : i32 to index
      %get3A_165 = arith.constant 0 : index
      %get3A_166 = tpu.vector_load %arg10[%get3A_164, %get3A_165] {strides = array<i32>} : memref<16x16xf32, #tpu.memory_space<vmem>>, vector<16xf32>,
      %add3A_167 = arith.addf %add3A_162, %get3A_166 : vector<16xf32>
      %get3A_168 = arith.constant 4 : i32
      %get3A_169 = arith.index_cast %get3A_168 : i32 to index
      %get3A_170 = arith.constant 0 : index
      %get3A_171 = tpu.vector_load %arg10[%get3A_169, %get3A_170] {strides = array<i32>} : memref<16x16xf32, #tpu.memory_space<vmem>>, vector<16xf32>,
      %add3A_172 = arith.addf %add3A_167, %get3A_171 : vector<16xf32>
      %get3A_173 = arith.constant 5 : i32
      %get3A_174 = arith.index_cast %get3A_173 : i32 to index
      %get3A_175 = arith.constant 0 : index
      %get3A_176 = tpu.vector_load %arg10[%get3A_174, %get3A_175] {strides = array<i32>} : memref<16x16xf32, #tpu.memory_space<vmem>>, vector<16xf32>,
      %add3A_177 = arith.addf %add3A_172, %get3A_176 : vector<16xf32>
      %get3A_178 = arith.constant 6 : i32
      %get3A_179 = arith.index_cast %get3A_178 : i32 to index
      %get3A_180 = arith.constant 0 : index
      %get3A_181 = tpu.vector_load %arg10[%get3A_179, %get3A_180] {strides = array<i32>} : memref<16x16xf32, #tpu.memory_space<vmem>>, vector<16xf32>,
      %add3A_182 = arith.addf %add3A_177, %get3A_181 : vector<16xf32>
      %get3A_183 = arith.constant 7 : i32
      %get3A_184 = arith.index_cast %get3A_183 : i32 to index
      %get3A_185 = arith.constant 0 : index
      %get3A_186 = tpu.vector_load %arg10[%get3A_184, %get3A_185] {strides = array<i32>} : memref<16x16xf32, #tpu.memory_space<vmem>>, vector<16xf32>,
      %add3A_187 = arith.addf %add3A_182, %get3A_186 : vector<16xf32>
      %get3A_188 = arith.constant 8 : i32
      %get3A_189 = arith.index_cast %get3A_188 : i32 to index
      %get3A_190 = arith.constant 0 : index
      %get3A_191 = tpu.vector_load %arg10[%get3A_189, %get3A_190] {strides = array<i32>} : memref<16x16xf32, #tpu.memory_space<vmem>>, vector<16xf32>,
      %add3A_192 = arith.addf %add3A_187, %get3A_191 : vector<16xf32>
      %get3A_193 = arith.constant 9 : i32
      %get3A_194 = arith.index_cast %get3A_193 : i32 to index
      %get3A_195 = arith.constant 0 : index
      %get3A_196 = tpu.vector_load %arg10[%get3A_194, %get3A_195] {strides = array<i32>} : memref<16x16xf32, #tpu.memory_space<vmem>>, vector<16xf32>,
      %add3A_197 = arith.addf %add3A_192, %get3A_196 : vector<16xf32>
      %get3A_198 = arith.constant 10 : i32
      %get3A_199 = arith.index_cast %get3A_198 : i32 to index
      %get3A_200 = arith.constant 0 : index
      %get3A_201 = tpu.vector_load %arg10[%get3A_199, %get3A_200] {strides = array<i32>} : memref<16x16xf32, #tpu.memory_space<vmem>>, vector<16xf32>,
      %add3A_202 = arith.addf %add3A_197, %get3A_201 : vector<16xf32>
      %get3A_203 = arith.constant 11 : i32
      %get3A_204 = arith.index_cast %get3A_203 : i32 to index
      %get3A_205 = arith.constant 0 : index
      %get3A_206 = tpu.vector_load %arg10[%get3A_204, %get3A_205] {strides = array<i32>} : memref<16x16xf32, #tpu.memory_space<vmem>>, vector<16xf32>,
      %add3A_207 = arith.addf %add3A_202, %get3A_206 : vector<16xf32>
      %get3A_208 = arith.constant 12 : i32
      %get3A_209 = arith.index_cast %get3A_208 : i32 to index
      %get3A_210 = arith.constant 0 : index
      %get3A_211 = tpu.vector_load %arg10[%get3A_209, %get3A_210] {strides = array<i32>} : memref<16x16xf32, #tpu.memory_space<vmem>>, vector<16xf32>,
      %add3A_212 = arith.addf %add3A_207, %get3A_211 : vector<16xf32>
      %get3A_213 = arith.constant 13 : i32
      %get3A_214 = arith.index_cast %get3A_213 : i32 to index
      %get3A_215 = arith.constant 0 : index
      %get3A_216 = tpu.vector_load %arg10[%get3A_214, %get3A_215] {strides = array<i32>} : memref<16x16xf32, #tpu.memory_space<vmem>>, vector<16xf32>,
      %add3A_217 = arith.addf %add3A_212, %get3A_216 : vector<16xf32>
      %get3A_218 = arith.constant 14 : i32
      %get3A_219 = arith.index_cast %get3A_218 : i32 to index
      %get3A_220 = arith.constant 0 : index
      %get3A_221 = tpu.vector_load %arg10[%get3A_219, %get3A_220] {strides = array<i32>} : memref<16x16xf32, #tpu.memory_space<vmem>>, vector<16xf32>,
      %add3A_222 = arith.addf %add3A_217, %get3A_221 : vector<16xf32>
      %get3A_223 = arith.constant 15 : i32
      %get3A_224 = arith.index_cast %get3A_223 : i32 to index
      %get3A_225 = arith.constant 0 : index
      %get3A_226 = tpu.vector_load %arg10[%get3A_224, %get3A_225] {strides = array<i32>} : memref<16x16xf32, #tpu.memory_space<vmem>>, vector<16xf32>,
      %add3A_227 = arith.addf %add3A_222, %get3A_226 : vector<16xf32>
      %get3A_228 = arith.index_cast %mul3A_148 : i32 to index
      %get3A_229 = tpu.vector_load %arg12[%get3A_228] {strides = array<i32>} : memref<512xf32, #tpu.memory_space<vmem>>, vector<16xf32>,
      %add3A_230 = arith.addf %add3A_227, %get3A_229 : vector<16xf32>
      %swap3A_231 = arith.index_cast %mul3A_148 : i32 to index
      %swap3A_232 = tpu.vector_load %arg13[%swap3A_231] {strides = array<i32>} : memref<512xf32, #tpu.memory_space<vmem>>, vector<16xf32>,
      tpu.vector_store %arg13[%swap3A_231], %add3A_230 {strides = array<i32>} : memref<512xf32, #tpu.memory_space<vmem>>, vector<16xf32>,
    }
    %scan3A_11 = arith.constant 16 : i32
    %dma_start3A_12 = tpu.memref_slice %arg6[%mul3A_2] : memref<16384xf32, #tpu.memory_space<hbm>> -> memref<512xf32, #tpu.memory_space<hbm>>
    %dma_start3A_13 = tpu.memref_slice %arg6[%mul3A_2] : memref<16384xf32, #tpu.memory_space<hbm>> -> memref<512xf32, #tpu.memory_space<hbm>>
    tpu.enqueue_dma source(%arg13 : memref<512xf32, #tpu.memory_space<vmem>>) target(%dma_start3A_13 : memref<512xf32, #tpu.memory_space<hbm>>) target_semaphore(%arg16 : memref<!tpu.dma_semaphore, #tpu.memory_space<semaphore_mem>>)
    %dma_wait3A = tpu.memref_slice %arg6[%mul3A_2] : memref<16384xf32, #tpu.memory_space<hbm>> -> memref<512xf32, #tpu.memory_space<hbm>>
    %dma_wait3A_14 = tpu.memref_slice %arg6[%mul3A_2] : memref<16384xf32, #tpu.memory_space<hbm>> -> memref<512xf32, #tpu.memory_space<hbm>>
    tpu.wait_dma2 semaphore(%arg16 : memref<!tpu.dma_semaphore, #tpu.memory_space<semaphore_mem>>) src(%arg13 : memref<512xf32, #tpu.memory_space<vmem>>) dst(%dma_wait3A_14 : memref<512xf32, #tpu.memory_space<hbm>>)
    return
  }
}

#map = affine_map<(d0, d1) -> (0, 0)>
#map1 = affine_map<(d0, d1) -> (0)>
module attributes {stable_mosaic.version = 14 : i64} {
  func.func @_item_body(%arg0: i32, %arg1: i32, %arg2: memref<26x16384xi32, #tpu.memory_space<hbm>>, %arg3: memref<26x16384xi32, #tpu.memory_space<hbm>>, %arg4: memref<1032192x64xf32, #tpu.memory_space<hbm>>, %arg5: memref<64xf32, #tpu.memory_space<hbm>>, %arg6: memref<16384x64xf32, #tpu.memory_space<hbm>>, %arg7: memref<16384xf32, #tpu.memory_space<hbm>>, %arg8: memref<32x13320xi32, #tpu.memory_space<hbm>>, %arg9: memref<26x128xi32, #tpu.memory_space<vmem>>, %arg10: memref<13320xi32, #tpu.memory_space<vmem>>, %arg11: memref<416x64xf32, #tpu.memory_space<vmem>>, %arg12: memref<416x64xf32, #tpu.memory_space<vmem>>, %arg13: memref<64xf32, #tpu.memory_space<vmem>>, %arg14: memref<16x16xf32, #tpu.memory_space<vmem>>, %arg15: memref<512x64xf32, #tpu.memory_space<vmem>>, %arg16: memref<512xf32, #tpu.memory_space<vmem>>, %arg17: memref<!tpu.dma_semaphore, #tpu.memory_space<semaphore_mem>>, %arg18: memref<!tpu.dma_semaphore, #tpu.memory_space<semaphore_mem>>, %arg19: memref<!tpu.dma_semaphore, #tpu.memory_space<semaphore_mem>>) attributes {dimension_semantics = [#tpu.dimension_semantics<core_parallel>, #tpu.dimension_semantics<subcore_parallel>], iteration_bounds = array<i64: 2, 16>, scalar_prefetch = 0 : i64, scratch_operands = 11 : i64, tpu.core_type = #tpu.core_type<sc_vector_subcore>, window_params = [{transform_indices = #map}, {transform_indices = #map}, {transform_indices = #map}, {transform_indices = #map1}, {transform_indices = #map}, {transform_indices = #map1}, {transform_indices = #map}]} {
    %mul3A = arith.constant 2 : i32
    %mul3A_0 = arith.muli %arg1, %mul3A : i32
    %add3A = arith.addi %mul3A_0, %arg0 : i32
    %mul3A_1 = arith.constant 512 : i32
    %mul3A_2 = arith.muli %add3A, %mul3A_1 : i32
    "tpu.region"() ({
      %run_scoped3A = tpu.sem_alloc : memref<!tpu.dma_semaphore, #tpu.memory_space<semaphore_mem>>
      tpu.enqueue_dma source(%arg5 : memref<64xf32, #tpu.memory_space<hbm>>) target(%arg13 : memref<64xf32, #tpu.memory_space<vmem>>) target_semaphore(%run_scoped3A : memref<!tpu.dma_semaphore, #tpu.memory_space<semaphore_mem>>)
      tpu.wait_dma2 semaphore(%run_scoped3A : memref<!tpu.dma_semaphore, #tpu.memory_space<semaphore_mem>>) src(%arg5 : memref<64xf32, #tpu.memory_space<hbm>>) dst(%arg13 : memref<64xf32, #tpu.memory_space<vmem>>)
      tpu.yield
    }) : () -> ()
    %get3A = arith.constant 0 : index
    %get3A_3 = tpu.vector_load %arg13[%get3A] {strides = array<i32>} : memref<64xf32, #tpu.memory_space<vmem>>, vector<16xf32>,
    %get3A_4 = arith.constant 16 : index
    %get3A_5 = tpu.vector_load %arg13[%get3A_4] {strides = array<i32>} : memref<64xf32, #tpu.memory_space<vmem>>, vector<16xf32>,
    %get3A_6 = arith.constant 32 : index
    %get3A_7 = tpu.vector_load %arg13[%get3A_6] {strides = array<i32>} : memref<64xf32, #tpu.memory_space<vmem>>, vector<16xf32>,
    %get3A_8 = arith.constant 48 : index
    %get3A_9 = tpu.vector_load %arg13[%get3A_8] {strides = array<i32>} : memref<64xf32, #tpu.memory_space<vmem>>, vector<16xf32>,
    %iota3A = tpu.iota {dimensions = array<i32: 0>} : vector<16xi32>
    %add3A_10 = arith.constant 16 : i32
    %add3A_11 = vector.broadcast %add3A_10 : i32 to vector<16xi32>
    %add3A_12 = arith.addi %iota3A, %add3A_11 : vector<16xi32>
    %min3A = arith.constant 25 : i32
    %min3A_13 = vector.broadcast %min3A : i32 to vector<16xi32>
    %min3A_14 = arith.minsi %add3A_12, %min3A_13 : vector<16xi32>
    %add3A_15 = arith.constant 0 : i32
    %add3A_16 = arith.addi %mul3A_2, %add3A_15 : i32
    "tpu.region"() ({
      %run_scoped3A = tpu.sem_alloc : memref<!tpu.dma_semaphore, #tpu.memory_space<semaphore_mem>>
      %dma_start3A_117 = arith.constant 0 : i32
      %dma_start3A_118 = tpu.memref_slice %arg3[%dma_start3A_117, %add3A_16] : memref<26x16384xi32, #tpu.memory_space<hbm>> -> memref<26x128xi32, #tpu.memory_space<hbm>>
      %dma_start3A_119 = arith.constant 0 : i32
      %dma_start3A_120 = tpu.memref_slice %arg3[%dma_start3A_119, %add3A_16] : memref<26x16384xi32, #tpu.memory_space<hbm>> -> memref<26x128xi32, #tpu.memory_space<hbm>>
      tpu.enqueue_dma source(%dma_start3A_120 : memref<26x128xi32, #tpu.memory_space<hbm>>) target(%arg9 : memref<26x128xi32, #tpu.memory_space<vmem>>) target_semaphore(%run_scoped3A : memref<!tpu.dma_semaphore, #tpu.memory_space<semaphore_mem>>)
      %dma_wait3A_121 = arith.constant 0 : i32
      %dma_wait3A_122 = tpu.memref_slice %arg3[%dma_wait3A_121, %add3A_16] : memref<26x16384xi32, #tpu.memory_space<hbm>> -> memref<26x128xi32, #tpu.memory_space<hbm>>
      %dma_wait3A_123 = arith.constant 0 : i32
      %dma_wait3A_124 = tpu.memref_slice %arg3[%dma_wait3A_123, %add3A_16] : memref<26x16384xi32, #tpu.memory_space<hbm>> -> memref<26x128xi32, #tpu.memory_space<hbm>>
      tpu.wait_dma2 semaphore(%run_scoped3A : memref<!tpu.dma_semaphore, #tpu.memory_space<semaphore_mem>>) src(%dma_wait3A_124 : memref<26x128xi32, #tpu.memory_space<hbm>>) dst(%arg9 : memref<26x128xi32, #tpu.memory_space<vmem>>)
      tpu.yield
    }) : () -> ()
    %scan3A = arith.constant 0 : i32
    %scan3A_17 = arith.constant 0 : i32
    %scan3A_18 = arith.constant 128 : i32
    %scan3A_19 = arith.addi %scan3A_17, %scan3A_18 : i32
    %scan3A_20 = arith.constant 1 : i32
    scf.for %scan3A_117 = %scan3A_17 to %scan3A_19 step %scan3A_20  : i32 {
      %broadcast_in_dim3A = vector.broadcast %scan3A_117 : i32 to vector<16xi32>
      %add3A_118 = arith.constant 0 : i32
      %add3A_119 = arith.addi %add3A_118, %scan3A_117 : i32
      %mul3A_120 = arith.constant 26 : i32
      %mul3A_121 = arith.muli %add3A_119, %mul3A_120 : i32
      %gather3A = tpu.vector_load_idx %arg9[%iota3A, %broadcast_in_dim3A] : memref<26x128xi32, #tpu.memory_space<vmem>>[vector<16xi32>, vector<16xi32>], vector<16xi32>,
      %lt3A = arith.constant 516096 : i32
      %lt3A_122 = vector.broadcast %lt3A : i32 to vector<16xi32>
      %lt3A_123 = arith.cmpi slt, %gather3A, %lt3A_122 : vector<16xi32>
      %mul3A_124 = arith.constant 2 : i32
      %mul3A_125 = vector.broadcast %mul3A_124 : i32 to vector<16xi32>
      %mul3A_126 = arith.muli %gather3A, %mul3A_125 : vector<16xi32>
      %mul3A_127 = arith.constant 2 : i32
      %mul3A_128 = vector.broadcast %mul3A_127 : i32 to vector<16xi32>
      %mul3A_129 = arith.muli %gather3A, %mul3A_128 : vector<16xi32>
      %sub3A = arith.constant 1032191 : i32
      %sub3A_130 = vector.broadcast %sub3A : i32 to vector<16xi32>
      %sub3A_131 = arith.subi %mul3A_129, %sub3A_130 : vector<16xi32>
      %select_n3A = arith.select %lt3A_123, %mul3A_126, %sub3A_131 : vector<16xi1>, vector<16xi32>
      %swap3A = arith.index_cast %mul3A_121 : i32 to index
      %swap3A_132 = tpu.vector_load %arg10[%swap3A] {strides = array<i32>} : memref<13320xi32, #tpu.memory_space<vmem>>, vector<16xi32>,
      tpu.vector_store %arg10[%swap3A], %select_n3A {strides = array<i32>} : memref<13320xi32, #tpu.memory_space<vmem>>, vector<16xi32>,
      %gather3A_133 = tpu.vector_load_idx %arg9[%min3A_14, %broadcast_in_dim3A] : memref<26x128xi32, #tpu.memory_space<vmem>>[vector<16xi32>, vector<16xi32>], vector<16xi32>,
      %lt3A_134 = arith.constant 516096 : i32
      %lt3A_135 = vector.broadcast %lt3A_134 : i32 to vector<16xi32>
      %lt3A_136 = arith.cmpi slt, %gather3A_133, %lt3A_135 : vector<16xi32>
      %mul3A_137 = arith.constant 2 : i32
      %mul3A_138 = vector.broadcast %mul3A_137 : i32 to vector<16xi32>
      %mul3A_139 = arith.muli %gather3A_133, %mul3A_138 : vector<16xi32>
      %mul3A_140 = arith.constant 2 : i32
      %mul3A_141 = vector.broadcast %mul3A_140 : i32 to vector<16xi32>
      %mul3A_142 = arith.muli %gather3A_133, %mul3A_141 : vector<16xi32>
      %sub3A_143 = arith.constant 1032191 : i32
      %sub3A_144 = vector.broadcast %sub3A_143 : i32 to vector<16xi32>
      %sub3A_145 = arith.subi %mul3A_142, %sub3A_144 : vector<16xi32>
      %select_n3A_146 = arith.select %lt3A_136, %mul3A_139, %sub3A_145 : vector<16xi1>, vector<16xi32>
      %add3A_147 = arith.constant 16 : i32
      %add3A_148 = arith.addi %mul3A_121, %add3A_147 : i32
      %swap3A_149 = arith.index_cast %add3A_148 : i32 to index
      %swap3A_150 = tpu.vector_load %arg10[%swap3A_149] {strides = array<i32>} : memref<13320xi32, #tpu.memory_space<vmem>>, vector<16xi32>,
      tpu.vector_store %arg10[%swap3A_149], %select_n3A_146 {strides = array<i32>} : memref<13320xi32, #tpu.memory_space<vmem>>, vector<16xi32>,
    }
    %scan3A_21 = arith.constant 128 : i32
    %add3A_22 = arith.constant 128 : i32
    %add3A_23 = arith.addi %mul3A_2, %add3A_22 : i32
    "tpu.region"() ({
      %run_scoped3A = tpu.sem_alloc : memref<!tpu.dma_semaphore, #tpu.memory_space<semaphore_mem>>
      %dma_start3A_117 = arith.constant 0 : i32
      %dma_start3A_118 = tpu.memref_slice %arg3[%dma_start3A_117, %add3A_23] : memref<26x16384xi32, #tpu.memory_space<hbm>> -> memref<26x128xi32, #tpu.memory_space<hbm>>
      %dma_start3A_119 = arith.constant 0 : i32
      %dma_start3A_120 = tpu.memref_slice %arg3[%dma_start3A_119, %add3A_23] : memref<26x16384xi32, #tpu.memory_space<hbm>> -> memref<26x128xi32, #tpu.memory_space<hbm>>
      tpu.enqueue_dma source(%dma_start3A_120 : memref<26x128xi32, #tpu.memory_space<hbm>>) target(%arg9 : memref<26x128xi32, #tpu.memory_space<vmem>>) target_semaphore(%run_scoped3A : memref<!tpu.dma_semaphore, #tpu.memory_space<semaphore_mem>>)
      %dma_wait3A_121 = arith.constant 0 : i32
      %dma_wait3A_122 = tpu.memref_slice %arg3[%dma_wait3A_121, %add3A_23] : memref<26x16384xi32, #tpu.memory_space<hbm>> -> memref<26x128xi32, #tpu.memory_space<hbm>>
      %dma_wait3A_123 = arith.constant 0 : i32
      %dma_wait3A_124 = tpu.memref_slice %arg3[%dma_wait3A_123, %add3A_23] : memref<26x16384xi32, #tpu.memory_space<hbm>> -> memref<26x128xi32, #tpu.memory_space<hbm>>
      tpu.wait_dma2 semaphore(%run_scoped3A : memref<!tpu.dma_semaphore, #tpu.memory_space<semaphore_mem>>) src(%dma_wait3A_124 : memref<26x128xi32, #tpu.memory_space<hbm>>) dst(%arg9 : memref<26x128xi32, #tpu.memory_space<vmem>>)
      tpu.yield
    }) : () -> ()
    %scan3A_24 = arith.constant 0 : i32
    %scan3A_25 = arith.constant 0 : i32
    %scan3A_26 = arith.constant 128 : i32
    %scan3A_27 = arith.addi %scan3A_25, %scan3A_26 : i32
    %scan3A_28 = arith.constant 1 : i32
    scf.for %scan3A_117 = %scan3A_25 to %scan3A_27 step %scan3A_28  : i32 {
      %broadcast_in_dim3A = vector.broadcast %scan3A_117 : i32 to vector<16xi32>
      %add3A_118 = arith.constant 128 : i32
      %add3A_119 = arith.addi %add3A_118, %scan3A_117 : i32
      %mul3A_120 = arith.constant 26 : i32
      %mul3A_121 = arith.muli %add3A_119, %mul3A_120 : i32
      %gather3A = tpu.vector_load_idx %arg9[%iota3A, %broadcast_in_dim3A] : memref<26x128xi32, #tpu.memory_space<vmem>>[vector<16xi32>, vector<16xi32>], vector<16xi32>,
      %lt3A = arith.constant 516096 : i32
      %lt3A_122 = vector.broadcast %lt3A : i32 to vector<16xi32>
      %lt3A_123 = arith.cmpi slt, %gather3A, %lt3A_122 : vector<16xi32>
      %mul3A_124 = arith.constant 2 : i32
      %mul3A_125 = vector.broadcast %mul3A_124 : i32 to vector<16xi32>
      %mul3A_126 = arith.muli %gather3A, %mul3A_125 : vector<16xi32>
      %mul3A_127 = arith.constant 2 : i32
      %mul3A_128 = vector.broadcast %mul3A_127 : i32 to vector<16xi32>
      %mul3A_129 = arith.muli %gather3A, %mul3A_128 : vector<16xi32>
      %sub3A = arith.constant 1032191 : i32
      %sub3A_130 = vector.broadcast %sub3A : i32 to vector<16xi32>
      %sub3A_131 = arith.subi %mul3A_129, %sub3A_130 : vector<16xi32>
      %select_n3A = arith.select %lt3A_123, %mul3A_126, %sub3A_131 : vector<16xi1>, vector<16xi32>
      %swap3A = arith.index_cast %mul3A_121 : i32 to index
      %swap3A_132 = tpu.vector_load %arg10[%swap3A] {strides = array<i32>} : memref<13320xi32, #tpu.memory_space<vmem>>, vector<16xi32>,
      tpu.vector_store %arg10[%swap3A], %select_n3A {strides = array<i32>} : memref<13320xi32, #tpu.memory_space<vmem>>, vector<16xi32>,
      %gather3A_133 = tpu.vector_load_idx %arg9[%min3A_14, %broadcast_in_dim3A] : memref<26x128xi32, #tpu.memory_space<vmem>>[vector<16xi32>, vector<16xi32>], vector<16xi32>,
      %lt3A_134 = arith.constant 516096 : i32
      %lt3A_135 = vector.broadcast %lt3A_134 : i32 to vector<16xi32>
      %lt3A_136 = arith.cmpi slt, %gather3A_133, %lt3A_135 : vector<16xi32>
      %mul3A_137 = arith.constant 2 : i32
      %mul3A_138 = vector.broadcast %mul3A_137 : i32 to vector<16xi32>
      %mul3A_139 = arith.muli %gather3A_133, %mul3A_138 : vector<16xi32>
      %mul3A_140 = arith.constant 2 : i32
      %mul3A_141 = vector.broadcast %mul3A_140 : i32 to vector<16xi32>
      %mul3A_142 = arith.muli %gather3A_133, %mul3A_141 : vector<16xi32>
      %sub3A_143 = arith.constant 1032191 : i32
      %sub3A_144 = vector.broadcast %sub3A_143 : i32 to vector<16xi32>
      %sub3A_145 = arith.subi %mul3A_142, %sub3A_144 : vector<16xi32>
      %select_n3A_146 = arith.select %lt3A_136, %mul3A_139, %sub3A_145 : vector<16xi1>, vector<16xi32>
      %add3A_147 = arith.constant 16 : i32
      %add3A_148 = arith.addi %mul3A_121, %add3A_147 : i32
      %swap3A_149 = arith.index_cast %add3A_148 : i32 to index
      %swap3A_150 = tpu.vector_load %arg10[%swap3A_149] {strides = array<i32>} : memref<13320xi32, #tpu.memory_space<vmem>>, vector<16xi32>,
      tpu.vector_store %arg10[%swap3A_149], %select_n3A_146 {strides = array<i32>} : memref<13320xi32, #tpu.memory_space<vmem>>, vector<16xi32>,
    }
    %scan3A_29 = arith.constant 128 : i32
    %add3A_30 = arith.constant 256 : i32
    %add3A_31 = arith.addi %mul3A_2, %add3A_30 : i32
    "tpu.region"() ({
      %run_scoped3A = tpu.sem_alloc : memref<!tpu.dma_semaphore, #tpu.memory_space<semaphore_mem>>
      %dma_start3A_117 = arith.constant 0 : i32
      %dma_start3A_118 = tpu.memref_slice %arg3[%dma_start3A_117, %add3A_31] : memref<26x16384xi32, #tpu.memory_space<hbm>> -> memref<26x128xi32, #tpu.memory_space<hbm>>
      %dma_start3A_119 = arith.constant 0 : i32
      %dma_start3A_120 = tpu.memref_slice %arg3[%dma_start3A_119, %add3A_31] : memref<26x16384xi32, #tpu.memory_space<hbm>> -> memref<26x128xi32, #tpu.memory_space<hbm>>
      tpu.enqueue_dma source(%dma_start3A_120 : memref<26x128xi32, #tpu.memory_space<hbm>>) target(%arg9 : memref<26x128xi32, #tpu.memory_space<vmem>>) target_semaphore(%run_scoped3A : memref<!tpu.dma_semaphore, #tpu.memory_space<semaphore_mem>>)
      %dma_wait3A_121 = arith.constant 0 : i32
      %dma_wait3A_122 = tpu.memref_slice %arg3[%dma_wait3A_121, %add3A_31] : memref<26x16384xi32, #tpu.memory_space<hbm>> -> memref<26x128xi32, #tpu.memory_space<hbm>>
      %dma_wait3A_123 = arith.constant 0 : i32
      %dma_wait3A_124 = tpu.memref_slice %arg3[%dma_wait3A_123, %add3A_31] : memref<26x16384xi32, #tpu.memory_space<hbm>> -> memref<26x128xi32, #tpu.memory_space<hbm>>
      tpu.wait_dma2 semaphore(%run_scoped3A : memref<!tpu.dma_semaphore, #tpu.memory_space<semaphore_mem>>) src(%dma_wait3A_124 : memref<26x128xi32, #tpu.memory_space<hbm>>) dst(%arg9 : memref<26x128xi32, #tpu.memory_space<vmem>>)
      tpu.yield
    }) : () -> ()
    %scan3A_32 = arith.constant 0 : i32
    %scan3A_33 = arith.constant 0 : i32
    %scan3A_34 = arith.constant 128 : i32
    %scan3A_35 = arith.addi %scan3A_33, %scan3A_34 : i32
    %scan3A_36 = arith.constant 1 : i32
    scf.for %scan3A_117 = %scan3A_33 to %scan3A_35 step %scan3A_36  : i32 {
      %broadcast_in_dim3A = vector.broadcast %scan3A_117 : i32 to vector<16xi32>
      %add3A_118 = arith.constant 256 : i32
      %add3A_119 = arith.addi %add3A_118, %scan3A_117 : i32
      %mul3A_120 = arith.constant 26 : i32
      %mul3A_121 = arith.muli %add3A_119, %mul3A_120 : i32
      %gather3A = tpu.vector_load_idx %arg9[%iota3A, %broadcast_in_dim3A] : memref<26x128xi32, #tpu.memory_space<vmem>>[vector<16xi32>, vector<16xi32>], vector<16xi32>,
      %lt3A = arith.constant 516096 : i32
      %lt3A_122 = vector.broadcast %lt3A : i32 to vector<16xi32>
      %lt3A_123 = arith.cmpi slt, %gather3A, %lt3A_122 : vector<16xi32>
      %mul3A_124 = arith.constant 2 : i32
      %mul3A_125 = vector.broadcast %mul3A_124 : i32 to vector<16xi32>
      %mul3A_126 = arith.muli %gather3A, %mul3A_125 : vector<16xi32>
      %mul3A_127 = arith.constant 2 : i32
      %mul3A_128 = vector.broadcast %mul3A_127 : i32 to vector<16xi32>
      %mul3A_129 = arith.muli %gather3A, %mul3A_128 : vector<16xi32>
      %sub3A = arith.constant 1032191 : i32
      %sub3A_130 = vector.broadcast %sub3A : i32 to vector<16xi32>
      %sub3A_131 = arith.subi %mul3A_129, %sub3A_130 : vector<16xi32>
      %select_n3A = arith.select %lt3A_123, %mul3A_126, %sub3A_131 : vector<16xi1>, vector<16xi32>
      %swap3A = arith.index_cast %mul3A_121 : i32 to index
      %swap3A_132 = tpu.vector_load %arg10[%swap3A] {strides = array<i32>} : memref<13320xi32, #tpu.memory_space<vmem>>, vector<16xi32>,
      tpu.vector_store %arg10[%swap3A], %select_n3A {strides = array<i32>} : memref<13320xi32, #tpu.memory_space<vmem>>, vector<16xi32>,
      %gather3A_133 = tpu.vector_load_idx %arg9[%min3A_14, %broadcast_in_dim3A] : memref<26x128xi32, #tpu.memory_space<vmem>>[vector<16xi32>, vector<16xi32>], vector<16xi32>,
      %lt3A_134 = arith.constant 516096 : i32
      %lt3A_135 = vector.broadcast %lt3A_134 : i32 to vector<16xi32>
      %lt3A_136 = arith.cmpi slt, %gather3A_133, %lt3A_135 : vector<16xi32>
      %mul3A_137 = arith.constant 2 : i32
      %mul3A_138 = vector.broadcast %mul3A_137 : i32 to vector<16xi32>
      %mul3A_139 = arith.muli %gather3A_133, %mul3A_138 : vector<16xi32>
      %mul3A_140 = arith.constant 2 : i32
      %mul3A_141 = vector.broadcast %mul3A_140 : i32 to vector<16xi32>
      %mul3A_142 = arith.muli %gather3A_133, %mul3A_141 : vector<16xi32>
      %sub3A_143 = arith.constant 1032191 : i32
      %sub3A_144 = vector.broadcast %sub3A_143 : i32 to vector<16xi32>
      %sub3A_145 = arith.subi %mul3A_142, %sub3A_144 : vector<16xi32>
      %select_n3A_146 = arith.select %lt3A_136, %mul3A_139, %sub3A_145 : vector<16xi1>, vector<16xi32>
      %add3A_147 = arith.constant 16 : i32
      %add3A_148 = arith.addi %mul3A_121, %add3A_147 : i32
      %swap3A_149 = arith.index_cast %add3A_148 : i32 to index
      %swap3A_150 = tpu.vector_load %arg10[%swap3A_149] {strides = array<i32>} : memref<13320xi32, #tpu.memory_space<vmem>>, vector<16xi32>,
      tpu.vector_store %arg10[%swap3A_149], %select_n3A_146 {strides = array<i32>} : memref<13320xi32, #tpu.memory_space<vmem>>, vector<16xi32>,
    }
    %scan3A_37 = arith.constant 128 : i32
    %add3A_38 = arith.constant 384 : i32
    %add3A_39 = arith.addi %mul3A_2, %add3A_38 : i32
    "tpu.region"() ({
      %run_scoped3A = tpu.sem_alloc : memref<!tpu.dma_semaphore, #tpu.memory_space<semaphore_mem>>
      %dma_start3A_117 = arith.constant 0 : i32
      %dma_start3A_118 = tpu.memref_slice %arg3[%dma_start3A_117, %add3A_39] : memref<26x16384xi32, #tpu.memory_space<hbm>> -> memref<26x128xi32, #tpu.memory_space<hbm>>
      %dma_start3A_119 = arith.constant 0 : i32
      %dma_start3A_120 = tpu.memref_slice %arg3[%dma_start3A_119, %add3A_39] : memref<26x16384xi32, #tpu.memory_space<hbm>> -> memref<26x128xi32, #tpu.memory_space<hbm>>
      tpu.enqueue_dma source(%dma_start3A_120 : memref<26x128xi32, #tpu.memory_space<hbm>>) target(%arg9 : memref<26x128xi32, #tpu.memory_space<vmem>>) target_semaphore(%run_scoped3A : memref<!tpu.dma_semaphore, #tpu.memory_space<semaphore_mem>>)
      %dma_wait3A_121 = arith.constant 0 : i32
      %dma_wait3A_122 = tpu.memref_slice %arg3[%dma_wait3A_121, %add3A_39] : memref<26x16384xi32, #tpu.memory_space<hbm>> -> memref<26x128xi32, #tpu.memory_space<hbm>>
      %dma_wait3A_123 = arith.constant 0 : i32
      %dma_wait3A_124 = tpu.memref_slice %arg3[%dma_wait3A_123, %add3A_39] : memref<26x16384xi32, #tpu.memory_space<hbm>> -> memref<26x128xi32, #tpu.memory_space<hbm>>
      tpu.wait_dma2 semaphore(%run_scoped3A : memref<!tpu.dma_semaphore, #tpu.memory_space<semaphore_mem>>) src(%dma_wait3A_124 : memref<26x128xi32, #tpu.memory_space<hbm>>) dst(%arg9 : memref<26x128xi32, #tpu.memory_space<vmem>>)
      tpu.yield
    }) : () -> ()
    %scan3A_40 = arith.constant 0 : i32
    %scan3A_41 = arith.constant 0 : i32
    %scan3A_42 = arith.constant 128 : i32
    %scan3A_43 = arith.addi %scan3A_41, %scan3A_42 : i32
    %scan3A_44 = arith.constant 1 : i32
    scf.for %scan3A_117 = %scan3A_41 to %scan3A_43 step %scan3A_44  : i32 {
      %broadcast_in_dim3A = vector.broadcast %scan3A_117 : i32 to vector<16xi32>
      %add3A_118 = arith.constant 384 : i32
      %add3A_119 = arith.addi %add3A_118, %scan3A_117 : i32
      %mul3A_120 = arith.constant 26 : i32
      %mul3A_121 = arith.muli %add3A_119, %mul3A_120 : i32
      %gather3A = tpu.vector_load_idx %arg9[%iota3A, %broadcast_in_dim3A] : memref<26x128xi32, #tpu.memory_space<vmem>>[vector<16xi32>, vector<16xi32>], vector<16xi32>,
      %lt3A = arith.constant 516096 : i32
      %lt3A_122 = vector.broadcast %lt3A : i32 to vector<16xi32>
      %lt3A_123 = arith.cmpi slt, %gather3A, %lt3A_122 : vector<16xi32>
      %mul3A_124 = arith.constant 2 : i32
      %mul3A_125 = vector.broadcast %mul3A_124 : i32 to vector<16xi32>
      %mul3A_126 = arith.muli %gather3A, %mul3A_125 : vector<16xi32>
      %mul3A_127 = arith.constant 2 : i32
      %mul3A_128 = vector.broadcast %mul3A_127 : i32 to vector<16xi32>
      %mul3A_129 = arith.muli %gather3A, %mul3A_128 : vector<16xi32>
      %sub3A = arith.constant 1032191 : i32
      %sub3A_130 = vector.broadcast %sub3A : i32 to vector<16xi32>
      %sub3A_131 = arith.subi %mul3A_129, %sub3A_130 : vector<16xi32>
      %select_n3A = arith.select %lt3A_123, %mul3A_126, %sub3A_131 : vector<16xi1>, vector<16xi32>
      %swap3A = arith.index_cast %mul3A_121 : i32 to index
      %swap3A_132 = tpu.vector_load %arg10[%swap3A] {strides = array<i32>} : memref<13320xi32, #tpu.memory_space<vmem>>, vector<16xi32>,
      tpu.vector_store %arg10[%swap3A], %select_n3A {strides = array<i32>} : memref<13320xi32, #tpu.memory_space<vmem>>, vector<16xi32>,
      %gather3A_133 = tpu.vector_load_idx %arg9[%min3A_14, %broadcast_in_dim3A] : memref<26x128xi32, #tpu.memory_space<vmem>>[vector<16xi32>, vector<16xi32>], vector<16xi32>,
      %lt3A_134 = arith.constant 516096 : i32
      %lt3A_135 = vector.broadcast %lt3A_134 : i32 to vector<16xi32>
      %lt3A_136 = arith.cmpi slt, %gather3A_133, %lt3A_135 : vector<16xi32>
      %mul3A_137 = arith.constant 2 : i32
      %mul3A_138 = vector.broadcast %mul3A_137 : i32 to vector<16xi32>
      %mul3A_139 = arith.muli %gather3A_133, %mul3A_138 : vector<16xi32>
      %mul3A_140 = arith.constant 2 : i32
      %mul3A_141 = vector.broadcast %mul3A_140 : i32 to vector<16xi32>
      %mul3A_142 = arith.muli %gather3A_133, %mul3A_141 : vector<16xi32>
      %sub3A_143 = arith.constant 1032191 : i32
      %sub3A_144 = vector.broadcast %sub3A_143 : i32 to vector<16xi32>
      %sub3A_145 = arith.subi %mul3A_142, %sub3A_144 : vector<16xi32>
      %select_n3A_146 = arith.select %lt3A_136, %mul3A_139, %sub3A_145 : vector<16xi1>, vector<16xi32>
      %add3A_147 = arith.constant 16 : i32
      %add3A_148 = arith.addi %mul3A_121, %add3A_147 : i32
      %swap3A_149 = arith.index_cast %add3A_148 : i32 to index
      %swap3A_150 = tpu.vector_load %arg10[%swap3A_149] {strides = array<i32>} : memref<13320xi32, #tpu.memory_space<vmem>>, vector<16xi32>,
      tpu.vector_store %arg10[%swap3A_149], %select_n3A_146 {strides = array<i32>} : memref<13320xi32, #tpu.memory_space<vmem>>, vector<16xi32>,
    }
    %scan3A_45 = arith.constant 128 : i32
    %dma_start3A = arith.constant 0 : i32
    %dma_start3A_46 = tpu.memref_slice %arg8[%add3A, %dma_start3A] : memref<32x13320xi32, #tpu.memory_space<hbm>> -> memref<1x13320xi32, #tpu.memory_space<hbm>>
    %dma_start3A_47 = tpu.memref_squeeze %dma_start3A_46 : memref<1x13320xi32, #tpu.memory_space<hbm>> -> memref<13320xi32, #tpu.memory_space<hbm>>
    %dma_start3A_48 = arith.constant 0 : i32
    %dma_start3A_49 = tpu.memref_slice %arg8[%add3A, %dma_start3A_48] : memref<32x13320xi32, #tpu.memory_space<hbm>> -> memref<1x13320xi32, #tpu.memory_space<hbm>>
    %dma_start3A_50 = tpu.memref_squeeze %dma_start3A_49 : memref<1x13320xi32, #tpu.memory_space<hbm>> -> memref<13320xi32, #tpu.memory_space<hbm>>
    tpu.enqueue_dma source(%arg10 : memref<13320xi32, #tpu.memory_space<vmem>>) target(%dma_start3A_50 : memref<13320xi32, #tpu.memory_space<hbm>>) target_semaphore(%arg19 : memref<!tpu.dma_semaphore, #tpu.memory_space<semaphore_mem>>)
    %dma_wait3A = arith.constant 0 : i32
    %dma_wait3A_51 = tpu.memref_slice %arg8[%add3A, %dma_wait3A] : memref<32x13320xi32, #tpu.memory_space<hbm>> -> memref<1x13320xi32, #tpu.memory_space<hbm>>
    %dma_wait3A_52 = tpu.memref_squeeze %dma_wait3A_51 : memref<1x13320xi32, #tpu.memory_space<hbm>> -> memref<13320xi32, #tpu.memory_space<hbm>>
    %dma_wait3A_53 = arith.constant 0 : i32
    %dma_wait3A_54 = tpu.memref_slice %arg8[%add3A, %dma_wait3A_53] : memref<32x13320xi32, #tpu.memory_space<hbm>> -> memref<1x13320xi32, #tpu.memory_space<hbm>>
    %dma_wait3A_55 = tpu.memref_squeeze %dma_wait3A_54 : memref<1x13320xi32, #tpu.memory_space<hbm>> -> memref<13320xi32, #tpu.memory_space<hbm>>
    tpu.wait_dma2 semaphore(%arg19 : memref<!tpu.dma_semaphore, #tpu.memory_space<semaphore_mem>>) src(%arg10 : memref<13320xi32, #tpu.memory_space<vmem>>) dst(%dma_wait3A_55 : memref<13320xi32, #tpu.memory_space<hbm>>)
    %add3A_56 = arith.constant 16 : i32
    %add3A_57 = vector.broadcast %add3A_56 : i32 to vector<16xi32>
    %add3A_58 = arith.addi %iota3A, %add3A_57 : vector<16xi32>
    %min3A_59 = arith.constant 25 : i32
    %min3A_60 = vector.broadcast %min3A_59 : i32 to vector<16xi32>
    %min3A_61 = arith.minsi %add3A_58, %min3A_60 : vector<16xi32>
    %add3A_62 = arith.constant 0 : i32
    %add3A_63 = arith.addi %mul3A_2, %add3A_62 : i32
    "tpu.region"() ({
      %run_scoped3A = tpu.sem_alloc : memref<!tpu.dma_semaphore, #tpu.memory_space<semaphore_mem>>
      %dma_start3A_117 = arith.constant 0 : i32
      %dma_start3A_118 = tpu.memref_slice %arg2[%dma_start3A_117, %add3A_63] : memref<26x16384xi32, #tpu.memory_space<hbm>> -> memref<26x128xi32, #tpu.memory_space<hbm>>
      %dma_start3A_119 = arith.constant 0 : i32
      %dma_start3A_120 = tpu.memref_slice %arg2[%dma_start3A_119, %add3A_63] : memref<26x16384xi32, #tpu.memory_space<hbm>> -> memref<26x128xi32, #tpu.memory_space<hbm>>
      tpu.enqueue_dma source(%dma_start3A_120 : memref<26x128xi32, #tpu.memory_space<hbm>>) target(%arg9 : memref<26x128xi32, #tpu.memory_space<vmem>>) target_semaphore(%run_scoped3A : memref<!tpu.dma_semaphore, #tpu.memory_space<semaphore_mem>>)
      %dma_wait3A_121 = arith.constant 0 : i32
      %dma_wait3A_122 = tpu.memref_slice %arg2[%dma_wait3A_121, %add3A_63] : memref<26x16384xi32, #tpu.memory_space<hbm>> -> memref<26x128xi32, #tpu.memory_space<hbm>>
      %dma_wait3A_123 = arith.constant 0 : i32
      %dma_wait3A_124 = tpu.memref_slice %arg2[%dma_wait3A_123, %add3A_63] : memref<26x16384xi32, #tpu.memory_space<hbm>> -> memref<26x128xi32, #tpu.memory_space<hbm>>
      tpu.wait_dma2 semaphore(%run_scoped3A : memref<!tpu.dma_semaphore, #tpu.memory_space<semaphore_mem>>) src(%dma_wait3A_124 : memref<26x128xi32, #tpu.memory_space<hbm>>) dst(%arg9 : memref<26x128xi32, #tpu.memory_space<vmem>>)
      tpu.yield
    }) : () -> ()
    %scan3A_64 = arith.constant 0 : i32
    %scan3A_65 = arith.constant 0 : i32
    %scan3A_66 = arith.constant 128 : i32
    %scan3A_67 = arith.addi %scan3A_65, %scan3A_66 : i32
    %scan3A_68 = arith.constant 1 : i32
    scf.for %scan3A_117 = %scan3A_65 to %scan3A_67 step %scan3A_68  : i32 {
      %broadcast_in_dim3A = vector.broadcast %scan3A_117 : i32 to vector<16xi32>
      %add3A_118 = arith.constant 0 : i32
      %add3A_119 = arith.addi %add3A_118, %scan3A_117 : i32
      %mul3A_120 = arith.constant 26 : i32
      %mul3A_121 = arith.muli %add3A_119, %mul3A_120 : i32
      %gather3A = tpu.vector_load_idx %arg9[%iota3A, %broadcast_in_dim3A] : memref<26x128xi32, #tpu.memory_space<vmem>>[vector<16xi32>, vector<16xi32>], vector<16xi32>,
      %lt3A = arith.constant 516096 : i32
      %lt3A_122 = vector.broadcast %lt3A : i32 to vector<16xi32>
      %lt3A_123 = arith.cmpi slt, %gather3A, %lt3A_122 : vector<16xi32>
      %mul3A_124 = arith.constant 2 : i32
      %mul3A_125 = vector.broadcast %mul3A_124 : i32 to vector<16xi32>
      %mul3A_126 = arith.muli %gather3A, %mul3A_125 : vector<16xi32>
      %mul3A_127 = arith.constant 2 : i32
      %mul3A_128 = vector.broadcast %mul3A_127 : i32 to vector<16xi32>
      %mul3A_129 = arith.muli %gather3A, %mul3A_128 : vector<16xi32>
      %sub3A = arith.constant 1032191 : i32
      %sub3A_130 = vector.broadcast %sub3A : i32 to vector<16xi32>
      %sub3A_131 = arith.subi %mul3A_129, %sub3A_130 : vector<16xi32>
      %select_n3A = arith.select %lt3A_123, %mul3A_126, %sub3A_131 : vector<16xi1>, vector<16xi32>
      %swap3A = arith.index_cast %mul3A_121 : i32 to index
      %swap3A_132 = tpu.vector_load %arg10[%swap3A] {strides = array<i32>} : memref<13320xi32, #tpu.memory_space<vmem>>, vector<16xi32>,
      tpu.vector_store %arg10[%swap3A], %select_n3A {strides = array<i32>} : memref<13320xi32, #tpu.memory_space<vmem>>, vector<16xi32>,
      %gather3A_133 = tpu.vector_load_idx %arg9[%min3A_61, %broadcast_in_dim3A] : memref<26x128xi32, #tpu.memory_space<vmem>>[vector<16xi32>, vector<16xi32>], vector<16xi32>,
      %lt3A_134 = arith.constant 516096 : i32
      %lt3A_135 = vector.broadcast %lt3A_134 : i32 to vector<16xi32>
      %lt3A_136 = arith.cmpi slt, %gather3A_133, %lt3A_135 : vector<16xi32>
      %mul3A_137 = arith.constant 2 : i32
      %mul3A_138 = vector.broadcast %mul3A_137 : i32 to vector<16xi32>
      %mul3A_139 = arith.muli %gather3A_133, %mul3A_138 : vector<16xi32>
      %mul3A_140 = arith.constant 2 : i32
      %mul3A_141 = vector.broadcast %mul3A_140 : i32 to vector<16xi32>
      %mul3A_142 = arith.muli %gather3A_133, %mul3A_141 : vector<16xi32>
      %sub3A_143 = arith.constant 1032191 : i32
      %sub3A_144 = vector.broadcast %sub3A_143 : i32 to vector<16xi32>
      %sub3A_145 = arith.subi %mul3A_142, %sub3A_144 : vector<16xi32>
      %select_n3A_146 = arith.select %lt3A_136, %mul3A_139, %sub3A_145 : vector<16xi1>, vector<16xi32>
      %add3A_147 = arith.constant 16 : i32
      %add3A_148 = arith.addi %mul3A_121, %add3A_147 : i32
      %swap3A_149 = arith.index_cast %add3A_148 : i32 to index
      %swap3A_150 = tpu.vector_load %arg10[%swap3A_149] {strides = array<i32>} : memref<13320xi32, #tpu.memory_space<vmem>>, vector<16xi32>,
      tpu.vector_store %arg10[%swap3A_149], %select_n3A_146 {strides = array<i32>} : memref<13320xi32, #tpu.memory_space<vmem>>, vector<16xi32>,
    }
    %scan3A_69 = arith.constant 128 : i32
    %add3A_70 = arith.constant 128 : i32
    %add3A_71 = arith.addi %mul3A_2, %add3A_70 : i32
    "tpu.region"() ({
      %run_scoped3A = tpu.sem_alloc : memref<!tpu.dma_semaphore, #tpu.memory_space<semaphore_mem>>
      %dma_start3A_117 = arith.constant 0 : i32
      %dma_start3A_118 = tpu.memref_slice %arg2[%dma_start3A_117, %add3A_71] : memref<26x16384xi32, #tpu.memory_space<hbm>> -> memref<26x128xi32, #tpu.memory_space<hbm>>
      %dma_start3A_119 = arith.constant 0 : i32
      %dma_start3A_120 = tpu.memref_slice %arg2[%dma_start3A_119, %add3A_71] : memref<26x16384xi32, #tpu.memory_space<hbm>> -> memref<26x128xi32, #tpu.memory_space<hbm>>
      tpu.enqueue_dma source(%dma_start3A_120 : memref<26x128xi32, #tpu.memory_space<hbm>>) target(%arg9 : memref<26x128xi32, #tpu.memory_space<vmem>>) target_semaphore(%run_scoped3A : memref<!tpu.dma_semaphore, #tpu.memory_space<semaphore_mem>>)
      %dma_wait3A_121 = arith.constant 0 : i32
      %dma_wait3A_122 = tpu.memref_slice %arg2[%dma_wait3A_121, %add3A_71] : memref<26x16384xi32, #tpu.memory_space<hbm>> -> memref<26x128xi32, #tpu.memory_space<hbm>>
      %dma_wait3A_123 = arith.constant 0 : i32
      %dma_wait3A_124 = tpu.memref_slice %arg2[%dma_wait3A_123, %add3A_71] : memref<26x16384xi32, #tpu.memory_space<hbm>> -> memref<26x128xi32, #tpu.memory_space<hbm>>
      tpu.wait_dma2 semaphore(%run_scoped3A : memref<!tpu.dma_semaphore, #tpu.memory_space<semaphore_mem>>) src(%dma_wait3A_124 : memref<26x128xi32, #tpu.memory_space<hbm>>) dst(%arg9 : memref<26x128xi32, #tpu.memory_space<vmem>>)
      tpu.yield
    }) : () -> ()
    %scan3A_72 = arith.constant 0 : i32
    %scan3A_73 = arith.constant 0 : i32
    %scan3A_74 = arith.constant 128 : i32
    %scan3A_75 = arith.addi %scan3A_73, %scan3A_74 : i32
    %scan3A_76 = arith.constant 1 : i32
    scf.for %scan3A_117 = %scan3A_73 to %scan3A_75 step %scan3A_76  : i32 {
      %broadcast_in_dim3A = vector.broadcast %scan3A_117 : i32 to vector<16xi32>
      %add3A_118 = arith.constant 128 : i32
      %add3A_119 = arith.addi %add3A_118, %scan3A_117 : i32
      %mul3A_120 = arith.constant 26 : i32
      %mul3A_121 = arith.muli %add3A_119, %mul3A_120 : i32
      %gather3A = tpu.vector_load_idx %arg9[%iota3A, %broadcast_in_dim3A] : memref<26x128xi32, #tpu.memory_space<vmem>>[vector<16xi32>, vector<16xi32>], vector<16xi32>,
      %lt3A = arith.constant 516096 : i32
      %lt3A_122 = vector.broadcast %lt3A : i32 to vector<16xi32>
      %lt3A_123 = arith.cmpi slt, %gather3A, %lt3A_122 : vector<16xi32>
      %mul3A_124 = arith.constant 2 : i32
      %mul3A_125 = vector.broadcast %mul3A_124 : i32 to vector<16xi32>
      %mul3A_126 = arith.muli %gather3A, %mul3A_125 : vector<16xi32>
      %mul3A_127 = arith.constant 2 : i32
      %mul3A_128 = vector.broadcast %mul3A_127 : i32 to vector<16xi32>
      %mul3A_129 = arith.muli %gather3A, %mul3A_128 : vector<16xi32>
      %sub3A = arith.constant 1032191 : i32
      %sub3A_130 = vector.broadcast %sub3A : i32 to vector<16xi32>
      %sub3A_131 = arith.subi %mul3A_129, %sub3A_130 : vector<16xi32>
      %select_n3A = arith.select %lt3A_123, %mul3A_126, %sub3A_131 : vector<16xi1>, vector<16xi32>
      %swap3A = arith.index_cast %mul3A_121 : i32 to index
      %swap3A_132 = tpu.vector_load %arg10[%swap3A] {strides = array<i32>} : memref<13320xi32, #tpu.memory_space<vmem>>, vector<16xi32>,
      tpu.vector_store %arg10[%swap3A], %select_n3A {strides = array<i32>} : memref<13320xi32, #tpu.memory_space<vmem>>, vector<16xi32>,
      %gather3A_133 = tpu.vector_load_idx %arg9[%min3A_61, %broadcast_in_dim3A] : memref<26x128xi32, #tpu.memory_space<vmem>>[vector<16xi32>, vector<16xi32>], vector<16xi32>,
      %lt3A_134 = arith.constant 516096 : i32
      %lt3A_135 = vector.broadcast %lt3A_134 : i32 to vector<16xi32>
      %lt3A_136 = arith.cmpi slt, %gather3A_133, %lt3A_135 : vector<16xi32>
      %mul3A_137 = arith.constant 2 : i32
      %mul3A_138 = vector.broadcast %mul3A_137 : i32 to vector<16xi32>
      %mul3A_139 = arith.muli %gather3A_133, %mul3A_138 : vector<16xi32>
      %mul3A_140 = arith.constant 2 : i32
      %mul3A_141 = vector.broadcast %mul3A_140 : i32 to vector<16xi32>
      %mul3A_142 = arith.muli %gather3A_133, %mul3A_141 : vector<16xi32>
      %sub3A_143 = arith.constant 1032191 : i32
      %sub3A_144 = vector.broadcast %sub3A_143 : i32 to vector<16xi32>
      %sub3A_145 = arith.subi %mul3A_142, %sub3A_144 : vector<16xi32>
      %select_n3A_146 = arith.select %lt3A_136, %mul3A_139, %sub3A_145 : vector<16xi1>, vector<16xi32>
      %add3A_147 = arith.constant 16 : i32
      %add3A_148 = arith.addi %mul3A_121, %add3A_147 : i32
      %swap3A_149 = arith.index_cast %add3A_148 : i32 to index
      %swap3A_150 = tpu.vector_load %arg10[%swap3A_149] {strides = array<i32>} : memref<13320xi32, #tpu.memory_space<vmem>>, vector<16xi32>,
      tpu.vector_store %arg10[%swap3A_149], %select_n3A_146 {strides = array<i32>} : memref<13320xi32, #tpu.memory_space<vmem>>, vector<16xi32>,
    }
    %scan3A_77 = arith.constant 128 : i32
    %add3A_78 = arith.constant 256 : i32
    %add3A_79 = arith.addi %mul3A_2, %add3A_78 : i32
    "tpu.region"() ({
      %run_scoped3A = tpu.sem_alloc : memref<!tpu.dma_semaphore, #tpu.memory_space<semaphore_mem>>
      %dma_start3A_117 = arith.constant 0 : i32
      %dma_start3A_118 = tpu.memref_slice %arg2[%dma_start3A_117, %add3A_79] : memref<26x16384xi32, #tpu.memory_space<hbm>> -> memref<26x128xi32, #tpu.memory_space<hbm>>
      %dma_start3A_119 = arith.constant 0 : i32
      %dma_start3A_120 = tpu.memref_slice %arg2[%dma_start3A_119, %add3A_79] : memref<26x16384xi32, #tpu.memory_space<hbm>> -> memref<26x128xi32, #tpu.memory_space<hbm>>
      tpu.enqueue_dma source(%dma_start3A_120 : memref<26x128xi32, #tpu.memory_space<hbm>>) target(%arg9 : memref<26x128xi32, #tpu.memory_space<vmem>>) target_semaphore(%run_scoped3A : memref<!tpu.dma_semaphore, #tpu.memory_space<semaphore_mem>>)
      %dma_wait3A_121 = arith.constant 0 : i32
      %dma_wait3A_122 = tpu.memref_slice %arg2[%dma_wait3A_121, %add3A_79] : memref<26x16384xi32, #tpu.memory_space<hbm>> -> memref<26x128xi32, #tpu.memory_space<hbm>>
      %dma_wait3A_123 = arith.constant 0 : i32
      %dma_wait3A_124 = tpu.memref_slice %arg2[%dma_wait3A_123, %add3A_79] : memref<26x16384xi32, #tpu.memory_space<hbm>> -> memref<26x128xi32, #tpu.memory_space<hbm>>
      tpu.wait_dma2 semaphore(%run_scoped3A : memref<!tpu.dma_semaphore, #tpu.memory_space<semaphore_mem>>) src(%dma_wait3A_124 : memref<26x128xi32, #tpu.memory_space<hbm>>) dst(%arg9 : memref<26x128xi32, #tpu.memory_space<vmem>>)
      tpu.yield
    }) : () -> ()
    %scan3A_80 = arith.constant 0 : i32
    %scan3A_81 = arith.constant 0 : i32
    %scan3A_82 = arith.constant 128 : i32
    %scan3A_83 = arith.addi %scan3A_81, %scan3A_82 : i32
    %scan3A_84 = arith.constant 1 : i32
    scf.for %scan3A_117 = %scan3A_81 to %scan3A_83 step %scan3A_84  : i32 {
      %broadcast_in_dim3A = vector.broadcast %scan3A_117 : i32 to vector<16xi32>
      %add3A_118 = arith.constant 256 : i32
      %add3A_119 = arith.addi %add3A_118, %scan3A_117 : i32
      %mul3A_120 = arith.constant 26 : i32
      %mul3A_121 = arith.muli %add3A_119, %mul3A_120 : i32
      %gather3A = tpu.vector_load_idx %arg9[%iota3A, %broadcast_in_dim3A] : memref<26x128xi32, #tpu.memory_space<vmem>>[vector<16xi32>, vector<16xi32>], vector<16xi32>,
      %lt3A = arith.constant 516096 : i32
      %lt3A_122 = vector.broadcast %lt3A : i32 to vector<16xi32>
      %lt3A_123 = arith.cmpi slt, %gather3A, %lt3A_122 : vector<16xi32>
      %mul3A_124 = arith.constant 2 : i32
      %mul3A_125 = vector.broadcast %mul3A_124 : i32 to vector<16xi32>
      %mul3A_126 = arith.muli %gather3A, %mul3A_125 : vector<16xi32>
      %mul3A_127 = arith.constant 2 : i32
      %mul3A_128 = vector.broadcast %mul3A_127 : i32 to vector<16xi32>
      %mul3A_129 = arith.muli %gather3A, %mul3A_128 : vector<16xi32>
      %sub3A = arith.constant 1032191 : i32
      %sub3A_130 = vector.broadcast %sub3A : i32 to vector<16xi32>
      %sub3A_131 = arith.subi %mul3A_129, %sub3A_130 : vector<16xi32>
      %select_n3A = arith.select %lt3A_123, %mul3A_126, %sub3A_131 : vector<16xi1>, vector<16xi32>
      %swap3A = arith.index_cast %mul3A_121 : i32 to index
      %swap3A_132 = tpu.vector_load %arg10[%swap3A] {strides = array<i32>} : memref<13320xi32, #tpu.memory_space<vmem>>, vector<16xi32>,
      tpu.vector_store %arg10[%swap3A], %select_n3A {strides = array<i32>} : memref<13320xi32, #tpu.memory_space<vmem>>, vector<16xi32>,
      %gather3A_133 = tpu.vector_load_idx %arg9[%min3A_61, %broadcast_in_dim3A] : memref<26x128xi32, #tpu.memory_space<vmem>>[vector<16xi32>, vector<16xi32>], vector<16xi32>,
      %lt3A_134 = arith.constant 516096 : i32
      %lt3A_135 = vector.broadcast %lt3A_134 : i32 to vector<16xi32>
      %lt3A_136 = arith.cmpi slt, %gather3A_133, %lt3A_135 : vector<16xi32>
      %mul3A_137 = arith.constant 2 : i32
      %mul3A_138 = vector.broadcast %mul3A_137 : i32 to vector<16xi32>
      %mul3A_139 = arith.muli %gather3A_133, %mul3A_138 : vector<16xi32>
      %mul3A_140 = arith.constant 2 : i32
      %mul3A_141 = vector.broadcast %mul3A_140 : i32 to vector<16xi32>
      %mul3A_142 = arith.muli %gather3A_133, %mul3A_141 : vector<16xi32>
      %sub3A_143 = arith.constant 1032191 : i32
      %sub3A_144 = vector.broadcast %sub3A_143 : i32 to vector<16xi32>
      %sub3A_145 = arith.subi %mul3A_142, %sub3A_144 : vector<16xi32>
      %select_n3A_146 = arith.select %lt3A_136, %mul3A_139, %sub3A_145 : vector<16xi1>, vector<16xi32>
      %add3A_147 = arith.constant 16 : i32
      %add3A_148 = arith.addi %mul3A_121, %add3A_147 : i32
      %swap3A_149 = arith.index_cast %add3A_148 : i32 to index
      %swap3A_150 = tpu.vector_load %arg10[%swap3A_149] {strides = array<i32>} : memref<13320xi32, #tpu.memory_space<vmem>>, vector<16xi32>,
      tpu.vector_store %arg10[%swap3A_149], %select_n3A_146 {strides = array<i32>} : memref<13320xi32, #tpu.memory_space<vmem>>, vector<16xi32>,
    }
    %scan3A_85 = arith.constant 128 : i32
    %add3A_86 = arith.constant 384 : i32
    %add3A_87 = arith.addi %mul3A_2, %add3A_86 : i32
    "tpu.region"() ({
      %run_scoped3A = tpu.sem_alloc : memref<!tpu.dma_semaphore, #tpu.memory_space<semaphore_mem>>
      %dma_start3A_117 = arith.constant 0 : i32
      %dma_start3A_118 = tpu.memref_slice %arg2[%dma_start3A_117, %add3A_87] : memref<26x16384xi32, #tpu.memory_space<hbm>> -> memref<26x128xi32, #tpu.memory_space<hbm>>
      %dma_start3A_119 = arith.constant 0 : i32
      %dma_start3A_120 = tpu.memref_slice %arg2[%dma_start3A_119, %add3A_87] : memref<26x16384xi32, #tpu.memory_space<hbm>> -> memref<26x128xi32, #tpu.memory_space<hbm>>
      tpu.enqueue_dma source(%dma_start3A_120 : memref<26x128xi32, #tpu.memory_space<hbm>>) target(%arg9 : memref<26x128xi32, #tpu.memory_space<vmem>>) target_semaphore(%run_scoped3A : memref<!tpu.dma_semaphore, #tpu.memory_space<semaphore_mem>>)
      %dma_wait3A_121 = arith.constant 0 : i32
      %dma_wait3A_122 = tpu.memref_slice %arg2[%dma_wait3A_121, %add3A_87] : memref<26x16384xi32, #tpu.memory_space<hbm>> -> memref<26x128xi32, #tpu.memory_space<hbm>>
      %dma_wait3A_123 = arith.constant 0 : i32
      %dma_wait3A_124 = tpu.memref_slice %arg2[%dma_wait3A_123, %add3A_87] : memref<26x16384xi32, #tpu.memory_space<hbm>> -> memref<26x128xi32, #tpu.memory_space<hbm>>
      tpu.wait_dma2 semaphore(%run_scoped3A : memref<!tpu.dma_semaphore, #tpu.memory_space<semaphore_mem>>) src(%dma_wait3A_124 : memref<26x128xi32, #tpu.memory_space<hbm>>) dst(%arg9 : memref<26x128xi32, #tpu.memory_space<vmem>>)
      tpu.yield
    }) : () -> ()
    %scan3A_88 = arith.constant 0 : i32
    %scan3A_89 = arith.constant 0 : i32
    %scan3A_90 = arith.constant 128 : i32
    %scan3A_91 = arith.addi %scan3A_89, %scan3A_90 : i32
    %scan3A_92 = arith.constant 1 : i32
    scf.for %scan3A_117 = %scan3A_89 to %scan3A_91 step %scan3A_92  : i32 {
      %broadcast_in_dim3A = vector.broadcast %scan3A_117 : i32 to vector<16xi32>
      %add3A_118 = arith.constant 384 : i32
      %add3A_119 = arith.addi %add3A_118, %scan3A_117 : i32
      %mul3A_120 = arith.constant 26 : i32
      %mul3A_121 = arith.muli %add3A_119, %mul3A_120 : i32
      %gather3A = tpu.vector_load_idx %arg9[%iota3A, %broadcast_in_dim3A] : memref<26x128xi32, #tpu.memory_space<vmem>>[vector<16xi32>, vector<16xi32>], vector<16xi32>,
      %lt3A = arith.constant 516096 : i32
      %lt3A_122 = vector.broadcast %lt3A : i32 to vector<16xi32>
      %lt3A_123 = arith.cmpi slt, %gather3A, %lt3A_122 : vector<16xi32>
      %mul3A_124 = arith.constant 2 : i32
      %mul3A_125 = vector.broadcast %mul3A_124 : i32 to vector<16xi32>
      %mul3A_126 = arith.muli %gather3A, %mul3A_125 : vector<16xi32>
      %mul3A_127 = arith.constant 2 : i32
      %mul3A_128 = vector.broadcast %mul3A_127 : i32 to vector<16xi32>
      %mul3A_129 = arith.muli %gather3A, %mul3A_128 : vector<16xi32>
      %sub3A = arith.constant 1032191 : i32
      %sub3A_130 = vector.broadcast %sub3A : i32 to vector<16xi32>
      %sub3A_131 = arith.subi %mul3A_129, %sub3A_130 : vector<16xi32>
      %select_n3A = arith.select %lt3A_123, %mul3A_126, %sub3A_131 : vector<16xi1>, vector<16xi32>
      %swap3A = arith.index_cast %mul3A_121 : i32 to index
      %swap3A_132 = tpu.vector_load %arg10[%swap3A] {strides = array<i32>} : memref<13320xi32, #tpu.memory_space<vmem>>, vector<16xi32>,
      tpu.vector_store %arg10[%swap3A], %select_n3A {strides = array<i32>} : memref<13320xi32, #tpu.memory_space<vmem>>, vector<16xi32>,
      %gather3A_133 = tpu.vector_load_idx %arg9[%min3A_61, %broadcast_in_dim3A] : memref<26x128xi32, #tpu.memory_space<vmem>>[vector<16xi32>, vector<16xi32>], vector<16xi32>,
      %lt3A_134 = arith.constant 516096 : i32
      %lt3A_135 = vector.broadcast %lt3A_134 : i32 to vector<16xi32>
      %lt3A_136 = arith.cmpi slt, %gather3A_133, %lt3A_135 : vector<16xi32>
      %mul3A_137 = arith.constant 2 : i32
      %mul3A_138 = vector.broadcast %mul3A_137 : i32 to vector<16xi32>
      %mul3A_139 = arith.muli %gather3A_133, %mul3A_138 : vector<16xi32>
      %mul3A_140 = arith.constant 2 : i32
      %mul3A_141 = vector.broadcast %mul3A_140 : i32 to vector<16xi32>
      %mul3A_142 = arith.muli %gather3A_133, %mul3A_141 : vector<16xi32>
      %sub3A_143 = arith.constant 1032191 : i32
      %sub3A_144 = vector.broadcast %sub3A_143 : i32 to vector<16xi32>
      %sub3A_145 = arith.subi %mul3A_142, %sub3A_144 : vector<16xi32>
      %select_n3A_146 = arith.select %lt3A_136, %mul3A_139, %sub3A_145 : vector<16xi1>, vector<16xi32>
      %add3A_147 = arith.constant 16 : i32
      %add3A_148 = arith.addi %mul3A_121, %add3A_147 : i32
      %swap3A_149 = arith.index_cast %add3A_148 : i32 to index
      %swap3A_150 = tpu.vector_load %arg10[%swap3A_149] {strides = array<i32>} : memref<13320xi32, #tpu.memory_space<vmem>>, vector<16xi32>,
      tpu.vector_store %arg10[%swap3A_149], %select_n3A_146 {strides = array<i32>} : memref<13320xi32, #tpu.memory_space<vmem>>, vector<16xi32>,
    }
    %scan3A_93 = arith.constant 128 : i32
    %dma_start3A_94 = arith.constant 0 : i32
    %dma_start3A_95 = tpu.memref_slice %arg10[%dma_start3A_94] : memref<13320xi32, #tpu.memory_space<vmem>> -> memref<416xi32, #tpu.memory_space<vmem>>
    %dma_start3A_96 = arith.constant 0 : i32
    %dma_start3A_97 = arith.constant 0 : i32
    %dma_start3A_98 = tpu.memref_slice %arg4[%dma_start3A_96, %dma_start3A_97] : memref<1032192x64xf32, #tpu.memory_space<hbm>> -> memref<1032192x64xf32, #tpu.memory_space<hbm>>
    tpu.enqueue_indirect_dma source(%dma_start3A_98 : memref<1032192x64xf32, #tpu.memory_space<hbm>>) target(%arg11 : memref<416x64xf32, #tpu.memory_space<vmem>>) offsets(%dma_start3A_95 : memref<416xi32, #tpu.memory_space<vmem>>) semaphore(%arg17 : memref<!tpu.dma_semaphore, #tpu.memory_space<semaphore_mem>>)
    %scan3A_99 = arith.constant 0 : i32
    %scan3A_100 = arith.constant 0 : i32
    %scan3A_101 = arith.constant 16 : i32
    %scan3A_102 = arith.addi %scan3A_100, %scan3A_101 : i32
    %scan3A_103 = arith.constant 1 : i32
    scf.for %scan3A_117 = %scan3A_100 to %scan3A_102 step %scan3A_103  : i32 {
      %mul3A_118 = arith.constant 2 : i32
      %mul3A_119 = arith.muli %scan3A_117, %mul3A_118 : i32
      %add3A_120 = arith.constant 0 : i32
      %add3A_121 = arith.addi %mul3A_119, %add3A_120 : i32
      %lt3A = arith.constant 31 : i32
      %lt3A_122 = arith.cmpi slt, %add3A_121, %lt3A : i32
      %convert_element_type3A = arith.extui %lt3A_122 : i1 to i32
      %cond3A = arith.constant 0 : i32
      %cond3A_123 = arith.cmpi ne, %convert_element_type3A, %cond3A : i32
      scf.if %cond3A_123 {
        %add3A_330 = arith.constant 1 : i32
        %add3A_331 = arith.addi %add3A_121, %add3A_330 : i32
        %mul3A_332 = arith.constant 416 : i32
        %mul3A_333 = arith.muli %add3A_331, %mul3A_332 : i32
        %dma_start3A_334 = tpu.memref_slice %arg10[%mul3A_333] : memref<13320xi32, #tpu.memory_space<vmem>> -> memref<416xi32, #tpu.memory_space<vmem>>
        %dma_start3A_335 = arith.constant 0 : i32
        %dma_start3A_336 = arith.constant 0 : i32
        %dma_start3A_337 = tpu.memref_slice %arg4[%dma_start3A_335, %dma_start3A_336] : memref<1032192x64xf32, #tpu.memory_space<hbm>> -> memref<1032192x64xf32, #tpu.memory_space<hbm>>
        tpu.enqueue_indirect_dma source(%dma_start3A_337 : memref<1032192x64xf32, #tpu.memory_space<hbm>>) target(%arg12 : memref<416x64xf32, #tpu.memory_space<vmem>>) offsets(%dma_start3A_334 : memref<416xi32, #tpu.memory_space<vmem>>) semaphore(%arg18 : memref<!tpu.dma_semaphore, #tpu.memory_space<semaphore_mem>>)
      } else {
      }
      %dma_wait3A_124 = arith.constant 0 : i32
      %dma_wait3A_125 = arith.constant 0 : i32
      %dma_wait3A_126 = tpu.memref_slice %arg4[%dma_wait3A_124, %dma_wait3A_125] : memref<1032192x64xf32, #tpu.memory_space<hbm>> -> memref<416x64xf32, #tpu.memory_space<hbm>>
      %dma_wait3A_127 = arith.constant 0 : i32
      %dma_wait3A_128 = arith.constant 0 : i32
      %dma_wait3A_129 = tpu.memref_slice %arg4[%dma_wait3A_127, %dma_wait3A_128] : memref<1032192x64xf32, #tpu.memory_space<hbm>> -> memref<416x64xf32, #tpu.memory_space<hbm>>
      tpu.wait_dma2 semaphore(%arg17 : memref<!tpu.dma_semaphore, #tpu.memory_space<semaphore_mem>>) src(%dma_wait3A_129 : memref<416x64xf32, #tpu.memory_space<hbm>>) dst(%arg11 : memref<416x64xf32, #tpu.memory_space<vmem>>)
      %scan3A_130 = arith.constant 0 : i32
      %scan3A_131 = arith.constant 0 : i32
      %scan3A_132 = arith.constant 16 : i32
      %scan3A_133 = arith.addi %scan3A_131, %scan3A_132 : i32
      %scan3A_134 = arith.constant 1 : i32
      scf.for %scan3A_330 = %scan3A_131 to %scan3A_133 step %scan3A_134  : i32 {
        %mul3A_331 = arith.constant 26 : i32
        %mul3A_332 = arith.muli %scan3A_330, %mul3A_331 : i32
        %broadcast_in_dim3A = arith.constant 0.000000e+00 : f32
        %broadcast_in_dim3A_333 = vector.broadcast %broadcast_in_dim3A : f32 to vector<16xf32>
        %broadcast_in_dim3A_334 = arith.constant 0.000000e+00 : f32
        %broadcast_in_dim3A_335 = vector.broadcast %broadcast_in_dim3A_334 : f32 to vector<16xf32>
        %broadcast_in_dim3A_336 = arith.constant 0.000000e+00 : f32
        %broadcast_in_dim3A_337 = vector.broadcast %broadcast_in_dim3A_336 : f32 to vector<16xf32>
        %broadcast_in_dim3A_338 = arith.constant 0.000000e+00 : f32
        %broadcast_in_dim3A_339 = vector.broadcast %broadcast_in_dim3A_338 : f32 to vector<16xf32>
        %broadcast_in_dim3A_340 = arith.constant 0.000000e+00 : f32
        %broadcast_in_dim3A_341 = vector.broadcast %broadcast_in_dim3A_340 : f32 to vector<16xf32>
        %broadcast_in_dim3A_342 = arith.constant 0.000000e+00 : f32
        %broadcast_in_dim3A_343 = vector.broadcast %broadcast_in_dim3A_342 : f32 to vector<16xf32>
        %broadcast_in_dim3A_344 = arith.constant 0.000000e+00 : f32
        %broadcast_in_dim3A_345 = vector.broadcast %broadcast_in_dim3A_344 : f32 to vector<16xf32>
        %broadcast_in_dim3A_346 = arith.constant 0.000000e+00 : f32
        %broadcast_in_dim3A_347 = vector.broadcast %broadcast_in_dim3A_346 : f32 to vector<16xf32>
        %add3A_348 = arith.constant 0 : i32
        %add3A_349 = arith.addi %mul3A_332, %add3A_348 : i32
        %get3A_350 = arith.index_cast %add3A_349 : i32 to index
        %get3A_351 = arith.constant 0 : index
        %get3A_352 = tpu.vector_load %arg11[%get3A_350, %get3A_351] {strides = array<i32>} : memref<416x64xf32, #tpu.memory_space<vmem>>, vector<16xf32>,
        %add3A_353 = arith.addf %broadcast_in_dim3A_333, %get3A_352 : vector<16xf32>
        %mul3A_354 = arith.mulf %get3A_352, %get3A_352 : vector<16xf32>
        %add3A_355 = arith.addf %broadcast_in_dim3A_341, %mul3A_354 : vector<16xf32>
        %add3A_356 = arith.constant 0 : i32
        %add3A_357 = arith.addi %mul3A_332, %add3A_356 : i32
        %get3A_358 = arith.index_cast %add3A_357 : i32 to index
        %get3A_359 = arith.constant 16 : index
        %get3A_360 = tpu.vector_load %arg11[%get3A_358, %get3A_359] {strides = array<i32>} : memref<416x64xf32, #tpu.memory_space<vmem>>, vector<16xf32>,
        %add3A_361 = arith.addf %broadcast_in_dim3A_335, %get3A_360 : vector<16xf32>
        %mul3A_362 = arith.mulf %get3A_360, %get3A_360 : vector<16xf32>
        %add3A_363 = arith.addf %broadcast_in_dim3A_343, %mul3A_362 : vector<16xf32>
        %add3A_364 = arith.constant 0 : i32
        %add3A_365 = arith.addi %mul3A_332, %add3A_364 : i32
        %get3A_366 = arith.index_cast %add3A_365 : i32 to index
        %get3A_367 = arith.constant 32 : index
        %get3A_368 = tpu.vector_load %arg11[%get3A_366, %get3A_367] {strides = array<i32>} : memref<416x64xf32, #tpu.memory_space<vmem>>, vector<16xf32>,
        %add3A_369 = arith.addf %broadcast_in_dim3A_337, %get3A_368 : vector<16xf32>
        %mul3A_370 = arith.mulf %get3A_368, %get3A_368 : vector<16xf32>
        %add3A_371 = arith.addf %broadcast_in_dim3A_345, %mul3A_370 : vector<16xf32>
        %add3A_372 = arith.constant 0 : i32
        %add3A_373 = arith.addi %mul3A_332, %add3A_372 : i32
        %get3A_374 = arith.index_cast %add3A_373 : i32 to index
        %get3A_375 = arith.constant 48 : index
        %get3A_376 = tpu.vector_load %arg11[%get3A_374, %get3A_375] {strides = array<i32>} : memref<416x64xf32, #tpu.memory_space<vmem>>, vector<16xf32>,
        %add3A_377 = arith.addf %broadcast_in_dim3A_339, %get3A_376 : vector<16xf32>
        %mul3A_378 = arith.mulf %get3A_376, %get3A_376 : vector<16xf32>
        %add3A_379 = arith.addf %broadcast_in_dim3A_347, %mul3A_378 : vector<16xf32>
        %add3A_380 = arith.constant 1 : i32
        %add3A_381 = arith.addi %mul3A_332, %add3A_380 : i32
        %get3A_382 = arith.index_cast %add3A_381 : i32 to index
        %get3A_383 = arith.constant 0 : index
        %get3A_384 = tpu.vector_load %arg11[%get3A_382, %get3A_383] {strides = array<i32>} : memref<416x64xf32, #tpu.memory_space<vmem>>, vector<16xf32>,
        %add3A_385 = arith.addf %add3A_353, %get3A_384 : vector<16xf32>
        %mul3A_386 = arith.mulf %get3A_384, %get3A_384 : vector<16xf32>
        %add3A_387 = arith.addf %add3A_355, %mul3A_386 : vector<16xf32>
        %add3A_388 = arith.constant 1 : i32
        %add3A_389 = arith.addi %mul3A_332, %add3A_388 : i32
        %get3A_390 = arith.index_cast %add3A_389 : i32 to index
        %get3A_391 = arith.constant 16 : index
        %get3A_392 = tpu.vector_load %arg11[%get3A_390, %get3A_391] {strides = array<i32>} : memref<416x64xf32, #tpu.memory_space<vmem>>, vector<16xf32>,
        %add3A_393 = arith.addf %add3A_361, %get3A_392 : vector<16xf32>
        %mul3A_394 = arith.mulf %get3A_392, %get3A_392 : vector<16xf32>
        %add3A_395 = arith.addf %add3A_363, %mul3A_394 : vector<16xf32>
        %add3A_396 = arith.constant 1 : i32
        %add3A_397 = arith.addi %mul3A_332, %add3A_396 : i32
        %get3A_398 = arith.index_cast %add3A_397 : i32 to index
        %get3A_399 = arith.constant 32 : index
        %get3A_400 = tpu.vector_load %arg11[%get3A_398, %get3A_399] {strides = array<i32>} : memref<416x64xf32, #tpu.memory_space<vmem>>, vector<16xf32>,
        %add3A_401 = arith.addf %add3A_369, %get3A_400 : vector<16xf32>
        %mul3A_402 = arith.mulf %get3A_400, %get3A_400 : vector<16xf32>
        %add3A_403 = arith.addf %add3A_371, %mul3A_402 : vector<16xf32>
        %add3A_404 = arith.constant 1 : i32
        %add3A_405 = arith.addi %mul3A_332, %add3A_404 : i32
        %get3A_406 = arith.index_cast %add3A_405 : i32 to index
        %get3A_407 = arith.constant 48 : index
        %get3A_408 = tpu.vector_load %arg11[%get3A_406, %get3A_407] {strides = array<i32>} : memref<416x64xf32, #tpu.memory_space<vmem>>, vector<16xf32>,
        %add3A_409 = arith.addf %add3A_377, %get3A_408 : vector<16xf32>
        %mul3A_410 = arith.mulf %get3A_408, %get3A_408 : vector<16xf32>
        %add3A_411 = arith.addf %add3A_379, %mul3A_410 : vector<16xf32>
        %add3A_412 = arith.constant 2 : i32
        %add3A_413 = arith.addi %mul3A_332, %add3A_412 : i32
        %get3A_414 = arith.index_cast %add3A_413 : i32 to index
        %get3A_415 = arith.constant 0 : index
        %get3A_416 = tpu.vector_load %arg11[%get3A_414, %get3A_415] {strides = array<i32>} : memref<416x64xf32, #tpu.memory_space<vmem>>, vector<16xf32>,
        %add3A_417 = arith.addf %add3A_385, %get3A_416 : vector<16xf32>
        %mul3A_418 = arith.mulf %get3A_416, %get3A_416 : vector<16xf32>
        %add3A_419 = arith.addf %add3A_387, %mul3A_418 : vector<16xf32>
        %add3A_420 = arith.constant 2 : i32
        %add3A_421 = arith.addi %mul3A_332, %add3A_420 : i32
        %get3A_422 = arith.index_cast %add3A_421 : i32 to index
        %get3A_423 = arith.constant 16 : index
        %get3A_424 = tpu.vector_load %arg11[%get3A_422, %get3A_423] {strides = array<i32>} : memref<416x64xf32, #tpu.memory_space<vmem>>, vector<16xf32>,
        %add3A_425 = arith.addf %add3A_393, %get3A_424 : vector<16xf32>
        %mul3A_426 = arith.mulf %get3A_424, %get3A_424 : vector<16xf32>
        %add3A_427 = arith.addf %add3A_395, %mul3A_426 : vector<16xf32>
        %add3A_428 = arith.constant 2 : i32
        %add3A_429 = arith.addi %mul3A_332, %add3A_428 : i32
        %get3A_430 = arith.index_cast %add3A_429 : i32 to index
        %get3A_431 = arith.constant 32 : index
        %get3A_432 = tpu.vector_load %arg11[%get3A_430, %get3A_431] {strides = array<i32>} : memref<416x64xf32, #tpu.memory_space<vmem>>, vector<16xf32>,
        %add3A_433 = arith.addf %add3A_401, %get3A_432 : vector<16xf32>
        %mul3A_434 = arith.mulf %get3A_432, %get3A_432 : vector<16xf32>
        %add3A_435 = arith.addf %add3A_403, %mul3A_434 : vector<16xf32>
        %add3A_436 = arith.constant 2 : i32
        %add3A_437 = arith.addi %mul3A_332, %add3A_436 : i32
        %get3A_438 = arith.index_cast %add3A_437 : i32 to index
        %get3A_439 = arith.constant 48 : index
        %get3A_440 = tpu.vector_load %arg11[%get3A_438, %get3A_439] {strides = array<i32>} : memref<416x64xf32, #tpu.memory_space<vmem>>, vector<16xf32>,
        %add3A_441 = arith.addf %add3A_409, %get3A_440 : vector<16xf32>
        %mul3A_442 = arith.mulf %get3A_440, %get3A_440 : vector<16xf32>
        %add3A_443 = arith.addf %add3A_411, %mul3A_442 : vector<16xf32>
        %add3A_444 = arith.constant 3 : i32
        %add3A_445 = arith.addi %mul3A_332, %add3A_444 : i32
        %get3A_446 = arith.index_cast %add3A_445 : i32 to index
        %get3A_447 = arith.constant 0 : index
        %get3A_448 = tpu.vector_load %arg11[%get3A_446, %get3A_447] {strides = array<i32>} : memref<416x64xf32, #tpu.memory_space<vmem>>, vector<16xf32>,
        %add3A_449 = arith.addf %add3A_417, %get3A_448 : vector<16xf32>
        %mul3A_450 = arith.mulf %get3A_448, %get3A_448 : vector<16xf32>
        %add3A_451 = arith.addf %add3A_419, %mul3A_450 : vector<16xf32>
        %add3A_452 = arith.constant 3 : i32
        %add3A_453 = arith.addi %mul3A_332, %add3A_452 : i32
        %get3A_454 = arith.index_cast %add3A_453 : i32 to index
        %get3A_455 = arith.constant 16 : index
        %get3A_456 = tpu.vector_load %arg11[%get3A_454, %get3A_455] {strides = array<i32>} : memref<416x64xf32, #tpu.memory_space<vmem>>, vector<16xf32>,
        %add3A_457 = arith.addf %add3A_425, %get3A_456 : vector<16xf32>
        %mul3A_458 = arith.mulf %get3A_456, %get3A_456 : vector<16xf32>
        %add3A_459 = arith.addf %add3A_427, %mul3A_458 : vector<16xf32>
        %add3A_460 = arith.constant 3 : i32
        %add3A_461 = arith.addi %mul3A_332, %add3A_460 : i32
        %get3A_462 = arith.index_cast %add3A_461 : i32 to index
        %get3A_463 = arith.constant 32 : index
        %get3A_464 = tpu.vector_load %arg11[%get3A_462, %get3A_463] {strides = array<i32>} : memref<416x64xf32, #tpu.memory_space<vmem>>, vector<16xf32>,
        %add3A_465 = arith.addf %add3A_433, %get3A_464 : vector<16xf32>
        %mul3A_466 = arith.mulf %get3A_464, %get3A_464 : vector<16xf32>
        %add3A_467 = arith.addf %add3A_435, %mul3A_466 : vector<16xf32>
        %add3A_468 = arith.constant 3 : i32
        %add3A_469 = arith.addi %mul3A_332, %add3A_468 : i32
        %get3A_470 = arith.index_cast %add3A_469 : i32 to index
        %get3A_471 = arith.constant 48 : index
        %get3A_472 = tpu.vector_load %arg11[%get3A_470, %get3A_471] {strides = array<i32>} : memref<416x64xf32, #tpu.memory_space<vmem>>, vector<16xf32>,
        %add3A_473 = arith.addf %add3A_441, %get3A_472 : vector<16xf32>
        %mul3A_474 = arith.mulf %get3A_472, %get3A_472 : vector<16xf32>
        %add3A_475 = arith.addf %add3A_443, %mul3A_474 : vector<16xf32>
        %add3A_476 = arith.constant 4 : i32
        %add3A_477 = arith.addi %mul3A_332, %add3A_476 : i32
        %get3A_478 = arith.index_cast %add3A_477 : i32 to index
        %get3A_479 = arith.constant 0 : index
        %get3A_480 = tpu.vector_load %arg11[%get3A_478, %get3A_479] {strides = array<i32>} : memref<416x64xf32, #tpu.memory_space<vmem>>, vector<16xf32>,
        %add3A_481 = arith.addf %add3A_449, %get3A_480 : vector<16xf32>
        %mul3A_482 = arith.mulf %get3A_480, %get3A_480 : vector<16xf32>
        %add3A_483 = arith.addf %add3A_451, %mul3A_482 : vector<16xf32>
        %add3A_484 = arith.constant 4 : i32
        %add3A_485 = arith.addi %mul3A_332, %add3A_484 : i32
        %get3A_486 = arith.index_cast %add3A_485 : i32 to index
        %get3A_487 = arith.constant 16 : index
        %get3A_488 = tpu.vector_load %arg11[%get3A_486, %get3A_487] {strides = array<i32>} : memref<416x64xf32, #tpu.memory_space<vmem>>, vector<16xf32>,
        %add3A_489 = arith.addf %add3A_457, %get3A_488 : vector<16xf32>
        %mul3A_490 = arith.mulf %get3A_488, %get3A_488 : vector<16xf32>
        %add3A_491 = arith.addf %add3A_459, %mul3A_490 : vector<16xf32>
        %add3A_492 = arith.constant 4 : i32
        %add3A_493 = arith.addi %mul3A_332, %add3A_492 : i32
        %get3A_494 = arith.index_cast %add3A_493 : i32 to index
        %get3A_495 = arith.constant 32 : index
        %get3A_496 = tpu.vector_load %arg11[%get3A_494, %get3A_495] {strides = array<i32>} : memref<416x64xf32, #tpu.memory_space<vmem>>, vector<16xf32>,
        %add3A_497 = arith.addf %add3A_465, %get3A_496 : vector<16xf32>
        %mul3A_498 = arith.mulf %get3A_496, %get3A_496 : vector<16xf32>
        %add3A_499 = arith.addf %add3A_467, %mul3A_498 : vector<16xf32>
        %add3A_500 = arith.constant 4 : i32
        %add3A_501 = arith.addi %mul3A_332, %add3A_500 : i32
        %get3A_502 = arith.index_cast %add3A_501 : i32 to index
        %get3A_503 = arith.constant 48 : index
        %get3A_504 = tpu.vector_load %arg11[%get3A_502, %get3A_503] {strides = array<i32>} : memref<416x64xf32, #tpu.memory_space<vmem>>, vector<16xf32>,
        %add3A_505 = arith.addf %add3A_473, %get3A_504 : vector<16xf32>
        %mul3A_506 = arith.mulf %get3A_504, %get3A_504 : vector<16xf32>
        %add3A_507 = arith.addf %add3A_475, %mul3A_506 : vector<16xf32>
        %add3A_508 = arith.constant 5 : i32
        %add3A_509 = arith.addi %mul3A_332, %add3A_508 : i32
        %get3A_510 = arith.index_cast %add3A_509 : i32 to index
        %get3A_511 = arith.constant 0 : index
        %get3A_512 = tpu.vector_load %arg11[%get3A_510, %get3A_511] {strides = array<i32>} : memref<416x64xf32, #tpu.memory_space<vmem>>, vector<16xf32>,
        %add3A_513 = arith.addf %add3A_481, %get3A_512 : vector<16xf32>
        %mul3A_514 = arith.mulf %get3A_512, %get3A_512 : vector<16xf32>
        %add3A_515 = arith.addf %add3A_483, %mul3A_514 : vector<16xf32>
        %add3A_516 = arith.constant 5 : i32
        %add3A_517 = arith.addi %mul3A_332, %add3A_516 : i32
        %get3A_518 = arith.index_cast %add3A_517 : i32 to index
        %get3A_519 = arith.constant 16 : index
        %get3A_520 = tpu.vector_load %arg11[%get3A_518, %get3A_519] {strides = array<i32>} : memref<416x64xf32, #tpu.memory_space<vmem>>, vector<16xf32>,
        %add3A_521 = arith.addf %add3A_489, %get3A_520 : vector<16xf32>
        %mul3A_522 = arith.mulf %get3A_520, %get3A_520 : vector<16xf32>
        %add3A_523 = arith.addf %add3A_491, %mul3A_522 : vector<16xf32>
        %add3A_524 = arith.constant 5 : i32
        %add3A_525 = arith.addi %mul3A_332, %add3A_524 : i32
        %get3A_526 = arith.index_cast %add3A_525 : i32 to index
        %get3A_527 = arith.constant 32 : index
        %get3A_528 = tpu.vector_load %arg11[%get3A_526, %get3A_527] {strides = array<i32>} : memref<416x64xf32, #tpu.memory_space<vmem>>, vector<16xf32>,
        %add3A_529 = arith.addf %add3A_497, %get3A_528 : vector<16xf32>
        %mul3A_530 = arith.mulf %get3A_528, %get3A_528 : vector<16xf32>
        %add3A_531 = arith.addf %add3A_499, %mul3A_530 : vector<16xf32>
        %add3A_532 = arith.constant 5 : i32
        %add3A_533 = arith.addi %mul3A_332, %add3A_532 : i32
        %get3A_534 = arith.index_cast %add3A_533 : i32 to index
        %get3A_535 = arith.constant 48 : index
        %get3A_536 = tpu.vector_load %arg11[%get3A_534, %get3A_535] {strides = array<i32>} : memref<416x64xf32, #tpu.memory_space<vmem>>, vector<16xf32>,
        %add3A_537 = arith.addf %add3A_505, %get3A_536 : vector<16xf32>
        %mul3A_538 = arith.mulf %get3A_536, %get3A_536 : vector<16xf32>
        %add3A_539 = arith.addf %add3A_507, %mul3A_538 : vector<16xf32>
        %add3A_540 = arith.constant 6 : i32
        %add3A_541 = arith.addi %mul3A_332, %add3A_540 : i32
        %get3A_542 = arith.index_cast %add3A_541 : i32 to index
        %get3A_543 = arith.constant 0 : index
        %get3A_544 = tpu.vector_load %arg11[%get3A_542, %get3A_543] {strides = array<i32>} : memref<416x64xf32, #tpu.memory_space<vmem>>, vector<16xf32>,
        %add3A_545 = arith.addf %add3A_513, %get3A_544 : vector<16xf32>
        %mul3A_546 = arith.mulf %get3A_544, %get3A_544 : vector<16xf32>
        %add3A_547 = arith.addf %add3A_515, %mul3A_546 : vector<16xf32>
        %add3A_548 = arith.constant 6 : i32
        %add3A_549 = arith.addi %mul3A_332, %add3A_548 : i32
        %get3A_550 = arith.index_cast %add3A_549 : i32 to index
        %get3A_551 = arith.constant 16 : index
        %get3A_552 = tpu.vector_load %arg11[%get3A_550, %get3A_551] {strides = array<i32>} : memref<416x64xf32, #tpu.memory_space<vmem>>, vector<16xf32>,
        %add3A_553 = arith.addf %add3A_521, %get3A_552 : vector<16xf32>
        %mul3A_554 = arith.mulf %get3A_552, %get3A_552 : vector<16xf32>
        %add3A_555 = arith.addf %add3A_523, %mul3A_554 : vector<16xf32>
        %add3A_556 = arith.constant 6 : i32
        %add3A_557 = arith.addi %mul3A_332, %add3A_556 : i32
        %get3A_558 = arith.index_cast %add3A_557 : i32 to index
        %get3A_559 = arith.constant 32 : index
        %get3A_560 = tpu.vector_load %arg11[%get3A_558, %get3A_559] {strides = array<i32>} : memref<416x64xf32, #tpu.memory_space<vmem>>, vector<16xf32>,
        %add3A_561 = arith.addf %add3A_529, %get3A_560 : vector<16xf32>
        %mul3A_562 = arith.mulf %get3A_560, %get3A_560 : vector<16xf32>
        %add3A_563 = arith.addf %add3A_531, %mul3A_562 : vector<16xf32>
        %add3A_564 = arith.constant 6 : i32
        %add3A_565 = arith.addi %mul3A_332, %add3A_564 : i32
        %get3A_566 = arith.index_cast %add3A_565 : i32 to index
        %get3A_567 = arith.constant 48 : index
        %get3A_568 = tpu.vector_load %arg11[%get3A_566, %get3A_567] {strides = array<i32>} : memref<416x64xf32, #tpu.memory_space<vmem>>, vector<16xf32>,
        %add3A_569 = arith.addf %add3A_537, %get3A_568 : vector<16xf32>
        %mul3A_570 = arith.mulf %get3A_568, %get3A_568 : vector<16xf32>
        %add3A_571 = arith.addf %add3A_539, %mul3A_570 : vector<16xf32>
        %add3A_572 = arith.constant 7 : i32
        %add3A_573 = arith.addi %mul3A_332, %add3A_572 : i32
        %get3A_574 = arith.index_cast %add3A_573 : i32 to index
        %get3A_575 = arith.constant 0 : index
        %get3A_576 = tpu.vector_load %arg11[%get3A_574, %get3A_575] {strides = array<i32>} : memref<416x64xf32, #tpu.memory_space<vmem>>, vector<16xf32>,
        %add3A_577 = arith.addf %add3A_545, %get3A_576 : vector<16xf32>
        %mul3A_578 = arith.mulf %get3A_576, %get3A_576 : vector<16xf32>
        %add3A_579 = arith.addf %add3A_547, %mul3A_578 : vector<16xf32>
        %add3A_580 = arith.constant 7 : i32
        %add3A_581 = arith.addi %mul3A_332, %add3A_580 : i32
        %get3A_582 = arith.index_cast %add3A_581 : i32 to index
        %get3A_583 = arith.constant 16 : index
        %get3A_584 = tpu.vector_load %arg11[%get3A_582, %get3A_583] {strides = array<i32>} : memref<416x64xf32, #tpu.memory_space<vmem>>, vector<16xf32>,
        %add3A_585 = arith.addf %add3A_553, %get3A_584 : vector<16xf32>
        %mul3A_586 = arith.mulf %get3A_584, %get3A_584 : vector<16xf32>
        %add3A_587 = arith.addf %add3A_555, %mul3A_586 : vector<16xf32>
        %add3A_588 = arith.constant 7 : i32
        %add3A_589 = arith.addi %mul3A_332, %add3A_588 : i32
        %get3A_590 = arith.index_cast %add3A_589 : i32 to index
        %get3A_591 = arith.constant 32 : index
        %get3A_592 = tpu.vector_load %arg11[%get3A_590, %get3A_591] {strides = array<i32>} : memref<416x64xf32, #tpu.memory_space<vmem>>, vector<16xf32>,
        %add3A_593 = arith.addf %add3A_561, %get3A_592 : vector<16xf32>
        %mul3A_594 = arith.mulf %get3A_592, %get3A_592 : vector<16xf32>
        %add3A_595 = arith.addf %add3A_563, %mul3A_594 : vector<16xf32>
        %add3A_596 = arith.constant 7 : i32
        %add3A_597 = arith.addi %mul3A_332, %add3A_596 : i32
        %get3A_598 = arith.index_cast %add3A_597 : i32 to index
        %get3A_599 = arith.constant 48 : index
        %get3A_600 = tpu.vector_load %arg11[%get3A_598, %get3A_599] {strides = array<i32>} : memref<416x64xf32, #tpu.memory_space<vmem>>, vector<16xf32>,
        %add3A_601 = arith.addf %add3A_569, %get3A_600 : vector<16xf32>
        %mul3A_602 = arith.mulf %get3A_600, %get3A_600 : vector<16xf32>
        %add3A_603 = arith.addf %add3A_571, %mul3A_602 : vector<16xf32>
        %add3A_604 = arith.constant 8 : i32
        %add3A_605 = arith.addi %mul3A_332, %add3A_604 : i32
        %get3A_606 = arith.index_cast %add3A_605 : i32 to index
        %get3A_607 = arith.constant 0 : index
        %get3A_608 = tpu.vector_load %arg11[%get3A_606, %get3A_607] {strides = array<i32>} : memref<416x64xf32, #tpu.memory_space<vmem>>, vector<16xf32>,
        %add3A_609 = arith.addf %add3A_577, %get3A_608 : vector<16xf32>
        %mul3A_610 = arith.mulf %get3A_608, %get3A_608 : vector<16xf32>
        %add3A_611 = arith.addf %add3A_579, %mul3A_610 : vector<16xf32>
        %add3A_612 = arith.constant 8 : i32
        %add3A_613 = arith.addi %mul3A_332, %add3A_612 : i32
        %get3A_614 = arith.index_cast %add3A_613 : i32 to index
        %get3A_615 = arith.constant 16 : index
        %get3A_616 = tpu.vector_load %arg11[%get3A_614, %get3A_615] {strides = array<i32>} : memref<416x64xf32, #tpu.memory_space<vmem>>, vector<16xf32>,
        %add3A_617 = arith.addf %add3A_585, %get3A_616 : vector<16xf32>
        %mul3A_618 = arith.mulf %get3A_616, %get3A_616 : vector<16xf32>
        %add3A_619 = arith.addf %add3A_587, %mul3A_618 : vector<16xf32>
        %add3A_620 = arith.constant 8 : i32
        %add3A_621 = arith.addi %mul3A_332, %add3A_620 : i32
        %get3A_622 = arith.index_cast %add3A_621 : i32 to index
        %get3A_623 = arith.constant 32 : index
        %get3A_624 = tpu.vector_load %arg11[%get3A_622, %get3A_623] {strides = array<i32>} : memref<416x64xf32, #tpu.memory_space<vmem>>, vector<16xf32>,
        %add3A_625 = arith.addf %add3A_593, %get3A_624 : vector<16xf32>
        %mul3A_626 = arith.mulf %get3A_624, %get3A_624 : vector<16xf32>
        %add3A_627 = arith.addf %add3A_595, %mul3A_626 : vector<16xf32>
        %add3A_628 = arith.constant 8 : i32
        %add3A_629 = arith.addi %mul3A_332, %add3A_628 : i32
        %get3A_630 = arith.index_cast %add3A_629 : i32 to index
        %get3A_631 = arith.constant 48 : index
        %get3A_632 = tpu.vector_load %arg11[%get3A_630, %get3A_631] {strides = array<i32>} : memref<416x64xf32, #tpu.memory_space<vmem>>, vector<16xf32>,
        %add3A_633 = arith.addf %add3A_601, %get3A_632 : vector<16xf32>
        %mul3A_634 = arith.mulf %get3A_632, %get3A_632 : vector<16xf32>
        %add3A_635 = arith.addf %add3A_603, %mul3A_634 : vector<16xf32>
        %add3A_636 = arith.constant 9 : i32
        %add3A_637 = arith.addi %mul3A_332, %add3A_636 : i32
        %get3A_638 = arith.index_cast %add3A_637 : i32 to index
        %get3A_639 = arith.constant 0 : index
        %get3A_640 = tpu.vector_load %arg11[%get3A_638, %get3A_639] {strides = array<i32>} : memref<416x64xf32, #tpu.memory_space<vmem>>, vector<16xf32>,
        %add3A_641 = arith.addf %add3A_609, %get3A_640 : vector<16xf32>
        %mul3A_642 = arith.mulf %get3A_640, %get3A_640 : vector<16xf32>
        %add3A_643 = arith.addf %add3A_611, %mul3A_642 : vector<16xf32>
        %add3A_644 = arith.constant 9 : i32
        %add3A_645 = arith.addi %mul3A_332, %add3A_644 : i32
        %get3A_646 = arith.index_cast %add3A_645 : i32 to index
        %get3A_647 = arith.constant 16 : index
        %get3A_648 = tpu.vector_load %arg11[%get3A_646, %get3A_647] {strides = array<i32>} : memref<416x64xf32, #tpu.memory_space<vmem>>, vector<16xf32>,
        %add3A_649 = arith.addf %add3A_617, %get3A_648 : vector<16xf32>
        %mul3A_650 = arith.mulf %get3A_648, %get3A_648 : vector<16xf32>
        %add3A_651 = arith.addf %add3A_619, %mul3A_650 : vector<16xf32>
        %add3A_652 = arith.constant 9 : i32
        %add3A_653 = arith.addi %mul3A_332, %add3A_652 : i32
        %get3A_654 = arith.index_cast %add3A_653 : i32 to index
        %get3A_655 = arith.constant 32 : index
        %get3A_656 = tpu.vector_load %arg11[%get3A_654, %get3A_655] {strides = array<i32>} : memref<416x64xf32, #tpu.memory_space<vmem>>, vector<16xf32>,
        %add3A_657 = arith.addf %add3A_625, %get3A_656 : vector<16xf32>
        %mul3A_658 = arith.mulf %get3A_656, %get3A_656 : vector<16xf32>
        %add3A_659 = arith.addf %add3A_627, %mul3A_658 : vector<16xf32>
        %add3A_660 = arith.constant 9 : i32
        %add3A_661 = arith.addi %mul3A_332, %add3A_660 : i32
        %get3A_662 = arith.index_cast %add3A_661 : i32 to index
        %get3A_663 = arith.constant 48 : index
        %get3A_664 = tpu.vector_load %arg11[%get3A_662, %get3A_663] {strides = array<i32>} : memref<416x64xf32, #tpu.memory_space<vmem>>, vector<16xf32>,
        %add3A_665 = arith.addf %add3A_633, %get3A_664 : vector<16xf32>
        %mul3A_666 = arith.mulf %get3A_664, %get3A_664 : vector<16xf32>
        %add3A_667 = arith.addf %add3A_635, %mul3A_666 : vector<16xf32>
        %add3A_668 = arith.constant 10 : i32
        %add3A_669 = arith.addi %mul3A_332, %add3A_668 : i32
        %get3A_670 = arith.index_cast %add3A_669 : i32 to index
        %get3A_671 = arith.constant 0 : index
        %get3A_672 = tpu.vector_load %arg11[%get3A_670, %get3A_671] {strides = array<i32>} : memref<416x64xf32, #tpu.memory_space<vmem>>, vector<16xf32>,
        %add3A_673 = arith.addf %add3A_641, %get3A_672 : vector<16xf32>
        %mul3A_674 = arith.mulf %get3A_672, %get3A_672 : vector<16xf32>
        %add3A_675 = arith.addf %add3A_643, %mul3A_674 : vector<16xf32>
        %add3A_676 = arith.constant 10 : i32
        %add3A_677 = arith.addi %mul3A_332, %add3A_676 : i32
        %get3A_678 = arith.index_cast %add3A_677 : i32 to index
        %get3A_679 = arith.constant 16 : index
        %get3A_680 = tpu.vector_load %arg11[%get3A_678, %get3A_679] {strides = array<i32>} : memref<416x64xf32, #tpu.memory_space<vmem>>, vector<16xf32>,
        %add3A_681 = arith.addf %add3A_649, %get3A_680 : vector<16xf32>
        %mul3A_682 = arith.mulf %get3A_680, %get3A_680 : vector<16xf32>
        %add3A_683 = arith.addf %add3A_651, %mul3A_682 : vector<16xf32>
        %add3A_684 = arith.constant 10 : i32
        %add3A_685 = arith.addi %mul3A_332, %add3A_684 : i32
        %get3A_686 = arith.index_cast %add3A_685 : i32 to index
        %get3A_687 = arith.constant 32 : index
        %get3A_688 = tpu.vector_load %arg11[%get3A_686, %get3A_687] {strides = array<i32>} : memref<416x64xf32, #tpu.memory_space<vmem>>, vector<16xf32>,
        %add3A_689 = arith.addf %add3A_657, %get3A_688 : vector<16xf32>
        %mul3A_690 = arith.mulf %get3A_688, %get3A_688 : vector<16xf32>
        %add3A_691 = arith.addf %add3A_659, %mul3A_690 : vector<16xf32>
        %add3A_692 = arith.constant 10 : i32
        %add3A_693 = arith.addi %mul3A_332, %add3A_692 : i32
        %get3A_694 = arith.index_cast %add3A_693 : i32 to index
        %get3A_695 = arith.constant 48 : index
        %get3A_696 = tpu.vector_load %arg11[%get3A_694, %get3A_695] {strides = array<i32>} : memref<416x64xf32, #tpu.memory_space<vmem>>, vector<16xf32>,
        %add3A_697 = arith.addf %add3A_665, %get3A_696 : vector<16xf32>
        %mul3A_698 = arith.mulf %get3A_696, %get3A_696 : vector<16xf32>
        %add3A_699 = arith.addf %add3A_667, %mul3A_698 : vector<16xf32>
        %add3A_700 = arith.constant 11 : i32
        %add3A_701 = arith.addi %mul3A_332, %add3A_700 : i32
        %get3A_702 = arith.index_cast %add3A_701 : i32 to index
        %get3A_703 = arith.constant 0 : index
        %get3A_704 = tpu.vector_load %arg11[%get3A_702, %get3A_703] {strides = array<i32>} : memref<416x64xf32, #tpu.memory_space<vmem>>, vector<16xf32>,
        %add3A_705 = arith.addf %add3A_673, %get3A_704 : vector<16xf32>
        %mul3A_706 = arith.mulf %get3A_704, %get3A_704 : vector<16xf32>
        %add3A_707 = arith.addf %add3A_675, %mul3A_706 : vector<16xf32>
        %add3A_708 = arith.constant 11 : i32
        %add3A_709 = arith.addi %mul3A_332, %add3A_708 : i32
        %get3A_710 = arith.index_cast %add3A_709 : i32 to index
        %get3A_711 = arith.constant 16 : index
        %get3A_712 = tpu.vector_load %arg11[%get3A_710, %get3A_711] {strides = array<i32>} : memref<416x64xf32, #tpu.memory_space<vmem>>, vector<16xf32>,
        %add3A_713 = arith.addf %add3A_681, %get3A_712 : vector<16xf32>
        %mul3A_714 = arith.mulf %get3A_712, %get3A_712 : vector<16xf32>
        %add3A_715 = arith.addf %add3A_683, %mul3A_714 : vector<16xf32>
        %add3A_716 = arith.constant 11 : i32
        %add3A_717 = arith.addi %mul3A_332, %add3A_716 : i32
        %get3A_718 = arith.index_cast %add3A_717 : i32 to index
        %get3A_719 = arith.constant 32 : index
        %get3A_720 = tpu.vector_load %arg11[%get3A_718, %get3A_719] {strides = array<i32>} : memref<416x64xf32, #tpu.memory_space<vmem>>, vector<16xf32>,
        %add3A_721 = arith.addf %add3A_689, %get3A_720 : vector<16xf32>
        %mul3A_722 = arith.mulf %get3A_720, %get3A_720 : vector<16xf32>
        %add3A_723 = arith.addf %add3A_691, %mul3A_722 : vector<16xf32>
        %add3A_724 = arith.constant 11 : i32
        %add3A_725 = arith.addi %mul3A_332, %add3A_724 : i32
        %get3A_726 = arith.index_cast %add3A_725 : i32 to index
        %get3A_727 = arith.constant 48 : index
        %get3A_728 = tpu.vector_load %arg11[%get3A_726, %get3A_727] {strides = array<i32>} : memref<416x64xf32, #tpu.memory_space<vmem>>, vector<16xf32>,
        %add3A_729 = arith.addf %add3A_697, %get3A_728 : vector<16xf32>
        %mul3A_730 = arith.mulf %get3A_728, %get3A_728 : vector<16xf32>
        %add3A_731 = arith.addf %add3A_699, %mul3A_730 : vector<16xf32>
        %add3A_732 = arith.constant 12 : i32
        %add3A_733 = arith.addi %mul3A_332, %add3A_732 : i32
        %get3A_734 = arith.index_cast %add3A_733 : i32 to index
        %get3A_735 = arith.constant 0 : index
        %get3A_736 = tpu.vector_load %arg11[%get3A_734, %get3A_735] {strides = array<i32>} : memref<416x64xf32, #tpu.memory_space<vmem>>, vector<16xf32>,
        %add3A_737 = arith.addf %add3A_705, %get3A_736 : vector<16xf32>
        %mul3A_738 = arith.mulf %get3A_736, %get3A_736 : vector<16xf32>
        %add3A_739 = arith.addf %add3A_707, %mul3A_738 : vector<16xf32>
        %add3A_740 = arith.constant 12 : i32
        %add3A_741 = arith.addi %mul3A_332, %add3A_740 : i32
        %get3A_742 = arith.index_cast %add3A_741 : i32 to index
        %get3A_743 = arith.constant 16 : index
        %get3A_744 = tpu.vector_load %arg11[%get3A_742, %get3A_743] {strides = array<i32>} : memref<416x64xf32, #tpu.memory_space<vmem>>, vector<16xf32>,
        %add3A_745 = arith.addf %add3A_713, %get3A_744 : vector<16xf32>
        %mul3A_746 = arith.mulf %get3A_744, %get3A_744 : vector<16xf32>
        %add3A_747 = arith.addf %add3A_715, %mul3A_746 : vector<16xf32>
        %add3A_748 = arith.constant 12 : i32
        %add3A_749 = arith.addi %mul3A_332, %add3A_748 : i32
        %get3A_750 = arith.index_cast %add3A_749 : i32 to index
        %get3A_751 = arith.constant 32 : index
        %get3A_752 = tpu.vector_load %arg11[%get3A_750, %get3A_751] {strides = array<i32>} : memref<416x64xf32, #tpu.memory_space<vmem>>, vector<16xf32>,
        %add3A_753 = arith.addf %add3A_721, %get3A_752 : vector<16xf32>
        %mul3A_754 = arith.mulf %get3A_752, %get3A_752 : vector<16xf32>
        %add3A_755 = arith.addf %add3A_723, %mul3A_754 : vector<16xf32>
        %add3A_756 = arith.constant 12 : i32
        %add3A_757 = arith.addi %mul3A_332, %add3A_756 : i32
        %get3A_758 = arith.index_cast %add3A_757 : i32 to index
        %get3A_759 = arith.constant 48 : index
        %get3A_760 = tpu.vector_load %arg11[%get3A_758, %get3A_759] {strides = array<i32>} : memref<416x64xf32, #tpu.memory_space<vmem>>, vector<16xf32>,
        %add3A_761 = arith.addf %add3A_729, %get3A_760 : vector<16xf32>
        %mul3A_762 = arith.mulf %get3A_760, %get3A_760 : vector<16xf32>
        %add3A_763 = arith.addf %add3A_731, %mul3A_762 : vector<16xf32>
        %add3A_764 = arith.constant 13 : i32
        %add3A_765 = arith.addi %mul3A_332, %add3A_764 : i32
        %get3A_766 = arith.index_cast %add3A_765 : i32 to index
        %get3A_767 = arith.constant 0 : index
        %get3A_768 = tpu.vector_load %arg11[%get3A_766, %get3A_767] {strides = array<i32>} : memref<416x64xf32, #tpu.memory_space<vmem>>, vector<16xf32>,
        %add3A_769 = arith.addf %add3A_737, %get3A_768 : vector<16xf32>
        %mul3A_770 = arith.mulf %get3A_768, %get3A_768 : vector<16xf32>
        %add3A_771 = arith.addf %add3A_739, %mul3A_770 : vector<16xf32>
        %add3A_772 = arith.constant 13 : i32
        %add3A_773 = arith.addi %mul3A_332, %add3A_772 : i32
        %get3A_774 = arith.index_cast %add3A_773 : i32 to index
        %get3A_775 = arith.constant 16 : index
        %get3A_776 = tpu.vector_load %arg11[%get3A_774, %get3A_775] {strides = array<i32>} : memref<416x64xf32, #tpu.memory_space<vmem>>, vector<16xf32>,
        %add3A_777 = arith.addf %add3A_745, %get3A_776 : vector<16xf32>
        %mul3A_778 = arith.mulf %get3A_776, %get3A_776 : vector<16xf32>
        %add3A_779 = arith.addf %add3A_747, %mul3A_778 : vector<16xf32>
        %add3A_780 = arith.constant 13 : i32
        %add3A_781 = arith.addi %mul3A_332, %add3A_780 : i32
        %get3A_782 = arith.index_cast %add3A_781 : i32 to index
        %get3A_783 = arith.constant 32 : index
        %get3A_784 = tpu.vector_load %arg11[%get3A_782, %get3A_783] {strides = array<i32>} : memref<416x64xf32, #tpu.memory_space<vmem>>, vector<16xf32>,
        %add3A_785 = arith.addf %add3A_753, %get3A_784 : vector<16xf32>
        %mul3A_786 = arith.mulf %get3A_784, %get3A_784 : vector<16xf32>
        %add3A_787 = arith.addf %add3A_755, %mul3A_786 : vector<16xf32>
        %add3A_788 = arith.constant 13 : i32
        %add3A_789 = arith.addi %mul3A_332, %add3A_788 : i32
        %get3A_790 = arith.index_cast %add3A_789 : i32 to index
        %get3A_791 = arith.constant 48 : index
        %get3A_792 = tpu.vector_load %arg11[%get3A_790, %get3A_791] {strides = array<i32>} : memref<416x64xf32, #tpu.memory_space<vmem>>, vector<16xf32>,
        %add3A_793 = arith.addf %add3A_761, %get3A_792 : vector<16xf32>
        %mul3A_794 = arith.mulf %get3A_792, %get3A_792 : vector<16xf32>
        %add3A_795 = arith.addf %add3A_763, %mul3A_794 : vector<16xf32>
        %add3A_796 = arith.constant 14 : i32
        %add3A_797 = arith.addi %mul3A_332, %add3A_796 : i32
        %get3A_798 = arith.index_cast %add3A_797 : i32 to index
        %get3A_799 = arith.constant 0 : index
        %get3A_800 = tpu.vector_load %arg11[%get3A_798, %get3A_799] {strides = array<i32>} : memref<416x64xf32, #tpu.memory_space<vmem>>, vector<16xf32>,
        %add3A_801 = arith.addf %add3A_769, %get3A_800 : vector<16xf32>
        %mul3A_802 = arith.mulf %get3A_800, %get3A_800 : vector<16xf32>
        %add3A_803 = arith.addf %add3A_771, %mul3A_802 : vector<16xf32>
        %add3A_804 = arith.constant 14 : i32
        %add3A_805 = arith.addi %mul3A_332, %add3A_804 : i32
        %get3A_806 = arith.index_cast %add3A_805 : i32 to index
        %get3A_807 = arith.constant 16 : index
        %get3A_808 = tpu.vector_load %arg11[%get3A_806, %get3A_807] {strides = array<i32>} : memref<416x64xf32, #tpu.memory_space<vmem>>, vector<16xf32>,
        %add3A_809 = arith.addf %add3A_777, %get3A_808 : vector<16xf32>
        %mul3A_810 = arith.mulf %get3A_808, %get3A_808 : vector<16xf32>
        %add3A_811 = arith.addf %add3A_779, %mul3A_810 : vector<16xf32>
        %add3A_812 = arith.constant 14 : i32
        %add3A_813 = arith.addi %mul3A_332, %add3A_812 : i32
        %get3A_814 = arith.index_cast %add3A_813 : i32 to index
        %get3A_815 = arith.constant 32 : index
        %get3A_816 = tpu.vector_load %arg11[%get3A_814, %get3A_815] {strides = array<i32>} : memref<416x64xf32, #tpu.memory_space<vmem>>, vector<16xf32>,
        %add3A_817 = arith.addf %add3A_785, %get3A_816 : vector<16xf32>
        %mul3A_818 = arith.mulf %get3A_816, %get3A_816 : vector<16xf32>
        %add3A_819 = arith.addf %add3A_787, %mul3A_818 : vector<16xf32>
        %add3A_820 = arith.constant 14 : i32
        %add3A_821 = arith.addi %mul3A_332, %add3A_820 : i32
        %get3A_822 = arith.index_cast %add3A_821 : i32 to index
        %get3A_823 = arith.constant 48 : index
        %get3A_824 = tpu.vector_load %arg11[%get3A_822, %get3A_823] {strides = array<i32>} : memref<416x64xf32, #tpu.memory_space<vmem>>, vector<16xf32>,
        %add3A_825 = arith.addf %add3A_793, %get3A_824 : vector<16xf32>
        %mul3A_826 = arith.mulf %get3A_824, %get3A_824 : vector<16xf32>
        %add3A_827 = arith.addf %add3A_795, %mul3A_826 : vector<16xf32>
        %add3A_828 = arith.constant 15 : i32
        %add3A_829 = arith.addi %mul3A_332, %add3A_828 : i32
        %get3A_830 = arith.index_cast %add3A_829 : i32 to index
        %get3A_831 = arith.constant 0 : index
        %get3A_832 = tpu.vector_load %arg11[%get3A_830, %get3A_831] {strides = array<i32>} : memref<416x64xf32, #tpu.memory_space<vmem>>, vector<16xf32>,
        %add3A_833 = arith.addf %add3A_801, %get3A_832 : vector<16xf32>
        %mul3A_834 = arith.mulf %get3A_832, %get3A_832 : vector<16xf32>
        %add3A_835 = arith.addf %add3A_803, %mul3A_834 : vector<16xf32>
        %add3A_836 = arith.constant 15 : i32
        %add3A_837 = arith.addi %mul3A_332, %add3A_836 : i32
        %get3A_838 = arith.index_cast %add3A_837 : i32 to index
        %get3A_839 = arith.constant 16 : index
        %get3A_840 = tpu.vector_load %arg11[%get3A_838, %get3A_839] {strides = array<i32>} : memref<416x64xf32, #tpu.memory_space<vmem>>, vector<16xf32>,
        %add3A_841 = arith.addf %add3A_809, %get3A_840 : vector<16xf32>
        %mul3A_842 = arith.mulf %get3A_840, %get3A_840 : vector<16xf32>
        %add3A_843 = arith.addf %add3A_811, %mul3A_842 : vector<16xf32>
        %add3A_844 = arith.constant 15 : i32
        %add3A_845 = arith.addi %mul3A_332, %add3A_844 : i32
        %get3A_846 = arith.index_cast %add3A_845 : i32 to index
        %get3A_847 = arith.constant 32 : index
        %get3A_848 = tpu.vector_load %arg11[%get3A_846, %get3A_847] {strides = array<i32>} : memref<416x64xf32, #tpu.memory_space<vmem>>, vector<16xf32>,
        %add3A_849 = arith.addf %add3A_817, %get3A_848 : vector<16xf32>
        %mul3A_850 = arith.mulf %get3A_848, %get3A_848 : vector<16xf32>
        %add3A_851 = arith.addf %add3A_819, %mul3A_850 : vector<16xf32>
        %add3A_852 = arith.constant 15 : i32
        %add3A_853 = arith.addi %mul3A_332, %add3A_852 : i32
        %get3A_854 = arith.index_cast %add3A_853 : i32 to index
        %get3A_855 = arith.constant 48 : index
        %get3A_856 = tpu.vector_load %arg11[%get3A_854, %get3A_855] {strides = array<i32>} : memref<416x64xf32, #tpu.memory_space<vmem>>, vector<16xf32>,
        %add3A_857 = arith.addf %add3A_825, %get3A_856 : vector<16xf32>
        %mul3A_858 = arith.mulf %get3A_856, %get3A_856 : vector<16xf32>
        %add3A_859 = arith.addf %add3A_827, %mul3A_858 : vector<16xf32>
        %add3A_860 = arith.constant 16 : i32
        %add3A_861 = arith.addi %mul3A_332, %add3A_860 : i32
        %get3A_862 = arith.index_cast %add3A_861 : i32 to index
        %get3A_863 = arith.constant 0 : index
        %get3A_864 = tpu.vector_load %arg11[%get3A_862, %get3A_863] {strides = array<i32>} : memref<416x64xf32, #tpu.memory_space<vmem>>, vector<16xf32>,
        %add3A_865 = arith.addf %add3A_833, %get3A_864 : vector<16xf32>
        %mul3A_866 = arith.mulf %get3A_864, %get3A_864 : vector<16xf32>
        %add3A_867 = arith.addf %add3A_835, %mul3A_866 : vector<16xf32>
        %add3A_868 = arith.constant 16 : i32
        %add3A_869 = arith.addi %mul3A_332, %add3A_868 : i32
        %get3A_870 = arith.index_cast %add3A_869 : i32 to index
        %get3A_871 = arith.constant 16 : index
        %get3A_872 = tpu.vector_load %arg11[%get3A_870, %get3A_871] {strides = array<i32>} : memref<416x64xf32, #tpu.memory_space<vmem>>, vector<16xf32>,
        %add3A_873 = arith.addf %add3A_841, %get3A_872 : vector<16xf32>
        %mul3A_874 = arith.mulf %get3A_872, %get3A_872 : vector<16xf32>
        %add3A_875 = arith.addf %add3A_843, %mul3A_874 : vector<16xf32>
        %add3A_876 = arith.constant 16 : i32
        %add3A_877 = arith.addi %mul3A_332, %add3A_876 : i32
        %get3A_878 = arith.index_cast %add3A_877 : i32 to index
        %get3A_879 = arith.constant 32 : index
        %get3A_880 = tpu.vector_load %arg11[%get3A_878, %get3A_879] {strides = array<i32>} : memref<416x64xf32, #tpu.memory_space<vmem>>, vector<16xf32>,
        %add3A_881 = arith.addf %add3A_849, %get3A_880 : vector<16xf32>
        %mul3A_882 = arith.mulf %get3A_880, %get3A_880 : vector<16xf32>
        %add3A_883 = arith.addf %add3A_851, %mul3A_882 : vector<16xf32>
        %add3A_884 = arith.constant 16 : i32
        %add3A_885 = arith.addi %mul3A_332, %add3A_884 : i32
        %get3A_886 = arith.index_cast %add3A_885 : i32 to index
        %get3A_887 = arith.constant 48 : index
        %get3A_888 = tpu.vector_load %arg11[%get3A_886, %get3A_887] {strides = array<i32>} : memref<416x64xf32, #tpu.memory_space<vmem>>, vector<16xf32>,
        %add3A_889 = arith.addf %add3A_857, %get3A_888 : vector<16xf32>
        %mul3A_890 = arith.mulf %get3A_888, %get3A_888 : vector<16xf32>
        %add3A_891 = arith.addf %add3A_859, %mul3A_890 : vector<16xf32>
        %add3A_892 = arith.constant 17 : i32
        %add3A_893 = arith.addi %mul3A_332, %add3A_892 : i32
        %get3A_894 = arith.index_cast %add3A_893 : i32 to index
        %get3A_895 = arith.constant 0 : index
        %get3A_896 = tpu.vector_load %arg11[%get3A_894, %get3A_895] {strides = array<i32>} : memref<416x64xf32, #tpu.memory_space<vmem>>, vector<16xf32>,
        %add3A_897 = arith.addf %add3A_865, %get3A_896 : vector<16xf32>
        %mul3A_898 = arith.mulf %get3A_896, %get3A_896 : vector<16xf32>
        %add3A_899 = arith.addf %add3A_867, %mul3A_898 : vector<16xf32>
        %add3A_900 = arith.constant 17 : i32
        %add3A_901 = arith.addi %mul3A_332, %add3A_900 : i32
        %get3A_902 = arith.index_cast %add3A_901 : i32 to index
        %get3A_903 = arith.constant 16 : index
        %get3A_904 = tpu.vector_load %arg11[%get3A_902, %get3A_903] {strides = array<i32>} : memref<416x64xf32, #tpu.memory_space<vmem>>, vector<16xf32>,
        %add3A_905 = arith.addf %add3A_873, %get3A_904 : vector<16xf32>
        %mul3A_906 = arith.mulf %get3A_904, %get3A_904 : vector<16xf32>
        %add3A_907 = arith.addf %add3A_875, %mul3A_906 : vector<16xf32>
        %add3A_908 = arith.constant 17 : i32
        %add3A_909 = arith.addi %mul3A_332, %add3A_908 : i32
        %get3A_910 = arith.index_cast %add3A_909 : i32 to index
        %get3A_911 = arith.constant 32 : index
        %get3A_912 = tpu.vector_load %arg11[%get3A_910, %get3A_911] {strides = array<i32>} : memref<416x64xf32, #tpu.memory_space<vmem>>, vector<16xf32>,
        %add3A_913 = arith.addf %add3A_881, %get3A_912 : vector<16xf32>
        %mul3A_914 = arith.mulf %get3A_912, %get3A_912 : vector<16xf32>
        %add3A_915 = arith.addf %add3A_883, %mul3A_914 : vector<16xf32>
        %add3A_916 = arith.constant 17 : i32
        %add3A_917 = arith.addi %mul3A_332, %add3A_916 : i32
        %get3A_918 = arith.index_cast %add3A_917 : i32 to index
        %get3A_919 = arith.constant 48 : index
        %get3A_920 = tpu.vector_load %arg11[%get3A_918, %get3A_919] {strides = array<i32>} : memref<416x64xf32, #tpu.memory_space<vmem>>, vector<16xf32>,
        %add3A_921 = arith.addf %add3A_889, %get3A_920 : vector<16xf32>
        %mul3A_922 = arith.mulf %get3A_920, %get3A_920 : vector<16xf32>
        %add3A_923 = arith.addf %add3A_891, %mul3A_922 : vector<16xf32>
        %add3A_924 = arith.constant 18 : i32
        %add3A_925 = arith.addi %mul3A_332, %add3A_924 : i32
        %get3A_926 = arith.index_cast %add3A_925 : i32 to index
        %get3A_927 = arith.constant 0 : index
        %get3A_928 = tpu.vector_load %arg11[%get3A_926, %get3A_927] {strides = array<i32>} : memref<416x64xf32, #tpu.memory_space<vmem>>, vector<16xf32>,
        %add3A_929 = arith.addf %add3A_897, %get3A_928 : vector<16xf32>
        %mul3A_930 = arith.mulf %get3A_928, %get3A_928 : vector<16xf32>
        %add3A_931 = arith.addf %add3A_899, %mul3A_930 : vector<16xf32>
        %add3A_932 = arith.constant 18 : i32
        %add3A_933 = arith.addi %mul3A_332, %add3A_932 : i32
        %get3A_934 = arith.index_cast %add3A_933 : i32 to index
        %get3A_935 = arith.constant 16 : index
        %get3A_936 = tpu.vector_load %arg11[%get3A_934, %get3A_935] {strides = array<i32>} : memref<416x64xf32, #tpu.memory_space<vmem>>, vector<16xf32>,
        %add3A_937 = arith.addf %add3A_905, %get3A_936 : vector<16xf32>
        %mul3A_938 = arith.mulf %get3A_936, %get3A_936 : vector<16xf32>
        %add3A_939 = arith.addf %add3A_907, %mul3A_938 : vector<16xf32>
        %add3A_940 = arith.constant 18 : i32
        %add3A_941 = arith.addi %mul3A_332, %add3A_940 : i32
        %get3A_942 = arith.index_cast %add3A_941 : i32 to index
        %get3A_943 = arith.constant 32 : index
        %get3A_944 = tpu.vector_load %arg11[%get3A_942, %get3A_943] {strides = array<i32>} : memref<416x64xf32, #tpu.memory_space<vmem>>, vector<16xf32>,
        %add3A_945 = arith.addf %add3A_913, %get3A_944 : vector<16xf32>
        %mul3A_946 = arith.mulf %get3A_944, %get3A_944 : vector<16xf32>
        %add3A_947 = arith.addf %add3A_915, %mul3A_946 : vector<16xf32>
        %add3A_948 = arith.constant 18 : i32
        %add3A_949 = arith.addi %mul3A_332, %add3A_948 : i32
        %get3A_950 = arith.index_cast %add3A_949 : i32 to index
        %get3A_951 = arith.constant 48 : index
        %get3A_952 = tpu.vector_load %arg11[%get3A_950, %get3A_951] {strides = array<i32>} : memref<416x64xf32, #tpu.memory_space<vmem>>, vector<16xf32>,
        %add3A_953 = arith.addf %add3A_921, %get3A_952 : vector<16xf32>
        %mul3A_954 = arith.mulf %get3A_952, %get3A_952 : vector<16xf32>
        %add3A_955 = arith.addf %add3A_923, %mul3A_954 : vector<16xf32>
        %add3A_956 = arith.constant 19 : i32
        %add3A_957 = arith.addi %mul3A_332, %add3A_956 : i32
        %get3A_958 = arith.index_cast %add3A_957 : i32 to index
        %get3A_959 = arith.constant 0 : index
        %get3A_960 = tpu.vector_load %arg11[%get3A_958, %get3A_959] {strides = array<i32>} : memref<416x64xf32, #tpu.memory_space<vmem>>, vector<16xf32>,
        %add3A_961 = arith.addf %add3A_929, %get3A_960 : vector<16xf32>
        %mul3A_962 = arith.mulf %get3A_960, %get3A_960 : vector<16xf32>
        %add3A_963 = arith.addf %add3A_931, %mul3A_962 : vector<16xf32>
        %add3A_964 = arith.constant 19 : i32
        %add3A_965 = arith.addi %mul3A_332, %add3A_964 : i32
        %get3A_966 = arith.index_cast %add3A_965 : i32 to index
        %get3A_967 = arith.constant 16 : index
        %get3A_968 = tpu.vector_load %arg11[%get3A_966, %get3A_967] {strides = array<i32>} : memref<416x64xf32, #tpu.memory_space<vmem>>, vector<16xf32>,
        %add3A_969 = arith.addf %add3A_937, %get3A_968 : vector<16xf32>
        %mul3A_970 = arith.mulf %get3A_968, %get3A_968 : vector<16xf32>
        %add3A_971 = arith.addf %add3A_939, %mul3A_970 : vector<16xf32>
        %add3A_972 = arith.constant 19 : i32
        %add3A_973 = arith.addi %mul3A_332, %add3A_972 : i32
        %get3A_974 = arith.index_cast %add3A_973 : i32 to index
        %get3A_975 = arith.constant 32 : index
        %get3A_976 = tpu.vector_load %arg11[%get3A_974, %get3A_975] {strides = array<i32>} : memref<416x64xf32, #tpu.memory_space<vmem>>, vector<16xf32>,
        %add3A_977 = arith.addf %add3A_945, %get3A_976 : vector<16xf32>
        %mul3A_978 = arith.mulf %get3A_976, %get3A_976 : vector<16xf32>
        %add3A_979 = arith.addf %add3A_947, %mul3A_978 : vector<16xf32>
        %add3A_980 = arith.constant 19 : i32
        %add3A_981 = arith.addi %mul3A_332, %add3A_980 : i32
        %get3A_982 = arith.index_cast %add3A_981 : i32 to index
        %get3A_983 = arith.constant 48 : index
        %get3A_984 = tpu.vector_load %arg11[%get3A_982, %get3A_983] {strides = array<i32>} : memref<416x64xf32, #tpu.memory_space<vmem>>, vector<16xf32>,
        %add3A_985 = arith.addf %add3A_953, %get3A_984 : vector<16xf32>
        %mul3A_986 = arith.mulf %get3A_984, %get3A_984 : vector<16xf32>
        %add3A_987 = arith.addf %add3A_955, %mul3A_986 : vector<16xf32>
        %add3A_988 = arith.constant 20 : i32
        %add3A_989 = arith.addi %mul3A_332, %add3A_988 : i32
        %get3A_990 = arith.index_cast %add3A_989 : i32 to index
        %get3A_991 = arith.constant 0 : index
        %get3A_992 = tpu.vector_load %arg11[%get3A_990, %get3A_991] {strides = array<i32>} : memref<416x64xf32, #tpu.memory_space<vmem>>, vector<16xf32>,
        %add3A_993 = arith.addf %add3A_961, %get3A_992 : vector<16xf32>
        %mul3A_994 = arith.mulf %get3A_992, %get3A_992 : vector<16xf32>
        %add3A_995 = arith.addf %add3A_963, %mul3A_994 : vector<16xf32>
        %add3A_996 = arith.constant 20 : i32
        %add3A_997 = arith.addi %mul3A_332, %add3A_996 : i32
        %get3A_998 = arith.index_cast %add3A_997 : i32 to index
        %get3A_999 = arith.constant 16 : index
        %get3A_1000 = tpu.vector_load %arg11[%get3A_998, %get3A_999] {strides = array<i32>} : memref<416x64xf32, #tpu.memory_space<vmem>>, vector<16xf32>,
        %add3A_1001 = arith.addf %add3A_969, %get3A_1000 : vector<16xf32>
        %mul3A_1002 = arith.mulf %get3A_1000, %get3A_1000 : vector<16xf32>
        %add3A_1003 = arith.addf %add3A_971, %mul3A_1002 : vector<16xf32>
        %add3A_1004 = arith.constant 20 : i32
        %add3A_1005 = arith.addi %mul3A_332, %add3A_1004 : i32
        %get3A_1006 = arith.index_cast %add3A_1005 : i32 to index
        %get3A_1007 = arith.constant 32 : index
        %get3A_1008 = tpu.vector_load %arg11[%get3A_1006, %get3A_1007] {strides = array<i32>} : memref<416x64xf32, #tpu.memory_space<vmem>>, vector<16xf32>,
        %add3A_1009 = arith.addf %add3A_977, %get3A_1008 : vector<16xf32>
        %mul3A_1010 = arith.mulf %get3A_1008, %get3A_1008 : vector<16xf32>
        %add3A_1011 = arith.addf %add3A_979, %mul3A_1010 : vector<16xf32>
        %add3A_1012 = arith.constant 20 : i32
        %add3A_1013 = arith.addi %mul3A_332, %add3A_1012 : i32
        %get3A_1014 = arith.index_cast %add3A_1013 : i32 to index
        %get3A_1015 = arith.constant 48 : index
        %get3A_1016 = tpu.vector_load %arg11[%get3A_1014, %get3A_1015] {strides = array<i32>} : memref<416x64xf32, #tpu.memory_space<vmem>>, vector<16xf32>,
        %add3A_1017 = arith.addf %add3A_985, %get3A_1016 : vector<16xf32>
        %mul3A_1018 = arith.mulf %get3A_1016, %get3A_1016 : vector<16xf32>
        %add3A_1019 = arith.addf %add3A_987, %mul3A_1018 : vector<16xf32>
        %add3A_1020 = arith.constant 21 : i32
        %add3A_1021 = arith.addi %mul3A_332, %add3A_1020 : i32
        %get3A_1022 = arith.index_cast %add3A_1021 : i32 to index
        %get3A_1023 = arith.constant 0 : index
        %get3A_1024 = tpu.vector_load %arg11[%get3A_1022, %get3A_1023] {strides = array<i32>} : memref<416x64xf32, #tpu.memory_space<vmem>>, vector<16xf32>,
        %add3A_1025 = arith.addf %add3A_993, %get3A_1024 : vector<16xf32>
        %mul3A_1026 = arith.mulf %get3A_1024, %get3A_1024 : vector<16xf32>
        %add3A_1027 = arith.addf %add3A_995, %mul3A_1026 : vector<16xf32>
        %add3A_1028 = arith.constant 21 : i32
        %add3A_1029 = arith.addi %mul3A_332, %add3A_1028 : i32
        %get3A_1030 = arith.index_cast %add3A_1029 : i32 to index
        %get3A_1031 = arith.constant 16 : index
        %get3A_1032 = tpu.vector_load %arg11[%get3A_1030, %get3A_1031] {strides = array<i32>} : memref<416x64xf32, #tpu.memory_space<vmem>>, vector<16xf32>,
        %add3A_1033 = arith.addf %add3A_1001, %get3A_1032 : vector<16xf32>
        %mul3A_1034 = arith.mulf %get3A_1032, %get3A_1032 : vector<16xf32>
        %add3A_1035 = arith.addf %add3A_1003, %mul3A_1034 : vector<16xf32>
        %add3A_1036 = arith.constant 21 : i32
        %add3A_1037 = arith.addi %mul3A_332, %add3A_1036 : i32
        %get3A_1038 = arith.index_cast %add3A_1037 : i32 to index
        %get3A_1039 = arith.constant 32 : index
        %get3A_1040 = tpu.vector_load %arg11[%get3A_1038, %get3A_1039] {strides = array<i32>} : memref<416x64xf32, #tpu.memory_space<vmem>>, vector<16xf32>,
        %add3A_1041 = arith.addf %add3A_1009, %get3A_1040 : vector<16xf32>
        %mul3A_1042 = arith.mulf %get3A_1040, %get3A_1040 : vector<16xf32>
        %add3A_1043 = arith.addf %add3A_1011, %mul3A_1042 : vector<16xf32>
        %add3A_1044 = arith.constant 21 : i32
        %add3A_1045 = arith.addi %mul3A_332, %add3A_1044 : i32
        %get3A_1046 = arith.index_cast %add3A_1045 : i32 to index
        %get3A_1047 = arith.constant 48 : index
        %get3A_1048 = tpu.vector_load %arg11[%get3A_1046, %get3A_1047] {strides = array<i32>} : memref<416x64xf32, #tpu.memory_space<vmem>>, vector<16xf32>,
        %add3A_1049 = arith.addf %add3A_1017, %get3A_1048 : vector<16xf32>
        %mul3A_1050 = arith.mulf %get3A_1048, %get3A_1048 : vector<16xf32>
        %add3A_1051 = arith.addf %add3A_1019, %mul3A_1050 : vector<16xf32>
        %add3A_1052 = arith.constant 22 : i32
        %add3A_1053 = arith.addi %mul3A_332, %add3A_1052 : i32
        %get3A_1054 = arith.index_cast %add3A_1053 : i32 to index
        %get3A_1055 = arith.constant 0 : index
        %get3A_1056 = tpu.vector_load %arg11[%get3A_1054, %get3A_1055] {strides = array<i32>} : memref<416x64xf32, #tpu.memory_space<vmem>>, vector<16xf32>,
        %add3A_1057 = arith.addf %add3A_1025, %get3A_1056 : vector<16xf32>
        %mul3A_1058 = arith.mulf %get3A_1056, %get3A_1056 : vector<16xf32>
        %add3A_1059 = arith.addf %add3A_1027, %mul3A_1058 : vector<16xf32>
        %add3A_1060 = arith.constant 22 : i32
        %add3A_1061 = arith.addi %mul3A_332, %add3A_1060 : i32
        %get3A_1062 = arith.index_cast %add3A_1061 : i32 to index
        %get3A_1063 = arith.constant 16 : index
        %get3A_1064 = tpu.vector_load %arg11[%get3A_1062, %get3A_1063] {strides = array<i32>} : memref<416x64xf32, #tpu.memory_space<vmem>>, vector<16xf32>,
        %add3A_1065 = arith.addf %add3A_1033, %get3A_1064 : vector<16xf32>
        %mul3A_1066 = arith.mulf %get3A_1064, %get3A_1064 : vector<16xf32>
        %add3A_1067 = arith.addf %add3A_1035, %mul3A_1066 : vector<16xf32>
        %add3A_1068 = arith.constant 22 : i32
        %add3A_1069 = arith.addi %mul3A_332, %add3A_1068 : i32
        %get3A_1070 = arith.index_cast %add3A_1069 : i32 to index
        %get3A_1071 = arith.constant 32 : index
        %get3A_1072 = tpu.vector_load %arg11[%get3A_1070, %get3A_1071] {strides = array<i32>} : memref<416x64xf32, #tpu.memory_space<vmem>>, vector<16xf32>,
        %add3A_1073 = arith.addf %add3A_1041, %get3A_1072 : vector<16xf32>
        %mul3A_1074 = arith.mulf %get3A_1072, %get3A_1072 : vector<16xf32>
        %add3A_1075 = arith.addf %add3A_1043, %mul3A_1074 : vector<16xf32>
        %add3A_1076 = arith.constant 22 : i32
        %add3A_1077 = arith.addi %mul3A_332, %add3A_1076 : i32
        %get3A_1078 = arith.index_cast %add3A_1077 : i32 to index
        %get3A_1079 = arith.constant 48 : index
        %get3A_1080 = tpu.vector_load %arg11[%get3A_1078, %get3A_1079] {strides = array<i32>} : memref<416x64xf32, #tpu.memory_space<vmem>>, vector<16xf32>,
        %add3A_1081 = arith.addf %add3A_1049, %get3A_1080 : vector<16xf32>
        %mul3A_1082 = arith.mulf %get3A_1080, %get3A_1080 : vector<16xf32>
        %add3A_1083 = arith.addf %add3A_1051, %mul3A_1082 : vector<16xf32>
        %add3A_1084 = arith.constant 23 : i32
        %add3A_1085 = arith.addi %mul3A_332, %add3A_1084 : i32
        %get3A_1086 = arith.index_cast %add3A_1085 : i32 to index
        %get3A_1087 = arith.constant 0 : index
        %get3A_1088 = tpu.vector_load %arg11[%get3A_1086, %get3A_1087] {strides = array<i32>} : memref<416x64xf32, #tpu.memory_space<vmem>>, vector<16xf32>,
        %add3A_1089 = arith.addf %add3A_1057, %get3A_1088 : vector<16xf32>
        %mul3A_1090 = arith.mulf %get3A_1088, %get3A_1088 : vector<16xf32>
        %add3A_1091 = arith.addf %add3A_1059, %mul3A_1090 : vector<16xf32>
        %add3A_1092 = arith.constant 23 : i32
        %add3A_1093 = arith.addi %mul3A_332, %add3A_1092 : i32
        %get3A_1094 = arith.index_cast %add3A_1093 : i32 to index
        %get3A_1095 = arith.constant 16 : index
        %get3A_1096 = tpu.vector_load %arg11[%get3A_1094, %get3A_1095] {strides = array<i32>} : memref<416x64xf32, #tpu.memory_space<vmem>>, vector<16xf32>,
        %add3A_1097 = arith.addf %add3A_1065, %get3A_1096 : vector<16xf32>
        %mul3A_1098 = arith.mulf %get3A_1096, %get3A_1096 : vector<16xf32>
        %add3A_1099 = arith.addf %add3A_1067, %mul3A_1098 : vector<16xf32>
        %add3A_1100 = arith.constant 23 : i32
        %add3A_1101 = arith.addi %mul3A_332, %add3A_1100 : i32
        %get3A_1102 = arith.index_cast %add3A_1101 : i32 to index
        %get3A_1103 = arith.constant 32 : index
        %get3A_1104 = tpu.vector_load %arg11[%get3A_1102, %get3A_1103] {strides = array<i32>} : memref<416x64xf32, #tpu.memory_space<vmem>>, vector<16xf32>,
        %add3A_1105 = arith.addf %add3A_1073, %get3A_1104 : vector<16xf32>
        %mul3A_1106 = arith.mulf %get3A_1104, %get3A_1104 : vector<16xf32>
        %add3A_1107 = arith.addf %add3A_1075, %mul3A_1106 : vector<16xf32>
        %add3A_1108 = arith.constant 23 : i32
        %add3A_1109 = arith.addi %mul3A_332, %add3A_1108 : i32
        %get3A_1110 = arith.index_cast %add3A_1109 : i32 to index
        %get3A_1111 = arith.constant 48 : index
        %get3A_1112 = tpu.vector_load %arg11[%get3A_1110, %get3A_1111] {strides = array<i32>} : memref<416x64xf32, #tpu.memory_space<vmem>>, vector<16xf32>,
        %add3A_1113 = arith.addf %add3A_1081, %get3A_1112 : vector<16xf32>
        %mul3A_1114 = arith.mulf %get3A_1112, %get3A_1112 : vector<16xf32>
        %add3A_1115 = arith.addf %add3A_1083, %mul3A_1114 : vector<16xf32>
        %add3A_1116 = arith.constant 24 : i32
        %add3A_1117 = arith.addi %mul3A_332, %add3A_1116 : i32
        %get3A_1118 = arith.index_cast %add3A_1117 : i32 to index
        %get3A_1119 = arith.constant 0 : index
        %get3A_1120 = tpu.vector_load %arg11[%get3A_1118, %get3A_1119] {strides = array<i32>} : memref<416x64xf32, #tpu.memory_space<vmem>>, vector<16xf32>,
        %add3A_1121 = arith.addf %add3A_1089, %get3A_1120 : vector<16xf32>
        %mul3A_1122 = arith.mulf %get3A_1120, %get3A_1120 : vector<16xf32>
        %add3A_1123 = arith.addf %add3A_1091, %mul3A_1122 : vector<16xf32>
        %add3A_1124 = arith.constant 24 : i32
        %add3A_1125 = arith.addi %mul3A_332, %add3A_1124 : i32
        %get3A_1126 = arith.index_cast %add3A_1125 : i32 to index
        %get3A_1127 = arith.constant 16 : index
        %get3A_1128 = tpu.vector_load %arg11[%get3A_1126, %get3A_1127] {strides = array<i32>} : memref<416x64xf32, #tpu.memory_space<vmem>>, vector<16xf32>,
        %add3A_1129 = arith.addf %add3A_1097, %get3A_1128 : vector<16xf32>
        %mul3A_1130 = arith.mulf %get3A_1128, %get3A_1128 : vector<16xf32>
        %add3A_1131 = arith.addf %add3A_1099, %mul3A_1130 : vector<16xf32>
        %add3A_1132 = arith.constant 24 : i32
        %add3A_1133 = arith.addi %mul3A_332, %add3A_1132 : i32
        %get3A_1134 = arith.index_cast %add3A_1133 : i32 to index
        %get3A_1135 = arith.constant 32 : index
        %get3A_1136 = tpu.vector_load %arg11[%get3A_1134, %get3A_1135] {strides = array<i32>} : memref<416x64xf32, #tpu.memory_space<vmem>>, vector<16xf32>,
        %add3A_1137 = arith.addf %add3A_1105, %get3A_1136 : vector<16xf32>
        %mul3A_1138 = arith.mulf %get3A_1136, %get3A_1136 : vector<16xf32>
        %add3A_1139 = arith.addf %add3A_1107, %mul3A_1138 : vector<16xf32>
        %add3A_1140 = arith.constant 24 : i32
        %add3A_1141 = arith.addi %mul3A_332, %add3A_1140 : i32
        %get3A_1142 = arith.index_cast %add3A_1141 : i32 to index
        %get3A_1143 = arith.constant 48 : index
        %get3A_1144 = tpu.vector_load %arg11[%get3A_1142, %get3A_1143] {strides = array<i32>} : memref<416x64xf32, #tpu.memory_space<vmem>>, vector<16xf32>,
        %add3A_1145 = arith.addf %add3A_1113, %get3A_1144 : vector<16xf32>
        %mul3A_1146 = arith.mulf %get3A_1144, %get3A_1144 : vector<16xf32>
        %add3A_1147 = arith.addf %add3A_1115, %mul3A_1146 : vector<16xf32>
        %add3A_1148 = arith.constant 25 : i32
        %add3A_1149 = arith.addi %mul3A_332, %add3A_1148 : i32
        %get3A_1150 = arith.index_cast %add3A_1149 : i32 to index
        %get3A_1151 = arith.constant 0 : index
        %get3A_1152 = tpu.vector_load %arg11[%get3A_1150, %get3A_1151] {strides = array<i32>} : memref<416x64xf32, #tpu.memory_space<vmem>>, vector<16xf32>,
        %add3A_1153 = arith.addf %add3A_1121, %get3A_1152 : vector<16xf32>
        %mul3A_1154 = arith.mulf %get3A_1152, %get3A_1152 : vector<16xf32>
        %add3A_1155 = arith.addf %add3A_1123, %mul3A_1154 : vector<16xf32>
        %add3A_1156 = arith.constant 25 : i32
        %add3A_1157 = arith.addi %mul3A_332, %add3A_1156 : i32
        %get3A_1158 = arith.index_cast %add3A_1157 : i32 to index
        %get3A_1159 = arith.constant 16 : index
        %get3A_1160 = tpu.vector_load %arg11[%get3A_1158, %get3A_1159] {strides = array<i32>} : memref<416x64xf32, #tpu.memory_space<vmem>>, vector<16xf32>,
        %add3A_1161 = arith.addf %add3A_1129, %get3A_1160 : vector<16xf32>
        %mul3A_1162 = arith.mulf %get3A_1160, %get3A_1160 : vector<16xf32>
        %add3A_1163 = arith.addf %add3A_1131, %mul3A_1162 : vector<16xf32>
        %add3A_1164 = arith.constant 25 : i32
        %add3A_1165 = arith.addi %mul3A_332, %add3A_1164 : i32
        %get3A_1166 = arith.index_cast %add3A_1165 : i32 to index
        %get3A_1167 = arith.constant 32 : index
        %get3A_1168 = tpu.vector_load %arg11[%get3A_1166, %get3A_1167] {strides = array<i32>} : memref<416x64xf32, #tpu.memory_space<vmem>>, vector<16xf32>,
        %add3A_1169 = arith.addf %add3A_1137, %get3A_1168 : vector<16xf32>
        %mul3A_1170 = arith.mulf %get3A_1168, %get3A_1168 : vector<16xf32>
        %add3A_1171 = arith.addf %add3A_1139, %mul3A_1170 : vector<16xf32>
        %add3A_1172 = arith.constant 25 : i32
        %add3A_1173 = arith.addi %mul3A_332, %add3A_1172 : i32
        %get3A_1174 = arith.index_cast %add3A_1173 : i32 to index
        %get3A_1175 = arith.constant 48 : index
        %get3A_1176 = tpu.vector_load %arg11[%get3A_1174, %get3A_1175] {strides = array<i32>} : memref<416x64xf32, #tpu.memory_space<vmem>>, vector<16xf32>,
        %add3A_1177 = arith.addf %add3A_1145, %get3A_1176 : vector<16xf32>
        %mul3A_1178 = arith.mulf %get3A_1176, %get3A_1176 : vector<16xf32>
        %add3A_1179 = arith.addf %add3A_1147, %mul3A_1178 : vector<16xf32>
        %broadcast_in_dim3A_1180 = arith.constant 0.000000e+00 : f32
        %broadcast_in_dim3A_1181 = vector.broadcast %broadcast_in_dim3A_1180 : f32 to vector<16xf32>
        %mul3A_1182 = arith.mulf %get3A_3, %add3A_1153 : vector<16xf32>
        %add3A_1183 = arith.addf %broadcast_in_dim3A_1181, %mul3A_1182 : vector<16xf32>
        %mul3A_1184 = arith.mulf %add3A_1153, %add3A_1153 : vector<16xf32>
        %sub3A = arith.subf %mul3A_1184, %add3A_1155 : vector<16xf32>
        %mul3A_1185 = arith.constant 5.000000e-01 : f32
        %mul3A_1186 = vector.broadcast %mul3A_1185 : f32 to vector<16xf32>
        %mul3A_1187 = arith.mulf %mul3A_1186, %sub3A : vector<16xf32>
        %add3A_1188 = arith.addf %add3A_1183, %mul3A_1187 : vector<16xf32>
        %mul3A_1189 = arith.constant 2 : i32
        %mul3A_1190 = arith.muli %scan3A_117, %mul3A_1189 : i32
        %add3A_1191 = arith.constant 0 : i32
        %add3A_1192 = arith.addi %mul3A_1190, %add3A_1191 : i32
        %mul3A_1193 = arith.constant 16 : i32
        %mul3A_1194 = arith.muli %add3A_1192, %mul3A_1193 : i32
        %add3A_1195 = arith.addi %mul3A_1194, %scan3A_330 : i32
        %swap3A_1196 = arith.index_cast %add3A_1195 : i32 to index
        %swap3A_1197 = arith.constant 0 : index
        %swap3A_1198 = tpu.vector_load %arg15[%swap3A_1196, %swap3A_1197] {strides = array<i32>} : memref<512x64xf32, #tpu.memory_space<vmem>>, vector<16xf32>,
        tpu.vector_store %arg15[%swap3A_1196, %swap3A_1197], %add3A_1153 {strides = array<i32>} : memref<512x64xf32, #tpu.memory_space<vmem>>, vector<16xf32>,
        %mul3A_1199 = arith.mulf %get3A_5, %add3A_1161 : vector<16xf32>
        %add3A_1200 = arith.addf %add3A_1188, %mul3A_1199 : vector<16xf32>
        %mul3A_1201 = arith.mulf %add3A_1161, %add3A_1161 : vector<16xf32>
        %sub3A_1202 = arith.subf %mul3A_1201, %add3A_1163 : vector<16xf32>
        %mul3A_1203 = arith.constant 5.000000e-01 : f32
        %mul3A_1204 = vector.broadcast %mul3A_1203 : f32 to vector<16xf32>
        %mul3A_1205 = arith.mulf %mul3A_1204, %sub3A_1202 : vector<16xf32>
        %add3A_1206 = arith.addf %add3A_1200, %mul3A_1205 : vector<16xf32>
        %mul3A_1207 = arith.constant 2 : i32
        %mul3A_1208 = arith.muli %scan3A_117, %mul3A_1207 : i32
        %add3A_1209 = arith.constant 0 : i32
        %add3A_1210 = arith.addi %mul3A_1208, %add3A_1209 : i32
        %mul3A_1211 = arith.constant 16 : i32
        %mul3A_1212 = arith.muli %add3A_1210, %mul3A_1211 : i32
        %add3A_1213 = arith.addi %mul3A_1212, %scan3A_330 : i32
        %swap3A_1214 = arith.index_cast %add3A_1213 : i32 to index
        %swap3A_1215 = arith.constant 16 : index
        %swap3A_1216 = tpu.vector_load %arg15[%swap3A_1214, %swap3A_1215] {strides = array<i32>} : memref<512x64xf32, #tpu.memory_space<vmem>>, vector<16xf32>,
        tpu.vector_store %arg15[%swap3A_1214, %swap3A_1215], %add3A_1161 {strides = array<i32>} : memref<512x64xf32, #tpu.memory_space<vmem>>, vector<16xf32>,
        %mul3A_1217 = arith.mulf %get3A_7, %add3A_1169 : vector<16xf32>
        %add3A_1218 = arith.addf %add3A_1206, %mul3A_1217 : vector<16xf32>
        %mul3A_1219 = arith.mulf %add3A_1169, %add3A_1169 : vector<16xf32>
        %sub3A_1220 = arith.subf %mul3A_1219, %add3A_1171 : vector<16xf32>
        %mul3A_1221 = arith.constant 5.000000e-01 : f32
        %mul3A_1222 = vector.broadcast %mul3A_1221 : f32 to vector<16xf32>
        %mul3A_1223 = arith.mulf %mul3A_1222, %sub3A_1220 : vector<16xf32>
        %add3A_1224 = arith.addf %add3A_1218, %mul3A_1223 : vector<16xf32>
        %mul3A_1225 = arith.constant 2 : i32
        %mul3A_1226 = arith.muli %scan3A_117, %mul3A_1225 : i32
        %add3A_1227 = arith.constant 0 : i32
        %add3A_1228 = arith.addi %mul3A_1226, %add3A_1227 : i32
        %mul3A_1229 = arith.constant 16 : i32
        %mul3A_1230 = arith.muli %add3A_1228, %mul3A_1229 : i32
        %add3A_1231 = arith.addi %mul3A_1230, %scan3A_330 : i32
        %swap3A_1232 = arith.index_cast %add3A_1231 : i32 to index
        %swap3A_1233 = arith.constant 32 : index
        %swap3A_1234 = tpu.vector_load %arg15[%swap3A_1232, %swap3A_1233] {strides = array<i32>} : memref<512x64xf32, #tpu.memory_space<vmem>>, vector<16xf32>,
        tpu.vector_store %arg15[%swap3A_1232, %swap3A_1233], %add3A_1169 {strides = array<i32>} : memref<512x64xf32, #tpu.memory_space<vmem>>, vector<16xf32>,
        %mul3A_1235 = arith.mulf %get3A_9, %add3A_1177 : vector<16xf32>
        %add3A_1236 = arith.addf %add3A_1224, %mul3A_1235 : vector<16xf32>
        %mul3A_1237 = arith.mulf %add3A_1177, %add3A_1177 : vector<16xf32>
        %sub3A_1238 = arith.subf %mul3A_1237, %add3A_1179 : vector<16xf32>
        %mul3A_1239 = arith.constant 5.000000e-01 : f32
        %mul3A_1240 = vector.broadcast %mul3A_1239 : f32 to vector<16xf32>
        %mul3A_1241 = arith.mulf %mul3A_1240, %sub3A_1238 : vector<16xf32>
        %add3A_1242 = arith.addf %add3A_1236, %mul3A_1241 : vector<16xf32>
        %mul3A_1243 = arith.constant 2 : i32
        %mul3A_1244 = arith.muli %scan3A_117, %mul3A_1243 : i32
        %add3A_1245 = arith.constant 0 : i32
        %add3A_1246 = arith.addi %mul3A_1244, %add3A_1245 : i32
        %mul3A_1247 = arith.constant 16 : i32
        %mul3A_1248 = arith.muli %add3A_1246, %mul3A_1247 : i32
        %add3A_1249 = arith.addi %mul3A_1248, %scan3A_330 : i32
        %swap3A_1250 = arith.index_cast %add3A_1249 : i32 to index
        %swap3A_1251 = arith.constant 48 : index
        %swap3A_1252 = tpu.vector_load %arg15[%swap3A_1250, %swap3A_1251] {strides = array<i32>} : memref<512x64xf32, #tpu.memory_space<vmem>>, vector<16xf32>,
        tpu.vector_store %arg15[%swap3A_1250, %swap3A_1251], %add3A_1177 {strides = array<i32>} : memref<512x64xf32, #tpu.memory_space<vmem>>, vector<16xf32>,
        %broadcast_in_dim3A_1253 = vector.broadcast %scan3A_330 : i32 to vector<16xi32>
        tpu.vector_store_idx %arg14[%iota3A, %broadcast_in_dim3A_1253], %add3A_1242 : memref<16x16xf32, #tpu.memory_space<vmem>>[vector<16xi32>, vector<16xi32>], vector<16xf32>,
      }
      %scan3A_135 = arith.constant 16 : i32
      %get3A_136 = arith.constant 0 : i32
      %get3A_137 = arith.index_cast %get3A_136 : i32 to index
      %get3A_138 = arith.constant 0 : index
      %get3A_139 = tpu.vector_load %arg14[%get3A_137, %get3A_138] {strides = array<i32>} : memref<16x16xf32, #tpu.memory_space<vmem>>, vector<16xf32>,
      %get3A_140 = arith.constant 1 : i32
      %get3A_141 = arith.index_cast %get3A_140 : i32 to index
      %get3A_142 = arith.constant 0 : index
      %get3A_143 = tpu.vector_load %arg14[%get3A_141, %get3A_142] {strides = array<i32>} : memref<16x16xf32, #tpu.memory_space<vmem>>, vector<16xf32>,
      %add3A_144 = arith.addf %get3A_139, %get3A_143 : vector<16xf32>
      %get3A_145 = arith.constant 2 : i32
      %get3A_146 = arith.index_cast %get3A_145 : i32 to index
      %get3A_147 = arith.constant 0 : index
      %get3A_148 = tpu.vector_load %arg14[%get3A_146, %get3A_147] {strides = array<i32>} : memref<16x16xf32, #tpu.memory_space<vmem>>, vector<16xf32>,
      %add3A_149 = arith.addf %add3A_144, %get3A_148 : vector<16xf32>
      %get3A_150 = arith.constant 3 : i32
      %get3A_151 = arith.index_cast %get3A_150 : i32 to index
      %get3A_152 = arith.constant 0 : index
      %get3A_153 = tpu.vector_load %arg14[%get3A_151, %get3A_152] {strides = array<i32>} : memref<16x16xf32, #tpu.memory_space<vmem>>, vector<16xf32>,
      %add3A_154 = arith.addf %add3A_149, %get3A_153 : vector<16xf32>
      %get3A_155 = arith.constant 4 : i32
      %get3A_156 = arith.index_cast %get3A_155 : i32 to index
      %get3A_157 = arith.constant 0 : index
      %get3A_158 = tpu.vector_load %arg14[%get3A_156, %get3A_157] {strides = array<i32>} : memref<16x16xf32, #tpu.memory_space<vmem>>, vector<16xf32>,
      %add3A_159 = arith.addf %add3A_154, %get3A_158 : vector<16xf32>
      %get3A_160 = arith.constant 5 : i32
      %get3A_161 = arith.index_cast %get3A_160 : i32 to index
      %get3A_162 = arith.constant 0 : index
      %get3A_163 = tpu.vector_load %arg14[%get3A_161, %get3A_162] {strides = array<i32>} : memref<16x16xf32, #tpu.memory_space<vmem>>, vector<16xf32>,
      %add3A_164 = arith.addf %add3A_159, %get3A_163 : vector<16xf32>
      %get3A_165 = arith.constant 6 : i32
      %get3A_166 = arith.index_cast %get3A_165 : i32 to index
      %get3A_167 = arith.constant 0 : index
      %get3A_168 = tpu.vector_load %arg14[%get3A_166, %get3A_167] {strides = array<i32>} : memref<16x16xf32, #tpu.memory_space<vmem>>, vector<16xf32>,
      %add3A_169 = arith.addf %add3A_164, %get3A_168 : vector<16xf32>
      %get3A_170 = arith.constant 7 : i32
      %get3A_171 = arith.index_cast %get3A_170 : i32 to index
      %get3A_172 = arith.constant 0 : index
      %get3A_173 = tpu.vector_load %arg14[%get3A_171, %get3A_172] {strides = array<i32>} : memref<16x16xf32, #tpu.memory_space<vmem>>, vector<16xf32>,
      %add3A_174 = arith.addf %add3A_169, %get3A_173 : vector<16xf32>
      %get3A_175 = arith.constant 8 : i32
      %get3A_176 = arith.index_cast %get3A_175 : i32 to index
      %get3A_177 = arith.constant 0 : index
      %get3A_178 = tpu.vector_load %arg14[%get3A_176, %get3A_177] {strides = array<i32>} : memref<16x16xf32, #tpu.memory_space<vmem>>, vector<16xf32>,
      %add3A_179 = arith.addf %add3A_174, %get3A_178 : vector<16xf32>
      %get3A_180 = arith.constant 9 : i32
      %get3A_181 = arith.index_cast %get3A_180 : i32 to index
      %get3A_182 = arith.constant 0 : index
      %get3A_183 = tpu.vector_load %arg14[%get3A_181, %get3A_182] {strides = array<i32>} : memref<16x16xf32, #tpu.memory_space<vmem>>, vector<16xf32>,
      %add3A_184 = arith.addf %add3A_179, %get3A_183 : vector<16xf32>
      %get3A_185 = arith.constant 10 : i32
      %get3A_186 = arith.index_cast %get3A_185 : i32 to index
      %get3A_187 = arith.constant 0 : index
      %get3A_188 = tpu.vector_load %arg14[%get3A_186, %get3A_187] {strides = array<i32>} : memref<16x16xf32, #tpu.memory_space<vmem>>, vector<16xf32>,
      %add3A_189 = arith.addf %add3A_184, %get3A_188 : vector<16xf32>
      %get3A_190 = arith.constant 11 : i32
      %get3A_191 = arith.index_cast %get3A_190 : i32 to index
      %get3A_192 = arith.constant 0 : index
      %get3A_193 = tpu.vector_load %arg14[%get3A_191, %get3A_192] {strides = array<i32>} : memref<16x16xf32, #tpu.memory_space<vmem>>, vector<16xf32>,
      %add3A_194 = arith.addf %add3A_189, %get3A_193 : vector<16xf32>
      %get3A_195 = arith.constant 12 : i32
      %get3A_196 = arith.index_cast %get3A_195 : i32 to index
      %get3A_197 = arith.constant 0 : index
      %get3A_198 = tpu.vector_load %arg14[%get3A_196, %get3A_197] {strides = array<i32>} : memref<16x16xf32, #tpu.memory_space<vmem>>, vector<16xf32>,
      %add3A_199 = arith.addf %add3A_194, %get3A_198 : vector<16xf32>
      %get3A_200 = arith.constant 13 : i32
      %get3A_201 = arith.index_cast %get3A_200 : i32 to index
      %get3A_202 = arith.constant 0 : index
      %get3A_203 = tpu.vector_load %arg14[%get3A_201, %get3A_202] {strides = array<i32>} : memref<16x16xf32, #tpu.memory_space<vmem>>, vector<16xf32>,
      %add3A_204 = arith.addf %add3A_199, %get3A_203 : vector<16xf32>
      %get3A_205 = arith.constant 14 : i32
      %get3A_206 = arith.index_cast %get3A_205 : i32 to index
      %get3A_207 = arith.constant 0 : index
      %get3A_208 = tpu.vector_load %arg14[%get3A_206, %get3A_207] {strides = array<i32>} : memref<16x16xf32, #tpu.memory_space<vmem>>, vector<16xf32>,
      %add3A_209 = arith.addf %add3A_204, %get3A_208 : vector<16xf32>
      %get3A_210 = arith.constant 15 : i32
      %get3A_211 = arith.index_cast %get3A_210 : i32 to index
      %get3A_212 = arith.constant 0 : index
      %get3A_213 = tpu.vector_load %arg14[%get3A_211, %get3A_212] {strides = array<i32>} : memref<16x16xf32, #tpu.memory_space<vmem>>, vector<16xf32>,
      %add3A_214 = arith.addf %add3A_209, %get3A_213 : vector<16xf32>
      %mul3A_215 = arith.constant 2 : i32
      %mul3A_216 = arith.muli %scan3A_117, %mul3A_215 : i32
      %add3A_217 = arith.constant 0 : i32
      %add3A_218 = arith.addi %mul3A_216, %add3A_217 : i32
      %mul3A_219 = arith.constant 16 : i32
      %mul3A_220 = arith.muli %add3A_218, %mul3A_219 : i32
      %swap3A = arith.index_cast %mul3A_220 : i32 to index
      %swap3A_221 = tpu.vector_load %arg16[%swap3A] {strides = array<i32>} : memref<512xf32, #tpu.memory_space<vmem>>, vector<16xf32>,
      tpu.vector_store %arg16[%swap3A], %add3A_214 {strides = array<i32>} : memref<512xf32, #tpu.memory_space<vmem>>, vector<16xf32>,
      %mul3A_222 = arith.constant 2 : i32
      %mul3A_223 = arith.muli %scan3A_117, %mul3A_222 : i32
      %add3A_224 = arith.constant 1 : i32
      %add3A_225 = arith.addi %mul3A_223, %add3A_224 : i32
      %lt3A_226 = arith.constant 31 : i32
      %lt3A_227 = arith.cmpi slt, %add3A_225, %lt3A_226 : i32
      %convert_element_type3A_228 = arith.extui %lt3A_227 : i1 to i32
      %cond3A_229 = arith.constant 0 : i32
      %cond3A_230 = arith.cmpi ne, %convert_element_type3A_228, %cond3A_229 : i32
      scf.if %cond3A_230 {
        %add3A_330 = arith.constant 1 : i32
        %add3A_331 = arith.addi %add3A_225, %add3A_330 : i32
        %mul3A_332 = arith.constant 416 : i32
        %mul3A_333 = arith.muli %add3A_331, %mul3A_332 : i32
        %dma_start3A_334 = tpu.memref_slice %arg10[%mul3A_333] : memref<13320xi32, #tpu.memory_space<vmem>> -> memref<416xi32, #tpu.memory_space<vmem>>
        %dma_start3A_335 = arith.constant 0 : i32
        %dma_start3A_336 = arith.constant 0 : i32
        %dma_start3A_337 = tpu.memref_slice %arg4[%dma_start3A_335, %dma_start3A_336] : memref<1032192x64xf32, #tpu.memory_space<hbm>> -> memref<1032192x64xf32, #tpu.memory_space<hbm>>
        tpu.enqueue_indirect_dma source(%dma_start3A_337 : memref<1032192x64xf32, #tpu.memory_space<hbm>>) target(%arg11 : memref<416x64xf32, #tpu.memory_space<vmem>>) offsets(%dma_start3A_334 : memref<416xi32, #tpu.memory_space<vmem>>) semaphore(%arg17 : memref<!tpu.dma_semaphore, #tpu.memory_space<semaphore_mem>>)
      } else {
      }
      %dma_wait3A_231 = arith.constant 0 : i32
      %dma_wait3A_232 = arith.constant 0 : i32
      %dma_wait3A_233 = tpu.memref_slice %arg4[%dma_wait3A_231, %dma_wait3A_232] : memref<1032192x64xf32, #tpu.memory_space<hbm>> -> memref<416x64xf32, #tpu.memory_space<hbm>>
      %dma_wait3A_234 = arith.constant 0 : i32
      %dma_wait3A_235 = arith.constant 0 : i32
      %dma_wait3A_236 = tpu.memref_slice %arg4[%dma_wait3A_234, %dma_wait3A_235] : memref<1032192x64xf32, #tpu.memory_space<hbm>> -> memref<416x64xf32, #tpu.memory_space<hbm>>
      tpu.wait_dma2 semaphore(%arg18 : memref<!tpu.dma_semaphore, #tpu.memory_space<semaphore_mem>>) src(%dma_wait3A_236 : memref<416x64xf32, #tpu.memory_space<hbm>>) dst(%arg12 : memref<416x64xf32, #tpu.memory_space<vmem>>)
      %scan3A_237 = arith.constant 0 : i32
      %scan3A_238 = arith.constant 0 : i32
      %scan3A_239 = arith.constant 16 : i32
      %scan3A_240 = arith.addi %scan3A_238, %scan3A_239 : i32
      %scan3A_241 = arith.constant 1 : i32
      scf.for %scan3A_330 = %scan3A_238 to %scan3A_240 step %scan3A_241  : i32 {
        %mul3A_331 = arith.constant 26 : i32
        %mul3A_332 = arith.muli %scan3A_330, %mul3A_331 : i32
        %broadcast_in_dim3A = arith.constant 0.000000e+00 : f32
        %broadcast_in_dim3A_333 = vector.broadcast %broadcast_in_dim3A : f32 to vector<16xf32>
        %broadcast_in_dim3A_334 = arith.constant 0.000000e+00 : f32
        %broadcast_in_dim3A_335 = vector.broadcast %broadcast_in_dim3A_334 : f32 to vector<16xf32>
        %broadcast_in_dim3A_336 = arith.constant 0.000000e+00 : f32
        %broadcast_in_dim3A_337 = vector.broadcast %broadcast_in_dim3A_336 : f32 to vector<16xf32>
        %broadcast_in_dim3A_338 = arith.constant 0.000000e+00 : f32
        %broadcast_in_dim3A_339 = vector.broadcast %broadcast_in_dim3A_338 : f32 to vector<16xf32>
        %broadcast_in_dim3A_340 = arith.constant 0.000000e+00 : f32
        %broadcast_in_dim3A_341 = vector.broadcast %broadcast_in_dim3A_340 : f32 to vector<16xf32>
        %broadcast_in_dim3A_342 = arith.constant 0.000000e+00 : f32
        %broadcast_in_dim3A_343 = vector.broadcast %broadcast_in_dim3A_342 : f32 to vector<16xf32>
        %broadcast_in_dim3A_344 = arith.constant 0.000000e+00 : f32
        %broadcast_in_dim3A_345 = vector.broadcast %broadcast_in_dim3A_344 : f32 to vector<16xf32>
        %broadcast_in_dim3A_346 = arith.constant 0.000000e+00 : f32
        %broadcast_in_dim3A_347 = vector.broadcast %broadcast_in_dim3A_346 : f32 to vector<16xf32>
        %add3A_348 = arith.constant 0 : i32
        %add3A_349 = arith.addi %mul3A_332, %add3A_348 : i32
        %get3A_350 = arith.index_cast %add3A_349 : i32 to index
        %get3A_351 = arith.constant 0 : index
        %get3A_352 = tpu.vector_load %arg12[%get3A_350, %get3A_351] {strides = array<i32>} : memref<416x64xf32, #tpu.memory_space<vmem>>, vector<16xf32>,
        %add3A_353 = arith.addf %broadcast_in_dim3A_333, %get3A_352 : vector<16xf32>
        %mul3A_354 = arith.mulf %get3A_352, %get3A_352 : vector<16xf32>
        %add3A_355 = arith.addf %broadcast_in_dim3A_341, %mul3A_354 : vector<16xf32>
        %add3A_356 = arith.constant 0 : i32
        %add3A_357 = arith.addi %mul3A_332, %add3A_356 : i32
        %get3A_358 = arith.index_cast %add3A_357 : i32 to index
        %get3A_359 = arith.constant 16 : index
        %get3A_360 = tpu.vector_load %arg12[%get3A_358, %get3A_359] {strides = array<i32>} : memref<416x64xf32, #tpu.memory_space<vmem>>, vector<16xf32>,
        %add3A_361 = arith.addf %broadcast_in_dim3A_335, %get3A_360 : vector<16xf32>
        %mul3A_362 = arith.mulf %get3A_360, %get3A_360 : vector<16xf32>
        %add3A_363 = arith.addf %broadcast_in_dim3A_343, %mul3A_362 : vector<16xf32>
        %add3A_364 = arith.constant 0 : i32
        %add3A_365 = arith.addi %mul3A_332, %add3A_364 : i32
        %get3A_366 = arith.index_cast %add3A_365 : i32 to index
        %get3A_367 = arith.constant 32 : index
        %get3A_368 = tpu.vector_load %arg12[%get3A_366, %get3A_367] {strides = array<i32>} : memref<416x64xf32, #tpu.memory_space<vmem>>, vector<16xf32>,
        %add3A_369 = arith.addf %broadcast_in_dim3A_337, %get3A_368 : vector<16xf32>
        %mul3A_370 = arith.mulf %get3A_368, %get3A_368 : vector<16xf32>
        %add3A_371 = arith.addf %broadcast_in_dim3A_345, %mul3A_370 : vector<16xf32>
        %add3A_372 = arith.constant 0 : i32
        %add3A_373 = arith.addi %mul3A_332, %add3A_372 : i32
        %get3A_374 = arith.index_cast %add3A_373 : i32 to index
        %get3A_375 = arith.constant 48 : index
        %get3A_376 = tpu.vector_load %arg12[%get3A_374, %get3A_375] {strides = array<i32>} : memref<416x64xf32, #tpu.memory_space<vmem>>, vector<16xf32>,
        %add3A_377 = arith.addf %broadcast_in_dim3A_339, %get3A_376 : vector<16xf32>
        %mul3A_378 = arith.mulf %get3A_376, %get3A_376 : vector<16xf32>
        %add3A_379 = arith.addf %broadcast_in_dim3A_347, %mul3A_378 : vector<16xf32>
        %add3A_380 = arith.constant 1 : i32
        %add3A_381 = arith.addi %mul3A_332, %add3A_380 : i32
        %get3A_382 = arith.index_cast %add3A_381 : i32 to index
        %get3A_383 = arith.constant 0 : index
        %get3A_384 = tpu.vector_load %arg12[%get3A_382, %get3A_383] {strides = array<i32>} : memref<416x64xf32, #tpu.memory_space<vmem>>, vector<16xf32>,
        %add3A_385 = arith.addf %add3A_353, %get3A_384 : vector<16xf32>
        %mul3A_386 = arith.mulf %get3A_384, %get3A_384 : vector<16xf32>
        %add3A_387 = arith.addf %add3A_355, %mul3A_386 : vector<16xf32>
        %add3A_388 = arith.constant 1 : i32
        %add3A_389 = arith.addi %mul3A_332, %add3A_388 : i32
        %get3A_390 = arith.index_cast %add3A_389 : i32 to index
        %get3A_391 = arith.constant 16 : index
        %get3A_392 = tpu.vector_load %arg12[%get3A_390, %get3A_391] {strides = array<i32>} : memref<416x64xf32, #tpu.memory_space<vmem>>, vector<16xf32>,
        %add3A_393 = arith.addf %add3A_361, %get3A_392 : vector<16xf32>
        %mul3A_394 = arith.mulf %get3A_392, %get3A_392 : vector<16xf32>
        %add3A_395 = arith.addf %add3A_363, %mul3A_394 : vector<16xf32>
        %add3A_396 = arith.constant 1 : i32
        %add3A_397 = arith.addi %mul3A_332, %add3A_396 : i32
        %get3A_398 = arith.index_cast %add3A_397 : i32 to index
        %get3A_399 = arith.constant 32 : index
        %get3A_400 = tpu.vector_load %arg12[%get3A_398, %get3A_399] {strides = array<i32>} : memref<416x64xf32, #tpu.memory_space<vmem>>, vector<16xf32>,
        %add3A_401 = arith.addf %add3A_369, %get3A_400 : vector<16xf32>
        %mul3A_402 = arith.mulf %get3A_400, %get3A_400 : vector<16xf32>
        %add3A_403 = arith.addf %add3A_371, %mul3A_402 : vector<16xf32>
        %add3A_404 = arith.constant 1 : i32
        %add3A_405 = arith.addi %mul3A_332, %add3A_404 : i32
        %get3A_406 = arith.index_cast %add3A_405 : i32 to index
        %get3A_407 = arith.constant 48 : index
        %get3A_408 = tpu.vector_load %arg12[%get3A_406, %get3A_407] {strides = array<i32>} : memref<416x64xf32, #tpu.memory_space<vmem>>, vector<16xf32>,
        %add3A_409 = arith.addf %add3A_377, %get3A_408 : vector<16xf32>
        %mul3A_410 = arith.mulf %get3A_408, %get3A_408 : vector<16xf32>
        %add3A_411 = arith.addf %add3A_379, %mul3A_410 : vector<16xf32>
        %add3A_412 = arith.constant 2 : i32
        %add3A_413 = arith.addi %mul3A_332, %add3A_412 : i32
        %get3A_414 = arith.index_cast %add3A_413 : i32 to index
        %get3A_415 = arith.constant 0 : index
        %get3A_416 = tpu.vector_load %arg12[%get3A_414, %get3A_415] {strides = array<i32>} : memref<416x64xf32, #tpu.memory_space<vmem>>, vector<16xf32>,
        %add3A_417 = arith.addf %add3A_385, %get3A_416 : vector<16xf32>
        %mul3A_418 = arith.mulf %get3A_416, %get3A_416 : vector<16xf32>
        %add3A_419 = arith.addf %add3A_387, %mul3A_418 : vector<16xf32>
        %add3A_420 = arith.constant 2 : i32
        %add3A_421 = arith.addi %mul3A_332, %add3A_420 : i32
        %get3A_422 = arith.index_cast %add3A_421 : i32 to index
        %get3A_423 = arith.constant 16 : index
        %get3A_424 = tpu.vector_load %arg12[%get3A_422, %get3A_423] {strides = array<i32>} : memref<416x64xf32, #tpu.memory_space<vmem>>, vector<16xf32>,
        %add3A_425 = arith.addf %add3A_393, %get3A_424 : vector<16xf32>
        %mul3A_426 = arith.mulf %get3A_424, %get3A_424 : vector<16xf32>
        %add3A_427 = arith.addf %add3A_395, %mul3A_426 : vector<16xf32>
        %add3A_428 = arith.constant 2 : i32
        %add3A_429 = arith.addi %mul3A_332, %add3A_428 : i32
        %get3A_430 = arith.index_cast %add3A_429 : i32 to index
        %get3A_431 = arith.constant 32 : index
        %get3A_432 = tpu.vector_load %arg12[%get3A_430, %get3A_431] {strides = array<i32>} : memref<416x64xf32, #tpu.memory_space<vmem>>, vector<16xf32>,
        %add3A_433 = arith.addf %add3A_401, %get3A_432 : vector<16xf32>
        %mul3A_434 = arith.mulf %get3A_432, %get3A_432 : vector<16xf32>
        %add3A_435 = arith.addf %add3A_403, %mul3A_434 : vector<16xf32>
        %add3A_436 = arith.constant 2 : i32
        %add3A_437 = arith.addi %mul3A_332, %add3A_436 : i32
        %get3A_438 = arith.index_cast %add3A_437 : i32 to index
        %get3A_439 = arith.constant 48 : index
        %get3A_440 = tpu.vector_load %arg12[%get3A_438, %get3A_439] {strides = array<i32>} : memref<416x64xf32, #tpu.memory_space<vmem>>, vector<16xf32>,
        %add3A_441 = arith.addf %add3A_409, %get3A_440 : vector<16xf32>
        %mul3A_442 = arith.mulf %get3A_440, %get3A_440 : vector<16xf32>
        %add3A_443 = arith.addf %add3A_411, %mul3A_442 : vector<16xf32>
        %add3A_444 = arith.constant 3 : i32
        %add3A_445 = arith.addi %mul3A_332, %add3A_444 : i32
        %get3A_446 = arith.index_cast %add3A_445 : i32 to index
        %get3A_447 = arith.constant 0 : index
        %get3A_448 = tpu.vector_load %arg12[%get3A_446, %get3A_447] {strides = array<i32>} : memref<416x64xf32, #tpu.memory_space<vmem>>, vector<16xf32>,
        %add3A_449 = arith.addf %add3A_417, %get3A_448 : vector<16xf32>
        %mul3A_450 = arith.mulf %get3A_448, %get3A_448 : vector<16xf32>
        %add3A_451 = arith.addf %add3A_419, %mul3A_450 : vector<16xf32>
        %add3A_452 = arith.constant 3 : i32
        %add3A_453 = arith.addi %mul3A_332, %add3A_452 : i32
        %get3A_454 = arith.index_cast %add3A_453 : i32 to index
        %get3A_455 = arith.constant 16 : index
        %get3A_456 = tpu.vector_load %arg12[%get3A_454, %get3A_455] {strides = array<i32>} : memref<416x64xf32, #tpu.memory_space<vmem>>, vector<16xf32>,
        %add3A_457 = arith.addf %add3A_425, %get3A_456 : vector<16xf32>
        %mul3A_458 = arith.mulf %get3A_456, %get3A_456 : vector<16xf32>
        %add3A_459 = arith.addf %add3A_427, %mul3A_458 : vector<16xf32>
        %add3A_460 = arith.constant 3 : i32
        %add3A_461 = arith.addi %mul3A_332, %add3A_460 : i32
        %get3A_462 = arith.index_cast %add3A_461 : i32 to index
        %get3A_463 = arith.constant 32 : index
        %get3A_464 = tpu.vector_load %arg12[%get3A_462, %get3A_463] {strides = array<i32>} : memref<416x64xf32, #tpu.memory_space<vmem>>, vector<16xf32>,
        %add3A_465 = arith.addf %add3A_433, %get3A_464 : vector<16xf32>
        %mul3A_466 = arith.mulf %get3A_464, %get3A_464 : vector<16xf32>
        %add3A_467 = arith.addf %add3A_435, %mul3A_466 : vector<16xf32>
        %add3A_468 = arith.constant 3 : i32
        %add3A_469 = arith.addi %mul3A_332, %add3A_468 : i32
        %get3A_470 = arith.index_cast %add3A_469 : i32 to index
        %get3A_471 = arith.constant 48 : index
        %get3A_472 = tpu.vector_load %arg12[%get3A_470, %get3A_471] {strides = array<i32>} : memref<416x64xf32, #tpu.memory_space<vmem>>, vector<16xf32>,
        %add3A_473 = arith.addf %add3A_441, %get3A_472 : vector<16xf32>
        %mul3A_474 = arith.mulf %get3A_472, %get3A_472 : vector<16xf32>
        %add3A_475 = arith.addf %add3A_443, %mul3A_474 : vector<16xf32>
        %add3A_476 = arith.constant 4 : i32
        %add3A_477 = arith.addi %mul3A_332, %add3A_476 : i32
        %get3A_478 = arith.index_cast %add3A_477 : i32 to index
        %get3A_479 = arith.constant 0 : index
        %get3A_480 = tpu.vector_load %arg12[%get3A_478, %get3A_479] {strides = array<i32>} : memref<416x64xf32, #tpu.memory_space<vmem>>, vector<16xf32>,
        %add3A_481 = arith.addf %add3A_449, %get3A_480 : vector<16xf32>
        %mul3A_482 = arith.mulf %get3A_480, %get3A_480 : vector<16xf32>
        %add3A_483 = arith.addf %add3A_451, %mul3A_482 : vector<16xf32>
        %add3A_484 = arith.constant 4 : i32
        %add3A_485 = arith.addi %mul3A_332, %add3A_484 : i32
        %get3A_486 = arith.index_cast %add3A_485 : i32 to index
        %get3A_487 = arith.constant 16 : index
        %get3A_488 = tpu.vector_load %arg12[%get3A_486, %get3A_487] {strides = array<i32>} : memref<416x64xf32, #tpu.memory_space<vmem>>, vector<16xf32>,
        %add3A_489 = arith.addf %add3A_457, %get3A_488 : vector<16xf32>
        %mul3A_490 = arith.mulf %get3A_488, %get3A_488 : vector<16xf32>
        %add3A_491 = arith.addf %add3A_459, %mul3A_490 : vector<16xf32>
        %add3A_492 = arith.constant 4 : i32
        %add3A_493 = arith.addi %mul3A_332, %add3A_492 : i32
        %get3A_494 = arith.index_cast %add3A_493 : i32 to index
        %get3A_495 = arith.constant 32 : index
        %get3A_496 = tpu.vector_load %arg12[%get3A_494, %get3A_495] {strides = array<i32>} : memref<416x64xf32, #tpu.memory_space<vmem>>, vector<16xf32>,
        %add3A_497 = arith.addf %add3A_465, %get3A_496 : vector<16xf32>
        %mul3A_498 = arith.mulf %get3A_496, %get3A_496 : vector<16xf32>
        %add3A_499 = arith.addf %add3A_467, %mul3A_498 : vector<16xf32>
        %add3A_500 = arith.constant 4 : i32
        %add3A_501 = arith.addi %mul3A_332, %add3A_500 : i32
        %get3A_502 = arith.index_cast %add3A_501 : i32 to index
        %get3A_503 = arith.constant 48 : index
        %get3A_504 = tpu.vector_load %arg12[%get3A_502, %get3A_503] {strides = array<i32>} : memref<416x64xf32, #tpu.memory_space<vmem>>, vector<16xf32>,
        %add3A_505 = arith.addf %add3A_473, %get3A_504 : vector<16xf32>
        %mul3A_506 = arith.mulf %get3A_504, %get3A_504 : vector<16xf32>
        %add3A_507 = arith.addf %add3A_475, %mul3A_506 : vector<16xf32>
        %add3A_508 = arith.constant 5 : i32
        %add3A_509 = arith.addi %mul3A_332, %add3A_508 : i32
        %get3A_510 = arith.index_cast %add3A_509 : i32 to index
        %get3A_511 = arith.constant 0 : index
        %get3A_512 = tpu.vector_load %arg12[%get3A_510, %get3A_511] {strides = array<i32>} : memref<416x64xf32, #tpu.memory_space<vmem>>, vector<16xf32>,
        %add3A_513 = arith.addf %add3A_481, %get3A_512 : vector<16xf32>
        %mul3A_514 = arith.mulf %get3A_512, %get3A_512 : vector<16xf32>
        %add3A_515 = arith.addf %add3A_483, %mul3A_514 : vector<16xf32>
        %add3A_516 = arith.constant 5 : i32
        %add3A_517 = arith.addi %mul3A_332, %add3A_516 : i32
        %get3A_518 = arith.index_cast %add3A_517 : i32 to index
        %get3A_519 = arith.constant 16 : index
        %get3A_520 = tpu.vector_load %arg12[%get3A_518, %get3A_519] {strides = array<i32>} : memref<416x64xf32, #tpu.memory_space<vmem>>, vector<16xf32>,
        %add3A_521 = arith.addf %add3A_489, %get3A_520 : vector<16xf32>
        %mul3A_522 = arith.mulf %get3A_520, %get3A_520 : vector<16xf32>
        %add3A_523 = arith.addf %add3A_491, %mul3A_522 : vector<16xf32>
        %add3A_524 = arith.constant 5 : i32
        %add3A_525 = arith.addi %mul3A_332, %add3A_524 : i32
        %get3A_526 = arith.index_cast %add3A_525 : i32 to index
        %get3A_527 = arith.constant 32 : index
        %get3A_528 = tpu.vector_load %arg12[%get3A_526, %get3A_527] {strides = array<i32>} : memref<416x64xf32, #tpu.memory_space<vmem>>, vector<16xf32>,
        %add3A_529 = arith.addf %add3A_497, %get3A_528 : vector<16xf32>
        %mul3A_530 = arith.mulf %get3A_528, %get3A_528 : vector<16xf32>
        %add3A_531 = arith.addf %add3A_499, %mul3A_530 : vector<16xf32>
        %add3A_532 = arith.constant 5 : i32
        %add3A_533 = arith.addi %mul3A_332, %add3A_532 : i32
        %get3A_534 = arith.index_cast %add3A_533 : i32 to index
        %get3A_535 = arith.constant 48 : index
        %get3A_536 = tpu.vector_load %arg12[%get3A_534, %get3A_535] {strides = array<i32>} : memref<416x64xf32, #tpu.memory_space<vmem>>, vector<16xf32>,
        %add3A_537 = arith.addf %add3A_505, %get3A_536 : vector<16xf32>
        %mul3A_538 = arith.mulf %get3A_536, %get3A_536 : vector<16xf32>
        %add3A_539 = arith.addf %add3A_507, %mul3A_538 : vector<16xf32>
        %add3A_540 = arith.constant 6 : i32
        %add3A_541 = arith.addi %mul3A_332, %add3A_540 : i32
        %get3A_542 = arith.index_cast %add3A_541 : i32 to index
        %get3A_543 = arith.constant 0 : index
        %get3A_544 = tpu.vector_load %arg12[%get3A_542, %get3A_543] {strides = array<i32>} : memref<416x64xf32, #tpu.memory_space<vmem>>, vector<16xf32>,
        %add3A_545 = arith.addf %add3A_513, %get3A_544 : vector<16xf32>
        %mul3A_546 = arith.mulf %get3A_544, %get3A_544 : vector<16xf32>
        %add3A_547 = arith.addf %add3A_515, %mul3A_546 : vector<16xf32>
        %add3A_548 = arith.constant 6 : i32
        %add3A_549 = arith.addi %mul3A_332, %add3A_548 : i32
        %get3A_550 = arith.index_cast %add3A_549 : i32 to index
        %get3A_551 = arith.constant 16 : index
        %get3A_552 = tpu.vector_load %arg12[%get3A_550, %get3A_551] {strides = array<i32>} : memref<416x64xf32, #tpu.memory_space<vmem>>, vector<16xf32>,
        %add3A_553 = arith.addf %add3A_521, %get3A_552 : vector<16xf32>
        %mul3A_554 = arith.mulf %get3A_552, %get3A_552 : vector<16xf32>
        %add3A_555 = arith.addf %add3A_523, %mul3A_554 : vector<16xf32>
        %add3A_556 = arith.constant 6 : i32
        %add3A_557 = arith.addi %mul3A_332, %add3A_556 : i32
        %get3A_558 = arith.index_cast %add3A_557 : i32 to index
        %get3A_559 = arith.constant 32 : index
        %get3A_560 = tpu.vector_load %arg12[%get3A_558, %get3A_559] {strides = array<i32>} : memref<416x64xf32, #tpu.memory_space<vmem>>, vector<16xf32>,
        %add3A_561 = arith.addf %add3A_529, %get3A_560 : vector<16xf32>
        %mul3A_562 = arith.mulf %get3A_560, %get3A_560 : vector<16xf32>
        %add3A_563 = arith.addf %add3A_531, %mul3A_562 : vector<16xf32>
        %add3A_564 = arith.constant 6 : i32
        %add3A_565 = arith.addi %mul3A_332, %add3A_564 : i32
        %get3A_566 = arith.index_cast %add3A_565 : i32 to index
        %get3A_567 = arith.constant 48 : index
        %get3A_568 = tpu.vector_load %arg12[%get3A_566, %get3A_567] {strides = array<i32>} : memref<416x64xf32, #tpu.memory_space<vmem>>, vector<16xf32>,
        %add3A_569 = arith.addf %add3A_537, %get3A_568 : vector<16xf32>
        %mul3A_570 = arith.mulf %get3A_568, %get3A_568 : vector<16xf32>
        %add3A_571 = arith.addf %add3A_539, %mul3A_570 : vector<16xf32>
        %add3A_572 = arith.constant 7 : i32
        %add3A_573 = arith.addi %mul3A_332, %add3A_572 : i32
        %get3A_574 = arith.index_cast %add3A_573 : i32 to index
        %get3A_575 = arith.constant 0 : index
        %get3A_576 = tpu.vector_load %arg12[%get3A_574, %get3A_575] {strides = array<i32>} : memref<416x64xf32, #tpu.memory_space<vmem>>, vector<16xf32>,
        %add3A_577 = arith.addf %add3A_545, %get3A_576 : vector<16xf32>
        %mul3A_578 = arith.mulf %get3A_576, %get3A_576 : vector<16xf32>
        %add3A_579 = arith.addf %add3A_547, %mul3A_578 : vector<16xf32>
        %add3A_580 = arith.constant 7 : i32
        %add3A_581 = arith.addi %mul3A_332, %add3A_580 : i32
        %get3A_582 = arith.index_cast %add3A_581 : i32 to index
        %get3A_583 = arith.constant 16 : index
        %get3A_584 = tpu.vector_load %arg12[%get3A_582, %get3A_583] {strides = array<i32>} : memref<416x64xf32, #tpu.memory_space<vmem>>, vector<16xf32>,
        %add3A_585 = arith.addf %add3A_553, %get3A_584 : vector<16xf32>
        %mul3A_586 = arith.mulf %get3A_584, %get3A_584 : vector<16xf32>
        %add3A_587 = arith.addf %add3A_555, %mul3A_586 : vector<16xf32>
        %add3A_588 = arith.constant 7 : i32
        %add3A_589 = arith.addi %mul3A_332, %add3A_588 : i32
        %get3A_590 = arith.index_cast %add3A_589 : i32 to index
        %get3A_591 = arith.constant 32 : index
        %get3A_592 = tpu.vector_load %arg12[%get3A_590, %get3A_591] {strides = array<i32>} : memref<416x64xf32, #tpu.memory_space<vmem>>, vector<16xf32>,
        %add3A_593 = arith.addf %add3A_561, %get3A_592 : vector<16xf32>
        %mul3A_594 = arith.mulf %get3A_592, %get3A_592 : vector<16xf32>
        %add3A_595 = arith.addf %add3A_563, %mul3A_594 : vector<16xf32>
        %add3A_596 = arith.constant 7 : i32
        %add3A_597 = arith.addi %mul3A_332, %add3A_596 : i32
        %get3A_598 = arith.index_cast %add3A_597 : i32 to index
        %get3A_599 = arith.constant 48 : index
        %get3A_600 = tpu.vector_load %arg12[%get3A_598, %get3A_599] {strides = array<i32>} : memref<416x64xf32, #tpu.memory_space<vmem>>, vector<16xf32>,
        %add3A_601 = arith.addf %add3A_569, %get3A_600 : vector<16xf32>
        %mul3A_602 = arith.mulf %get3A_600, %get3A_600 : vector<16xf32>
        %add3A_603 = arith.addf %add3A_571, %mul3A_602 : vector<16xf32>
        %add3A_604 = arith.constant 8 : i32
        %add3A_605 = arith.addi %mul3A_332, %add3A_604 : i32
        %get3A_606 = arith.index_cast %add3A_605 : i32 to index
        %get3A_607 = arith.constant 0 : index
        %get3A_608 = tpu.vector_load %arg12[%get3A_606, %get3A_607] {strides = array<i32>} : memref<416x64xf32, #tpu.memory_space<vmem>>, vector<16xf32>,
        %add3A_609 = arith.addf %add3A_577, %get3A_608 : vector<16xf32>
        %mul3A_610 = arith.mulf %get3A_608, %get3A_608 : vector<16xf32>
        %add3A_611 = arith.addf %add3A_579, %mul3A_610 : vector<16xf32>
        %add3A_612 = arith.constant 8 : i32
        %add3A_613 = arith.addi %mul3A_332, %add3A_612 : i32
        %get3A_614 = arith.index_cast %add3A_613 : i32 to index
        %get3A_615 = arith.constant 16 : index
        %get3A_616 = tpu.vector_load %arg12[%get3A_614, %get3A_615] {strides = array<i32>} : memref<416x64xf32, #tpu.memory_space<vmem>>, vector<16xf32>,
        %add3A_617 = arith.addf %add3A_585, %get3A_616 : vector<16xf32>
        %mul3A_618 = arith.mulf %get3A_616, %get3A_616 : vector<16xf32>
        %add3A_619 = arith.addf %add3A_587, %mul3A_618 : vector<16xf32>
        %add3A_620 = arith.constant 8 : i32
        %add3A_621 = arith.addi %mul3A_332, %add3A_620 : i32
        %get3A_622 = arith.index_cast %add3A_621 : i32 to index
        %get3A_623 = arith.constant 32 : index
        %get3A_624 = tpu.vector_load %arg12[%get3A_622, %get3A_623] {strides = array<i32>} : memref<416x64xf32, #tpu.memory_space<vmem>>, vector<16xf32>,
        %add3A_625 = arith.addf %add3A_593, %get3A_624 : vector<16xf32>
        %mul3A_626 = arith.mulf %get3A_624, %get3A_624 : vector<16xf32>
        %add3A_627 = arith.addf %add3A_595, %mul3A_626 : vector<16xf32>
        %add3A_628 = arith.constant 8 : i32
        %add3A_629 = arith.addi %mul3A_332, %add3A_628 : i32
        %get3A_630 = arith.index_cast %add3A_629 : i32 to index
        %get3A_631 = arith.constant 48 : index
        %get3A_632 = tpu.vector_load %arg12[%get3A_630, %get3A_631] {strides = array<i32>} : memref<416x64xf32, #tpu.memory_space<vmem>>, vector<16xf32>,
        %add3A_633 = arith.addf %add3A_601, %get3A_632 : vector<16xf32>
        %mul3A_634 = arith.mulf %get3A_632, %get3A_632 : vector<16xf32>
        %add3A_635 = arith.addf %add3A_603, %mul3A_634 : vector<16xf32>
        %add3A_636 = arith.constant 9 : i32
        %add3A_637 = arith.addi %mul3A_332, %add3A_636 : i32
        %get3A_638 = arith.index_cast %add3A_637 : i32 to index
        %get3A_639 = arith.constant 0 : index
        %get3A_640 = tpu.vector_load %arg12[%get3A_638, %get3A_639] {strides = array<i32>} : memref<416x64xf32, #tpu.memory_space<vmem>>, vector<16xf32>,
        %add3A_641 = arith.addf %add3A_609, %get3A_640 : vector<16xf32>
        %mul3A_642 = arith.mulf %get3A_640, %get3A_640 : vector<16xf32>
        %add3A_643 = arith.addf %add3A_611, %mul3A_642 : vector<16xf32>
        %add3A_644 = arith.constant 9 : i32
        %add3A_645 = arith.addi %mul3A_332, %add3A_644 : i32
        %get3A_646 = arith.index_cast %add3A_645 : i32 to index
        %get3A_647 = arith.constant 16 : index
        %get3A_648 = tpu.vector_load %arg12[%get3A_646, %get3A_647] {strides = array<i32>} : memref<416x64xf32, #tpu.memory_space<vmem>>, vector<16xf32>,
        %add3A_649 = arith.addf %add3A_617, %get3A_648 : vector<16xf32>
        %mul3A_650 = arith.mulf %get3A_648, %get3A_648 : vector<16xf32>
        %add3A_651 = arith.addf %add3A_619, %mul3A_650 : vector<16xf32>
        %add3A_652 = arith.constant 9 : i32
        %add3A_653 = arith.addi %mul3A_332, %add3A_652 : i32
        %get3A_654 = arith.index_cast %add3A_653 : i32 to index
        %get3A_655 = arith.constant 32 : index
        %get3A_656 = tpu.vector_load %arg12[%get3A_654, %get3A_655] {strides = array<i32>} : memref<416x64xf32, #tpu.memory_space<vmem>>, vector<16xf32>,
        %add3A_657 = arith.addf %add3A_625, %get3A_656 : vector<16xf32>
        %mul3A_658 = arith.mulf %get3A_656, %get3A_656 : vector<16xf32>
        %add3A_659 = arith.addf %add3A_627, %mul3A_658 : vector<16xf32>
        %add3A_660 = arith.constant 9 : i32
        %add3A_661 = arith.addi %mul3A_332, %add3A_660 : i32
        %get3A_662 = arith.index_cast %add3A_661 : i32 to index
        %get3A_663 = arith.constant 48 : index
        %get3A_664 = tpu.vector_load %arg12[%get3A_662, %get3A_663] {strides = array<i32>} : memref<416x64xf32, #tpu.memory_space<vmem>>, vector<16xf32>,
        %add3A_665 = arith.addf %add3A_633, %get3A_664 : vector<16xf32>
        %mul3A_666 = arith.mulf %get3A_664, %get3A_664 : vector<16xf32>
        %add3A_667 = arith.addf %add3A_635, %mul3A_666 : vector<16xf32>
        %add3A_668 = arith.constant 10 : i32
        %add3A_669 = arith.addi %mul3A_332, %add3A_668 : i32
        %get3A_670 = arith.index_cast %add3A_669 : i32 to index
        %get3A_671 = arith.constant 0 : index
        %get3A_672 = tpu.vector_load %arg12[%get3A_670, %get3A_671] {strides = array<i32>} : memref<416x64xf32, #tpu.memory_space<vmem>>, vector<16xf32>,
        %add3A_673 = arith.addf %add3A_641, %get3A_672 : vector<16xf32>
        %mul3A_674 = arith.mulf %get3A_672, %get3A_672 : vector<16xf32>
        %add3A_675 = arith.addf %add3A_643, %mul3A_674 : vector<16xf32>
        %add3A_676 = arith.constant 10 : i32
        %add3A_677 = arith.addi %mul3A_332, %add3A_676 : i32
        %get3A_678 = arith.index_cast %add3A_677 : i32 to index
        %get3A_679 = arith.constant 16 : index
        %get3A_680 = tpu.vector_load %arg12[%get3A_678, %get3A_679] {strides = array<i32>} : memref<416x64xf32, #tpu.memory_space<vmem>>, vector<16xf32>,
        %add3A_681 = arith.addf %add3A_649, %get3A_680 : vector<16xf32>
        %mul3A_682 = arith.mulf %get3A_680, %get3A_680 : vector<16xf32>
        %add3A_683 = arith.addf %add3A_651, %mul3A_682 : vector<16xf32>
        %add3A_684 = arith.constant 10 : i32
        %add3A_685 = arith.addi %mul3A_332, %add3A_684 : i32
        %get3A_686 = arith.index_cast %add3A_685 : i32 to index
        %get3A_687 = arith.constant 32 : index
        %get3A_688 = tpu.vector_load %arg12[%get3A_686, %get3A_687] {strides = array<i32>} : memref<416x64xf32, #tpu.memory_space<vmem>>, vector<16xf32>,
        %add3A_689 = arith.addf %add3A_657, %get3A_688 : vector<16xf32>
        %mul3A_690 = arith.mulf %get3A_688, %get3A_688 : vector<16xf32>
        %add3A_691 = arith.addf %add3A_659, %mul3A_690 : vector<16xf32>
        %add3A_692 = arith.constant 10 : i32
        %add3A_693 = arith.addi %mul3A_332, %add3A_692 : i32
        %get3A_694 = arith.index_cast %add3A_693 : i32 to index
        %get3A_695 = arith.constant 48 : index
        %get3A_696 = tpu.vector_load %arg12[%get3A_694, %get3A_695] {strides = array<i32>} : memref<416x64xf32, #tpu.memory_space<vmem>>, vector<16xf32>,
        %add3A_697 = arith.addf %add3A_665, %get3A_696 : vector<16xf32>
        %mul3A_698 = arith.mulf %get3A_696, %get3A_696 : vector<16xf32>
        %add3A_699 = arith.addf %add3A_667, %mul3A_698 : vector<16xf32>
        %add3A_700 = arith.constant 11 : i32
        %add3A_701 = arith.addi %mul3A_332, %add3A_700 : i32
        %get3A_702 = arith.index_cast %add3A_701 : i32 to index
        %get3A_703 = arith.constant 0 : index
        %get3A_704 = tpu.vector_load %arg12[%get3A_702, %get3A_703] {strides = array<i32>} : memref<416x64xf32, #tpu.memory_space<vmem>>, vector<16xf32>,
        %add3A_705 = arith.addf %add3A_673, %get3A_704 : vector<16xf32>
        %mul3A_706 = arith.mulf %get3A_704, %get3A_704 : vector<16xf32>
        %add3A_707 = arith.addf %add3A_675, %mul3A_706 : vector<16xf32>
        %add3A_708 = arith.constant 11 : i32
        %add3A_709 = arith.addi %mul3A_332, %add3A_708 : i32
        %get3A_710 = arith.index_cast %add3A_709 : i32 to index
        %get3A_711 = arith.constant 16 : index
        %get3A_712 = tpu.vector_load %arg12[%get3A_710, %get3A_711] {strides = array<i32>} : memref<416x64xf32, #tpu.memory_space<vmem>>, vector<16xf32>,
        %add3A_713 = arith.addf %add3A_681, %get3A_712 : vector<16xf32>
        %mul3A_714 = arith.mulf %get3A_712, %get3A_712 : vector<16xf32>
        %add3A_715 = arith.addf %add3A_683, %mul3A_714 : vector<16xf32>
        %add3A_716 = arith.constant 11 : i32
        %add3A_717 = arith.addi %mul3A_332, %add3A_716 : i32
        %get3A_718 = arith.index_cast %add3A_717 : i32 to index
        %get3A_719 = arith.constant 32 : index
        %get3A_720 = tpu.vector_load %arg12[%get3A_718, %get3A_719] {strides = array<i32>} : memref<416x64xf32, #tpu.memory_space<vmem>>, vector<16xf32>,
        %add3A_721 = arith.addf %add3A_689, %get3A_720 : vector<16xf32>
        %mul3A_722 = arith.mulf %get3A_720, %get3A_720 : vector<16xf32>
        %add3A_723 = arith.addf %add3A_691, %mul3A_722 : vector<16xf32>
        %add3A_724 = arith.constant 11 : i32
        %add3A_725 = arith.addi %mul3A_332, %add3A_724 : i32
        %get3A_726 = arith.index_cast %add3A_725 : i32 to index
        %get3A_727 = arith.constant 48 : index
        %get3A_728 = tpu.vector_load %arg12[%get3A_726, %get3A_727] {strides = array<i32>} : memref<416x64xf32, #tpu.memory_space<vmem>>, vector<16xf32>,
        %add3A_729 = arith.addf %add3A_697, %get3A_728 : vector<16xf32>
        %mul3A_730 = arith.mulf %get3A_728, %get3A_728 : vector<16xf32>
        %add3A_731 = arith.addf %add3A_699, %mul3A_730 : vector<16xf32>
        %add3A_732 = arith.constant 12 : i32
        %add3A_733 = arith.addi %mul3A_332, %add3A_732 : i32
        %get3A_734 = arith.index_cast %add3A_733 : i32 to index
        %get3A_735 = arith.constant 0 : index
        %get3A_736 = tpu.vector_load %arg12[%get3A_734, %get3A_735] {strides = array<i32>} : memref<416x64xf32, #tpu.memory_space<vmem>>, vector<16xf32>,
        %add3A_737 = arith.addf %add3A_705, %get3A_736 : vector<16xf32>
        %mul3A_738 = arith.mulf %get3A_736, %get3A_736 : vector<16xf32>
        %add3A_739 = arith.addf %add3A_707, %mul3A_738 : vector<16xf32>
        %add3A_740 = arith.constant 12 : i32
        %add3A_741 = arith.addi %mul3A_332, %add3A_740 : i32
        %get3A_742 = arith.index_cast %add3A_741 : i32 to index
        %get3A_743 = arith.constant 16 : index
        %get3A_744 = tpu.vector_load %arg12[%get3A_742, %get3A_743] {strides = array<i32>} : memref<416x64xf32, #tpu.memory_space<vmem>>, vector<16xf32>,
        %add3A_745 = arith.addf %add3A_713, %get3A_744 : vector<16xf32>
        %mul3A_746 = arith.mulf %get3A_744, %get3A_744 : vector<16xf32>
        %add3A_747 = arith.addf %add3A_715, %mul3A_746 : vector<16xf32>
        %add3A_748 = arith.constant 12 : i32
        %add3A_749 = arith.addi %mul3A_332, %add3A_748 : i32
        %get3A_750 = arith.index_cast %add3A_749 : i32 to index
        %get3A_751 = arith.constant 32 : index
        %get3A_752 = tpu.vector_load %arg12[%get3A_750, %get3A_751] {strides = array<i32>} : memref<416x64xf32, #tpu.memory_space<vmem>>, vector<16xf32>,
        %add3A_753 = arith.addf %add3A_721, %get3A_752 : vector<16xf32>
        %mul3A_754 = arith.mulf %get3A_752, %get3A_752 : vector<16xf32>
        %add3A_755 = arith.addf %add3A_723, %mul3A_754 : vector<16xf32>
        %add3A_756 = arith.constant 12 : i32
        %add3A_757 = arith.addi %mul3A_332, %add3A_756 : i32
        %get3A_758 = arith.index_cast %add3A_757 : i32 to index
        %get3A_759 = arith.constant 48 : index
        %get3A_760 = tpu.vector_load %arg12[%get3A_758, %get3A_759] {strides = array<i32>} : memref<416x64xf32, #tpu.memory_space<vmem>>, vector<16xf32>,
        %add3A_761 = arith.addf %add3A_729, %get3A_760 : vector<16xf32>
        %mul3A_762 = arith.mulf %get3A_760, %get3A_760 : vector<16xf32>
        %add3A_763 = arith.addf %add3A_731, %mul3A_762 : vector<16xf32>
        %add3A_764 = arith.constant 13 : i32
        %add3A_765 = arith.addi %mul3A_332, %add3A_764 : i32
        %get3A_766 = arith.index_cast %add3A_765 : i32 to index
        %get3A_767 = arith.constant 0 : index
        %get3A_768 = tpu.vector_load %arg12[%get3A_766, %get3A_767] {strides = array<i32>} : memref<416x64xf32, #tpu.memory_space<vmem>>, vector<16xf32>,
        %add3A_769 = arith.addf %add3A_737, %get3A_768 : vector<16xf32>
        %mul3A_770 = arith.mulf %get3A_768, %get3A_768 : vector<16xf32>
        %add3A_771 = arith.addf %add3A_739, %mul3A_770 : vector<16xf32>
        %add3A_772 = arith.constant 13 : i32
        %add3A_773 = arith.addi %mul3A_332, %add3A_772 : i32
        %get3A_774 = arith.index_cast %add3A_773 : i32 to index
        %get3A_775 = arith.constant 16 : index
        %get3A_776 = tpu.vector_load %arg12[%get3A_774, %get3A_775] {strides = array<i32>} : memref<416x64xf32, #tpu.memory_space<vmem>>, vector<16xf32>,
        %add3A_777 = arith.addf %add3A_745, %get3A_776 : vector<16xf32>
        %mul3A_778 = arith.mulf %get3A_776, %get3A_776 : vector<16xf32>
        %add3A_779 = arith.addf %add3A_747, %mul3A_778 : vector<16xf32>
        %add3A_780 = arith.constant 13 : i32
        %add3A_781 = arith.addi %mul3A_332, %add3A_780 : i32
        %get3A_782 = arith.index_cast %add3A_781 : i32 to index
        %get3A_783 = arith.constant 32 : index
        %get3A_784 = tpu.vector_load %arg12[%get3A_782, %get3A_783] {strides = array<i32>} : memref<416x64xf32, #tpu.memory_space<vmem>>, vector<16xf32>,
        %add3A_785 = arith.addf %add3A_753, %get3A_784 : vector<16xf32>
        %mul3A_786 = arith.mulf %get3A_784, %get3A_784 : vector<16xf32>
        %add3A_787 = arith.addf %add3A_755, %mul3A_786 : vector<16xf32>
        %add3A_788 = arith.constant 13 : i32
        %add3A_789 = arith.addi %mul3A_332, %add3A_788 : i32
        %get3A_790 = arith.index_cast %add3A_789 : i32 to index
        %get3A_791 = arith.constant 48 : index
        %get3A_792 = tpu.vector_load %arg12[%get3A_790, %get3A_791] {strides = array<i32>} : memref<416x64xf32, #tpu.memory_space<vmem>>, vector<16xf32>,
        %add3A_793 = arith.addf %add3A_761, %get3A_792 : vector<16xf32>
        %mul3A_794 = arith.mulf %get3A_792, %get3A_792 : vector<16xf32>
        %add3A_795 = arith.addf %add3A_763, %mul3A_794 : vector<16xf32>
        %add3A_796 = arith.constant 14 : i32
        %add3A_797 = arith.addi %mul3A_332, %add3A_796 : i32
        %get3A_798 = arith.index_cast %add3A_797 : i32 to index
        %get3A_799 = arith.constant 0 : index
        %get3A_800 = tpu.vector_load %arg12[%get3A_798, %get3A_799] {strides = array<i32>} : memref<416x64xf32, #tpu.memory_space<vmem>>, vector<16xf32>,
        %add3A_801 = arith.addf %add3A_769, %get3A_800 : vector<16xf32>
        %mul3A_802 = arith.mulf %get3A_800, %get3A_800 : vector<16xf32>
        %add3A_803 = arith.addf %add3A_771, %mul3A_802 : vector<16xf32>
        %add3A_804 = arith.constant 14 : i32
        %add3A_805 = arith.addi %mul3A_332, %add3A_804 : i32
        %get3A_806 = arith.index_cast %add3A_805 : i32 to index
        %get3A_807 = arith.constant 16 : index
        %get3A_808 = tpu.vector_load %arg12[%get3A_806, %get3A_807] {strides = array<i32>} : memref<416x64xf32, #tpu.memory_space<vmem>>, vector<16xf32>,
        %add3A_809 = arith.addf %add3A_777, %get3A_808 : vector<16xf32>
        %mul3A_810 = arith.mulf %get3A_808, %get3A_808 : vector<16xf32>
        %add3A_811 = arith.addf %add3A_779, %mul3A_810 : vector<16xf32>
        %add3A_812 = arith.constant 14 : i32
        %add3A_813 = arith.addi %mul3A_332, %add3A_812 : i32
        %get3A_814 = arith.index_cast %add3A_813 : i32 to index
        %get3A_815 = arith.constant 32 : index
        %get3A_816 = tpu.vector_load %arg12[%get3A_814, %get3A_815] {strides = array<i32>} : memref<416x64xf32, #tpu.memory_space<vmem>>, vector<16xf32>,
        %add3A_817 = arith.addf %add3A_785, %get3A_816 : vector<16xf32>
        %mul3A_818 = arith.mulf %get3A_816, %get3A_816 : vector<16xf32>
        %add3A_819 = arith.addf %add3A_787, %mul3A_818 : vector<16xf32>
        %add3A_820 = arith.constant 14 : i32
        %add3A_821 = arith.addi %mul3A_332, %add3A_820 : i32
        %get3A_822 = arith.index_cast %add3A_821 : i32 to index
        %get3A_823 = arith.constant 48 : index
        %get3A_824 = tpu.vector_load %arg12[%get3A_822, %get3A_823] {strides = array<i32>} : memref<416x64xf32, #tpu.memory_space<vmem>>, vector<16xf32>,
        %add3A_825 = arith.addf %add3A_793, %get3A_824 : vector<16xf32>
        %mul3A_826 = arith.mulf %get3A_824, %get3A_824 : vector<16xf32>
        %add3A_827 = arith.addf %add3A_795, %mul3A_826 : vector<16xf32>
        %add3A_828 = arith.constant 15 : i32
        %add3A_829 = arith.addi %mul3A_332, %add3A_828 : i32
        %get3A_830 = arith.index_cast %add3A_829 : i32 to index
        %get3A_831 = arith.constant 0 : index
        %get3A_832 = tpu.vector_load %arg12[%get3A_830, %get3A_831] {strides = array<i32>} : memref<416x64xf32, #tpu.memory_space<vmem>>, vector<16xf32>,
        %add3A_833 = arith.addf %add3A_801, %get3A_832 : vector<16xf32>
        %mul3A_834 = arith.mulf %get3A_832, %get3A_832 : vector<16xf32>
        %add3A_835 = arith.addf %add3A_803, %mul3A_834 : vector<16xf32>
        %add3A_836 = arith.constant 15 : i32
        %add3A_837 = arith.addi %mul3A_332, %add3A_836 : i32
        %get3A_838 = arith.index_cast %add3A_837 : i32 to index
        %get3A_839 = arith.constant 16 : index
        %get3A_840 = tpu.vector_load %arg12[%get3A_838, %get3A_839] {strides = array<i32>} : memref<416x64xf32, #tpu.memory_space<vmem>>, vector<16xf32>,
        %add3A_841 = arith.addf %add3A_809, %get3A_840 : vector<16xf32>
        %mul3A_842 = arith.mulf %get3A_840, %get3A_840 : vector<16xf32>
        %add3A_843 = arith.addf %add3A_811, %mul3A_842 : vector<16xf32>
        %add3A_844 = arith.constant 15 : i32
        %add3A_845 = arith.addi %mul3A_332, %add3A_844 : i32
        %get3A_846 = arith.index_cast %add3A_845 : i32 to index
        %get3A_847 = arith.constant 32 : index
        %get3A_848 = tpu.vector_load %arg12[%get3A_846, %get3A_847] {strides = array<i32>} : memref<416x64xf32, #tpu.memory_space<vmem>>, vector<16xf32>,
        %add3A_849 = arith.addf %add3A_817, %get3A_848 : vector<16xf32>
        %mul3A_850 = arith.mulf %get3A_848, %get3A_848 : vector<16xf32>
        %add3A_851 = arith.addf %add3A_819, %mul3A_850 : vector<16xf32>
        %add3A_852 = arith.constant 15 : i32
        %add3A_853 = arith.addi %mul3A_332, %add3A_852 : i32
        %get3A_854 = arith.index_cast %add3A_853 : i32 to index
        %get3A_855 = arith.constant 48 : index
        %get3A_856 = tpu.vector_load %arg12[%get3A_854, %get3A_855] {strides = array<i32>} : memref<416x64xf32, #tpu.memory_space<vmem>>, vector<16xf32>,
        %add3A_857 = arith.addf %add3A_825, %get3A_856 : vector<16xf32>
        %mul3A_858 = arith.mulf %get3A_856, %get3A_856 : vector<16xf32>
        %add3A_859 = arith.addf %add3A_827, %mul3A_858 : vector<16xf32>
        %add3A_860 = arith.constant 16 : i32
        %add3A_861 = arith.addi %mul3A_332, %add3A_860 : i32
        %get3A_862 = arith.index_cast %add3A_861 : i32 to index
        %get3A_863 = arith.constant 0 : index
        %get3A_864 = tpu.vector_load %arg12[%get3A_862, %get3A_863] {strides = array<i32>} : memref<416x64xf32, #tpu.memory_space<vmem>>, vector<16xf32>,
        %add3A_865 = arith.addf %add3A_833, %get3A_864 : vector<16xf32>
        %mul3A_866 = arith.mulf %get3A_864, %get3A_864 : vector<16xf32>
        %add3A_867 = arith.addf %add3A_835, %mul3A_866 : vector<16xf32>
        %add3A_868 = arith.constant 16 : i32
        %add3A_869 = arith.addi %mul3A_332, %add3A_868 : i32
        %get3A_870 = arith.index_cast %add3A_869 : i32 to index
        %get3A_871 = arith.constant 16 : index
        %get3A_872 = tpu.vector_load %arg12[%get3A_870, %get3A_871] {strides = array<i32>} : memref<416x64xf32, #tpu.memory_space<vmem>>, vector<16xf32>,
        %add3A_873 = arith.addf %add3A_841, %get3A_872 : vector<16xf32>
        %mul3A_874 = arith.mulf %get3A_872, %get3A_872 : vector<16xf32>
        %add3A_875 = arith.addf %add3A_843, %mul3A_874 : vector<16xf32>
        %add3A_876 = arith.constant 16 : i32
        %add3A_877 = arith.addi %mul3A_332, %add3A_876 : i32
        %get3A_878 = arith.index_cast %add3A_877 : i32 to index
        %get3A_879 = arith.constant 32 : index
        %get3A_880 = tpu.vector_load %arg12[%get3A_878, %get3A_879] {strides = array<i32>} : memref<416x64xf32, #tpu.memory_space<vmem>>, vector<16xf32>,
        %add3A_881 = arith.addf %add3A_849, %get3A_880 : vector<16xf32>
        %mul3A_882 = arith.mulf %get3A_880, %get3A_880 : vector<16xf32>
        %add3A_883 = arith.addf %add3A_851, %mul3A_882 : vector<16xf32>
        %add3A_884 = arith.constant 16 : i32
        %add3A_885 = arith.addi %mul3A_332, %add3A_884 : i32
        %get3A_886 = arith.index_cast %add3A_885 : i32 to index
        %get3A_887 = arith.constant 48 : index
        %get3A_888 = tpu.vector_load %arg12[%get3A_886, %get3A_887] {strides = array<i32>} : memref<416x64xf32, #tpu.memory_space<vmem>>, vector<16xf32>,
        %add3A_889 = arith.addf %add3A_857, %get3A_888 : vector<16xf32>
        %mul3A_890 = arith.mulf %get3A_888, %get3A_888 : vector<16xf32>
        %add3A_891 = arith.addf %add3A_859, %mul3A_890 : vector<16xf32>
        %add3A_892 = arith.constant 17 : i32
        %add3A_893 = arith.addi %mul3A_332, %add3A_892 : i32
        %get3A_894 = arith.index_cast %add3A_893 : i32 to index
        %get3A_895 = arith.constant 0 : index
        %get3A_896 = tpu.vector_load %arg12[%get3A_894, %get3A_895] {strides = array<i32>} : memref<416x64xf32, #tpu.memory_space<vmem>>, vector<16xf32>,
        %add3A_897 = arith.addf %add3A_865, %get3A_896 : vector<16xf32>
        %mul3A_898 = arith.mulf %get3A_896, %get3A_896 : vector<16xf32>
        %add3A_899 = arith.addf %add3A_867, %mul3A_898 : vector<16xf32>
        %add3A_900 = arith.constant 17 : i32
        %add3A_901 = arith.addi %mul3A_332, %add3A_900 : i32
        %get3A_902 = arith.index_cast %add3A_901 : i32 to index
        %get3A_903 = arith.constant 16 : index
        %get3A_904 = tpu.vector_load %arg12[%get3A_902, %get3A_903] {strides = array<i32>} : memref<416x64xf32, #tpu.memory_space<vmem>>, vector<16xf32>,
        %add3A_905 = arith.addf %add3A_873, %get3A_904 : vector<16xf32>
        %mul3A_906 = arith.mulf %get3A_904, %get3A_904 : vector<16xf32>
        %add3A_907 = arith.addf %add3A_875, %mul3A_906 : vector<16xf32>
        %add3A_908 = arith.constant 17 : i32
        %add3A_909 = arith.addi %mul3A_332, %add3A_908 : i32
        %get3A_910 = arith.index_cast %add3A_909 : i32 to index
        %get3A_911 = arith.constant 32 : index
        %get3A_912 = tpu.vector_load %arg12[%get3A_910, %get3A_911] {strides = array<i32>} : memref<416x64xf32, #tpu.memory_space<vmem>>, vector<16xf32>,
        %add3A_913 = arith.addf %add3A_881, %get3A_912 : vector<16xf32>
        %mul3A_914 = arith.mulf %get3A_912, %get3A_912 : vector<16xf32>
        %add3A_915 = arith.addf %add3A_883, %mul3A_914 : vector<16xf32>
        %add3A_916 = arith.constant 17 : i32
        %add3A_917 = arith.addi %mul3A_332, %add3A_916 : i32
        %get3A_918 = arith.index_cast %add3A_917 : i32 to index
        %get3A_919 = arith.constant 48 : index
        %get3A_920 = tpu.vector_load %arg12[%get3A_918, %get3A_919] {strides = array<i32>} : memref<416x64xf32, #tpu.memory_space<vmem>>, vector<16xf32>,
        %add3A_921 = arith.addf %add3A_889, %get3A_920 : vector<16xf32>
        %mul3A_922 = arith.mulf %get3A_920, %get3A_920 : vector<16xf32>
        %add3A_923 = arith.addf %add3A_891, %mul3A_922 : vector<16xf32>
        %add3A_924 = arith.constant 18 : i32
        %add3A_925 = arith.addi %mul3A_332, %add3A_924 : i32
        %get3A_926 = arith.index_cast %add3A_925 : i32 to index
        %get3A_927 = arith.constant 0 : index
        %get3A_928 = tpu.vector_load %arg12[%get3A_926, %get3A_927] {strides = array<i32>} : memref<416x64xf32, #tpu.memory_space<vmem>>, vector<16xf32>,
        %add3A_929 = arith.addf %add3A_897, %get3A_928 : vector<16xf32>
        %mul3A_930 = arith.mulf %get3A_928, %get3A_928 : vector<16xf32>
        %add3A_931 = arith.addf %add3A_899, %mul3A_930 : vector<16xf32>
        %add3A_932 = arith.constant 18 : i32
        %add3A_933 = arith.addi %mul3A_332, %add3A_932 : i32
        %get3A_934 = arith.index_cast %add3A_933 : i32 to index
        %get3A_935 = arith.constant 16 : index
        %get3A_936 = tpu.vector_load %arg12[%get3A_934, %get3A_935] {strides = array<i32>} : memref<416x64xf32, #tpu.memory_space<vmem>>, vector<16xf32>,
        %add3A_937 = arith.addf %add3A_905, %get3A_936 : vector<16xf32>
        %mul3A_938 = arith.mulf %get3A_936, %get3A_936 : vector<16xf32>
        %add3A_939 = arith.addf %add3A_907, %mul3A_938 : vector<16xf32>
        %add3A_940 = arith.constant 18 : i32
        %add3A_941 = arith.addi %mul3A_332, %add3A_940 : i32
        %get3A_942 = arith.index_cast %add3A_941 : i32 to index
        %get3A_943 = arith.constant 32 : index
        %get3A_944 = tpu.vector_load %arg12[%get3A_942, %get3A_943] {strides = array<i32>} : memref<416x64xf32, #tpu.memory_space<vmem>>, vector<16xf32>,
        %add3A_945 = arith.addf %add3A_913, %get3A_944 : vector<16xf32>
        %mul3A_946 = arith.mulf %get3A_944, %get3A_944 : vector<16xf32>
        %add3A_947 = arith.addf %add3A_915, %mul3A_946 : vector<16xf32>
        %add3A_948 = arith.constant 18 : i32
        %add3A_949 = arith.addi %mul3A_332, %add3A_948 : i32
        %get3A_950 = arith.index_cast %add3A_949 : i32 to index
        %get3A_951 = arith.constant 48 : index
        %get3A_952 = tpu.vector_load %arg12[%get3A_950, %get3A_951] {strides = array<i32>} : memref<416x64xf32, #tpu.memory_space<vmem>>, vector<16xf32>,
        %add3A_953 = arith.addf %add3A_921, %get3A_952 : vector<16xf32>
        %mul3A_954 = arith.mulf %get3A_952, %get3A_952 : vector<16xf32>
        %add3A_955 = arith.addf %add3A_923, %mul3A_954 : vector<16xf32>
        %add3A_956 = arith.constant 19 : i32
        %add3A_957 = arith.addi %mul3A_332, %add3A_956 : i32
        %get3A_958 = arith.index_cast %add3A_957 : i32 to index
        %get3A_959 = arith.constant 0 : index
        %get3A_960 = tpu.vector_load %arg12[%get3A_958, %get3A_959] {strides = array<i32>} : memref<416x64xf32, #tpu.memory_space<vmem>>, vector<16xf32>,
        %add3A_961 = arith.addf %add3A_929, %get3A_960 : vector<16xf32>
        %mul3A_962 = arith.mulf %get3A_960, %get3A_960 : vector<16xf32>
        %add3A_963 = arith.addf %add3A_931, %mul3A_962 : vector<16xf32>
        %add3A_964 = arith.constant 19 : i32
        %add3A_965 = arith.addi %mul3A_332, %add3A_964 : i32
        %get3A_966 = arith.index_cast %add3A_965 : i32 to index
        %get3A_967 = arith.constant 16 : index
        %get3A_968 = tpu.vector_load %arg12[%get3A_966, %get3A_967] {strides = array<i32>} : memref<416x64xf32, #tpu.memory_space<vmem>>, vector<16xf32>,
        %add3A_969 = arith.addf %add3A_937, %get3A_968 : vector<16xf32>
        %mul3A_970 = arith.mulf %get3A_968, %get3A_968 : vector<16xf32>
        %add3A_971 = arith.addf %add3A_939, %mul3A_970 : vector<16xf32>
        %add3A_972 = arith.constant 19 : i32
        %add3A_973 = arith.addi %mul3A_332, %add3A_972 : i32
        %get3A_974 = arith.index_cast %add3A_973 : i32 to index
        %get3A_975 = arith.constant 32 : index
        %get3A_976 = tpu.vector_load %arg12[%get3A_974, %get3A_975] {strides = array<i32>} : memref<416x64xf32, #tpu.memory_space<vmem>>, vector<16xf32>,
        %add3A_977 = arith.addf %add3A_945, %get3A_976 : vector<16xf32>
        %mul3A_978 = arith.mulf %get3A_976, %get3A_976 : vector<16xf32>
        %add3A_979 = arith.addf %add3A_947, %mul3A_978 : vector<16xf32>
        %add3A_980 = arith.constant 19 : i32
        %add3A_981 = arith.addi %mul3A_332, %add3A_980 : i32
        %get3A_982 = arith.index_cast %add3A_981 : i32 to index
        %get3A_983 = arith.constant 48 : index
        %get3A_984 = tpu.vector_load %arg12[%get3A_982, %get3A_983] {strides = array<i32>} : memref<416x64xf32, #tpu.memory_space<vmem>>, vector<16xf32>,
        %add3A_985 = arith.addf %add3A_953, %get3A_984 : vector<16xf32>
        %mul3A_986 = arith.mulf %get3A_984, %get3A_984 : vector<16xf32>
        %add3A_987 = arith.addf %add3A_955, %mul3A_986 : vector<16xf32>
        %add3A_988 = arith.constant 20 : i32
        %add3A_989 = arith.addi %mul3A_332, %add3A_988 : i32
        %get3A_990 = arith.index_cast %add3A_989 : i32 to index
        %get3A_991 = arith.constant 0 : index
        %get3A_992 = tpu.vector_load %arg12[%get3A_990, %get3A_991] {strides = array<i32>} : memref<416x64xf32, #tpu.memory_space<vmem>>, vector<16xf32>,
        %add3A_993 = arith.addf %add3A_961, %get3A_992 : vector<16xf32>
        %mul3A_994 = arith.mulf %get3A_992, %get3A_992 : vector<16xf32>
        %add3A_995 = arith.addf %add3A_963, %mul3A_994 : vector<16xf32>
        %add3A_996 = arith.constant 20 : i32
        %add3A_997 = arith.addi %mul3A_332, %add3A_996 : i32
        %get3A_998 = arith.index_cast %add3A_997 : i32 to index
        %get3A_999 = arith.constant 16 : index
        %get3A_1000 = tpu.vector_load %arg12[%get3A_998, %get3A_999] {strides = array<i32>} : memref<416x64xf32, #tpu.memory_space<vmem>>, vector<16xf32>,
        %add3A_1001 = arith.addf %add3A_969, %get3A_1000 : vector<16xf32>
        %mul3A_1002 = arith.mulf %get3A_1000, %get3A_1000 : vector<16xf32>
        %add3A_1003 = arith.addf %add3A_971, %mul3A_1002 : vector<16xf32>
        %add3A_1004 = arith.constant 20 : i32
        %add3A_1005 = arith.addi %mul3A_332, %add3A_1004 : i32
        %get3A_1006 = arith.index_cast %add3A_1005 : i32 to index
        %get3A_1007 = arith.constant 32 : index
        %get3A_1008 = tpu.vector_load %arg12[%get3A_1006, %get3A_1007] {strides = array<i32>} : memref<416x64xf32, #tpu.memory_space<vmem>>, vector<16xf32>,
        %add3A_1009 = arith.addf %add3A_977, %get3A_1008 : vector<16xf32>
        %mul3A_1010 = arith.mulf %get3A_1008, %get3A_1008 : vector<16xf32>
        %add3A_1011 = arith.addf %add3A_979, %mul3A_1010 : vector<16xf32>
        %add3A_1012 = arith.constant 20 : i32
        %add3A_1013 = arith.addi %mul3A_332, %add3A_1012 : i32
        %get3A_1014 = arith.index_cast %add3A_1013 : i32 to index
        %get3A_1015 = arith.constant 48 : index
        %get3A_1016 = tpu.vector_load %arg12[%get3A_1014, %get3A_1015] {strides = array<i32>} : memref<416x64xf32, #tpu.memory_space<vmem>>, vector<16xf32>,
        %add3A_1017 = arith.addf %add3A_985, %get3A_1016 : vector<16xf32>
        %mul3A_1018 = arith.mulf %get3A_1016, %get3A_1016 : vector<16xf32>
        %add3A_1019 = arith.addf %add3A_987, %mul3A_1018 : vector<16xf32>
        %add3A_1020 = arith.constant 21 : i32
        %add3A_1021 = arith.addi %mul3A_332, %add3A_1020 : i32
        %get3A_1022 = arith.index_cast %add3A_1021 : i32 to index
        %get3A_1023 = arith.constant 0 : index
        %get3A_1024 = tpu.vector_load %arg12[%get3A_1022, %get3A_1023] {strides = array<i32>} : memref<416x64xf32, #tpu.memory_space<vmem>>, vector<16xf32>,
        %add3A_1025 = arith.addf %add3A_993, %get3A_1024 : vector<16xf32>
        %mul3A_1026 = arith.mulf %get3A_1024, %get3A_1024 : vector<16xf32>
        %add3A_1027 = arith.addf %add3A_995, %mul3A_1026 : vector<16xf32>
        %add3A_1028 = arith.constant 21 : i32
        %add3A_1029 = arith.addi %mul3A_332, %add3A_1028 : i32
        %get3A_1030 = arith.index_cast %add3A_1029 : i32 to index
        %get3A_1031 = arith.constant 16 : index
        %get3A_1032 = tpu.vector_load %arg12[%get3A_1030, %get3A_1031] {strides = array<i32>} : memref<416x64xf32, #tpu.memory_space<vmem>>, vector<16xf32>,
        %add3A_1033 = arith.addf %add3A_1001, %get3A_1032 : vector<16xf32>
        %mul3A_1034 = arith.mulf %get3A_1032, %get3A_1032 : vector<16xf32>
        %add3A_1035 = arith.addf %add3A_1003, %mul3A_1034 : vector<16xf32>
        %add3A_1036 = arith.constant 21 : i32
        %add3A_1037 = arith.addi %mul3A_332, %add3A_1036 : i32
        %get3A_1038 = arith.index_cast %add3A_1037 : i32 to index
        %get3A_1039 = arith.constant 32 : index
        %get3A_1040 = tpu.vector_load %arg12[%get3A_1038, %get3A_1039] {strides = array<i32>} : memref<416x64xf32, #tpu.memory_space<vmem>>, vector<16xf32>,
        %add3A_1041 = arith.addf %add3A_1009, %get3A_1040 : vector<16xf32>
        %mul3A_1042 = arith.mulf %get3A_1040, %get3A_1040 : vector<16xf32>
        %add3A_1043 = arith.addf %add3A_1011, %mul3A_1042 : vector<16xf32>
        %add3A_1044 = arith.constant 21 : i32
        %add3A_1045 = arith.addi %mul3A_332, %add3A_1044 : i32
        %get3A_1046 = arith.index_cast %add3A_1045 : i32 to index
        %get3A_1047 = arith.constant 48 : index
        %get3A_1048 = tpu.vector_load %arg12[%get3A_1046, %get3A_1047] {strides = array<i32>} : memref<416x64xf32, #tpu.memory_space<vmem>>, vector<16xf32>,
        %add3A_1049 = arith.addf %add3A_1017, %get3A_1048 : vector<16xf32>
        %mul3A_1050 = arith.mulf %get3A_1048, %get3A_1048 : vector<16xf32>
        %add3A_1051 = arith.addf %add3A_1019, %mul3A_1050 : vector<16xf32>
        %add3A_1052 = arith.constant 22 : i32
        %add3A_1053 = arith.addi %mul3A_332, %add3A_1052 : i32
        %get3A_1054 = arith.index_cast %add3A_1053 : i32 to index
        %get3A_1055 = arith.constant 0 : index
        %get3A_1056 = tpu.vector_load %arg12[%get3A_1054, %get3A_1055] {strides = array<i32>} : memref<416x64xf32, #tpu.memory_space<vmem>>, vector<16xf32>,
        %add3A_1057 = arith.addf %add3A_1025, %get3A_1056 : vector<16xf32>
        %mul3A_1058 = arith.mulf %get3A_1056, %get3A_1056 : vector<16xf32>
        %add3A_1059 = arith.addf %add3A_1027, %mul3A_1058 : vector<16xf32>
        %add3A_1060 = arith.constant 22 : i32
        %add3A_1061 = arith.addi %mul3A_332, %add3A_1060 : i32
        %get3A_1062 = arith.index_cast %add3A_1061 : i32 to index
        %get3A_1063 = arith.constant 16 : index
        %get3A_1064 = tpu.vector_load %arg12[%get3A_1062, %get3A_1063] {strides = array<i32>} : memref<416x64xf32, #tpu.memory_space<vmem>>, vector<16xf32>,
        %add3A_1065 = arith.addf %add3A_1033, %get3A_1064 : vector<16xf32>
        %mul3A_1066 = arith.mulf %get3A_1064, %get3A_1064 : vector<16xf32>
        %add3A_1067 = arith.addf %add3A_1035, %mul3A_1066 : vector<16xf32>
        %add3A_1068 = arith.constant 22 : i32
        %add3A_1069 = arith.addi %mul3A_332, %add3A_1068 : i32
        %get3A_1070 = arith.index_cast %add3A_1069 : i32 to index
        %get3A_1071 = arith.constant 32 : index
        %get3A_1072 = tpu.vector_load %arg12[%get3A_1070, %get3A_1071] {strides = array<i32>} : memref<416x64xf32, #tpu.memory_space<vmem>>, vector<16xf32>,
        %add3A_1073 = arith.addf %add3A_1041, %get3A_1072 : vector<16xf32>
        %mul3A_1074 = arith.mulf %get3A_1072, %get3A_1072 : vector<16xf32>
        %add3A_1075 = arith.addf %add3A_1043, %mul3A_1074 : vector<16xf32>
        %add3A_1076 = arith.constant 22 : i32
        %add3A_1077 = arith.addi %mul3A_332, %add3A_1076 : i32
        %get3A_1078 = arith.index_cast %add3A_1077 : i32 to index
        %get3A_1079 = arith.constant 48 : index
        %get3A_1080 = tpu.vector_load %arg12[%get3A_1078, %get3A_1079] {strides = array<i32>} : memref<416x64xf32, #tpu.memory_space<vmem>>, vector<16xf32>,
        %add3A_1081 = arith.addf %add3A_1049, %get3A_1080 : vector<16xf32>
        %mul3A_1082 = arith.mulf %get3A_1080, %get3A_1080 : vector<16xf32>
        %add3A_1083 = arith.addf %add3A_1051, %mul3A_1082 : vector<16xf32>
        %add3A_1084 = arith.constant 23 : i32
        %add3A_1085 = arith.addi %mul3A_332, %add3A_1084 : i32
        %get3A_1086 = arith.index_cast %add3A_1085 : i32 to index
        %get3A_1087 = arith.constant 0 : index
        %get3A_1088 = tpu.vector_load %arg12[%get3A_1086, %get3A_1087] {strides = array<i32>} : memref<416x64xf32, #tpu.memory_space<vmem>>, vector<16xf32>,
        %add3A_1089 = arith.addf %add3A_1057, %get3A_1088 : vector<16xf32>
        %mul3A_1090 = arith.mulf %get3A_1088, %get3A_1088 : vector<16xf32>
        %add3A_1091 = arith.addf %add3A_1059, %mul3A_1090 : vector<16xf32>
        %add3A_1092 = arith.constant 23 : i32
        %add3A_1093 = arith.addi %mul3A_332, %add3A_1092 : i32
        %get3A_1094 = arith.index_cast %add3A_1093 : i32 to index
        %get3A_1095 = arith.constant 16 : index
        %get3A_1096 = tpu.vector_load %arg12[%get3A_1094, %get3A_1095] {strides = array<i32>} : memref<416x64xf32, #tpu.memory_space<vmem>>, vector<16xf32>,
        %add3A_1097 = arith.addf %add3A_1065, %get3A_1096 : vector<16xf32>
        %mul3A_1098 = arith.mulf %get3A_1096, %get3A_1096 : vector<16xf32>
        %add3A_1099 = arith.addf %add3A_1067, %mul3A_1098 : vector<16xf32>
        %add3A_1100 = arith.constant 23 : i32
        %add3A_1101 = arith.addi %mul3A_332, %add3A_1100 : i32
        %get3A_1102 = arith.index_cast %add3A_1101 : i32 to index
        %get3A_1103 = arith.constant 32 : index
        %get3A_1104 = tpu.vector_load %arg12[%get3A_1102, %get3A_1103] {strides = array<i32>} : memref<416x64xf32, #tpu.memory_space<vmem>>, vector<16xf32>,
        %add3A_1105 = arith.addf %add3A_1073, %get3A_1104 : vector<16xf32>
        %mul3A_1106 = arith.mulf %get3A_1104, %get3A_1104 : vector<16xf32>
        %add3A_1107 = arith.addf %add3A_1075, %mul3A_1106 : vector<16xf32>
        %add3A_1108 = arith.constant 23 : i32
        %add3A_1109 = arith.addi %mul3A_332, %add3A_1108 : i32
        %get3A_1110 = arith.index_cast %add3A_1109 : i32 to index
        %get3A_1111 = arith.constant 48 : index
        %get3A_1112 = tpu.vector_load %arg12[%get3A_1110, %get3A_1111] {strides = array<i32>} : memref<416x64xf32, #tpu.memory_space<vmem>>, vector<16xf32>,
        %add3A_1113 = arith.addf %add3A_1081, %get3A_1112 : vector<16xf32>
        %mul3A_1114 = arith.mulf %get3A_1112, %get3A_1112 : vector<16xf32>
        %add3A_1115 = arith.addf %add3A_1083, %mul3A_1114 : vector<16xf32>
        %add3A_1116 = arith.constant 24 : i32
        %add3A_1117 = arith.addi %mul3A_332, %add3A_1116 : i32
        %get3A_1118 = arith.index_cast %add3A_1117 : i32 to index
        %get3A_1119 = arith.constant 0 : index
        %get3A_1120 = tpu.vector_load %arg12[%get3A_1118, %get3A_1119] {strides = array<i32>} : memref<416x64xf32, #tpu.memory_space<vmem>>, vector<16xf32>,
        %add3A_1121 = arith.addf %add3A_1089, %get3A_1120 : vector<16xf32>
        %mul3A_1122 = arith.mulf %get3A_1120, %get3A_1120 : vector<16xf32>
        %add3A_1123 = arith.addf %add3A_1091, %mul3A_1122 : vector<16xf32>
        %add3A_1124 = arith.constant 24 : i32
        %add3A_1125 = arith.addi %mul3A_332, %add3A_1124 : i32
        %get3A_1126 = arith.index_cast %add3A_1125 : i32 to index
        %get3A_1127 = arith.constant 16 : index
        %get3A_1128 = tpu.vector_load %arg12[%get3A_1126, %get3A_1127] {strides = array<i32>} : memref<416x64xf32, #tpu.memory_space<vmem>>, vector<16xf32>,
        %add3A_1129 = arith.addf %add3A_1097, %get3A_1128 : vector<16xf32>
        %mul3A_1130 = arith.mulf %get3A_1128, %get3A_1128 : vector<16xf32>
        %add3A_1131 = arith.addf %add3A_1099, %mul3A_1130 : vector<16xf32>
        %add3A_1132 = arith.constant 24 : i32
        %add3A_1133 = arith.addi %mul3A_332, %add3A_1132 : i32
        %get3A_1134 = arith.index_cast %add3A_1133 : i32 to index
        %get3A_1135 = arith.constant 32 : index
        %get3A_1136 = tpu.vector_load %arg12[%get3A_1134, %get3A_1135] {strides = array<i32>} : memref<416x64xf32, #tpu.memory_space<vmem>>, vector<16xf32>,
        %add3A_1137 = arith.addf %add3A_1105, %get3A_1136 : vector<16xf32>
        %mul3A_1138 = arith.mulf %get3A_1136, %get3A_1136 : vector<16xf32>
        %add3A_1139 = arith.addf %add3A_1107, %mul3A_1138 : vector<16xf32>
        %add3A_1140 = arith.constant 24 : i32
        %add3A_1141 = arith.addi %mul3A_332, %add3A_1140 : i32
        %get3A_1142 = arith.index_cast %add3A_1141 : i32 to index
        %get3A_1143 = arith.constant 48 : index
        %get3A_1144 = tpu.vector_load %arg12[%get3A_1142, %get3A_1143] {strides = array<i32>} : memref<416x64xf32, #tpu.memory_space<vmem>>, vector<16xf32>,
        %add3A_1145 = arith.addf %add3A_1113, %get3A_1144 : vector<16xf32>
        %mul3A_1146 = arith.mulf %get3A_1144, %get3A_1144 : vector<16xf32>
        %add3A_1147 = arith.addf %add3A_1115, %mul3A_1146 : vector<16xf32>
        %add3A_1148 = arith.constant 25 : i32
        %add3A_1149 = arith.addi %mul3A_332, %add3A_1148 : i32
        %get3A_1150 = arith.index_cast %add3A_1149 : i32 to index
        %get3A_1151 = arith.constant 0 : index
        %get3A_1152 = tpu.vector_load %arg12[%get3A_1150, %get3A_1151] {strides = array<i32>} : memref<416x64xf32, #tpu.memory_space<vmem>>, vector<16xf32>,
        %add3A_1153 = arith.addf %add3A_1121, %get3A_1152 : vector<16xf32>
        %mul3A_1154 = arith.mulf %get3A_1152, %get3A_1152 : vector<16xf32>
        %add3A_1155 = arith.addf %add3A_1123, %mul3A_1154 : vector<16xf32>
        %add3A_1156 = arith.constant 25 : i32
        %add3A_1157 = arith.addi %mul3A_332, %add3A_1156 : i32
        %get3A_1158 = arith.index_cast %add3A_1157 : i32 to index
        %get3A_1159 = arith.constant 16 : index
        %get3A_1160 = tpu.vector_load %arg12[%get3A_1158, %get3A_1159] {strides = array<i32>} : memref<416x64xf32, #tpu.memory_space<vmem>>, vector<16xf32>,
        %add3A_1161 = arith.addf %add3A_1129, %get3A_1160 : vector<16xf32>
        %mul3A_1162 = arith.mulf %get3A_1160, %get3A_1160 : vector<16xf32>
        %add3A_1163 = arith.addf %add3A_1131, %mul3A_1162 : vector<16xf32>
        %add3A_1164 = arith.constant 25 : i32
        %add3A_1165 = arith.addi %mul3A_332, %add3A_1164 : i32
        %get3A_1166 = arith.index_cast %add3A_1165 : i32 to index
        %get3A_1167 = arith.constant 32 : index
        %get3A_1168 = tpu.vector_load %arg12[%get3A_1166, %get3A_1167] {strides = array<i32>} : memref<416x64xf32, #tpu.memory_space<vmem>>, vector<16xf32>,
        %add3A_1169 = arith.addf %add3A_1137, %get3A_1168 : vector<16xf32>
        %mul3A_1170 = arith.mulf %get3A_1168, %get3A_1168 : vector<16xf32>
        %add3A_1171 = arith.addf %add3A_1139, %mul3A_1170 : vector<16xf32>
        %add3A_1172 = arith.constant 25 : i32
        %add3A_1173 = arith.addi %mul3A_332, %add3A_1172 : i32
        %get3A_1174 = arith.index_cast %add3A_1173 : i32 to index
        %get3A_1175 = arith.constant 48 : index
        %get3A_1176 = tpu.vector_load %arg12[%get3A_1174, %get3A_1175] {strides = array<i32>} : memref<416x64xf32, #tpu.memory_space<vmem>>, vector<16xf32>,
        %add3A_1177 = arith.addf %add3A_1145, %get3A_1176 : vector<16xf32>
        %mul3A_1178 = arith.mulf %get3A_1176, %get3A_1176 : vector<16xf32>
        %add3A_1179 = arith.addf %add3A_1147, %mul3A_1178 : vector<16xf32>
        %broadcast_in_dim3A_1180 = arith.constant 0.000000e+00 : f32
        %broadcast_in_dim3A_1181 = vector.broadcast %broadcast_in_dim3A_1180 : f32 to vector<16xf32>
        %mul3A_1182 = arith.mulf %get3A_3, %add3A_1153 : vector<16xf32>
        %add3A_1183 = arith.addf %broadcast_in_dim3A_1181, %mul3A_1182 : vector<16xf32>
        %mul3A_1184 = arith.mulf %add3A_1153, %add3A_1153 : vector<16xf32>
        %sub3A = arith.subf %mul3A_1184, %add3A_1155 : vector<16xf32>
        %mul3A_1185 = arith.constant 5.000000e-01 : f32
        %mul3A_1186 = vector.broadcast %mul3A_1185 : f32 to vector<16xf32>
        %mul3A_1187 = arith.mulf %mul3A_1186, %sub3A : vector<16xf32>
        %add3A_1188 = arith.addf %add3A_1183, %mul3A_1187 : vector<16xf32>
        %mul3A_1189 = arith.constant 2 : i32
        %mul3A_1190 = arith.muli %scan3A_117, %mul3A_1189 : i32
        %add3A_1191 = arith.constant 1 : i32
        %add3A_1192 = arith.addi %mul3A_1190, %add3A_1191 : i32
        %mul3A_1193 = arith.constant 16 : i32
        %mul3A_1194 = arith.muli %add3A_1192, %mul3A_1193 : i32
        %add3A_1195 = arith.addi %mul3A_1194, %scan3A_330 : i32
        %swap3A_1196 = arith.index_cast %add3A_1195 : i32 to index
        %swap3A_1197 = arith.constant 0 : index
        %swap3A_1198 = tpu.vector_load %arg15[%swap3A_1196, %swap3A_1197] {strides = array<i32>} : memref<512x64xf32, #tpu.memory_space<vmem>>, vector<16xf32>,
        tpu.vector_store %arg15[%swap3A_1196, %swap3A_1197], %add3A_1153 {strides = array<i32>} : memref<512x64xf32, #tpu.memory_space<vmem>>, vector<16xf32>,
        %mul3A_1199 = arith.mulf %get3A_5, %add3A_1161 : vector<16xf32>
        %add3A_1200 = arith.addf %add3A_1188, %mul3A_1199 : vector<16xf32>
        %mul3A_1201 = arith.mulf %add3A_1161, %add3A_1161 : vector<16xf32>
        %sub3A_1202 = arith.subf %mul3A_1201, %add3A_1163 : vector<16xf32>
        %mul3A_1203 = arith.constant 5.000000e-01 : f32
        %mul3A_1204 = vector.broadcast %mul3A_1203 : f32 to vector<16xf32>
        %mul3A_1205 = arith.mulf %mul3A_1204, %sub3A_1202 : vector<16xf32>
        %add3A_1206 = arith.addf %add3A_1200, %mul3A_1205 : vector<16xf32>
        %mul3A_1207 = arith.constant 2 : i32
        %mul3A_1208 = arith.muli %scan3A_117, %mul3A_1207 : i32
        %add3A_1209 = arith.constant 1 : i32
        %add3A_1210 = arith.addi %mul3A_1208, %add3A_1209 : i32
        %mul3A_1211 = arith.constant 16 : i32
        %mul3A_1212 = arith.muli %add3A_1210, %mul3A_1211 : i32
        %add3A_1213 = arith.addi %mul3A_1212, %scan3A_330 : i32
        %swap3A_1214 = arith.index_cast %add3A_1213 : i32 to index
        %swap3A_1215 = arith.constant 16 : index
        %swap3A_1216 = tpu.vector_load %arg15[%swap3A_1214, %swap3A_1215] {strides = array<i32>} : memref<512x64xf32, #tpu.memory_space<vmem>>, vector<16xf32>,
        tpu.vector_store %arg15[%swap3A_1214, %swap3A_1215], %add3A_1161 {strides = array<i32>} : memref<512x64xf32, #tpu.memory_space<vmem>>, vector<16xf32>,
        %mul3A_1217 = arith.mulf %get3A_7, %add3A_1169 : vector<16xf32>
        %add3A_1218 = arith.addf %add3A_1206, %mul3A_1217 : vector<16xf32>
        %mul3A_1219 = arith.mulf %add3A_1169, %add3A_1169 : vector<16xf32>
        %sub3A_1220 = arith.subf %mul3A_1219, %add3A_1171 : vector<16xf32>
        %mul3A_1221 = arith.constant 5.000000e-01 : f32
        %mul3A_1222 = vector.broadcast %mul3A_1221 : f32 to vector<16xf32>
        %mul3A_1223 = arith.mulf %mul3A_1222, %sub3A_1220 : vector<16xf32>
        %add3A_1224 = arith.addf %add3A_1218, %mul3A_1223 : vector<16xf32>
        %mul3A_1225 = arith.constant 2 : i32
        %mul3A_1226 = arith.muli %scan3A_117, %mul3A_1225 : i32
        %add3A_1227 = arith.constant 1 : i32
        %add3A_1228 = arith.addi %mul3A_1226, %add3A_1227 : i32
        %mul3A_1229 = arith.constant 16 : i32
        %mul3A_1230 = arith.muli %add3A_1228, %mul3A_1229 : i32
        %add3A_1231 = arith.addi %mul3A_1230, %scan3A_330 : i32
        %swap3A_1232 = arith.index_cast %add3A_1231 : i32 to index
        %swap3A_1233 = arith.constant 32 : index
        %swap3A_1234 = tpu.vector_load %arg15[%swap3A_1232, %swap3A_1233] {strides = array<i32>} : memref<512x64xf32, #tpu.memory_space<vmem>>, vector<16xf32>,
        tpu.vector_store %arg15[%swap3A_1232, %swap3A_1233], %add3A_1169 {strides = array<i32>} : memref<512x64xf32, #tpu.memory_space<vmem>>, vector<16xf32>,
        %mul3A_1235 = arith.mulf %get3A_9, %add3A_1177 : vector<16xf32>
        %add3A_1236 = arith.addf %add3A_1224, %mul3A_1235 : vector<16xf32>
        %mul3A_1237 = arith.mulf %add3A_1177, %add3A_1177 : vector<16xf32>
        %sub3A_1238 = arith.subf %mul3A_1237, %add3A_1179 : vector<16xf32>
        %mul3A_1239 = arith.constant 5.000000e-01 : f32
        %mul3A_1240 = vector.broadcast %mul3A_1239 : f32 to vector<16xf32>
        %mul3A_1241 = arith.mulf %mul3A_1240, %sub3A_1238 : vector<16xf32>
        %add3A_1242 = arith.addf %add3A_1236, %mul3A_1241 : vector<16xf32>
        %mul3A_1243 = arith.constant 2 : i32
        %mul3A_1244 = arith.muli %scan3A_117, %mul3A_1243 : i32
        %add3A_1245 = arith.constant 1 : i32
        %add3A_1246 = arith.addi %mul3A_1244, %add3A_1245 : i32
        %mul3A_1247 = arith.constant 16 : i32
        %mul3A_1248 = arith.muli %add3A_1246, %mul3A_1247 : i32
        %add3A_1249 = arith.addi %mul3A_1248, %scan3A_330 : i32
        %swap3A_1250 = arith.index_cast %add3A_1249 : i32 to index
        %swap3A_1251 = arith.constant 48 : index
        %swap3A_1252 = tpu.vector_load %arg15[%swap3A_1250, %swap3A_1251] {strides = array<i32>} : memref<512x64xf32, #tpu.memory_space<vmem>>, vector<16xf32>,
        tpu.vector_store %arg15[%swap3A_1250, %swap3A_1251], %add3A_1177 {strides = array<i32>} : memref<512x64xf32, #tpu.memory_space<vmem>>, vector<16xf32>,
        %broadcast_in_dim3A_1253 = vector.broadcast %scan3A_330 : i32 to vector<16xi32>
        tpu.vector_store_idx %arg14[%iota3A, %broadcast_in_dim3A_1253], %add3A_1242 : memref<16x16xf32, #tpu.memory_space<vmem>>[vector<16xi32>, vector<16xi32>], vector<16xf32>,
      }
      %scan3A_242 = arith.constant 16 : i32
      %get3A_243 = arith.constant 0 : i32
      %get3A_244 = arith.index_cast %get3A_243 : i32 to index
      %get3A_245 = arith.constant 0 : index
      %get3A_246 = tpu.vector_load %arg14[%get3A_244, %get3A_245] {strides = array<i32>} : memref<16x16xf32, #tpu.memory_space<vmem>>, vector<16xf32>,
      %get3A_247 = arith.constant 1 : i32
      %get3A_248 = arith.index_cast %get3A_247 : i32 to index
      %get3A_249 = arith.constant 0 : index
      %get3A_250 = tpu.vector_load %arg14[%get3A_248, %get3A_249] {strides = array<i32>} : memref<16x16xf32, #tpu.memory_space<vmem>>, vector<16xf32>,
      %add3A_251 = arith.addf %get3A_246, %get3A_250 : vector<16xf32>
      %get3A_252 = arith.constant 2 : i32
      %get3A_253 = arith.index_cast %get3A_252 : i32 to index
      %get3A_254 = arith.constant 0 : index
      %get3A_255 = tpu.vector_load %arg14[%get3A_253, %get3A_254] {strides = array<i32>} : memref<16x16xf32, #tpu.memory_space<vmem>>, vector<16xf32>,
      %add3A_256 = arith.addf %add3A_251, %get3A_255 : vector<16xf32>
      %get3A_257 = arith.constant 3 : i32
      %get3A_258 = arith.index_cast %get3A_257 : i32 to index
      %get3A_259 = arith.constant 0 : index
      %get3A_260 = tpu.vector_load %arg14[%get3A_258, %get3A_259] {strides = array<i32>} : memref<16x16xf32, #tpu.memory_space<vmem>>, vector<16xf32>,
      %add3A_261 = arith.addf %add3A_256, %get3A_260 : vector<16xf32>
      %get3A_262 = arith.constant 4 : i32
      %get3A_263 = arith.index_cast %get3A_262 : i32 to index
      %get3A_264 = arith.constant 0 : index
      %get3A_265 = tpu.vector_load %arg14[%get3A_263, %get3A_264] {strides = array<i32>} : memref<16x16xf32, #tpu.memory_space<vmem>>, vector<16xf32>,
      %add3A_266 = arith.addf %add3A_261, %get3A_265 : vector<16xf32>
      %get3A_267 = arith.constant 5 : i32
      %get3A_268 = arith.index_cast %get3A_267 : i32 to index
      %get3A_269 = arith.constant 0 : index
      %get3A_270 = tpu.vector_load %arg14[%get3A_268, %get3A_269] {strides = array<i32>} : memref<16x16xf32, #tpu.memory_space<vmem>>, vector<16xf32>,
      %add3A_271 = arith.addf %add3A_266, %get3A_270 : vector<16xf32>
      %get3A_272 = arith.constant 6 : i32
      %get3A_273 = arith.index_cast %get3A_272 : i32 to index
      %get3A_274 = arith.constant 0 : index
      %get3A_275 = tpu.vector_load %arg14[%get3A_273, %get3A_274] {strides = array<i32>} : memref<16x16xf32, #tpu.memory_space<vmem>>, vector<16xf32>,
      %add3A_276 = arith.addf %add3A_271, %get3A_275 : vector<16xf32>
      %get3A_277 = arith.constant 7 : i32
      %get3A_278 = arith.index_cast %get3A_277 : i32 to index
      %get3A_279 = arith.constant 0 : index
      %get3A_280 = tpu.vector_load %arg14[%get3A_278, %get3A_279] {strides = array<i32>} : memref<16x16xf32, #tpu.memory_space<vmem>>, vector<16xf32>,
      %add3A_281 = arith.addf %add3A_276, %get3A_280 : vector<16xf32>
      %get3A_282 = arith.constant 8 : i32
      %get3A_283 = arith.index_cast %get3A_282 : i32 to index
      %get3A_284 = arith.constant 0 : index
      %get3A_285 = tpu.vector_load %arg14[%get3A_283, %get3A_284] {strides = array<i32>} : memref<16x16xf32, #tpu.memory_space<vmem>>, vector<16xf32>,
      %add3A_286 = arith.addf %add3A_281, %get3A_285 : vector<16xf32>
      %get3A_287 = arith.constant 9 : i32
      %get3A_288 = arith.index_cast %get3A_287 : i32 to index
      %get3A_289 = arith.constant 0 : index
      %get3A_290 = tpu.vector_load %arg14[%get3A_288, %get3A_289] {strides = array<i32>} : memref<16x16xf32, #tpu.memory_space<vmem>>, vector<16xf32>,
      %add3A_291 = arith.addf %add3A_286, %get3A_290 : vector<16xf32>
      %get3A_292 = arith.constant 10 : i32
      %get3A_293 = arith.index_cast %get3A_292 : i32 to index
      %get3A_294 = arith.constant 0 : index
      %get3A_295 = tpu.vector_load %arg14[%get3A_293, %get3A_294] {strides = array<i32>} : memref<16x16xf32, #tpu.memory_space<vmem>>, vector<16xf32>,
      %add3A_296 = arith.addf %add3A_291, %get3A_295 : vector<16xf32>
      %get3A_297 = arith.constant 11 : i32
      %get3A_298 = arith.index_cast %get3A_297 : i32 to index
      %get3A_299 = arith.constant 0 : index
      %get3A_300 = tpu.vector_load %arg14[%get3A_298, %get3A_299] {strides = array<i32>} : memref<16x16xf32, #tpu.memory_space<vmem>>, vector<16xf32>,
      %add3A_301 = arith.addf %add3A_296, %get3A_300 : vector<16xf32>
      %get3A_302 = arith.constant 12 : i32
      %get3A_303 = arith.index_cast %get3A_302 : i32 to index
      %get3A_304 = arith.constant 0 : index
      %get3A_305 = tpu.vector_load %arg14[%get3A_303, %get3A_304] {strides = array<i32>} : memref<16x16xf32, #tpu.memory_space<vmem>>, vector<16xf32>,
      %add3A_306 = arith.addf %add3A_301, %get3A_305 : vector<16xf32>
      %get3A_307 = arith.constant 13 : i32
      %get3A_308 = arith.index_cast %get3A_307 : i32 to index
      %get3A_309 = arith.constant 0 : index
      %get3A_310 = tpu.vector_load %arg14[%get3A_308, %get3A_309] {strides = array<i32>} : memref<16x16xf32, #tpu.memory_space<vmem>>, vector<16xf32>,
      %add3A_311 = arith.addf %add3A_306, %get3A_310 : vector<16xf32>
      %get3A_312 = arith.constant 14 : i32
      %get3A_313 = arith.index_cast %get3A_312 : i32 to index
      %get3A_314 = arith.constant 0 : index
      %get3A_315 = tpu.vector_load %arg14[%get3A_313, %get3A_314] {strides = array<i32>} : memref<16x16xf32, #tpu.memory_space<vmem>>, vector<16xf32>,
      %add3A_316 = arith.addf %add3A_311, %get3A_315 : vector<16xf32>
      %get3A_317 = arith.constant 15 : i32
      %get3A_318 = arith.index_cast %get3A_317 : i32 to index
      %get3A_319 = arith.constant 0 : index
      %get3A_320 = tpu.vector_load %arg14[%get3A_318, %get3A_319] {strides = array<i32>} : memref<16x16xf32, #tpu.memory_space<vmem>>, vector<16xf32>,
      %add3A_321 = arith.addf %add3A_316, %get3A_320 : vector<16xf32>
      %mul3A_322 = arith.constant 2 : i32
      %mul3A_323 = arith.muli %scan3A_117, %mul3A_322 : i32
      %add3A_324 = arith.constant 1 : i32
      %add3A_325 = arith.addi %mul3A_323, %add3A_324 : i32
      %mul3A_326 = arith.constant 16 : i32
      %mul3A_327 = arith.muli %add3A_325, %mul3A_326 : i32
      %swap3A_328 = arith.index_cast %mul3A_327 : i32 to index
      %swap3A_329 = tpu.vector_load %arg16[%swap3A_328] {strides = array<i32>} : memref<512xf32, #tpu.memory_space<vmem>>, vector<16xf32>,
      tpu.vector_store %arg16[%swap3A_328], %add3A_321 {strides = array<i32>} : memref<512xf32, #tpu.memory_space<vmem>>, vector<16xf32>,
    }
    %scan3A_104 = arith.constant 16 : i32
    %dma_start3A_105 = arith.constant 0 : i32
    %dma_start3A_106 = tpu.memref_slice %arg6[%mul3A_2, %dma_start3A_105] : memref<16384x64xf32, #tpu.memory_space<hbm>> -> memref<512x64xf32, #tpu.memory_space<hbm>>
    %dma_start3A_107 = arith.constant 0 : i32
    %dma_start3A_108 = tpu.memref_slice %arg6[%mul3A_2, %dma_start3A_107] : memref<16384x64xf32, #tpu.memory_space<hbm>> -> memref<512x64xf32, #tpu.memory_space<hbm>>
    tpu.enqueue_dma source(%arg15 : memref<512x64xf32, #tpu.memory_space<vmem>>) target(%dma_start3A_108 : memref<512x64xf32, #tpu.memory_space<hbm>>) target_semaphore(%arg19 : memref<!tpu.dma_semaphore, #tpu.memory_space<semaphore_mem>>)
    %dma_wait3A_109 = arith.constant 0 : i32
    %dma_wait3A_110 = tpu.memref_slice %arg6[%mul3A_2, %dma_wait3A_109] : memref<16384x64xf32, #tpu.memory_space<hbm>> -> memref<512x64xf32, #tpu.memory_space<hbm>>
    %dma_wait3A_111 = arith.constant 0 : i32
    %dma_wait3A_112 = tpu.memref_slice %arg6[%mul3A_2, %dma_wait3A_111] : memref<16384x64xf32, #tpu.memory_space<hbm>> -> memref<512x64xf32, #tpu.memory_space<hbm>>
    tpu.wait_dma2 semaphore(%arg19 : memref<!tpu.dma_semaphore, #tpu.memory_space<semaphore_mem>>) src(%arg15 : memref<512x64xf32, #tpu.memory_space<vmem>>) dst(%dma_wait3A_112 : memref<512x64xf32, #tpu.memory_space<hbm>>)
    %dma_start3A_113 = tpu.memref_slice %arg7[%mul3A_2] : memref<16384xf32, #tpu.memory_space<hbm>> -> memref<512xf32, #tpu.memory_space<hbm>>
    %dma_start3A_114 = tpu.memref_slice %arg7[%mul3A_2] : memref<16384xf32, #tpu.memory_space<hbm>> -> memref<512xf32, #tpu.memory_space<hbm>>
    tpu.enqueue_dma source(%arg16 : memref<512xf32, #tpu.memory_space<vmem>>) target(%dma_start3A_114 : memref<512xf32, #tpu.memory_space<hbm>>) target_semaphore(%arg19 : memref<!tpu.dma_semaphore, #tpu.memory_space<semaphore_mem>>)
    %dma_wait3A_115 = tpu.memref_slice %arg7[%mul3A_2] : memref<16384xf32, #tpu.memory_space<hbm>> -> memref<512xf32, #tpu.memory_space<hbm>>
    %dma_wait3A_116 = tpu.memref_slice %arg7[%mul3A_2] : memref<16384xf32, #tpu.memory_space<hbm>> -> memref<512xf32, #tpu.memory_space<hbm>>
    tpu.wait_dma2 semaphore(%arg19 : memref<!tpu.dma_semaphore, #tpu.memory_space<semaphore_mem>>) src(%arg16 : memref<512xf32, #tpu.memory_space<vmem>>) dst(%dma_wait3A_116 : memref<512xf32, #tpu.memory_space<hbm>>)
    return
  }
}

module attributes {stable_mosaic.version = 14 : i64} {
  func.func @_detrans_body(%arg0: i32, %arg1: memref<64x24576xf32, #tpu.memory_space<vmem>>, %arg2: memref<64x24576xf32, #tpu.memory_space<vmem>>, %arg3: memref<24576x128xf32, #tpu.memory_space<vmem>>) attributes {dimension_semantics = [#tpu.dimension_semantics<arbitrary>], iteration_bounds = array<i64: 21>, scalar_prefetch = 0 : i64, scratch_operands = 0 : i64, tpu.core_type = #tpu.core_type<tc>, window_params = [{transform_indices = @transform_0, window_bounds = array<i64: 64, 24576>}, {transform_indices = @transform_1, window_bounds = array<i64: 64, 24576>}, {transform_indices = @transform_2, window_bounds = array<i64: 24576, 128>}]} {
    %get3A = arith.constant 0 : index
    %get3A_0 = arith.constant 0 : index
    %get3A_1 = vector.load %arg1[%get3A, %get3A_0] : memref<64x24576xf32, #tpu.memory_space<vmem>>, vector<64x24576xf32>
    %transpose3A = tpu.transpose %get3A_1, [1, 0] : vector<64x24576xf32> -> vector<24576x64xf32>
    %swap3A = arith.constant 0 : index
    %swap3A_2 = arith.constant 0 : index
    %swap3A_3 = vector.load %arg3[%swap3A, %swap3A_2] : memref<24576x128xf32, #tpu.memory_space<vmem>>, vector<24576x64xf32>
    tpu.vector_store %arg3[%swap3A, %swap3A_2], %transpose3A {strides = array<i32>} : memref<24576x128xf32, #tpu.memory_space<vmem>>, vector<24576x64xf32>,
    %get3A_4 = arith.constant 0 : index
    %get3A_5 = arith.constant 0 : index
    %get3A_6 = vector.load %arg2[%get3A_4, %get3A_5] : memref<64x24576xf32, #tpu.memory_space<vmem>>, vector<64x24576xf32>
    %transpose3A_7 = tpu.transpose %get3A_6, [1, 0] : vector<64x24576xf32> -> vector<24576x64xf32>
    %swap3A_8 = arith.constant 0 : index
    %swap3A_9 = arith.constant 64 : index
    %swap3A_10 = vector.load %arg3[%swap3A_8, %swap3A_9] : memref<24576x128xf32, #tpu.memory_space<vmem>>, vector<24576x64xf32>
    tpu.vector_store %arg3[%swap3A_8, %swap3A_9], %transpose3A_7 {strides = array<i32>} : memref<24576x128xf32, #tpu.memory_space<vmem>>, vector<24576x64xf32>,
    return
  }
  func.func @transform_0(%arg0: i32) -> (i32, i32) {
    %c0_i32 = arith.constant 0 : i32
    %c0_i32_0 = arith.constant 0 : i32
    return %c0_i32, %arg0 : i32, i32
  }
  func.func @transform_1(%arg0: i32) -> (i32, i32) {
    %add3A = arith.constant 21 : i32
    %add3A_0 = arith.addi %arg0, %add3A : i32
    %min3A = arith.constant 40 : i32
    %min3A_1 = arith.minsi %add3A_0, %min3A : i32
    %c0_i32 = arith.constant 0 : i32
    %c0_i32_2 = arith.constant 0 : i32
    return %c0_i32, %min3A_1 : i32, i32
  }
  func.func @transform_2(%arg0: i32) -> (i32, i32) {
    %c0_i32 = arith.constant 0 : i32
    %c0_i32_0 = arith.constant 0 : i32
    return %arg0, %c0_i32 : i32, i32
  }
}

</mosaic_0001>

<sc_bundles>
// kernel: kernel.6.cloned.1.call-start
scs
__scs_entry_jumppad:
0x0: {  	(pc) =	sbr.rel $0x88, $3  }
0x1: {  	(tag) =	ssettag $0x0;
	lr =	simm.s32 $0x1  }
0x2: {  	[smem:$0x3F9C] =	sst lr;
	_ =	strace $0xD0000000  }
0x3: {  	_ = 	snop  }
0x4: {  	_ = 	snop  }
0x5: {  	_ = 	snop  }
0x6: {  	_ = 	snop  }
0x7: {  	_ = 	snop  }
__scs_overlays_trampoline_lowered:
0x8: {  	[smem:$0x3FAB] =	sst s0  }
0x9: {  	[smem:$0x3FAC] =	sst s1  }
0xa: {  	[smem:$0x3FAD] =	sst s2  }
0xb: {  	[smem:$0x3FAE] =	sst s3  }
0xc: {  	[smem:$0x3FAF] =	sst s4  }
0xd: {  	[smem:$0x3FB0] =	sst s5  }
0xe: {  	[smem:$0x3FB1] =	sst s6  }
0xf: {  	[smem:$0x3FB2] =	sst s7  }
0x10: {  	[smem:$0x3FB3] =	sst s8  }
0x11: {  	[smem:$0x3FB4] =	sst s9;
	s0 =	simm.s32 @!p0 $0x0  }
0x12: {  	s1 =	sld [smem:$0x3F9A];
	s0 =	simm.s32 @p0 $0x1  }
0x13: {  	[smem:$0x3FB5] =	sst s0;
	s0 =	simm.s32 @!p1 $0x0  }
0x14: {  	s2 =	sld [smem:$0x3F99];
	s0 =	simm.s32 @p1 $0x1  }
0x15: {  	[smem:$0x3FB6] =	sst s0;
	s0 =	simm.s32 @!p2 $0x0  }
0x16: {  	s3 =	sld [smem:$0x3FDB];
	s0 =	simm.s32 @p2 $0x1  }
0x17: {  	s4 =	simm.s32 $0x1BF5;
	[smem:$0x3FB8] =	sst s0  }
0x18: {  	s0 =	sld [smem:$0x3F9B];
	_ =	swait.ge [sflag:s4], $0x0  }
0x19: {  	s7 =	sld [smem:$0x3F9C]  }
0x1a: {  	s8 =	sadd.s32 $0xFFFFE003, lr  }
0x1b: {  	s9 =	sadd.s32 $0xFFFFFEF7, lr;
	s5 =	simm.s32 $0xFFFFFFFF;
	p2 =	slt.u32 s8, $0xFFFFF086  }
0x1c: {  	p1 =	slt.u32 s9, $0xF7A;
	s5 =	simm.s32 @!p2 $0x0  }
0x1d: {  	s5 =	simm.s32 @p1 $0x1;
	p0 =	seq.s32 s7, s2  }
0x1e: {  	s7 =	smul.u32 @!p0 $0xF7A, s2;
	p2 =	seq.s32 @!p0 s5, $0x0  }
0x1f: {  	s9 =	smul.u32 $0xF7A, s1;
	s8 =	simm.s32 @!p0 $0x1BF5;
	p2 =	por !p2, p0  }
0x20: {  	[sflag:s8] =	ssyncset.s32 @!p0 $0xFFFFF086;
	s6 =	sadd.s32 @!p0 s3, s7;
	s7 =	simm.s32 @!p0 $0x108  }
0x21: {  	s3 =	sadd.s32 s3, s9;
	s6 =	sadd.s32 @!p0 $0x88, s6;
	s7 =	simm.s32 @p2 $0x1082  }
0x22: {  	[simem:s7], [sflag:s8] =	dma.local @!p0 [hbm:s6], $0xF7A  }
0x23: {  	s9 =	sor.u32 $0xD0000000, s2;
	s6 =	simm.s32 $0x108;
	_ =	swait.ge @!p0 [sflag:s8], $0x0  }
0x24: {  	s3 =	sadd.s32 $0x88, s3;
	s6 =	simm.s32 @!p1 $0x1082;
	[sflag:s4] =	ssyncset.s32 $0xFFFFF086  }
0x25: {  	[simem:s6], [sflag:s4] =	dma.local [hbm:s3], $0xF7A  }
0x26: {  	[smem:$0x3F9C] =	sst s1;
	(tag) =	ssettag s2;
	_ =	strace s9  }
0x27: {  	s1 =	sld [smem:$0x3FAC]  }
0x28: {  	s2 =	sld [smem:$0x3FAD]  }
0x29: {  	s4 =	sld [smem:$0x3FAF]  }
0x2a: {  	p0 =	seq.s32 s5, $0x0;
	s5 =	sld [smem:$0x3FB0]  }
0x2b: {  	s6 =	sld [smem:$0x3FB1]  }
0x2c: {  	s7 =	sld [smem:$0x3FB2]  }
0x2d: {  	s3 =	simm.s32 $0x108;
	s8 =	sld [smem:$0x3FB3]  }
0x2e: {  	s3 =	simm.s32 @!p0 $0x1082;
	s9 =	sld [smem:$0x3FB4]  }
0x2f: {  	lr =	sadd.s32 s0, s3;
	s0 =	sld [smem:$0x3FAB]  }
0x30: {  	s3 =	sld [smem:$0x3FAE]  }
0x31: {  	[smem:$0x3FB7] =	sst s10  }
0x32: {  	s10 =	sld [smem:$0x3FB5];
	_ =	sdelay $0x3  }
0x33: {  	p0 =	seq.s32 s10, $0x1;
	s10 =	sld [smem:$0x3FB7];
	_ =	sdelay $0x3  }
0x34: {  	[smem:$0x3FB7] =	sst s10  }
0x35: {  	s10 =	sld [smem:$0x3FB6];
	_ =	sdelay $0x3  }
0x36: {  	p1 =	seq.s32 s10, $0x1;
	s10 =	sld [smem:$0x3FB7];
	_ =	sdelay $0x3  }
0x37: {  	[smem:$0x3FB7] =	sst s10  }
0x38: {  	s10 =	sld [smem:$0x3FB8]  }
0x39: {  	_ = 	snop;
	(pc) =	sbr.ind lr, $3  }
0x3a: {  	_ = 	snop  }
0x3b: {  	_ = 	snop  }
0x3c: {  	p2 =	seq.s32 s10, $0x1;
	s10 =	sld [smem:$0x3FB7]  }
0x3d: {  	_ =	shalt  }
0x3e: {  	_ =	shalt  }
0x3f: {  	_ =	shalt  }
0x40: {  	_ =	shalt  }
0x41: {  	_ =	shalt  }
0x42: {  	_ =	shalt  }
0x43: {  	_ =	shalt  }
0x44: {  	_ =	shalt  }
0x45: {  	_ =	shalt  }
0x46: {  	_ =	shalt  }
0x47: {  	_ =	shalt  }
0x48: {  	_ =	shalt  }
0x49: {  	_ =	shalt  }
0x4a: {  	_ =	shalt  }
0x4b: {  	_ =	shalt  }
0x4c: {  	_ =	shalt  }
0x4d: {  	_ =	shalt  }
0x4e: {  	_ =	shalt  }
0x4f: {  	_ =	shalt  }
0x50: {  	_ =	shalt  }
0x51: {  	_ =	shalt  }
0x52: {  	_ =	shalt  }
0x53: {  	_ =	shalt  }
0x54: {  	_ =	shalt  }
0x55: {  	_ =	shalt  }
0x56: {  	_ =	shalt  }
0x57: {  	_ =	shalt  }
0x58: {  	_ =	shalt  }
0x59: {  	_ =	shalt  }
0x5a: {  	_ =	shalt  }
0x5b: {  	_ =	shalt  }
0x5c: {  	_ =	shalt  }
0x5d: {  	_ =	shalt  }
0x5e: {  	_ =	shalt  }
0x5f: {  	_ =	shalt  }
0x60: {  	_ =	shalt  }
0x61: {  	_ =	shalt  }
0x62: {  	_ =	shalt  }
0x63: {  	_ =	shalt  }
0x64: {  	_ =	shalt  }
0x65: {  	_ =	shalt  }
0x66: {  	_ =	shalt  }
0x67: {  	_ =	shalt  }
0x68: {  	_ =	shalt  }
0x69: {  	_ =	shalt  }
0x6a: {  	_ =	shalt  }
0x6b: {  	_ =	shalt  }
0x6c: {  	_ =	shalt  }
0x6d: {  	_ =	shalt  }
0x6e: {  	_ =	shalt  }
0x6f: {  	_ =	shalt  }
0x70: {  	_ =	shalt  }
0x71: {  	_ =	shalt  }
0x72: {  	_ =	shalt  }
0x73: {  	_ =	shalt  }
0x74: {  	_ =	shalt  }
0x75: {  	_ =	shalt  }
0x76: {  	_ =	shalt  }
0x77: {  	_ =	shalt  }
0x78: {  	_ =	shalt  }
0x79: {  	_ =	shalt  }
0x7a: {  	_ =	shalt  }
0x7b: {  	_ =	shalt  }
0x7c: {  	_ =	shalt  }
0x7d: {  	_ =	shalt  }
0x7e: {  	_ =	shalt  }
0x7f: {  	_ =	shalt  }
0x80: {  	_ =	shalt  }
0x81: {  	_ =	shalt  }
0x82: {  	_ =	shalt  }
0x83: {  	_ =	shalt  }
0x84: {  	_ =	shalt  }
0x85: {  	_ =	shalt  }
0x86: {  	_ =	shalt  }
0x87: {  	_ =	shalt  }
.Lfunc_end0:
.L_simem_size_0:
called_computation_lowered:
.L_overlay_start_0:
0x88: {  	s2 =	sld [smem:$0x3FD9]  }
0x89: {  	s3 =	sld [smem:$0x3FFE];
	_ =	sdelay $0x1  }
0x8a: {  	s1 =	srdreg.scid  }
0x8b: {  	s0 =	sand.u32 $0x1, s1  }
0x8c: {  	s17 =	sshll.u32 s0, $0xA;
	s2 =	sadd.s32 s3, s2  }
0x8d: {  	s2 =	sadd.s32 s2, s17  }
0x8e: {  	[smem:$0x3FC3] =	sst s2  }
0x8f: {  	_ = 	snop  }
0x90: {  	s2 =	sld [smem:$0x3FC5];
	(tm) =	ssettm $0x1  }
0x91: {  	s18 =	sld [smem:$0x3FFB];
	_ =	sdelay $0x3  }
0x92: {  	_ =	strace s18  }
0x93: {  	s3 =	sld [smem:$0x3FFC];
	_ =	sdelay $0x3  }
0x94: {  	_ =	strace s3  }
0x95: {  	s3 =	sld [smem:$0x3FFD];
	_ =	sdelay $0x3  }
0x96: {  	_ =	strace s3  }
0x97: {  	_ =	strace $0x8FFFFFFF  }
0x98: {  	s19 =	sld [smem:$0x3FDB];
	_ =	sdelay $0x1  }
0x99: {  	s4 =	simm.s32 $_scs_section_size  }
0x9a: {  	s5 =	simm.s32 $_size__tile_overlayer_lowered;
	s6 =	simm.s32 $_tile_overlayer_lowered  }
0x9b: {  	s22 =	simm.s32 $0x1BFF;
	s21 =	sshll.u32 s6, $0x1;
	s3 =	sadd.s32 s4, s19  }
0x9c: {  	s7 =	simm.s32 $0x0;
	s20 =	sshll.u32 s5, $0x1;
	s5 =	sadd.s32 s21, s3  }
0x9d: {  	[timem:s7], [sflag:s22] =	dma.local [hbm:s5], s20  }
0x9e: {  	_ =	swait.ge [sflag:s22], s20  }
0x9f: {  	s4 =	ssub.s32 $0x0, s20;
	[sflag:s22] =	ssyncset.done $0x0  }
0xa0: {  	[sflag:s22] =	ssyncadd.s32 s4;
	_ =	sdelay $0x1  }
0xa1: {  	s23 =	simm.s32 $0x1B8B  }
0xa2: {  	_ =	swait.ge [sflag:s23], $0x1  }
0xa3: {  	[sflag:s23] =	ssyncset.done $0x0  }
0xa4: {  	s25 =	simm.s32 $0x1B8E;
	s24 =	sld [smem:$0x3FFE];
	[sflag:s23] =	ssyncadd.s32 $0xFFFFFFFF  }
0xa5: {  	s26 =	simm.s32 $execute0_lowered;
	[smem:$0x3FD2] =	sst s25  }
0xa6: {  	s5 =	sshll.u32 s26, $0x1;
	_ =	strace $0x80000046;
	[dreg:$0x1] =	wrdreg $0xFFFFFFFF  }
0xa7: {  	s28 =	simm.s32 $_size_execute0_lowered;
	s3 =	sadd.s32 s3, s5;
	[dreg:$0x0] =	wrdreg $0x0  }
0xa8: {  	s5 =	sshll.u32 s28, $0x1;
	[dreg:$0x2] =	wrdreg s3  }
0xa9: {  	[dreg:$0x3] =	wrdreg s5  }
0xaa: {  	[dreg:$0x4] =	wrdreg $0xC0  }
0xab: {  	_ =	task [dreg:s7], $0x5FFFF  }
0xac: {  	[dreg:$0x1] =	wrdreg $0xFFFFFFFF  }
0xad: {  	[dreg:$0x0] =	wrdreg $0x60  }
0xae: {  	[dreg:$0x2] =	wrdreg s24  }
0xaf: {  	[dreg:$0x3] =	wrdreg s2  }
0xb0: {  	[dreg:$0x4] =	wrdreg $0x9  }
0xb1: {  	_ =	task.clear_ibuf [dreg:s7], $0x5FFFF;
	_ =	strace $0x90000046  }
0xb2: {  	s29 =	simm.s32 $0x9;
	_ =	strace $0x80000048  }
0xb3: {  	_ =	swait.ge [sflag:s29], $0x1  }
0xb4: {  	[sflag:s29] =	ssyncadd.s32 $0xFFFFFFFF  }
0xb5: {  	_ =	strace $0x90000048  }
0xb6: {  	_ =	sfence  }
0xb7: {  	s30 =	sld [smem:$0x0];
	_ =	sdelay $0x2  }
0xb8: {  	s31 =	sshll.u32 s1, $0xD;
	s1 =	sshrl.u32 s1, $0x2  }
0xb9: {  	s3 =	sand.u32 $0x4000, s31;
	s1 =	sadd.s32 s1, s30  }
0xba: {  	s0 =	sor.u32 s3, s0;
	s1 =	sshll.u32 s1, $0x11  }
0xbb: {  	s0 =	sor.u32 s1, s0  }
0xbc: {  	s0 =	sadd.s32 $0x8F2B, s0  }
0xbd: {  	[sflag:s0] =	ssyncadd.remote.s32 $0x1  }
0xbe: {  	_ =	sfence.sel $0xFFFF  }
0xbf: {  	[dreg:$0x0] =	wrdreg $0xFFFFFFFF;
	(pc) =	sbr.abs _section_cstart, $3  }
0xc0: {  	[dreg:$0x1] =	wrdreg $0xFFFFFFFF  }
0xc1: {  	_ =	task.clear_ibuf [dreg:s7], $0x2FFFF;
	_ =	strace $0x9FFFFFFF  }
0xc2: {  	(tm) =	ssettm $0x7FFFFFFF  }
0xc3: {  	_ =	shalt  }
tec
execute0_lowered:
.L_overlay_start_1:
0x0: {  	(tag) =	ssettag $0x1  }
0x1: {  	s0 =	rddreg [dreg:$0x0];
	s3 =	simm.s32 $0x0;
	s1 =	srdreg.scid  }
0x2: {  	s4 =	stileid.u32;
	s18 =	simm.s32 $0x4;
	s19 =	simm.s32 $0x80  }
0x3: {  	s20 =	simm.s32 $0x4000;
	s21 =	simm.s32 $0x3;
	s22 =	simm.s32 $0x1A0  }
0x4: {  	s23 =	simm.s32 $0xD00;
	s25 =	simm.s32 $0xA908;
	s26 =	simm.s32 $0x1  }
0x5: {  	s28 =	simm.s32 $0x11148;
	s29 =	simm.s32 $0x2;
	[smem:$0x7FF] =	sst s3  }
0x6: {  	s2 =	sadd.s32 $0x7EDE00, s0;
	s1 =	sand.u32 $0x1, s1;
	s5 =	sshll.u32 s4, $0x1  }
0x7: {  	v0 =	vimm.s32 $0xC80;
	vm0 =	vcmask $0x300;
	s8 =	sadd.s32 $0x7E0E00, s0;
	s4 =	sadd.s32 $0xE00, s0;
	s5 =	sor.u32 s1, s5  }
0x8: {  	vm8 =	vcmask $0x704;
	v0 =	vsel vm0, $0x800, v0;
	_ =	strace $0x80000047;
	s1 =	ssub.s32 $0x2, s1;
	s6 =	sshll.u32 s5, $0xC  }
0x9: {  	vm9 =	vcmask $0xB08;
	v0 =	vsel vm8, $0x880, v0;
	s7 =	smul.u32 $0x681, s5;
	s5 =	sshll.u32 s5, $0x6;
	s30 =	sshrl.u32 s1, $0x1  }
0xa: {  	vm10 =	vcmask $0xF0C;
	v0 =	vsel vm9, $0x900, v0;
	s14 =	sadd.s32 s6, s0;
	s15 =	sadd.s32 s5, s0;
	s1 =	ssub.s32 s1, s30  }
0xb: {  	vm11 =	vcmask $0x1310;
	s31 =	sadd.s32 s8, s5;
	s11 =	sor.u32 $0x10, s5;
	s12 =	sor.u32 $0x20, s5;
	v0 =	vsel vm10, $0x980, v0  }
0xc: {  	vm12 =	vcmask $0x1714;
	s13 =	sor.u32 $0x30, s5;
	s10 =	sadd.s32 s2, s5;
	s0 =	sadd.s32 s7, s0;
	v0 =	vsel vm11, $0xA00, v0  }
0xd: {  	vm13 =	vcmask $0x1B18;
	[dreg:$0x3] =	wrdreg s31;
	s6 =	sadd.s32 s8, s11;
	s7 =	sadd.s32 s8, s12;
	v0 =	vsel vm12, $0xA80, v0  }
0xe: {  	vm14 =	vcmask $0x1F1C;
	s8 =	sadd.s32 s8, s13;
	s11 =	sadd.s32 s2, s11;
	s12 =	sadd.s32 s2, s12;
	v0 =	vsel vm13, $0xB00, v0  }
0xf: {  	v2 =	vlaneseq.u32;
	vm15 =	vcmask $0x2320;
	s13 =	sadd.s32 s2, s13;
	s14 =	sadd.s32 $0x7FAE00, s14;
	s15 =	sadd.s32 $0x81AE00, s15;
	v1 =	vsel vm14, $0xB80, v0  }
0x10: {  	s16 =	smax.u32 s1, $0x1;
	s9 =	sadd.s32 $0x81B600, s0;
	s0 =	simm.s32 $0x0;
	v0 =	vmul.u32 $0x80, v2;
	v2 =	vmul.u32 $0x10, v2;
	v1 =	vsel vm15, $0xC00, v1  }
.LBB2_1:
0x11: {  	s1 =	rddreg [dreg:$0x1];
	s2 =	simm.s32 $0x11108  }
0x12: {  	[tilespmem:s2], [sflag:$0x4] =	stream.linear.gather [hbm4b:s1+s3], $0x40, $0x38;
	[tilespmem:$0x19448] =	vst v63  }
0x13: {  	_ =	swait.ge [sflag:s18], $0x40  }
0x14: {  	v4 =	vmov s3;
	[sflag:s18] =	ssyncset.done $0x0  }
0x15: {  	v5 =	vand.u32 $0x7F, v4;
	[sflag:s18] =	ssyncadd.s32 $0xFFFFFFC0  }
0x16: {  	v7 =	vbroadcast v5, $0x0;
	v3 =	vld [tilespmem:$0x11108]  }
0x17: {  	v4 =	vld [tilespmem:$0x11118]  }
0x18: {  	s30 =	rddreg [dreg:$0x3];
	v8 =	vor.u32 v0, v7;
	v5 =	vld [tilespmem:$0x11128]  }
0x19: {  	v6 =	vld [tilespmem:$0x11138];
	[tilespmem:s3], [sflag:$0x4] =	stream.strided.gather [hbm4b:s30+s19], $0xD00, s20, s19, $0x38  }
0x1a: {  	_ =	swait.ge [sflag:s18], $0xD00  }
0x1b: {  	[sflag:s18] =	ssyncset.done $0x0  }
0x1c: {  	[sflag:s18] =	ssyncadd.s32 $0xFFFFF300  }
0x1d: {  	v8 =	vld.idx.msk [tilespmem:v8+s3+$0x0], $0xffff;
	_ =	sdelay $0x3  }
0x1e: {  	v7 =	vor.u32 v1, v7  }
0x1f: {  	v9 =	vshll.u32 v8, $0x1  }
0x20: {  	vm0 =	vlt.s32 v8, $0x7E000;
	v8 =	vadd.s32 $0xFFF04001, v9  }
0x21: {  	v8 =	vsel vm0, v9, v8  }
0x22: {  	[tilespmem:s23+$0x0] =	vst v8  }
0x23: {  	s31 =	simm.s32 $0x1;
	v8 =	vld.idx.msk [tilespmem:v7+s3+$0x0], $0xffff  }
0x24: {  	v7 =	vmov s31  }
0x25: {  	v7 =	vand.u32 $0x7F, v7  }
0x26: {  	v7 =	vbroadcast v7, $0x0;
	_ =	sdelay $0x1  }
0x27: {  	v9 =	vshll.u32 v8, $0x1;
	vm15 =	vlt.s32 v8, $0x7E000;
	v8 =	vor.u32 v0, v7  }
0x28: {  	s5 =	simm.s32 $0x2;
	v10 =	vadd.s32 $0xFFF04001, v9  }
0x29: {  	s17 =	sand.u32 $0xFFE, s3;
	s2 =	simm.s32 $0x0;
	s1 =	simm.s32 $0xD00;
	v9 =	vsel vm15, v9, v10  }
.LBB2_2:
0x2a: {  	s2 =	sadd.s32 $0x1A, s2  }
0x2b: {  	[tilespmem:s17+$0xD10] =	vst v9;
	s1 =	sadd.s32 $0x1A, s1;
	s17 =	smov.u32 s5;
	s24 =	sadd.s32 $0x1, s5  }
0x2c: {  	p0 =	sne.s32 s5, $0x7F;
	v8 =	vld.idx.msk [tilespmem:v8+s3+$0x0], $0xffff;
	_ =	sdelay $0x4  }
0x2d: {  	v7 =	vor.u32 v1, v7  }
0x2e: {  	v9 =	vshll.u32 v8, $0x1  }
0x2f: {  	vm0 =	vlt.s32 v8, $0x7E000;
	v8 =	vadd.s32 $0xFFF04001, v9  }
0x30: {  	v8 =	vsel vm0, v9, v8  }
0x31: {  	[tilespmem:s1+$0x0] =	vst v8  }
0x32: {  	v9 =	vld.idx.msk [tilespmem:v7+s3+$0x0], $0xffff  }
0x33: {  	v7 =	vmov s17  }
0x34: {  	v7 =	vand.u32 $0x7F, v7  }
0x35: {  	v7 =	vbroadcast v7, $0x0  }
.Ltmp0:
0x36: {  	(pc) =	sbr.rel @p0 .LBB2_2-.Ltmp0, $4  }
0x37: {  	v8 =	vor.u32 v0, v7  }
0x38: {  	v10 =	vshll.u32 v9, $0x1  }
0x39: {  	vm0 =	vlt.s32 v9, $0x7E000;
	v9 =	vadd.s32 $0xFFF04001, v10  }
0x3a: {  	s5 =	smov.u32 s24;
	s17 =	sand.u32 $0xFFE, s2;
	v9 =	vsel vm0, v10, v9  }
0x3b: {  	_ =	sdelay $0x2  }
0x3c: {  	[tilespmem:s17+$0xD10] =	vst v9  }
0x3d: {  	v8 =	vld.idx.msk [tilespmem:v8+s3+$0x0], $0xffff;
	_ =	sdelay $0x3  }
0x3e: {  	v7 =	vor.u32 v1, v7  }
0x3f: {  	v9 =	vshll.u32 v8, $0x1  }
0x40: {  	vm0 =	vlt.s32 v8, $0x7E000;
	v8 =	vadd.s32 $0xFFF04001, v9  }
0x41: {  	s1 =	sadd.s32 $0x1A, s1;
	v8 =	vsel vm0, v9, v8  }
0x42: {  	[tilespmem:s1+$0x0] =	vst v8  }
0x43: {  	v7 =	vld.idx.msk [tilespmem:v7+s3+$0x0], $0xffff;
	_ =	sdelay $0x2  }
0x44: {  	s1 =	simm.s32 $0x0  }
0x45: {  	v8 =	vmov s1  }
0x46: {  	v8 =	vand.u32 $0x7F, v8;
	v9 =	vshll.u32 v7, $0x1  }
0x47: {  	s2 =	sadd.s32 $0x1A, s2;
	v8 =	vbroadcast v8, $0x0;
	vm14 =	vlt.s32 v7, $0x7E000;
	v7 =	vadd.s32 $0xFFF04001, v9  }
0x48: {  	s2 =	sand.u32 $0xFFE, s2;
	v7 =	vsel vm14, v9, v7  }
0x49: {  	[tilespmem:s2+$0xD10] =	vst v7;
	v7 =	vor.u32 v0, v8  }
0x4a: {  	[tilespmem:s1], [sflag:$0x4] =	stream.strided.gather [hbm4b:s6+s19], $0xD00, s20, s19, $0x38;
	[tilespmem:$0x19448] =	vst v63  }
0x4b: {  	_ =	swait.ge [sflag:s18], $0xD00  }
0x4c: {  	[sflag:s18] =	ssyncset.done $0x0  }
0x4d: {  	[sflag:s18] =	ssyncadd.s32 $0xFFFFF300  }
0x4e: {  	v7 =	vld.idx.msk [tilespmem:v7+s3+$0x0], $0xffff;
	_ =	sdelay $0x3  }
0x4f: {  	v8 =	vor.u32 v1, v8  }
0x50: {  	v9 =	vshll.u32 v7, $0x1  }
0x51: {  	vm15 =	vlt.s32 v7, $0x7E000;
	v7 =	vadd.s32 $0xFFF04001, v9  }
0x52: {  	s5 =	sand.u32 $0xFFE, s1;
	v7 =	vsel vm15, v9, v7  }
0x53: {  	s31 =	simm.s32 $0x1;
	[tilespmem:s5+$0x1A00] =	vst v7  }
0x54: {  	s2 =	simm.s32 $0x2;
	v7 =	vld.idx.msk [tilespmem:v8+s3+$0x0], $0xffff;
	v8 =	vmov s31  }
.LBB2_4:
0x55: {  	p0 =	sne.s32 s2, $0x7F;
	v8 =	vand.u32 $0x7F, v8  }
0x56: {  	v8 =	vbroadcast v8, $0x0;
	_ =	sdelay $0x1  }
0x57: {  	v9 =	vor.u32 v0, v8  }
0x58: {  	v10 =	vshll.u32 v7, $0x1  }
0x59: {  	vm0 =	vlt.s32 v7, $0x7E000;
	v7 =	vadd.s32 $0xFFF04001, v10  }
0x5a: {  	v7 =	vsel vm0, v10, v7  }
0x5b: {  	[tilespmem:s5+$0x1A10] =	vst v7  }
0x5c: {  	v7 =	vld.idx.msk [tilespmem:v9+s3+$0x0], $0xffff;
	_ =	sdelay $0x4  }
0x5d: {  	v8 =	vor.u32 v1, v8  }
0x5e: {  	v9 =	vshll.u32 v7, $0x1  }
.Ltmp1:
0x5f: {  	s1 =	sadd.s32 $0x1A, s1;
	vm0 =	vlt.s32 v7, $0x7E000;
	v7 =	vadd.s32 $0xFFF04001, v9;
	(pc) =	sbr.rel @p0 .LBB2_4-.Ltmp1, $4  }
0x60: {  	s5 =	sand.u32 $0xFFE, s1;
	v7 =	vsel vm0, v9, v7  }
0x61: {  	[tilespmem:s5+$0x1A00] =	vst v7  }
0x62: {  	v7 =	vld.idx.msk [tilespmem:v8+s3+$0x0], $0xffff  }
0x63: {  	v8 =	vmov s2;
	s2 =	sadd.s32 $0x1, s2  }
0x64: {  	v8 =	vand.u32 $0x7F, v8  }
0x65: {  	v8 =	vbroadcast v8, $0x0;
	_ =	sdelay $0x1  }
0x66: {  	v9 =	vor.u32 v0, v8  }
0x67: {  	v10 =	vshll.u32 v7, $0x1  }
0x68: {  	vm0 =	vlt.s32 v7, $0x7E000;
	v7 =	vadd.s32 $0xFFF04001, v10  }
0x69: {  	v7 =	vsel vm0, v10, v7  }
0x6a: {  	[tilespmem:s5+$0x1A10] =	vst v7  }
0x6b: {  	v7 =	vld.idx.msk [tilespmem:v9+s3+$0x0], $0xffff;
	_ =	sdelay $0x3  }
0x6c: {  	v8 =	vor.u32 v1, v8  }
0x6d: {  	v9 =	vshll.u32 v7, $0x1  }
0x6e: {  	s1 =	sadd.s32 $0x1A, s1;
	vm13 =	vlt.s32 v7, $0x7E000;
	v7 =	vadd.s32 $0xFFF04001, v9  }
0x6f: {  	s2 =	sand.u32 $0xFFE, s1;
	v7 =	vsel vm13, v9, v7  }
0x70: {  	[tilespmem:s2+$0x1A00] =	vst v7  }
0x71: {  	v7 =	vld.idx.msk [tilespmem:v8+s3+$0x0], $0xffff;
	_ =	sdelay $0x2  }
0x72: {  	s1 =	simm.s32 $0x0  }
0x73: {  	v8 =	vmov s1  }
0x74: {  	v8 =	vand.u32 $0x7F, v8;
	v9 =	vshll.u32 v7, $0x1  }
0x75: {  	v8 =	vbroadcast v8, $0x0;
	vm14 =	vlt.s32 v7, $0x7E000;
	v7 =	vadd.s32 $0xFFF04001, v9  }
0x76: {  	v7 =	vsel vm14, v9, v7  }
0x77: {  	[tilespmem:s2+$0x1A10] =	vst v7;
	v7 =	vor.u32 v0, v8  }
0x78: {  	[tilespmem:s1], [sflag:$0x4] =	stream.strided.gather [hbm4b:s7+s19], $0xD00, s20, s19, $0x38;
	[tilespmem:$0x19448] =	vst v63  }
0x79: {  	_ =	swait.ge [sflag:s18], $0xD00  }
0x7a: {  	[sflag:s18] =	ssyncset.done $0x0  }
0x7b: {  	[sflag:s18] =	ssyncadd.s32 $0xFFFFF300  }
0x7c: {  	v7 =	vld.idx.msk [tilespmem:v7+s3+$0x0], $0xffff;
	_ =	sdelay $0x3  }
0x7d: {  	v8 =	vor.u32 v1, v8  }
0x7e: {  	v9 =	vshll.u32 v7, $0x1  }
0x7f: {  	vm15 =	vlt.s32 v7, $0x7E000;
	v7 =	vadd.s32 $0xFFF04001, v9  }
0x80: {  	s5 =	sand.u32 $0xFFE, s1;
	v7 =	vsel vm15, v9, v7  }
0x81: {  	s31 =	simm.s32 $0x1;
	[tilespmem:s5+$0x2700] =	vst v7  }
0x82: {  	s2 =	simm.s32 $0x2;
	v7 =	vld.idx.msk [tilespmem:v8+s3+$0x0], $0xffff;
	v8 =	vmov s31  }
.LBB2_6:
0x83: {  	p0 =	sne.s32 s2, $0x7F;
	v8 =	vand.u32 $0x7F, v8  }
0x84: {  	v8 =	vbroadcast v8, $0x0;
	_ =	sdelay $0x1  }
0x85: {  	v9 =	vor.u32 v0, v8  }
0x86: {  	v10 =	vshll.u32 v7, $0x1  }
0x87: {  	vm0 =	vlt.s32 v7, $0x7E000;
	v7 =	vadd.s32 $0xFFF04001, v10  }
0x88: {  	v7 =	vsel vm0, v10, v7  }
0x89: {  	[tilespmem:s5+$0x2710] =	vst v7  }
0x8a: {  	v7 =	vld.idx.msk [tilespmem:v9+s3+$0x0], $0xffff;
	_ =	sdelay $0x4  }
0x8b: {  	v8 =	vor.u32 v1, v8  }
0x8c: {  	v9 =	vshll.u32 v7, $0x1  }
.Ltmp2:
0x8d: {  	s1 =	sadd.s32 $0x1A, s1;
	vm0 =	vlt.s32 v7, $0x7E000;
	v7 =	vadd.s32 $0xFFF04001, v9;
	(pc) =	sbr.rel @p0 .LBB2_6-.Ltmp2, $4  }
0x8e: {  	s5 =	sand.u32 $0xFFE, s1;
	v7 =	vsel vm0, v9, v7  }
0x8f: {  	[tilespmem:s5+$0x2700] =	vst v7  }
0x90: {  	v7 =	vld.idx.msk [tilespmem:v8+s3+$0x0], $0xffff  }
0x91: {  	v8 =	vmov s2;
	s2 =	sadd.s32 $0x1, s2  }
0x92: {  	v8 =	vand.u32 $0x7F, v8  }
0x93: {  	v8 =	vbroadcast v8, $0x0;
	_ =	sdelay $0x1  }
0x94: {  	v9 =	vor.u32 v0, v8  }
0x95: {  	v10 =	vshll.u32 v7, $0x1  }
0x96: {  	vm0 =	vlt.s32 v7, $0x7E000;
	v7 =	vadd.s32 $0xFFF04001, v10  }
0x97: {  	v7 =	vsel vm0, v10, v7  }
0x98: {  	[tilespmem:s5+$0x2710] =	vst v7  }
0x99: {  	v7 =	vld.idx.msk [tilespmem:v9+s3+$0x0], $0xffff;
	_ =	sdelay $0x3  }
0x9a: {  	v8 =	vor.u32 v1, v8  }
0x9b: {  	v9 =	vshll.u32 v7, $0x1  }
0x9c: {  	s1 =	sadd.s32 $0x1A, s1;
	vm13 =	vlt.s32 v7, $0x7E000;
	v7 =	vadd.s32 $0xFFF04001, v9  }
0x9d: {  	s2 =	sand.u32 $0xFFE, s1;
	v7 =	vsel vm13, v9, v7  }
0x9e: {  	[tilespmem:s2+$0x2700] =	vst v7  }
0x9f: {  	v7 =	vld.idx.msk [tilespmem:v8+s3+$0x0], $0xffff;
	_ =	sdelay $0x2  }
0xa0: {  	s1 =	simm.s32 $0x0  }
0xa1: {  	v8 =	vmov s1  }
0xa2: {  	v8 =	vand.u32 $0x7F, v8;
	v9 =	vshll.u32 v7, $0x1  }
0xa3: {  	v8 =	vbroadcast v8, $0x0;
	vm14 =	vlt.s32 v7, $0x7E000;
	v7 =	vadd.s32 $0xFFF04001, v9  }
0xa4: {  	v7 =	vsel vm14, v9, v7  }
0xa5: {  	[tilespmem:s2+$0x2710] =	vst v7;
	v7 =	vor.u32 v0, v8  }
0xa6: {  	[tilespmem:s1], [sflag:$0x4] =	stream.strided.gather [hbm4b:s8+s19], $0xD00, s20, s19, $0x38;
	[tilespmem:$0x19448] =	vst v63  }
0xa7: {  	_ =	swait.ge [sflag:s18], $0xD00  }
0xa8: {  	[sflag:s18] =	ssyncset.done $0x0  }
0xa9: {  	[sflag:s18] =	ssyncadd.s32 $0xFFFFF300  }
0xaa: {  	v7 =	vld.idx.msk [tilespmem:v7+s3+$0x0], $0xffff;
	_ =	sdelay $0x3  }
0xab: {  	v8 =	vor.u32 v1, v8  }
0xac: {  	v9 =	vshll.u32 v7, $0x1  }
0xad: {  	vm15 =	vlt.s32 v7, $0x7E000;
	v7 =	vadd.s32 $0xFFF04001, v9  }
0xae: {  	s5 =	sand.u32 $0xFFE, s1;
	v7 =	vsel vm15, v9, v7  }
0xaf: {  	s31 =	simm.s32 $0x1;
	[tilespmem:s5+$0x3400] =	vst v7  }
0xb0: {  	s2 =	simm.s32 $0x2;
	v7 =	vld.idx.msk [tilespmem:v8+s3+$0x0], $0xffff;
	v8 =	vmov s31  }
.LBB2_8:
0xb1: {  	p0 =	sne.s32 s2, $0x7F;
	v8 =	vand.u32 $0x7F, v8  }
0xb2: {  	v8 =	vbroadcast v8, $0x0;
	_ =	sdelay $0x1  }
0xb3: {  	v9 =	vor.u32 v0, v8  }
0xb4: {  	v10 =	vshll.u32 v7, $0x1  }
0xb5: {  	vm0 =	vlt.s32 v7, $0x7E000;
	v7 =	vadd.s32 $0xFFF04001, v10  }
0xb6: {  	v7 =	vsel vm0, v10, v7  }
0xb7: {  	[tilespmem:s5+$0x3410] =	vst v7  }
0xb8: {  	v7 =	vld.idx.msk [tilespmem:v9+s3+$0x0], $0xffff;
	_ =	sdelay $0x4  }
0xb9: {  	v8 =	vor.u32 v1, v8  }
0xba: {  	v9 =	vshll.u32 v7, $0x1  }
.Ltmp3:
0xbb: {  	s1 =	sadd.s32 $0x1A, s1;
	vm0 =	vlt.s32 v7, $0x7E000;
	v7 =	vadd.s32 $0xFFF04001, v9;
	(pc) =	sbr.rel @p0 .LBB2_8-.Ltmp3, $4  }
0xbc: {  	s5 =	sand.u32 $0xFFE, s1;
	v7 =	vsel vm0, v9, v7  }
0xbd: {  	[tilespmem:s5+$0x3400] =	vst v7  }
0xbe: {  	v7 =	vld.idx.msk [tilespmem:v8+s3+$0x0], $0xffff  }
0xbf: {  	v8 =	vmov s2;
	s2 =	sadd.s32 $0x1, s2  }
0xc0: {  	v8 =	vand.u32 $0x7F, v8  }
0xc1: {  	v8 =	vbroadcast v8, $0x0;
	_ =	sdelay $0x1  }
0xc2: {  	v9 =	vor.u32 v0, v8  }
0xc3: {  	v10 =	vshll.u32 v7, $0x1  }
0xc4: {  	vm0 =	vlt.s32 v7, $0x7E000;
	v7 =	vadd.s32 $0xFFF04001, v10  }
0xc5: {  	v7 =	vsel vm0, v10, v7  }
0xc6: {  	[tilespmem:s5+$0x3410] =	vst v7  }
0xc7: {  	v7 =	vld.idx.msk [tilespmem:v9+s3+$0x0], $0xffff;
	_ =	sdelay $0x3  }
0xc8: {  	v8 =	vor.u32 v1, v8  }
0xc9: {  	v9 =	vshll.u32 v7, $0x1  }
0xca: {  	s1 =	sadd.s32 $0x1A, s1;
	vm12 =	vlt.s32 v7, $0x7E000;
	v7 =	vadd.s32 $0xFFF04001, v9  }
0xcb: {  	s2 =	sand.u32 $0xFFE, s1;
	v7 =	vsel vm12, v9, v7  }
0xcc: {  	[tilespmem:s2+$0x3400] =	vst v7  }
0xcd: {  	v7 =	vld.idx.msk [tilespmem:v8+s3+$0x0], $0xffff;
	_ =	sdelay $0x4  }
0xce: {  	v8 =	vshll.u32 v7, $0x1  }
0xcf: {  	vm13 =	vlt.s32 v7, $0x7E000;
	v7 =	vadd.s32 $0xFFF04001, v8  }
0xd0: {  	s1 =	simm.s32 $0x0;
	v7 =	vsel vm13, v8, v7  }
0xd1: {  	[tilespmem:s2+$0x3410] =	vst v7;
	s2 =	simm.s32 $0xD00;
	v7 =	vmov s1  }
0xd2: {  	[hbm4b:s9+s1] =	stream.linear.scatter [tilespmem:s2], [sflag:$0x3], $0x3408, $0x38;
	v7 =	vand.u32 $0x7F, v7;
	[tilespmem:$0x19448] =	vst v63  }
0xd3: {  	_ =	swait.ge [sflag:s21], $0x3408;
	v7 =	vbroadcast v7, $0x0  }
0xd4: {  	[sflag:s21] =	ssyncset.done $0x0  }
0xd5: {  	[sflag:s21] =	ssyncadd.s32 $0xFFFFCBF8;
	v8 =	vor.u32 v0, v7  }
0xd6: {  	[tilespmem:s1], [sflag:$0x4] =	stream.strided.gather [hbm4b:s10+s19], $0xD00, s20, s19, $0x38;
	[tilespmem:$0x19448] =	vst v63  }
0xd7: {  	_ =	swait.ge [sflag:s18], $0xD00  }
0xd8: {  	[sflag:s18] =	ssyncset.done $0x0  }
0xd9: {  	[sflag:s18] =	ssyncadd.s32 $0xFFFFF300  }
0xda: {  	v8 =	vld.idx.msk [tilespmem:v8+s3+$0x0], $0xffff;
	_ =	sdelay $0x3  }
0xdb: {  	v7 =	vor.u32 v1, v7  }
0xdc: {  	v9 =	vshll.u32 v8, $0x1  }
0xdd: {  	vm14 =	vlt.s32 v8, $0x7E000;
	v8 =	vadd.s32 $0xFFF04001, v9  }
0xde: {  	v8 =	vsel vm14, v9, v8  }
0xdf: {  	[tilespmem:s2+$0x0] =	vst v8  }
0xe0: {  	s31 =	simm.s32 $0x1;
	v8 =	vld.idx.msk [tilespmem:v7+s3+$0x0], $0xffff  }
0xe1: {  	v7 =	vmov s31  }
0xe2: {  	v7 =	vand.u32 $0x7F, v7  }
0xe3: {  	v7 =	vbroadcast v7, $0x0;
	_ =	sdelay $0x1  }
0xe4: {  	v9 =	vshll.u32 v8, $0x1;
	vm15 =	vlt.s32 v8, $0x7E000;
	v8 =	vor.u32 v0, v7  }
0xe5: {  	v10 =	vadd.s32 $0xFFF04001, v9  }
0xe6: {  	s17 =	sand.u32 $0xFFE, s1;
	s5 =	simm.s32 $0x2;
	v9 =	vsel vm15, v9, v10  }
.LBB2_10:
0xe7: {  	s1 =	sadd.s32 $0x1A, s1  }
0xe8: {  	[tilespmem:s17+$0xD10] =	vst v9;
	s2 =	sadd.s32 $0x1A, s2;
	s17 =	smov.u32 s5;
	s24 =	sadd.s32 $0x1, s5  }
0xe9: {  	p0 =	sne.s32 s5, $0x7F;
	v8 =	vld.idx.msk [tilespmem:v8+s3+$0x0], $0xffff;
	_ =	sdelay $0x4  }
0xea: {  	v7 =	vor.u32 v1, v7  }
0xeb: {  	v9 =	vshll.u32 v8, $0x1  }
0xec: {  	vm0 =	vlt.s32 v8, $0x7E000;
	v8 =	vadd.s32 $0xFFF04001, v9  }
0xed: {  	v8 =	vsel vm0, v9, v8  }
0xee: {  	[tilespmem:s2+$0x0] =	vst v8  }
0xef: {  	v9 =	vld.idx.msk [tilespmem:v7+s3+$0x0], $0xffff  }
0xf0: {  	v7 =	vmov s17  }
0xf1: {  	v7 =	vand.u32 $0x7F, v7  }
0xf2: {  	v7 =	vbroadcast v7, $0x0  }
.Ltmp4:
0xf3: {  	(pc) =	sbr.rel @p0 .LBB2_10-.Ltmp4, $4  }
0xf4: {  	v8 =	vor.u32 v0, v7  }
0xf5: {  	v10 =	vshll.u32 v9, $0x1  }
0xf6: {  	vm0 =	vlt.s32 v9, $0x7E000;
	v9 =	vadd.s32 $0xFFF04001, v10  }
0xf7: {  	s5 =	smov.u32 s24;
	s17 =	sand.u32 $0xFFE, s1;
	v9 =	vsel vm0, v10, v9  }
0xf8: {  	_ =	sdelay $0x2  }
0xf9: {  	[tilespmem:s17+$0xD10] =	vst v9  }
0xfa: {  	v8 =	vld.idx.msk [tilespmem:v8+s3+$0x0], $0xffff;
	_ =	sdelay $0x3  }
0xfb: {  	v7 =	vor.u32 v1, v7  }
0xfc: {  	v9 =	vshll.u32 v8, $0x1  }
0xfd: {  	vm0 =	vlt.s32 v8, $0x7E000;
	v8 =	vadd.s32 $0xFFF04001, v9  }
0xfe: {  	s2 =	sadd.s32 $0x1A, s2;
	v8 =	vsel vm0, v9, v8  }
0xff: {  	[tilespmem:s2+$0x0] =	vst v8  }
0x100: {  	v7 =	vld.idx.msk [tilespmem:v7+s3+$0x0], $0xffff;
	_ =	sdelay $0x2  }
0x101: {  	s2 =	simm.s32 $0x0  }
0x102: {  	v8 =	vmov s2  }
0x103: {  	v8 =	vand.u32 $0x7F, v8;
	v9 =	vshll.u32 v7, $0x1  }
0x104: {  	s1 =	sadd.s32 $0x1A, s1;
	v8 =	vbroadcast v8, $0x0;
	vm14 =	vlt.s32 v7, $0x7E000;
	v7 =	vadd.s32 $0xFFF04001, v9  }
0x105: {  	s1 =	sand.u32 $0xFFE, s1;
	v7 =	vsel vm14, v9, v7  }
0x106: {  	[tilespmem:s1+$0xD10] =	vst v7;
	v7 =	vor.u32 v0, v8  }
0x107: {  	[tilespmem:s2], [sflag:$0x4] =	stream.strided.gather [hbm4b:s11+s19], $0xD00, s20, s19, $0x38;
	[tilespmem:$0x19448] =	vst v63  }
0x108: {  	_ =	swait.ge [sflag:s18], $0xD00  }
0x109: {  	[sflag:s18] =	ssyncset.done $0x0  }
0x10a: {  	[sflag:s18] =	ssyncadd.s32 $0xFFFFF300  }
0x10b: {  	v7 =	vld.idx.msk [tilespmem:v7+s3+$0x0], $0xffff;
	_ =	sdelay $0x3  }
0x10c: {  	v8 =	vor.u32 v1, v8  }
0x10d: {  	v9 =	vshll.u32 v7, $0x1  }
0x10e: {  	vm15 =	vlt.s32 v7, $0x7E000;
	v7 =	vadd.s32 $0xFFF04001, v9  }
0x10f: {  	s5 =	sand.u32 $0xFFE, s2;
	v7 =	vsel vm15, v9, v7  }
0x110: {  	s31 =	simm.s32 $0x1;
	[tilespmem:s5+$0x1A00] =	vst v7  }
0x111: {  	s1 =	simm.s32 $0x2;
	v7 =	vld.idx.msk [tilespmem:v8+s3+$0x0], $0xffff;
	v8 =	vmov s31  }
.LBB2_12:
0x112: {  	p0 =	sne.s32 s1, $0x7F;
	v8 =	vand.u32 $0x7F, v8  }
0x113: {  	v8 =	vbroadcast v8, $0x0;
	_ =	sdelay $0x1  }
0x114: {  	v9 =	vor.u32 v0, v8  }
0x115: {  	v10 =	vshll.u32 v7, $0x1  }
0x116: {  	vm0 =	vlt.s32 v7, $0x7E000;
	v7 =	vadd.s32 $0xFFF04001, v10  }
0x117: {  	v7 =	vsel vm0, v10, v7  }
0x118: {  	[tilespmem:s5+$0x1A10] =	vst v7  }
0x119: {  	v7 =	vld.idx.msk [tilespmem:v9+s3+$0x0], $0xffff;
	_ =	sdelay $0x4  }
0x11a: {  	v8 =	vor.u32 v1, v8  }
0x11b: {  	v9 =	vshll.u32 v7, $0x1  }
.Ltmp5:
0x11c: {  	s2 =	sadd.s32 $0x1A, s2;
	vm0 =	vlt.s32 v7, $0x7E000;
	v7 =	vadd.s32 $0xFFF04001, v9;
	(pc) =	sbr.rel @p0 .LBB2_12-.Ltmp5, $4  }
0x11d: {  	s5 =	sand.u32 $0xFFE, s2;
	v7 =	vsel vm0, v9, v7  }
0x11e: {  	[tilespmem:s5+$0x1A00] =	vst v7  }
0x11f: {  	v7 =	vld.idx.msk [tilespmem:v8+s3+$0x0], $0xffff  }
0x120: {  	v8 =	vmov s1;
	s1 =	sadd.s32 $0x1, s1  }
0x121: {  	v8 =	vand.u32 $0x7F, v8  }
0x122: {  	v8 =	vbroadcast v8, $0x0;
	_ =	sdelay $0x1  }
0x123: {  	v9 =	vor.u32 v0, v8  }
0x124: {  	v10 =	vshll.u32 v7, $0x1  }
0x125: {  	vm0 =	vlt.s32 v7, $0x7E000;
	v7 =	vadd.s32 $0xFFF04001, v10  }
0x126: {  	v7 =	vsel vm0, v10, v7  }
0x127: {  	[tilespmem:s5+$0x1A10] =	vst v7  }
0x128: {  	v7 =	vld.idx.msk [tilespmem:v9+s3+$0x0], $0xffff;
	_ =	sdelay $0x3  }
0x129: {  	v8 =	vor.u32 v1, v8  }
0x12a: {  	v9 =	vshll.u32 v7, $0x1  }
0x12b: {  	s1 =	sadd.s32 $0x1A, s2;
	vm13 =	vlt.s32 v7, $0x7E000;
	v7 =	vadd.s32 $0xFFF04001, v9  }
0x12c: {  	s2 =	sand.u32 $0xFFE, s1;
	v7 =	vsel vm13, v9, v7  }
0x12d: {  	[tilespmem:s2+$0x1A00] =	vst v7  }
0x12e: {  	v7 =	vld.idx.msk [tilespmem:v8+s3+$0x0], $0xffff;
	_ =	sdelay $0x2  }
0x12f: {  	s1 =	simm.s32 $0x0  }
0x130: {  	v8 =	vmov s1  }
0x131: {  	v8 =	vand.u32 $0x7F, v8;
	v9 =	vshll.u32 v7, $0x1  }
0x132: {  	v8 =	vbroadcast v8, $0x0;
	vm14 =	vlt.s32 v7, $0x7E000;
	v7 =	vadd.s32 $0xFFF04001, v9  }
0x133: {  	v7 =	vsel vm14, v9, v7  }
0x134: {  	[tilespmem:s2+$0x1A10] =	vst v7;
	v7 =	vor.u32 v0, v8  }
0x135: {  	[tilespmem:s1], [sflag:$0x4] =	stream.strided.gather [hbm4b:s12+s19], $0xD00, s20, s19, $0x38;
	[tilespmem:$0x19448] =	vst v63  }
0x136: {  	_ =	swait.ge [sflag:s18], $0xD00  }
0x137: {  	[sflag:s18] =	ssyncset.done $0x0  }
0x138: {  	[sflag:s18] =	ssyncadd.s32 $0xFFFFF300  }
0x139: {  	v7 =	vld.idx.msk [tilespmem:v7+s3+$0x0], $0xffff;
	_ =	sdelay $0x3  }
0x13a: {  	v8 =	vor.u32 v1, v8  }
0x13b: {  	v9 =	vshll.u32 v7, $0x1  }
0x13c: {  	vm15 =	vlt.s32 v7, $0x7E000;
	v7 =	vadd.s32 $0xFFF04001, v9  }
0x13d: {  	s5 =	sand.u32 $0xFFE, s1;
	v7 =	vsel vm15, v9, v7  }
0x13e: {  	s31 =	simm.s32 $0x1;
	[tilespmem:s5+$0x2700] =	vst v7  }
0x13f: {  	s2 =	simm.s32 $0x2;
	v7 =	vld.idx.msk [tilespmem:v8+s3+$0x0], $0xffff;
	v8 =	vmov s31  }
.LBB2_14:
0x140: {  	p0 =	sne.s32 s2, $0x7F;
	v8 =	vand.u32 $0x7F, v8  }
0x141: {  	v8 =	vbroadcast v8, $0x0;
	_ =	sdelay $0x1  }
0x142: {  	v9 =	vor.u32 v0, v8  }
0x143: {  	v10 =	vshll.u32 v7, $0x1  }
0x144: {  	vm0 =	vlt.s32 v7, $0x7E000;
	v7 =	vadd.s32 $0xFFF04001, v10  }
0x145: {  	v7 =	vsel vm0, v10, v7  }
0x146: {  	[tilespmem:s5+$0x2710] =	vst v7  }
0x147: {  	v7 =	vld.idx.msk [tilespmem:v9+s3+$0x0], $0xffff;
	_ =	sdelay $0x4  }
0x148: {  	v8 =	vor.u32 v1, v8  }
0x149: {  	v9 =	vshll.u32 v7, $0x1  }
.Ltmp6:
0x14a: {  	s1 =	sadd.s32 $0x1A, s1;
	vm0 =	vlt.s32 v7, $0x7E000;
	v7 =	vadd.s32 $0xFFF04001, v9;
	(pc) =	sbr.rel @p0 .LBB2_14-.Ltmp6, $4  }
0x14b: {  	s5 =	sand.u32 $0xFFE, s1;
	v7 =	vsel vm0, v9, v7  }
0x14c: {  	[tilespmem:s5+$0x2700] =	vst v7  }
0x14d: {  	v7 =	vld.idx.msk [tilespmem:v8+s3+$0x0], $0xffff  }
0x14e: {  	v8 =	vmov s2;
	s2 =	sadd.s32 $0x1, s2  }
0x14f: {  	v8 =	vand.u32 $0x7F, v8  }
0x150: {  	v8 =	vbroadcast v8, $0x0;
	_ =	sdelay $0x1  }
0x151: {  	v9 =	vor.u32 v0, v8  }
0x152: {  	v10 =	vshll.u32 v7, $0x1  }
0x153: {  	vm0 =	vlt.s32 v7, $0x7E000;
	v7 =	vadd.s32 $0xFFF04001, v10  }
0x154: {  	v7 =	vsel vm0, v10, v7  }
0x155: {  	[tilespmem:s5+$0x2710] =	vst v7  }
0x156: {  	v7 =	vld.idx.msk [tilespmem:v9+s3+$0x0], $0xffff;
	_ =	sdelay $0x3  }
0x157: {  	v8 =	vor.u32 v1, v8  }
0x158: {  	v9 =	vshll.u32 v7, $0x1  }
0x159: {  	s1 =	sadd.s32 $0x1A, s1;
	vm13 =	vlt.s32 v7, $0x7E000;
	v7 =	vadd.s32 $0xFFF04001, v9  }
0x15a: {  	s2 =	sand.u32 $0xFFE, s1;
	v7 =	vsel vm13, v9, v7  }
0x15b: {  	[tilespmem:s2+$0x2700] =	vst v7  }
0x15c: {  	v7 =	vld.idx.msk [tilespmem:v8+s3+$0x0], $0xffff;
	_ =	sdelay $0x2  }
0x15d: {  	s1 =	simm.s32 $0x0  }
0x15e: {  	v8 =	vmov s1  }
0x15f: {  	v8 =	vand.u32 $0x7F, v8;
	v9 =	vshll.u32 v7, $0x1  }
0x160: {  	v8 =	vbroadcast v8, $0x0;
	vm14 =	vlt.s32 v7, $0x7E000;
	v7 =	vadd.s32 $0xFFF04001, v9  }
0x161: {  	v7 =	vsel vm14, v9, v7  }
0x162: {  	[tilespmem:s2+$0x2710] =	vst v7;
	v7 =	vor.u32 v0, v8  }
0x163: {  	[tilespmem:s1], [sflag:$0x4] =	stream.strided.gather [hbm4b:s13+s19], $0xD00, s20, s19, $0x38;
	[tilespmem:$0x19448] =	vst v63  }
0x164: {  	_ =	swait.ge [sflag:s18], $0xD00  }
0x165: {  	[sflag:s18] =	ssyncset.done $0x0  }
0x166: {  	[sflag:s18] =	ssyncadd.s32 $0xFFFFF300  }
0x167: {  	v7 =	vld.idx.msk [tilespmem:v7+s3+$0x0], $0xffff;
	_ =	sdelay $0x3  }
0x168: {  	v8 =	vor.u32 v1, v8  }
0x169: {  	v9 =	vshll.u32 v7, $0x1  }
0x16a: {  	vm15 =	vlt.s32 v7, $0x7E000;
	v7 =	vadd.s32 $0xFFF04001, v9  }
0x16b: {  	s5 =	sand.u32 $0xFFE, s1;
	v7 =	vsel vm15, v9, v7  }
0x16c: {  	s31 =	simm.s32 $0x1;
	[tilespmem:s5+$0x3400] =	vst v7  }
0x16d: {  	s2 =	simm.s32 $0x2;
	v7 =	vld.idx.msk [tilespmem:v8+s3+$0x0], $0xffff;
	v8 =	vmov s31  }
.LBB2_16:
0x16e: {  	p0 =	sne.s32 s2, $0x7F;
	v8 =	vand.u32 $0x7F, v8  }
0x16f: {  	v8 =	vbroadcast v8, $0x0;
	_ =	sdelay $0x1  }
0x170: {  	v9 =	vor.u32 v0, v8  }
0x171: {  	v10 =	vshll.u32 v7, $0x1  }
0x172: {  	vm0 =	vlt.s32 v7, $0x7E000;
	v7 =	vadd.s32 $0xFFF04001, v10  }
0x173: {  	v7 =	vsel vm0, v10, v7  }
0x174: {  	[tilespmem:s5+$0x3410] =	vst v7  }
0x175: {  	v7 =	vld.idx.msk [tilespmem:v9+s3+$0x0], $0xffff;
	_ =	sdelay $0x4  }
0x176: {  	v8 =	vor.u32 v1, v8  }
0x177: {  	v9 =	vshll.u32 v7, $0x1  }
.Ltmp7:
0x178: {  	s1 =	sadd.s32 $0x1A, s1;
	vm0 =	vlt.s32 v7, $0x7E000;
	v7 =	vadd.s32 $0xFFF04001, v9;
	(pc) =	sbr.rel @p0 .LBB2_16-.Ltmp7, $4  }
0x179: {  	s5 =	sand.u32 $0xFFE, s1;
	v7 =	vsel vm0, v9, v7  }
0x17a: {  	[tilespmem:s5+$0x3400] =	vst v7  }
0x17b: {  	v7 =	vld.idx.msk [tilespmem:v8+s3+$0x0], $0xffff  }
0x17c: {  	v8 =	vmov s2;
	s2 =	sadd.s32 $0x1, s2  }
0x17d: {  	v8 =	vand.u32 $0x7F, v8  }
0x17e: {  	v8 =	vbroadcast v8, $0x0;
	_ =	sdelay $0x1  }
0x17f: {  	v9 =	vor.u32 v0, v8  }
0x180: {  	v10 =	vshll.u32 v7, $0x1  }
0x181: {  	vm0 =	vlt.s32 v7, $0x7E000;
	v7 =	vadd.s32 $0xFFF04001, v10  }
0x182: {  	v7 =	vsel vm0, v10, v7  }
0x183: {  	[tilespmem:s5+$0x3410] =	vst v7  }
0x184: {  	v7 =	vld.idx.msk [tilespmem:v9+s3+$0x0], $0xffff;
	_ =	sdelay $0x3  }
0x185: {  	v8 =	vor.u32 v1, v8  }
0x186: {  	v9 =	vshll.u32 v7, $0x1  }
0x187: {  	s1 =	sadd.s32 $0x1A, s1;
	vm14 =	vlt.s32 v7, $0x7E000;
	v7 =	vadd.s32 $0xFFF04001, v9  }
0x188: {  	s1 =	sand.u32 $0xFFE, s1;
	v7 =	vsel vm14, v9, v7  }
0x189: {  	[tilespmem:s1+$0x3400] =	vst v7  }
0x18a: {  	v7 =	vld.idx.msk [tilespmem:v8+s3+$0x0], $0xffff;
	_ =	sdelay $0x4  }
0x18b: {  	v8 =	vshll.u32 v7, $0x1  }
0x18c: {  	vm15 =	vlt.s32 v7, $0x7E000;
	v7 =	vadd.s32 $0xFFF04001, v8  }
0x18d: {  	s30 =	simm.s32 $0x4108;
	v7 =	vsel vm15, v8, v7  }
0x18e: {  	s2 =	simm.s32 $0x0;
	s31 =	simm.s32 $0x11268;
	s17 =	simm.s32 $0x11678;
	[tilespmem:s1+$0x3410] =	vst v7  }
0x18f: {  	[tilespmem:s30], [sflag:$0x1] =	stream.indirect.gather [hbm4b:s4+s22], $0x40, s23, s22, $0xb8;
	[tilespmem:$0x19448] =	vst v63  }
.LBB2_18:
0x190: {  	s1 =	smul.u32 $0xD00, s2;
	_ =	sdelay $0x1  }
0x191: {  	s24 =	sshra.s32 s1, $0x2  }
0x192: {  	s1 =	sadd.s32 $0xEA0, s24  }
0x193: {  	[tilespmem:s25], [sflag:$0x2] =	stream.indirect.gather [hbm4b:s4+s22], $0x40, s1, s22, $0xb8;
	[tilespmem:$0x19448] =	vst v63  }
0x194: {  	_ =	swait.ge [sflag:s26], $0x6800  }
0x195: {  	s30 =	simm.s32 $0x4448;
	[sflag:s26] =	ssyncset.done $0x0  }
0x196: {  	s5 =	simm.s32 $0x0;
	s1 =	smov.u32 s31;
	[sflag:s26] =	ssyncadd.s32 $0xFFFF9800  }
.LBB2_19:
0x197: {  	v7 =	vld [tilespmem:s30+$0xFFFFFCC0]  }
0x198: {  	v8 =	vld [tilespmem:s30+$0xFFFFFCD0]  }
0x199: {  	v9 =	vld [tilespmem:s30+$0xFFFFFCE0]  }
0x19a: {  	v10 =	vld [tilespmem:s30+$0xFFFFFCF0]  }
0x19b: {  	v11 =	vld [tilespmem:s30+$0xFFFFFD00]  }
0x19c: {  	v12 =	vld [tilespmem:s30+$0xFFFFFD10]  }
0x19d: {  	v13 =	vld [tilespmem:s30+$0xFFFFFD20]  }
0x19e: {  	v15 =	vld [tilespmem:s30+$0xFFFFFD30]  }
0x19f: {  	v18 =	vld [tilespmem:s30+$0xFFFFFD40]  }
0x1a0: {  	v21 =	vld [tilespmem:s30+$0xFFFFFD50];
	v14 =	vadd.f32 $0.0e+00, v7;
	v7 =	vmul.f32 v7, v7;
	v16 =	vadd.f32 $0.0e+00, v8  }
0x1a1: {  	v22 =	vld [tilespmem:s30+$0xFFFFFD60];
	v8 =	vmul.f32 v8, v8;
	v17 =	vadd.f32 $0.0e+00, v9;
	v9 =	vmul.f32 v9, v9  }
0x1a2: {  	v31 =	vld [tilespmem:s30+$0xFFFFFD70];
	v19 =	vadd.f32 $0.0e+00, v10;
	v20 =	vmul.f32 v11, v11;
	v10 =	vmul.f32 v10, v10  }
0x1a3: {  	v33 =	vld [tilespmem:s30+$0xFFFFFD80];
	v29 =	vmul.f32 v12, v12;
	v30 =	vmul.f32 v13, v13  }
0x1a4: {  	v35 =	vld [tilespmem:s30+$0xFFFFFD90];
	v32 =	vmul.f32 v15, v15;
	v34 =	vmul.f32 v18, v18;
	v11 =	vadd.f32 v11, v14  }
0x1a5: {  	v37 =	vld [tilespmem:s30+$0xFFFFFDA0];
	v36 =	vmul.f32 v21, v21;
	v7 =	vadd.f32 v20, v7;
	v12 =	vadd.f32 v12, v16  }
0x1a6: {  	v39 =	vld [tilespmem:s30+$0xFFFFFDB0];
	v38 =	vmul.f32 v22, v22;
	v8 =	vadd.f32 v29, v8;
	v13 =	vadd.f32 v13, v17  }
0x1a7: {  	v41 =	vld [tilespmem:s30+$0xFFFFFDC0];
	v40 =	vmul.f32 v31, v31;
	v9 =	vadd.f32 v30, v9;
	v15 =	vadd.f32 v15, v19  }
0x1a8: {  	v43 =	vld [tilespmem:s30+$0xFFFFFDD0];
	v42 =	vmul.f32 v33, v33;
	v10 =	vadd.f32 v32, v10;
	v11 =	vadd.f32 v18, v11  }
0x1a9: {  	v45 =	vld [tilespmem:s30+$0xFFFFFDE0];
	v44 =	vmul.f32 v35, v35;
	v7 =	vadd.f32 v34, v7;
	v12 =	vadd.f32 v21, v12  }
0x1aa: {  	v47 =	vld [tilespmem:s30+$0xFFFFFDF0];
	v46 =	vmul.f32 v37, v37;
	v8 =	vadd.f32 v36, v8;
	v13 =	vadd.f32 v22, v13  }
0x1ab: {  	v49 =	vld [tilespmem:s30+$0xFFFFFE00];
	v48 =	vmul.f32 v39, v39;
	v9 =	vadd.f32 v38, v9;
	v15 =	vadd.f32 v31, v15  }
0x1ac: {  	v51 =	vld [tilespmem:s30+$0xFFFFFE10];
	v50 =	vmul.f32 v41, v41;
	v10 =	vadd.f32 v40, v10;
	v11 =	vadd.f32 v33, v11  }
0x1ad: {  	v53 =	vld [tilespmem:s30+$0xFFFFFE20];
	v52 =	vmul.f32 v43, v43;
	v7 =	vadd.f32 v42, v7;
	v12 =	vadd.f32 v35, v12  }
0x1ae: {  	v55 =	vld [tilespmem:s30+$0xFFFFFE30];
	v54 =	vmul.f32 v45, v45;
	v8 =	vadd.f32 v44, v8;
	v13 =	vadd.f32 v37, v13  }
0x1af: {  	v57 =	vld [tilespmem:s30+$0xFFFFFE40];
	v56 =	vmul.f32 v47, v47;
	v9 =	vadd.f32 v46, v9;
	v15 =	vadd.f32 v39, v15  }
0x1b0: {  	v59 =	vld [tilespmem:s30+$0xFFFFFE50];
	v58 =	vmul.f32 v49, v49;
	v10 =	vadd.f32 v48, v10;
	v11 =	vadd.f32 v41, v11  }
0x1b1: {  	v61 =	vld [tilespmem:s30+$0xFFFFFE60];
	v60 =	vmul.f32 v51, v51;
	v7 =	vadd.f32 v50, v7;
	v12 =	vadd.f32 v43, v12  }
0x1b2: {  	v63 =	vld [tilespmem:s30+$0xFFFFFE70];
	v62 =	vmul.f32 v53, v53;
	v8 =	vadd.f32 v52, v8;
	v13 =	vadd.f32 v45, v13  }
0x1b3: {  	v25 =	vld [tilespmem:s30+$0xFFFFFE80];
	v24 =	vmul.f32 v55, v55;
	v9 =	vadd.f32 v54, v9;
	v15 =	vadd.f32 v47, v15  }
0x1b4: {  	v27 =	vld [tilespmem:s30+$0xFFFFFE90];
	v26 =	vmul.f32 v57, v57;
	v10 =	vadd.f32 v56, v10;
	v11 =	vadd.f32 v49, v11  }
0x1b5: {  	v28 =	vmul.f32 v59, v59;
	v29 =	vld [tilespmem:s30+$0xFFFFFEA0];
	v7 =	vadd.f32 v58, v7;
	v12 =	vadd.f32 v51, v12  }
0x1b6: {  	v30 =	vmul.f32 v61, v61;
	v31 =	vld [tilespmem:s30+$0xFFFFFEB0];
	v8 =	vadd.f32 v60, v8;
	v13 =	vadd.f32 v53, v13  }
0x1b7: {  	v32 =	vmul.f32 v63, v63;
	v33 =	vld [tilespmem:s30+$0xFFFFFEC0];
	v9 =	vadd.f32 v62, v9;
	v15 =	vadd.f32 v55, v15  }
0x1b8: {  	v34 =	vmul.f32 v25, v25;
	v35 =	vld [tilespmem:s30+$0xFFFFFED0];
	v10 =	vadd.f32 v24, v10;
	v11 =	vadd.f32 v57, v11  }
0x1b9: {  	v36 =	vmul.f32 v27, v27;
	v37 =	vld [tilespmem:s30+$0xFFFFFEE0];
	v7 =	vadd.f32 v26, v7;
	v12 =	vadd.f32 v59, v12  }
0x1ba: {  	v39 =	vld [tilespmem:s30+$0xFFFFFEF0];
	v38 =	vmul.f32 v29, v29;
	v8 =	vadd.f32 v28, v8;
	v13 =	vadd.f32 v61, v13  }
0x1bb: {  	v41 =	vld [tilespmem:s30+$0xFFFFFF00];
	v40 =	vmul.f32 v31, v31;
	v9 =	vadd.f32 v30, v9;
	v15 =	vadd.f32 v63, v15  }
0x1bc: {  	v43 =	vld [tilespmem:s30+$0xFFFFFF10];
	v42 =	vmul.f32 v33, v33;
	v10 =	vadd.f32 v32, v10;
	v11 =	vadd.f32 v25, v11  }
0x1bd: {  	v45 =	vld [tilespmem:s30+$0xFFFFFF20];
	v44 =	vmul.f32 v35, v35;
	v7 =	vadd.f32 v34, v7;
	v12 =	vadd.f32 v27, v12  }
0x1be: {  	v47 =	vld [tilespmem:s30+$0xFFFFFF30];
	v46 =	vmul.f32 v37, v37;
	v8 =	vadd.f32 v36, v8;
	v13 =	vadd.f32 v29, v13  }
0x1bf: {  	v49 =	vld [tilespmem:s30+$0xFFFFFF40];
	v48 =	vmul.f32 v39, v39;
	v9 =	vadd.f32 v38, v9;
	v15 =	vadd.f32 v31, v15  }
0x1c0: {  	v51 =	vld [tilespmem:s30+$0xFFFFFF50];
	v50 =	vmul.f32 v41, v41;
	v10 =	vadd.f32 v40, v10;
	v11 =	vadd.f32 v33, v11  }
0x1c1: {  	v53 =	vld [tilespmem:s30+$0xFFFFFF60];
	v52 =	vmul.f32 v43, v43;
	v7 =	vadd.f32 v42, v7;
	v12 =	vadd.f32 v35, v12  }
0x1c2: {  	v55 =	vld [tilespmem:s30+$0xFFFFFF70];
	v54 =	vmul.f32 v45, v45;
	v8 =	vadd.f32 v44, v8;
	v13 =	vadd.f32 v37, v13  }
0x1c3: {  	v24 =	vld [tilespmem:s30+$0xFFFFFFC0];
	v56 =	vmul.f32 v47, v47;
	v9 =	vadd.f32 v46, v9;
	v15 =	vadd.f32 v39, v15  }
0x1c4: {  	v57 =	vld [tilespmem:s30+$0xFFFFFF80];
	v58 =	vmul.f32 v49, v49;
	v10 =	vadd.f32 v48, v10;
	v11 =	vadd.f32 v41, v11  }
0x1c5: {  	v59 =	vld [tilespmem:s30+$0xFFFFFF90];
	v60 =	vmul.f32 v51, v51;
	v7 =	vadd.f32 v50, v7;
	v12 =	vadd.f32 v43, v12  }
0x1c6: {  	v61 =	vld [tilespmem:s30+$0xFFFFFFA0];
	v62 =	vmul.f32 v53, v53;
	v8 =	vadd.f32 v52, v8;
	v13 =	vadd.f32 v45, v13  }
0x1c7: {  	v63 =	vld [tilespmem:s30+$0xFFFFFFB0];
	v23 =	vmul.f32 v55, v55;
	v9 =	vadd.f32 v54, v9;
	v15 =	vadd.f32 v47, v15  }
0x1c8: {  	v26 =	vld [tilespmem:s30+$0xFFFFFFD0];
	v33 =	vmul.f32 v24, v24;
	v10 =	vadd.f32 v56, v10;
	v11 =	vadd.f32 v49, v11  }
0x1c9: {  	v28 =	vld [tilespmem:s30+$0xFFFFFFE0];
	v25 =	vmul.f32 v57, v57;
	v7 =	vadd.f32 v58, v7;
	v12 =	vadd.f32 v51, v12  }
0x1ca: {  	v30 =	vld [tilespmem:s30+$0xFFFFFFF0];
	v27 =	vmul.f32 v59, v59;
	v8 =	vadd.f32 v60, v8;
	v13 =	vadd.f32 v53, v13  }
0x1cb: {  	v32 =	vld [tilespmem:s30+$0x0];
	v29 =	vmul.f32 v61, v61;
	v9 =	vadd.f32 v62, v9;
	v15 =	vadd.f32 v55, v15  }
0x1cc: {  	v34 =	vld [tilespmem:s30+$0x10];
	v31 =	vmul.f32 v63, v63;
	v10 =	vadd.f32 v23, v10;
	v11 =	vadd.f32 v57, v11  }
0x1cd: {  	v36 =	vld [tilespmem:s30+$0x20];
	v35 =	vmul.f32 v26, v26;
	v7 =	vadd.f32 v25, v7;
	v12 =	vadd.f32 v59, v12  }
0x1ce: {  	v38 =	vld [tilespmem:s30+$0x30];
	v37 =	vmul.f32 v28, v28;
	v8 =	vadd.f32 v27, v8;
	v13 =	vadd.f32 v61, v13  }
0x1cf: {  	v40 =	vld [tilespmem:s30+$0x40];
	v39 =	vmul.f32 v30, v30;
	v9 =	vadd.f32 v29, v9;
	v15 =	vadd.f32 v63, v15  }
0x1d0: {  	v42 =	vld [tilespmem:s30+$0x50];
	v41 =	vmul.f32 v32, v32;
	v10 =	vadd.f32 v31, v10;
	v11 =	vadd.f32 v24, v11  }
0x1d1: {  	v44 =	vld [tilespmem:s30+$0x60];
	v43 =	vmul.f32 v34, v34;
	v7 =	vadd.f32 v33, v7;
	v12 =	vadd.f32 v26, v12  }
0x1d2: {  	v46 =	vld [tilespmem:s30+$0x70];
	v45 =	vmul.f32 v36, v36;
	v8 =	vadd.f32 v35, v8;
	v13 =	vadd.f32 v28, v13  }
0x1d3: {  	v48 =	vld [tilespmem:s30+$0x80];
	v47 =	vmul.f32 v38, v38;
	v9 =	vadd.f32 v37, v9;
	v15 =	vadd.f32 v30, v15  }
0x1d4: {  	v50 =	vld [tilespmem:s30+$0x90];
	v49 =	vmul.f32 v40, v40;
	v10 =	vadd.f32 v39, v10;
	v11 =	vadd.f32 v32, v11  }
0x1d5: {  	v52 =	vld [tilespmem:s30+$0xA0];
	v51 =	vmul.f32 v42, v42;
	v7 =	vadd.f32 v41, v7;
	v12 =	vadd.f32 v34, v12  }
0x1d6: {  	v54 =	vld [tilespmem:s30+$0xB0];
	v53 =	vmul.f32 v44, v44;
	v8 =	vadd.f32 v43, v8;
	v13 =	vadd.f32 v36, v13  }
0x1d7: {  	v56 =	vld [tilespmem:s30+$0xC0];
	v55 =	vmul.f32 v46, v46;
	v9 =	vadd.f32 v45, v9;
	v15 =	vadd.f32 v38, v15  }
0x1d8: {  	v58 =	vld [tilespmem:s30+$0xD0];
	v57 =	vmul.f32 v48, v48;
	v10 =	vadd.f32 v47, v10;
	v11 =	vadd.f32 v40, v11  }
0x1d9: {  	v60 =	vld [tilespmem:s30+$0xE0];
	v59 =	vmul.f32 v50, v50;
	v7 =	vadd.f32 v49, v7;
	v12 =	vadd.f32 v42, v12  }
0x1da: {  	v62 =	vld [tilespmem:s30+$0xF0];
	v61 =	vmul.f32 v52, v52;
	v8 =	vadd.f32 v51, v8;
	v13 =	vadd.f32 v44, v13  }
0x1db: {  	v63 =	vmul.f32 v54, v54;
	v24 =	vld [tilespmem:s30+$0x100];
	v9 =	vadd.f32 v53, v9;
	v15 =	vadd.f32 v46, v15  }
0x1dc: {  	v25 =	vmul.f32 v56, v56;
	v26 =	vld [tilespmem:s30+$0x110];
	v10 =	vadd.f32 v55, v10;
	v11 =	vadd.f32 v48, v11  }
0x1dd: {  	v28 =	vld [tilespmem:s30+$0x120];
	v27 =	vmul.f32 v58, v58;
	v7 =	vadd.f32 v57, v7;
	v12 =	vadd.f32 v50, v12  }
0x1de: {  	v30 =	vld [tilespmem:s30+$0x130];
	v29 =	vmul.f32 v60, v60;
	v8 =	vadd.f32 v59, v8;
	v13 =	vadd.f32 v52, v13  }
0x1df: {  	v31 =	vmul.f32 v62, v62;
	v32 =	vld [tilespmem:s30+$0x140];
	v9 =	vadd.f32 v61, v9;
	v15 =	vadd.f32 v54, v15  }
0x1e0: {  	v34 =	vld [tilespmem:s30+$0x150];
	v33 =	vmul.f32 v24, v24;
	v10 =	vadd.f32 v63, v10;
	v11 =	vadd.f32 v56, v11  }
0x1e1: {  	v36 =	vld [tilespmem:s30+$0x160];
	v35 =	vmul.f32 v26, v26;
	v7 =	vadd.f32 v25, v7;
	v12 =	vadd.f32 v58, v12  }
0x1e2: {  	v38 =	vld [tilespmem:s30+$0x170];
	v37 =	vmul.f32 v28, v28;
	v8 =	vadd.f32 v27, v8;
	v13 =	vadd.f32 v60, v13  }
0x1e3: {  	v40 =	vld [tilespmem:s30+$0x180];
	v39 =	vmul.f32 v30, v30;
	v9 =	vadd.f32 v29, v9;
	v15 =	vadd.f32 v62, v15  }
0x1e4: {  	v42 =	vld [tilespmem:s30+$0x190];
	v41 =	vmul.f32 v32, v32;
	v10 =	vadd.f32 v31, v10;
	v11 =	vadd.f32 v24, v11  }
0x1e5: {  	v44 =	vld [tilespmem:s30+$0x1A0];
	v43 =	vmul.f32 v34, v34;
	v7 =	vadd.f32 v33, v7;
	v12 =	vadd.f32 v26, v12  }
0x1e6: {  	v46 =	vld [tilespmem:s30+$0x1B0];
	v45 =	vmul.f32 v36, v36;
	v8 =	vadd.f32 v35, v8;
	v13 =	vadd.f32 v28, v13  }
0x1e7: {  	v48 =	vld [tilespmem:s30+$0x1C0];
	v47 =	vmul.f32 v38, v38;
	v9 =	vadd.f32 v37, v9;
	v15 =	vadd.f32 v30, v15  }
0x1e8: {  	v50 =	vld [tilespmem:s30+$0x1D0];
	v49 =	vmul.f32 v40, v40;
	v10 =	vadd.f32 v39, v10;
	v11 =	vadd.f32 v32, v11  }
0x1e9: {  	v52 =	vld [tilespmem:s30+$0x1E0];
	v51 =	vmul.f32 v42, v42;
	v7 =	vadd.f32 v41, v7;
	v12 =	vadd.f32 v34, v12  }
0x1ea: {  	v54 =	vld [tilespmem:s30+$0x1F0];
	v53 =	vmul.f32 v44, v44;
	v8 =	vadd.f32 v43, v8;
	v13 =	vadd.f32 v36, v13  }
0x1eb: {  	v56 =	vld [tilespmem:s30+$0x200];
	v55 =	vmul.f32 v46, v46;
	v9 =	vadd.f32 v45, v9;
	v15 =	vadd.f32 v38, v15  }
0x1ec: {  	v58 =	vld [tilespmem:s30+$0x210];
	v57 =	vmul.f32 v48, v48;
	v10 =	vadd.f32 v47, v10;
	v11 =	vadd.f32 v40, v11  }
0x1ed: {  	v60 =	vld [tilespmem:s30+$0x220];
	v59 =	vmul.f32 v50, v50;
	v7 =	vadd.f32 v49, v7;
	v12 =	vadd.f32 v42, v12  }
0x1ee: {  	v62 =	vld [tilespmem:s30+$0x230];
	v61 =	vmul.f32 v52, v52;
	v8 =	vadd.f32 v51, v8;
	v13 =	vadd.f32 v44, v13  }
0x1ef: {  	v24 =	vld [tilespmem:s30+$0x240];
	v63 =	vmul.f32 v54, v54;
	v9 =	vadd.f32 v53, v9;
	v15 =	vadd.f32 v46, v15  }
0x1f0: {  	v26 =	vld [tilespmem:s30+$0x250];
	v25 =	vmul.f32 v56, v56;
	v10 =	vadd.f32 v55, v10;
	v11 =	vadd.f32 v48, v11  }
0x1f1: {  	v28 =	vld [tilespmem:s30+$0x260];
	v27 =	vmul.f32 v58, v58;
	v7 =	vadd.f32 v57, v7;
	v12 =	vadd.f32 v50, v12  }
0x1f2: {  	v30 =	vld [tilespmem:s30+$0x270];
	v29 =	vmul.f32 v60, v60;
	v8 =	vadd.f32 v59, v8;
	v13 =	vadd.f32 v52, v13  }
0x1f3: {  	v39 =	vld [tilespmem:s30+$0x2B0];
	v31 =	vmul.f32 v62, v62;
	v9 =	vadd.f32 v61, v9;
	v15 =	vadd.f32 v54, v15  }
0x1f4: {  	v23 =	vld [tilespmem:s30+$0x300];
	v33 =	vmul.f32 v24, v24;
	v10 =	vadd.f32 v63, v10;
	v11 =	vadd.f32 v56, v11  }
0x1f5: {  	v32 =	vld [tilespmem:s30+$0x280];
	v35 =	vmul.f32 v26, v26;
	v7 =	vadd.f32 v25, v7;
	v12 =	vadd.f32 v58, v12  }
0x1f6: {  	v34 =	vld [tilespmem:s30+$0x290];
	v37 =	vmul.f32 v28, v28;
	v8 =	vadd.f32 v27, v8;
	v13 =	vadd.f32 v60, v13  }
0x1f7: {  	v38 =	vld [tilespmem:s30+$0x2C0];
	v40 =	vmul.f32 v30, v30;
	v9 =	vadd.f32 v29, v9;
	v15 =	vadd.f32 v62, v15  }
0x1f8: {  	v36 =	vld [tilespmem:s30+$0x2A0];
	v14 =	vmul.f32 v39, v39;
	v10 =	vadd.f32 v31, v10;
	v11 =	vadd.f32 v24, v11  }
0x1f9: {  	v45 =	vld [tilespmem:s30+$0x310];
	v48 =	vmul.f32 v23, v23;
	v7 =	vadd.f32 v33, v7;
	v12 =	vadd.f32 v26, v12  }
0x1fa: {  	v42 =	vld [tilespmem:s30+$0x2D0];
	v41 =	vmul.f32 v32, v32;
	v8 =	vadd.f32 v35, v8;
	v11 =	vadd.f32 v32, v11  }
0x1fb: {  	v43 =	vmul.f32 v34, v34;
	v13 =	vadd.f32 v28, v13;
	v9 =	vadd.f32 v37, v9  }
0x1fc: {  	v47 =	vld [tilespmem:s30+$0x2E0];
	v44 =	vmul.f32 v38, v38;
	v7 =	vadd.f32 v41, v7;
	v11 =	vadd.f32 v38, v11  }
0x1fd: {  	v46 =	vmul.f32 v36, v36;
	v15 =	vadd.f32 v30, v15;
	v12 =	vadd.f32 v34, v12  }
0x1fe: {  	v51 =	vld [tilespmem:s30+$0x2F0];
	v52 =	vmul.f32 v45, v45;
	v7 =	vadd.f32 v44, v7;
	v11 =	vadd.f32 v23, v11  }
0x1ff: {  	v49 =	vmul.f32 v42, v42;
	v10 =	vadd.f32 v40, v10;
	v8 =	vadd.f32 v43, v8  }
0x200: {  	v53 =	vld [tilespmem:s30+$0x320];
	v12 =	vadd.f32 v42, v12;
	v7 =	vadd.f32 v48, v7;
	v50 =	vmul.f32 v11, v11  }
0x201: {  	v55 =	vmul.f32 v47, v47;
	v13 =	vadd.f32 v36, v13;
	v8 =	vadd.f32 v49, v8  }
0x202: {  	v57 =	vld [tilespmem:s30+$0x330];
	v12 =	vadd.f32 v45, v12;
	v54 =	vmul.f32 v11, v3;
	v7 =	vsub.f32 v50, v7  }
0x203: {  	v59 =	vmul.f32 v51, v51;
	v9 =	vadd.f32 v46, v9;
	v8 =	vadd.f32 v52, v8  }
0x204: {  	v56 =	vmul.f32 v12, v12;
	v18 =	vadd.f32 $0.0e+00, v54;
	v7 =	vmul.f32 $5.000000000e-01, v7  }
0x205: {  	v19 =	vmul.f32 v53, v53;
	v15 =	vadd.f32 v39, v15;
	v13 =	vadd.f32 v47, v13  }
0x206: {  	v58 =	vmul.f32 v12, v4;
	v8 =	vsub.f32 v56, v8;
	v7 =	vadd.f32 v7, v18  }
0x207: {  	v61 =	vmul.f32 v57, v57;
	v9 =	vadd.f32 v55, v9;
	v13 =	vadd.f32 v53, v13  }
0x208: {  	v10 =	vadd.f32 v14, v10;
	v8 =	vmul.f32 $5.000000000e-01, v8;
	v7 =	vadd.f32 v7, v58  }
0x209: {  	v15 =	vadd.f32 v51, v15;
	v9 =	vadd.f32 v19, v9;
	v60 =	vmul.f32 v13, v13  }
0x20a: {  	v10 =	vadd.f32 v59, v10;
	v7 =	vadd.f32 v7, v8;
	v8 =	vmul.f32 v13, v5  }
0x20b: {  	v14 =	vadd.f32 v57, v15;
	v9 =	vsub.f32 v60, v9  }
0x20c: {  	v10 =	vadd.f32 v61, v10;
	v7 =	vadd.f32 v7, v8;
	v8 =	vmov s5  }
0x20d: {  	v15 =	vmul.f32 v14, v14;
	v9 =	vmul.f32 $5.000000000e-01, v9;
	v8 =	vand.u32 $0xF, v8  }
0x20e: {  	v8 =	vbroadcast v8, $0x0  }
0x20f: {  	v62 =	vmul.f32 v14, v6;
	v10 =	vsub.f32 v15, v10;
	v7 =	vadd.f32 v7, v9  }
0x210: {  	p0 =	sne.s32 s5, $0xF;
	v8 =	vor.u32 v2, v8  }
.Ltmp8:
0x211: {  	[tilespmem:s1+$0xFFFFFFE0] =	vst v11;
	v63 =	vmul.f32 $5.000000000e-01, v10;
	v7 =	vadd.f32 v7, v62;
	(pc) =	sbr.rel @p0 .LBB2_19-.Ltmp8, $4  }
0x212: {  	[tilespmem:s1+$0xFFFFFFF0] =	vst v12  }
0x213: {  	[tilespmem:s1+$0x0] =	vst v13;
	v7 =	vadd.f32 v7, v63  }
0x214: {  	[tilespmem:s1+$0x10] =	vst v14  }
0x215: {  	s30 =	sadd.s32 $0x680, s30;
	s1 =	sadd.s32 $0x40, s1;
	s5 =	sadd.s32 $0x1, s5;
	[tilespmem:v8+s28+$0x0] =	vst.idx.msk $0xffff, v7  }
0x216: {  	v7 =	vld [tilespmem:$0x11148]  }
0x217: {  	v8 =	vld [tilespmem:$0x11158];
	_ =	sdelay $0x1  }
0x218: {  	v9 =	vld [tilespmem:$0x11168];
	_ =	sdelay $0x1  }
0x219: {  	v10 =	vld [tilespmem:$0x11178]  }
0x21a: {  	v7 =	vadd.f32 v8, v7  }
0x21b: {  	v8 =	vld [tilespmem:$0x11188]  }
0x21c: {  	v7 =	vadd.f32 v9, v7  }
0x21d: {  	v56 =	vld [tilespmem:$0x11198]  }
0x21e: {  	v7 =	vadd.f32 v10, v7  }
0x21f: {  	v57 =	vld [tilespmem:$0x111A8]  }
0x220: {  	v7 =	vadd.f32 v8, v7  }
0x221: {  	v8 =	vld [tilespmem:$0x111B8]  }
0x222: {  	v7 =	vadd.f32 v56, v7  }
0x223: {  	v58 =	vld [tilespmem:$0x111C8]  }
0x224: {  	v7 =	vadd.f32 v57, v7  }
0x225: {  	v59 =	vld [tilespmem:$0x111D8]  }
0x226: {  	v7 =	vadd.f32 v8, v7  }
0x227: {  	v8 =	vld [tilespmem:$0x111E8]  }
0x228: {  	v7 =	vadd.f32 v58, v7  }
0x229: {  	v60 =	vld [tilespmem:$0x111F8]  }
0x22a: {  	v7 =	vadd.f32 v59, v7  }
0x22b: {  	v61 =	vld [tilespmem:$0x11208]  }
0x22c: {  	v7 =	vadd.f32 v8, v7  }
0x22d: {  	v8 =	vld [tilespmem:$0x11218]  }
0x22e: {  	v7 =	vadd.f32 v60, v7  }
0x22f: {  	v62 =	vld [tilespmem:$0x11228]  }
0x230: {  	v7 =	vadd.f32 v61, v7  }
0x231: {  	v63 =	vld [tilespmem:$0x11238]  }
0x232: {  	v7 =	vadd.f32 v8, v7;
	_ =	sdelay $0x1  }
0x233: {  	v7 =	vadd.f32 v62, v7;
	_ =	sdelay $0x1  }
0x234: {  	s1 =	sshll.u32 s2, $0x5;
	s30 =	sshllo.u32 s2, $0x1;
	v7 =	vadd.f32 v63, v7  }
0x235: {  	s1 =	sand.u32 $0x3FFFFFE0, s1;
	p0 =	sgt.u32 s30, $0x1E  }
0x236: {  	s5 =	simm.s32 @!p0 $0x1A0;
	[tilespmem:s1+$0x19248] =	vst v7;
	s1 =	sadd.s32 @!p0 $0x1040, s24;
	s24 =	simm.s32 @!p0 $0x4108  }
0x237: {  	[tilespmem:s24], [sflag:$0x1] =	stream.indirect.gather @!p0 [hbm4b:s4+s5], $0x40, s1, s5, $0xb8;
	[tilespmem:$0x19448] =	vst v63  }
0x238: {  	_ =	swait.ge [sflag:s29], $0x6800  }
0x239: {  	s24 =	simm.s32 $0x0;
	[sflag:s29] =	ssyncset.done $0x0  }
0x23a: {  	s1 =	simm.s32 $0xAC48;
	s5 =	smov.u32 s17;
	[sflag:s29] =	ssyncadd.s32 $0xFFFF9800  }
.LBB2_21:
0x23b: {  	v7 =	vld [tilespmem:s1+$0xFFFFFCC0]  }
0x23c: {  	v8 =	vld [tilespmem:s1+$0xFFFFFCD0]  }
0x23d: {  	v9 =	vld [tilespmem:s1+$0xFFFFFCE0]  }
0x23e: {  	v10 =	vld [tilespmem:s1+$0xFFFFFCF0]  }
0x23f: {  	v11 =	vld [tilespmem:s1+$0xFFFFFD00]  }
0x240: {  	v12 =	vld [tilespmem:s1+$0xFFFFFD10]  }
0x241: {  	v13 =	vld [tilespmem:s1+$0xFFFFFD20]  }
0x242: {  	v15 =	vld [tilespmem:s1+$0xFFFFFD30]  }
0x243: {  	v18 =	vld [tilespmem:s1+$0xFFFFFD40]  }
0x244: {  	v21 =	vld [tilespmem:s1+$0xFFFFFD50];
	v14 =	vadd.f32 $0.0e+00, v7;
	v7 =	vmul.f32 v7, v7;
	v16 =	vadd.f32 $0.0e+00, v8  }
0x245: {  	v22 =	vld [tilespmem:s1+$0xFFFFFD60];
	v8 =	vmul.f32 v8, v8;
	v17 =	vadd.f32 $0.0e+00, v9;
	v9 =	vmul.f32 v9, v9  }
0x246: {  	v31 =	vld [tilespmem:s1+$0xFFFFFD70];
	v19 =	vadd.f32 $0.0e+00, v10;
	v20 =	vmul.f32 v11, v11;
	v10 =	vmul.f32 v10, v10  }
0x247: {  	v33 =	vld [tilespmem:s1+$0xFFFFFD80];
	v29 =	vmul.f32 v12, v12;
	v30 =	vmul.f32 v13, v13  }
0x248: {  	v35 =	vld [tilespmem:s1+$0xFFFFFD90];
	v32 =	vmul.f32 v15, v15;
	v34 =	vmul.f32 v18, v18;
	v11 =	vadd.f32 v11, v14  }
0x249: {  	v37 =	vld [tilespmem:s1+$0xFFFFFDA0];
	v36 =	vmul.f32 v21, v21;
	v7 =	vadd.f32 v20, v7;
	v12 =	vadd.f32 v12, v16  }
0x24a: {  	v39 =	vld [tilespmem:s1+$0xFFFFFDB0];
	v38 =	vmul.f32 v22, v22;
	v8 =	vadd.f32 v29, v8;
	v13 =	vadd.f32 v13, v17  }
0x24b: {  	v41 =	vld [tilespmem:s1+$0xFFFFFDC0];
	v40 =	vmul.f32 v31, v31;
	v9 =	vadd.f32 v30, v9;
	v15 =	vadd.f32 v15, v19  }
0x24c: {  	v43 =	vld [tilespmem:s1+$0xFFFFFDD0];
	v42 =	vmul.f32 v33, v33;
	v10 =	vadd.f32 v32, v10;
	v11 =	vadd.f32 v18, v11  }
0x24d: {  	v45 =	vld [tilespmem:s1+$0xFFFFFDE0];
	v44 =	vmul.f32 v35, v35;
	v7 =	vadd.f32 v34, v7;
	v12 =	vadd.f32 v21, v12  }
0x24e: {  	v47 =	vld [tilespmem:s1+$0xFFFFFDF0];
	v46 =	vmul.f32 v37, v37;
	v8 =	vadd.f32 v36, v8;
	v13 =	vadd.f32 v22, v13  }
0x24f: {  	v49 =	vld [tilespmem:s1+$0xFFFFFE00];
	v48 =	vmul.f32 v39, v39;
	v9 =	vadd.f32 v38, v9;
	v15 =	vadd.f32 v31, v15  }
0x250: {  	v51 =	vld [tilespmem:s1+$0xFFFFFE10];
	v50 =	vmul.f32 v41, v41;
	v10 =	vadd.f32 v40, v10;
	v11 =	vadd.f32 v33, v11  }
0x251: {  	v53 =	vld [tilespmem:s1+$0xFFFFFE20];
	v52 =	vmul.f32 v43, v43;
	v7 =	vadd.f32 v42, v7;
	v12 =	vadd.f32 v35, v12  }
0x252: {  	v55 =	vld [tilespmem:s1+$0xFFFFFE30];
	v54 =	vmul.f32 v45, v45;
	v8 =	vadd.f32 v44, v8;
	v13 =	vadd.f32 v37, v13  }
0x253: {  	v57 =	vld [tilespmem:s1+$0xFFFFFE40];
	v56 =	vmul.f32 v47, v47;
	v9 =	vadd.f32 v46, v9;
	v15 =	vadd.f32 v39, v15  }
0x254: {  	v59 =	vld [tilespmem:s1+$0xFFFFFE50];
	v58 =	vmul.f32 v49, v49;
	v10 =	vadd.f32 v48, v10;
	v11 =	vadd.f32 v41, v11  }
0x255: {  	v61 =	vld [tilespmem:s1+$0xFFFFFE60];
	v60 =	vmul.f32 v51, v51;
	v7 =	vadd.f32 v50, v7;
	v12 =	vadd.f32 v43, v12  }
0x256: {  	v63 =	vld [tilespmem:s1+$0xFFFFFE70];
	v62 =	vmul.f32 v53, v53;
	v8 =	vadd.f32 v52, v8;
	v13 =	vadd.f32 v45, v13  }
0x257: {  	v25 =	vld [tilespmem:s1+$0xFFFFFE80];
	v24 =	vmul.f32 v55, v55;
	v9 =	vadd.f32 v54, v9;
	v15 =	vadd.f32 v47, v15  }
0x258: {  	v27 =	vld [tilespmem:s1+$0xFFFFFE90];
	v26 =	vmul.f32 v57, v57;
	v10 =	vadd.f32 v56, v10;
	v11 =	vadd.f32 v49, v11  }
0x259: {  	v28 =	vmul.f32 v59, v59;
	v29 =	vld [tilespmem:s1+$0xFFFFFEA0];
	v7 =	vadd.f32 v58, v7;
	v12 =	vadd.f32 v51, v12  }
0x25a: {  	v30 =	vmul.f32 v61, v61;
	v31 =	vld [tilespmem:s1+$0xFFFFFEB0];
	v8 =	vadd.f32 v60, v8;
	v13 =	vadd.f32 v53, v13  }
0x25b: {  	v32 =	vmul.f32 v63, v63;
	v33 =	vld [tilespmem:s1+$0xFFFFFEC0];
	v9 =	vadd.f32 v62, v9;
	v15 =	vadd.f32 v55, v15  }
0x25c: {  	v34 =	vmul.f32 v25, v25;
	v35 =	vld [tilespmem:s1+$0xFFFFFED0];
	v10 =	vadd.f32 v24, v10;
	v11 =	vadd.f32 v57, v11  }
0x25d: {  	v36 =	vmul.f32 v27, v27;
	v37 =	vld [tilespmem:s1+$0xFFFFFEE0];
	v7 =	vadd.f32 v26, v7;
	v12 =	vadd.f32 v59, v12  }
0x25e: {  	v39 =	vld [tilespmem:s1+$0xFFFFFEF0];
	v38 =	vmul.f32 v29, v29;
	v8 =	vadd.f32 v28, v8;
	v13 =	vadd.f32 v61, v13  }
0x25f: {  	v41 =	vld [tilespmem:s1+$0xFFFFFF00];
	v40 =	vmul.f32 v31, v31;
	v9 =	vadd.f32 v30, v9;
	v15 =	vadd.f32 v63, v15  }
0x260: {  	v43 =	vld [tilespmem:s1+$0xFFFFFF10];
	v42 =	vmul.f32 v33, v33;
	v10 =	vadd.f32 v32, v10;
	v11 =	vadd.f32 v25, v11  }
0x261: {  	v45 =	vld [tilespmem:s1+$0xFFFFFF20];
	v44 =	vmul.f32 v35, v35;
	v7 =	vadd.f32 v34, v7;
	v12 =	vadd.f32 v27, v12  }
0x262: {  	v47 =	vld [tilespmem:s1+$0xFFFFFF30];
	v46 =	vmul.f32 v37, v37;
	v8 =	vadd.f32 v36, v8;
	v13 =	vadd.f32 v29, v13  }
0x263: {  	v49 =	vld [tilespmem:s1+$0xFFFFFF40];
	v48 =	vmul.f32 v39, v39;
	v9 =	vadd.f32 v38, v9;
	v15 =	vadd.f32 v31, v15  }
0x264: {  	v51 =	vld [tilespmem:s1+$0xFFFFFF50];
	v50 =	vmul.f32 v41, v41;
	v10 =	vadd.f32 v40, v10;
	v11 =	vadd.f32 v33, v11  }
0x265: {  	v53 =	vld [tilespmem:s1+$0xFFFFFF60];
	v52 =	vmul.f32 v43, v43;
	v7 =	vadd.f32 v42, v7;
	v12 =	vadd.f32 v35, v12  }
0x266: {  	v55 =	vld [tilespmem:s1+$0xFFFFFF70];
	v54 =	vmul.f32 v45, v45;
	v8 =	vadd.f32 v44, v8;
	v13 =	vadd.f32 v37, v13  }
0x267: {  	v24 =	vld [tilespmem:s1+$0xFFFFFFC0];
	v56 =	vmul.f32 v47, v47;
	v9 =	vadd.f32 v46, v9;
	v15 =	vadd.f32 v39, v15  }
0x268: {  	v57 =	vld [tilespmem:s1+$0xFFFFFF80];
	v58 =	vmul.f32 v49, v49;
	v10 =	vadd.f32 v48, v10;
	v11 =	vadd.f32 v41, v11  }
0x269: {  	v59 =	vld [tilespmem:s1+$0xFFFFFF90];
	v60 =	vmul.f32 v51, v51;
	v7 =	vadd.f32 v50, v7;
	v12 =	vadd.f32 v43, v12  }
0x26a: {  	v61 =	vld [tilespmem:s1+$0xFFFFFFA0];
	v62 =	vmul.f32 v53, v53;
	v8 =	vadd.f32 v52, v8;
	v13 =	vadd.f32 v45, v13  }
0x26b: {  	v63 =	vld [tilespmem:s1+$0xFFFFFFB0];
	v23 =	vmul.f32 v55, v55;
	v9 =	vadd.f32 v54, v9;
	v15 =	vadd.f32 v47, v15  }
0x26c: {  	v26 =	vld [tilespmem:s1+$0xFFFFFFD0];
	v33 =	vmul.f32 v24, v24;
	v10 =	vadd.f32 v56, v10;
	v11 =	vadd.f32 v49, v11  }
0x26d: {  	v28 =	vld [tilespmem:s1+$0xFFFFFFE0];
	v25 =	vmul.f32 v57, v57;
	v7 =	vadd.f32 v58, v7;
	v12 =	vadd.f32 v51, v12  }
0x26e: {  	v30 =	vld [tilespmem:s1+$0xFFFFFFF0];
	v27 =	vmul.f32 v59, v59;
	v8 =	vadd.f32 v60, v8;
	v13 =	vadd.f32 v53, v13  }
0x26f: {  	v32 =	vld [tilespmem:s1+$0x0];
	v29 =	vmul.f32 v61, v61;
	v9 =	vadd.f32 v62, v9;
	v15 =	vadd.f32 v55, v15  }
0x270: {  	v34 =	vld [tilespmem:s1+$0x10];
	v31 =	vmul.f32 v63, v63;
	v10 =	vadd.f32 v23, v10;
	v11 =	vadd.f32 v57, v11  }
0x271: {  	v36 =	vld [tilespmem:s1+$0x20];
	v35 =	vmul.f32 v26, v26;
	v7 =	vadd.f32 v25, v7;
	v12 =	vadd.f32 v59, v12  }
0x272: {  	v38 =	vld [tilespmem:s1+$0x30];
	v37 =	vmul.f32 v28, v28;
	v8 =	vadd.f32 v27, v8;
	v13 =	vadd.f32 v61, v13  }
0x273: {  	v40 =	vld [tilespmem:s1+$0x40];
	v39 =	vmul.f32 v30, v30;
	v9 =	vadd.f32 v29, v9;
	v15 =	vadd.f32 v63, v15  }
0x274: {  	v42 =	vld [tilespmem:s1+$0x50];
	v41 =	vmul.f32 v32, v32;
	v10 =	vadd.f32 v31, v10;
	v11 =	vadd.f32 v24, v11  }
0x275: {  	v44 =	vld [tilespmem:s1+$0x60];
	v43 =	vmul.f32 v34, v34;
	v7 =	vadd.f32 v33, v7;
	v12 =	vadd.f32 v26, v12  }
0x276: {  	v46 =	vld [tilespmem:s1+$0x70];
	v45 =	vmul.f32 v36, v36;
	v8 =	vadd.f32 v35, v8;
	v13 =	vadd.f32 v28, v13  }
0x277: {  	v48 =	vld [tilespmem:s1+$0x80];
	v47 =	vmul.f32 v38, v38;
	v9 =	vadd.f32 v37, v9;
	v15 =	vadd.f32 v30, v15  }
0x278: {  	v50 =	vld [tilespmem:s1+$0x90];
	v49 =	vmul.f32 v40, v40;
	v10 =	vadd.f32 v39, v10;
	v11 =	vadd.f32 v32, v11  }
0x279: {  	v52 =	vld [tilespmem:s1+$0xA0];
	v51 =	vmul.f32 v42, v42;
	v7 =	vadd.f32 v41, v7;
	v12 =	vadd.f32 v34, v12  }
0x27a: {  	v54 =	vld [tilespmem:s1+$0xB0];
	v53 =	vmul.f32 v44, v44;
	v8 =	vadd.f32 v43, v8;
	v13 =	vadd.f32 v36, v13  }
0x27b: {  	v56 =	vld [tilespmem:s1+$0xC0];
	v55 =	vmul.f32 v46, v46;
	v9 =	vadd.f32 v45, v9;
	v15 =	vadd.f32 v38, v15  }
0x27c: {  	v58 =	vld [tilespmem:s1+$0xD0];
	v57 =	vmul.f32 v48, v48;
	v10 =	vadd.f32 v47, v10;
	v11 =	vadd.f32 v40, v11  }
0x27d: {  	v60 =	vld [tilespmem:s1+$0xE0];
	v59 =	vmul.f32 v50, v50;
	v7 =	vadd.f32 v49, v7;
	v12 =	vadd.f32 v42, v12  }
0x27e: {  	v62 =	vld [tilespmem:s1+$0xF0];
	v61 =	vmul.f32 v52, v52;
	v8 =	vadd.f32 v51, v8;
	v13 =	vadd.f32 v44, v13  }
0x27f: {  	v63 =	vmul.f32 v54, v54;
	v24 =	vld [tilespmem:s1+$0x100];
	v9 =	vadd.f32 v53, v9;
	v15 =	vadd.f32 v46, v15  }
0x280: {  	v25 =	vmul.f32 v56, v56;
	v26 =	vld [tilespmem:s1+$0x110];
	v10 =	vadd.f32 v55, v10;
	v11 =	vadd.f32 v48, v11  }
0x281: {  	v28 =	vld [tilespmem:s1+$0x120];
	v27 =	vmul.f32 v58, v58;
	v7 =	vadd.f32 v57, v7;
	v12 =	vadd.f32 v50, v12  }
0x282: {  	v30 =	vld [tilespmem:s1+$0x130];
	v29 =	vmul.f32 v60, v60;
	v8 =	vadd.f32 v59, v8;
	v13 =	vadd.f32 v52, v13  }
0x283: {  	v31 =	vmul.f32 v62, v62;
	v32 =	vld [tilespmem:s1+$0x140];
	v9 =	vadd.f32 v61, v9;
	v15 =	vadd.f32 v54, v15  }
0x284: {  	v34 =	vld [tilespmem:s1+$0x150];
	v33 =	vmul.f32 v24, v24;
	v10 =	vadd.f32 v63, v10;
	v11 =	vadd.f32 v56, v11  }
0x285: {  	v36 =	vld [tilespmem:s1+$0x160];
	v35 =	vmul.f32 v26, v26;
	v7 =	vadd.f32 v25, v7;
	v12 =	vadd.f32 v58, v12  }
0x286: {  	v38 =	vld [tilespmem:s1+$0x170];
	v37 =	vmul.f32 v28, v28;
	v8 =	vadd.f32 v27, v8;
	v13 =	vadd.f32 v60, v13  }
0x287: {  	v40 =	vld [tilespmem:s1+$0x180];
	v39 =	vmul.f32 v30, v30;
	v9 =	vadd.f32 v29, v9;
	v15 =	vadd.f32 v62, v15  }
0x288: {  	v42 =	vld [tilespmem:s1+$0x190];
	v41 =	vmul.f32 v32, v32;
	v10 =	vadd.f32 v31, v10;
	v11 =	vadd.f32 v24, v11  }
0x289: {  	v44 =	vld [tilespmem:s1+$0x1A0];
	v43 =	vmul.f32 v34, v34;
	v7 =	vadd.f32 v33, v7;
	v12 =	vadd.f32 v26, v12  }
0x28a: {  	v46 =	vld [tilespmem:s1+$0x1B0];
	v45 =	vmul.f32 v36, v36;
	v8 =	vadd.f32 v35, v8;
	v13 =	vadd.f32 v28, v13  }
0x28b: {  	v48 =	vld [tilespmem:s1+$0x1C0];
	v47 =	vmul.f32 v38, v38;
	v9 =	vadd.f32 v37, v9;
	v15 =	vadd.f32 v30, v15  }
0x28c: {  	v50 =	vld [tilespmem:s1+$0x1D0];
	v49 =	vmul.f32 v40, v40;
	v10 =	vadd.f32 v39, v10;
	v11 =	vadd.f32 v32, v11  }
0x28d: {  	v52 =	vld [tilespmem:s1+$0x1E0];
	v51 =	vmul.f32 v42, v42;
	v7 =	vadd.f32 v41, v7;
	v12 =	vadd.f32 v34, v12  }
0x28e: {  	v54 =	vld [tilespmem:s1+$0x1F0];
	v53 =	vmul.f32 v44, v44;
	v8 =	vadd.f32 v43, v8;
	v13 =	vadd.f32 v36, v13  }
0x28f: {  	v56 =	vld [tilespmem:s1+$0x200];
	v55 =	vmul.f32 v46, v46;
	v9 =	vadd.f32 v45, v9;
	v15 =	vadd.f32 v38, v15  }
0x290: {  	v58 =	vld [tilespmem:s1+$0x210];
	v57 =	vmul.f32 v48, v48;
	v10 =	vadd.f32 v47, v10;
	v11 =	vadd.f32 v40, v11  }
0x291: {  	v60 =	vld [tilespmem:s1+$0x220];
	v59 =	vmul.f32 v50, v50;
	v7 =	vadd.f32 v49, v7;
	v12 =	vadd.f32 v42, v12  }
0x292: {  	v62 =	vld [tilespmem:s1+$0x230];
	v61 =	vmul.f32 v52, v52;
	v8 =	vadd.f32 v51, v8;
	v13 =	vadd.f32 v44, v13  }
0x293: {  	v24 =	vld [tilespmem:s1+$0x240];
	v63 =	vmul.f32 v54, v54;
	v9 =	vadd.f32 v53, v9;
	v15 =	vadd.f32 v46, v15  }
0x294: {  	v26 =	vld [tilespmem:s1+$0x250];
	v25 =	vmul.f32 v56, v56;
	v10 =	vadd.f32 v55, v10;
	v11 =	vadd.f32 v48, v11  }
0x295: {  	v28 =	vld [tilespmem:s1+$0x260];
	v27 =	vmul.f32 v58, v58;
	v7 =	vadd.f32 v57, v7;
	v12 =	vadd.f32 v50, v12  }
0x296: {  	v30 =	vld [tilespmem:s1+$0x270];
	v29 =	vmul.f32 v60, v60;
	v8 =	vadd.f32 v59, v8;
	v13 =	vadd.f32 v52, v13  }
0x297: {  	v39 =	vld [tilespmem:s1+$0x2B0];
	v31 =	vmul.f32 v62, v62;
	v9 =	vadd.f32 v61, v9;
	v15 =	vadd.f32 v54, v15  }
0x298: {  	v23 =	vld [tilespmem:s1+$0x300];
	v33 =	vmul.f32 v24, v24;
	v10 =	vadd.f32 v63, v10;
	v11 =	vadd.f32 v56, v11  }
0x299: {  	v32 =	vld [tilespmem:s1+$0x280];
	v35 =	vmul.f32 v26, v26;
	v7 =	vadd.f32 v25, v7;
	v12 =	vadd.f32 v58, v12  }
0x29a: {  	v34 =	vld [tilespmem:s1+$0x290];
	v37 =	vmul.f32 v28, v28;
	v8 =	vadd.f32 v27, v8;
	v13 =	vadd.f32 v60, v13  }
0x29b: {  	v38 =	vld [tilespmem:s1+$0x2C0];
	v40 =	vmul.f32 v30, v30;
	v9 =	vadd.f32 v29, v9;
	v15 =	vadd.f32 v62, v15  }
0x29c: {  	v36 =	vld [tilespmem:s1+$0x2A0];
	v14 =	vmul.f32 v39, v39;
	v10 =	vadd.f32 v31, v10;
	v11 =	vadd.f32 v24, v11  }
0x29d: {  	v45 =	vld [tilespmem:s1+$0x310];
	v48 =	vmul.f32 v23, v23;
	v7 =	vadd.f32 v33, v7;
	v12 =	vadd.f32 v26, v12  }
0x29e: {  	v42 =	vld [tilespmem:s1+$0x2D0];
	v41 =	vmul.f32 v32, v32;
	v8 =	vadd.f32 v35, v8;
	v11 =	vadd.f32 v32, v11  }
0x29f: {  	v43 =	vmul.f32 v34, v34;
	v13 =	vadd.f32 v28, v13;
	v9 =	vadd.f32 v37, v9  }
0x2a0: {  	v47 =	vld [tilespmem:s1+$0x2E0];
	v44 =	vmul.f32 v38, v38;
	v7 =	vadd.f32 v41, v7;
	v11 =	vadd.f32 v38, v11  }
0x2a1: {  	v46 =	vmul.f32 v36, v36;
	v15 =	vadd.f32 v30, v15;
	v12 =	vadd.f32 v34, v12  }
0x2a2: {  	v51 =	vld [tilespmem:s1+$0x2F0];
	v52 =	vmul.f32 v45, v45;
	v7 =	vadd.f32 v44, v7;
	v11 =	vadd.f32 v23, v11  }
0x2a3: {  	v49 =	vmul.f32 v42, v42;
	v10 =	vadd.f32 v40, v10;
	v8 =	vadd.f32 v43, v8  }
0x2a4: {  	v53 =	vld [tilespmem:s1+$0x320];
	v12 =	vadd.f32 v42, v12;
	v7 =	vadd.f32 v48, v7;
	v50 =	vmul.f32 v11, v11  }
0x2a5: {  	v55 =	vmul.f32 v47, v47;
	v13 =	vadd.f32 v36, v13;
	v8 =	vadd.f32 v49, v8  }
0x2a6: {  	v57 =	vld [tilespmem:s1+$0x330];
	v12 =	vadd.f32 v45, v12;
	v54 =	vmul.f32 v11, v3;
	v7 =	vsub.f32 v50, v7  }
0x2a7: {  	v59 =	vmul.f32 v51, v51;
	v9 =	vadd.f32 v46, v9;
	v8 =	vadd.f32 v52, v8  }
0x2a8: {  	v56 =	vmul.f32 v12, v12;
	v18 =	vadd.f32 $0.0e+00, v54;
	v7 =	vmul.f32 $5.000000000e-01, v7  }
0x2a9: {  	v19 =	vmul.f32 v53, v53;
	v15 =	vadd.f32 v39, v15;
	v13 =	vadd.f32 v47, v13  }
0x2aa: {  	v58 =	vmul.f32 v12, v4;
	v8 =	vsub.f32 v56, v8;
	v7 =	vadd.f32 v7, v18  }
0x2ab: {  	v61 =	vmul.f32 v57, v57;
	v9 =	vadd.f32 v55, v9;
	v13 =	vadd.f32 v53, v13  }
0x2ac: {  	v10 =	vadd.f32 v14, v10;
	v8 =	vmul.f32 $5.000000000e-01, v8;
	v7 =	vadd.f32 v7, v58  }
0x2ad: {  	v15 =	vadd.f32 v51, v15;
	v9 =	vadd.f32 v19, v9;
	v60 =	vmul.f32 v13, v13  }
0x2ae: {  	v10 =	vadd.f32 v59, v10;
	v7 =	vadd.f32 v7, v8;
	v8 =	vmul.f32 v13, v5  }
0x2af: {  	v14 =	vadd.f32 v57, v15;
	v9 =	vsub.f32 v60, v9  }
0x2b0: {  	v10 =	vadd.f32 v61, v10;
	v7 =	vadd.f32 v7, v8;
	v8 =	vmov s24  }
0x2b1: {  	v15 =	vmul.f32 v14, v14;
	v9 =	vmul.f32 $5.000000000e-01, v9;
	v8 =	vand.u32 $0xF, v8  }
0x2b2: {  	v8 =	vbroadcast v8, $0x0  }
0x2b3: {  	v62 =	vmul.f32 v14, v6;
	v10 =	vsub.f32 v15, v10;
	v7 =	vadd.f32 v7, v9  }
0x2b4: {  	p0 =	sne.s32 s24, $0xF;
	v8 =	vor.u32 v2, v8  }
.Ltmp9:
0x2b5: {  	[tilespmem:s5+$0xFFFFFFD0] =	vst v11;
	v63 =	vmul.f32 $5.000000000e-01, v10;
	v7 =	vadd.f32 v7, v62;
	(pc) =	sbr.rel @p0 .LBB2_21-.Ltmp9, $4  }
0x2b6: {  	[tilespmem:s5+$0xFFFFFFE0] =	vst v12  }
0x2b7: {  	[tilespmem:s5+$0xFFFFFFF0] =	vst v13;
	v7 =	vadd.f32 v7, v63  }
0x2b8: {  	[tilespmem:s5+$0x0] =	vst v14  }
0x2b9: {  	s1 =	sadd.s32 $0x680, s1;
	s5 =	sadd.s32 $0x40, s5;
	s24 =	sadd.s32 $0x1, s24;
	[tilespmem:v8+s28+$0x0] =	vst.idx.msk $0xffff, v7  }
0x2ba: {  	v7 =	vld [tilespmem:$0x11148]  }
0x2bb: {  	v8 =	vld [tilespmem:$0x11158];
	_ =	sdelay $0x1  }
0x2bc: {  	v9 =	vld [tilespmem:$0x11168];
	_ =	sdelay $0x1  }
0x2bd: {  	v10 =	vld [tilespmem:$0x11178]  }
0x2be: {  	v7 =	vadd.f32 v8, v7  }
0x2bf: {  	v8 =	vld [tilespmem:$0x11188]  }
0x2c0: {  	v7 =	vadd.f32 v9, v7  }
0x2c1: {  	v56 =	vld [tilespmem:$0x11198]  }
0x2c2: {  	v7 =	vadd.f32 v10, v7  }
0x2c3: {  	v57 =	vld [tilespmem:$0x111A8]  }
0x2c4: {  	v7 =	vadd.f32 v8, v7  }
0x2c5: {  	v8 =	vld [tilespmem:$0x111B8]  }
0x2c6: {  	v7 =	vadd.f32 v56, v7  }
0x2c7: {  	v58 =	vld [tilespmem:$0x111C8]  }
0x2c8: {  	v7 =	vadd.f32 v57, v7  }
0x2c9: {  	v59 =	vld [tilespmem:$0x111D8]  }
0x2ca: {  	v7 =	vadd.f32 v8, v7  }
0x2cb: {  	v8 =	vld [tilespmem:$0x111E8]  }
0x2cc: {  	v7 =	vadd.f32 v58, v7  }
0x2cd: {  	v60 =	vld [tilespmem:$0x111F8]  }
0x2ce: {  	v7 =	vadd.f32 v59, v7  }
0x2cf: {  	v61 =	vld [tilespmem:$0x11208]  }
0x2d0: {  	v7 =	vadd.f32 v8, v7  }
0x2d1: {  	v8 =	vld [tilespmem:$0x11218]  }
0x2d2: {  	v7 =	vadd.f32 v60, v7  }
0x2d3: {  	v62 =	vld [tilespmem:$0x11228]  }
0x2d4: {  	v7 =	vadd.f32 v61, v7  }
0x2d5: {  	v63 =	vld [tilespmem:$0x11238]  }
0x2d6: {  	s2 =	sadd.s32 $0x1, s2;
	v7 =	vadd.f32 v8, v7  }
0x2d7: {  	p0 =	sne.s32 s2, $0x10  }
.Ltmp10:
0x2d8: {  	v7 =	vadd.f32 v62, v7;
	(pc) =	sbr.rel @p0 .LBB2_18-.Ltmp10, $4  }
0x2d9: {  	_ = 	snop  }
0x2da: {  	s1 =	sshll.u32 s30, $0x4;
	v7 =	vadd.f32 v63, v7  }
0x2db: {  	s1 =	sand.u32 $0x3FFFFFF0, s1  }
0x2dc: {  	s31 =	sadd.s32 $0x800, s31;
	s17 =	sadd.s32 $0x800, s17;
	[tilespmem:s1+$0x19248] =	vst v7  }
0x2dd: {  	s1 =	simm.s32 $0x11248  }
0x2de: {  	[hbm4b:s14+s3] =	stream.linear.scatter [tilespmem:s1], [sflag:$0x3], $0x8000, $0x38;
	[tilespmem:$0x19448] =	vst v63  }
0x2df: {  	s0 =	sadd.s32 $0x1, s0;
	_ =	swait.ge [sflag:s21], $0x8000  }
0x2e0: {  	p0 =	sne.s32 s0, s16;
	[sflag:s21] =	ssyncset.done $0x0  }
.Ltmp11:
0x2e1: {  	s31 =	simm.s32 $0x19248;
	[sflag:s21] =	ssyncadd.s32 $0xFFFF8000;
	(pc) =	sbr.rel @p0 .LBB2_1-.Ltmp11, $4  }
0x2e2: {  	[hbm4b:s15+s3] =	stream.linear.scatter [tilespmem:s31], [sflag:$0x3], $0x200, $0x38;
	[tilespmem:$0x19448] =	vst v63  }
0x2e3: {  	_ =	swait.ge [sflag:s21], $0x200  }
0x2e4: {  	[sflag:s21] =	ssyncset.done $0x0  }
0x2e5: {  	[sflag:s21] =	ssyncadd.s32 $0xFFFFFE00  }
0x2e6: {  	_ =	sfence.sel $0x180000  }
0x2e7: {  	[bflag:$0x0] =	sbarrier.arrive $0xFFFF  }
0x2e8: {  	_ =	strace $0x90000047  }
0x2e9: {  	s0 =	stileid.u32;
	[bflag:$0x2] =	sbarrier.arrive $0xFFFF  }
0x2ea: {  	p0 =	sne.s32 s0, $0x0;
	s0 =	rddreg [dreg:$0x2]  }
0x2eb: {  	s0 =	sadd.s32 @!p0 $0x100000, s0  }
0x2ec: {  	[sflag:s0] =	ssyncadd.tile.s32 @!p0 $0x1;
	_ =	shalt  }
.Lfunc_end2:
_tile_overlayer_lowered:
.L_overlay_start_2:
0x2ed: {  	(tag) =	ssettag $0x2  }
0x2ee: {  	s0 =	rddreg [dreg:$0x0];
	s2 =	stileid.u32  }
0x2ef: {  	s1 =	rddreg [dreg:$0x1];
	p0 =	sne.s32 s2, $0x0  }
0x2f0: {  	s3 =	rddreg [dreg:$0x2];
	[bflag:$0x3] =	sbarrier.arrive $0xFFFF;
	s2 =	simm.s32 @!p0 $0x1C04  }
0x2f1: {  	[timem:s3], [sflag:s2] =	dma.local @!p0 [hbm:s0], s1  }
0x2f2: {  	s0 =	simm.s32 @!p0 $0x4  }
0x2f3: {  	_ =	swait.ge @!p0 [sflag:s0], s1  }
0x2f4: {  	s1 =	ssub.s32 @!p0 $0x0, s1;
	[sflag:s0] =	ssyncset.done @!p0 $0x0  }
0x2f5: {  	[sflag:s0] =	ssyncadd.s32 @!p0 s1  }
0x2f6: {  	[bflag:$0x3] =	sbarrier.arrive $0xFFFF  }
0x2f7: {  	_ =	shalt  }

// kernel: kernel.9.cloned.1.call-start
scs
__scs_entry_jumppad:
0x0: {  	(pc) =	sbr.rel $0x88, $3  }
0x1: {  	(tag) =	ssettag $0x0;
	lr =	simm.s32 $0x1  }
0x2: {  	[smem:$0x3F9C] =	sst lr;
	_ =	strace $0xD0000000  }
0x3: {  	_ = 	snop  }
0x4: {  	_ = 	snop  }
0x5: {  	_ = 	snop  }
0x6: {  	_ = 	snop  }
0x7: {  	_ = 	snop  }
__scs_overlays_trampoline_lowered:
0x8: {  	[smem:$0x3FAB] =	sst s0  }
0x9: {  	[smem:$0x3FAC] =	sst s1  }
0xa: {  	[smem:$0x3FAD] =	sst s2  }
0xb: {  	[smem:$0x3FAE] =	sst s3  }
0xc: {  	[smem:$0x3FAF] =	sst s4  }
0xd: {  	[smem:$0x3FB0] =	sst s5  }
0xe: {  	[smem:$0x3FB1] =	sst s6  }
0xf: {  	[smem:$0x3FB2] =	sst s7  }
0x10: {  	[smem:$0x3FB3] =	sst s8  }
0x11: {  	[smem:$0x3FB4] =	sst s9;
	s0 =	simm.s32 @!p0 $0x0  }
0x12: {  	s1 =	sld [smem:$0x3F9A];
	s0 =	simm.s32 @p0 $0x1  }
0x13: {  	[smem:$0x3FB5] =	sst s0;
	s0 =	simm.s32 @!p1 $0x0  }
0x14: {  	s2 =	sld [smem:$0x3F99];
	s0 =	simm.s32 @p1 $0x1  }
0x15: {  	[smem:$0x3FB6] =	sst s0;
	s0 =	simm.s32 @!p2 $0x0  }
0x16: {  	s3 =	sld [smem:$0x3FDB];
	s0 =	simm.s32 @p2 $0x1  }
0x17: {  	s4 =	simm.s32 $0x1BF5;
	[smem:$0x3FB8] =	sst s0  }
0x18: {  	s0 =	sld [smem:$0x3F9B];
	_ =	swait.ge [sflag:s4], $0x0  }
0x19: {  	s7 =	sld [smem:$0x3F9C]  }
0x1a: {  	s8 =	sadd.s32 $0xFFFFE003, lr  }
0x1b: {  	s9 =	sadd.s32 $0xFFFFFEF7, lr;
	s5 =	simm.s32 $0xFFFFFFFF;
	p2 =	slt.u32 s8, $0xFFFFF086  }
0x1c: {  	p1 =	slt.u32 s9, $0xF7A;
	s5 =	simm.s32 @!p2 $0x0  }
0x1d: {  	s5 =	simm.s32 @p1 $0x1;
	p0 =	seq.s32 s7, s2  }
0x1e: {  	s7 =	smul.u32 @!p0 $0xF7A, s2;
	p2 =	seq.s32 @!p0 s5, $0x0  }
0x1f: {  	s9 =	smul.u32 $0xF7A, s1;
	s8 =	simm.s32 @!p0 $0x1BF5;
	p2 =	por !p2, p0  }
0x20: {  	[sflag:s8] =	ssyncset.s32 @!p0 $0xFFFFF086;
	s6 =	sadd.s32 @!p0 s3, s7;
	s7 =	simm.s32 @!p0 $0x108  }
0x21: {  	s3 =	sadd.s32 s3, s9;
	s6 =	sadd.s32 @!p0 $0x88, s6;
	s7 =	simm.s32 @p2 $0x1082  }
0x22: {  	[simem:s7], [sflag:s8] =	dma.local @!p0 [hbm:s6], $0xF7A  }
0x23: {  	s9 =	sor.u32 $0xD0000000, s2;
	s6 =	simm.s32 $0x108;
	_ =	swait.ge @!p0 [sflag:s8], $0x0  }
0x24: {  	s3 =	sadd.s32 $0x88, s3;
	s6 =	simm.s32 @!p1 $0x1082;
	[sflag:s4] =	ssyncset.s32 $0xFFFFF086  }
0x25: {  	[simem:s6], [sflag:s4] =	dma.local [hbm:s3], $0xF7A  }
0x26: {  	[smem:$0x3F9C] =	sst s1;
	(tag) =	ssettag s2;
	_ =	strace s9  }
0x27: {  	s1 =	sld [smem:$0x3FAC]  }
0x28: {  	s2 =	sld [smem:$0x3FAD]  }
0x29: {  	s4 =	sld [smem:$0x3FAF]  }
0x2a: {  	p0 =	seq.s32 s5, $0x0;
	s5 =	sld [smem:$0x3FB0]  }
0x2b: {  	s6 =	sld [smem:$0x3FB1]  }
0x2c: {  	s7 =	sld [smem:$0x3FB2]  }
0x2d: {  	s3 =	simm.s32 $0x108;
	s8 =	sld [smem:$0x3FB3]  }
0x2e: {  	s3 =	simm.s32 @!p0 $0x1082;
	s9 =	sld [smem:$0x3FB4]  }
0x2f: {  	lr =	sadd.s32 s0, s3;
	s0 =	sld [smem:$0x3FAB]  }
0x30: {  	s3 =	sld [smem:$0x3FAE]  }
0x31: {  	[smem:$0x3FB7] =	sst s10  }
0x32: {  	s10 =	sld [smem:$0x3FB5];
	_ =	sdelay $0x3  }
0x33: {  	p0 =	seq.s32 s10, $0x1;
	s10 =	sld [smem:$0x3FB7];
	_ =	sdelay $0x3  }
0x34: {  	[smem:$0x3FB7] =	sst s10  }
0x35: {  	s10 =	sld [smem:$0x3FB6];
	_ =	sdelay $0x3  }
0x36: {  	p1 =	seq.s32 s10, $0x1;
	s10 =	sld [smem:$0x3FB7];
	_ =	sdelay $0x3  }
0x37: {  	[smem:$0x3FB7] =	sst s10  }
0x38: {  	s10 =	sld [smem:$0x3FB8]  }
0x39: {  	_ = 	snop;
	(pc) =	sbr.ind lr, $3  }
0x3a: {  	_ = 	snop  }
0x3b: {  	_ = 	snop  }
0x3c: {  	p2 =	seq.s32 s10, $0x1;
	s10 =	sld [smem:$0x3FB7]  }
0x3d: {  	_ =	shalt  }
0x3e: {  	_ =	shalt  }
0x3f: {  	_ =	shalt  }
0x40: {  	_ =	shalt  }
0x41: {  	_ =	shalt  }
0x42: {  	_ =	shalt  }
0x43: {  	_ =	shalt  }
0x44: {  	_ =	shalt  }
0x45: {  	_ =	shalt  }
0x46: {  	_ =	shalt  }
0x47: {  	_ =	shalt  }
0x48: {  	_ =	shalt  }
0x49: {  	_ =	shalt  }
0x4a: {  	_ =	shalt  }
0x4b: {  	_ =	shalt  }
0x4c: {  	_ =	shalt  }
0x4d: {  	_ =	shalt  }
0x4e: {  	_ =	shalt  }
0x4f: {  	_ =	shalt  }
0x50: {  	_ =	shalt  }
0x51: {  	_ =	shalt  }
0x52: {  	_ =	shalt  }
0x53: {  	_ =	shalt  }
0x54: {  	_ =	shalt  }
0x55: {  	_ =	shalt  }
0x56: {  	_ =	shalt  }
0x57: {  	_ =	shalt  }
0x58: {  	_ =	shalt  }
0x59: {  	_ =	shalt  }
0x5a: {  	_ =	shalt  }
0x5b: {  	_ =	shalt  }
0x5c: {  	_ =	shalt  }
0x5d: {  	_ =	shalt  }
0x5e: {  	_ =	shalt  }
0x5f: {  	_ =	shalt  }
0x60: {  	_ =	shalt  }
0x61: {  	_ =	shalt  }
0x62: {  	_ =	shalt  }
0x63: {  	_ =	shalt  }
0x64: {  	_ =	shalt  }
0x65: {  	_ =	shalt  }
0x66: {  	_ =	shalt  }
0x67: {  	_ =	shalt  }
0x68: {  	_ =	shalt  }
0x69: {  	_ =	shalt  }
0x6a: {  	_ =	shalt  }
0x6b: {  	_ =	shalt  }
0x6c: {  	_ =	shalt  }
0x6d: {  	_ =	shalt  }
0x6e: {  	_ =	shalt  }
0x6f: {  	_ =	shalt  }
0x70: {  	_ =	shalt  }
0x71: {  	_ =	shalt  }
0x72: {  	_ =	shalt  }
0x73: {  	_ =	shalt  }
0x74: {  	_ =	shalt  }
0x75: {  	_ =	shalt  }
0x76: {  	_ =	shalt  }
0x77: {  	_ =	shalt  }
0x78: {  	_ =	shalt  }
0x79: {  	_ =	shalt  }
0x7a: {  	_ =	shalt  }
0x7b: {  	_ =	shalt  }
0x7c: {  	_ =	shalt  }
0x7d: {  	_ =	shalt  }
0x7e: {  	_ =	shalt  }
0x7f: {  	_ =	shalt  }
0x80: {  	_ =	shalt  }
0x81: {  	_ =	shalt  }
0x82: {  	_ =	shalt  }
0x83: {  	_ =	shalt  }
0x84: {  	_ =	shalt  }
0x85: {  	_ =	shalt  }
0x86: {  	_ =	shalt  }
0x87: {  	_ =	shalt  }
.Lfunc_end0:
.L_simem_size_0:
called_computation.1_lowered:
.L_overlay_start_0:
0x88: {  	s2 =	sld [smem:$0x3FD9]  }
0x89: {  	s3 =	sld [smem:$0x3FFE];
	_ =	sdelay $0x1  }
0x8a: {  	s1 =	srdreg.scid  }
0x8b: {  	s0 =	sand.u32 $0x1, s1  }
0x8c: {  	s17 =	sshll.u32 s0, $0xA;
	s2 =	sadd.s32 s3, s2  }
0x8d: {  	s2 =	sadd.s32 s2, s17  }
0x8e: {  	[smem:$0x3FC3] =	sst s2  }
0x8f: {  	_ = 	snop  }
0x90: {  	s2 =	sld [smem:$0x3FD0];
	(tm) =	ssettm $0x1  }
0x91: {  	s18 =	sld [smem:$0x3FFB];
	_ =	sdelay $0x3  }
0x92: {  	_ =	strace s18  }
0x93: {  	s3 =	sld [smem:$0x3FFC];
	_ =	sdelay $0x3  }
0x94: {  	_ =	strace s3  }
0x95: {  	s3 =	sld [smem:$0x3FFD];
	_ =	sdelay $0x3  }
0x96: {  	_ =	strace s3  }
0x97: {  	_ =	strace $0x8FFFFFFF  }
0x98: {  	s19 =	sld [smem:$0x3FDB];
	_ =	sdelay $0x1  }
0x99: {  	s4 =	simm.s32 $_scs_section_size  }
0x9a: {  	s5 =	simm.s32 $_size__tile_overlayer_lowered;
	s6 =	simm.s32 $_tile_overlayer_lowered  }
0x9b: {  	s22 =	simm.s32 $0x1BFF;
	s21 =	sshll.u32 s6, $0x1;
	s3 =	sadd.s32 s4, s19  }
0x9c: {  	s7 =	simm.s32 $0x0;
	s20 =	sshll.u32 s5, $0x1;
	s5 =	sadd.s32 s21, s3  }
0x9d: {  	[timem:s7], [sflag:s22] =	dma.local [hbm:s5], s20  }
0x9e: {  	_ =	swait.ge [sflag:s22], s20  }
0x9f: {  	s4 =	ssub.s32 $0x0, s20;
	[sflag:s22] =	ssyncset.done $0x0  }
0xa0: {  	[sflag:s22] =	ssyncadd.s32 s4;
	_ =	sdelay $0x1  }
0xa1: {  	s23 =	simm.s32 $0x1B8B  }
0xa2: {  	_ =	swait.ge [sflag:s23], $0x1  }
0xa3: {  	[sflag:s23] =	ssyncset.done $0x0  }
0xa4: {  	s25 =	simm.s32 $0x1B8E;
	s24 =	sld [smem:$0x3FFE];
	[sflag:s23] =	ssyncadd.s32 $0xFFFFFFFF  }
0xa5: {  	s26 =	simm.s32 $execute0_lowered;
	[smem:$0x3FD2] =	sst s25  }
0xa6: {  	s5 =	sshll.u32 s26, $0x1;
	_ =	strace $0x80000049;
	[dreg:$0x1] =	wrdreg $0xFFFFFFFF  }
0xa7: {  	s28 =	simm.s32 $_size_execute0_lowered;
	s3 =	sadd.s32 s3, s5;
	[dreg:$0x0] =	wrdreg $0x0  }
0xa8: {  	s5 =	sshll.u32 s28, $0x1;
	[dreg:$0x2] =	wrdreg s3  }
0xa9: {  	[dreg:$0x3] =	wrdreg s5  }
0xaa: {  	[dreg:$0x4] =	wrdreg $0xC0  }
0xab: {  	_ =	task [dreg:s7], $0x5FFFF  }
0xac: {  	[dreg:$0x1] =	wrdreg $0xFFFFFFFF  }
0xad: {  	[dreg:$0x0] =	wrdreg $0x60  }
0xae: {  	[dreg:$0x2] =	wrdreg s24  }
0xaf: {  	[dreg:$0x3] =	wrdreg s2  }
0xb0: {  	[dreg:$0x4] =	wrdreg $0x9  }
0xb1: {  	_ =	task.clear_ibuf [dreg:s7], $0x5FFFF;
	_ =	strace $0x90000049  }
0xb2: {  	s29 =	simm.s32 $0x9;
	_ =	strace $0x8000004B  }
0xb3: {  	_ =	swait.ge [sflag:s29], $0x1  }
0xb4: {  	[sflag:s29] =	ssyncadd.s32 $0xFFFFFFFF  }
0xb5: {  	_ =	strace $0x9000004B  }
0xb6: {  	_ =	sfence  }
0xb7: {  	s30 =	sld [smem:$0x0];
	_ =	sdelay $0x2  }
0xb8: {  	s31 =	sshll.u32 s1, $0xD;
	s1 =	sshrl.u32 s1, $0x2  }
0xb9: {  	s3 =	sand.u32 $0x4000, s31;
	s1 =	sadd.s32 s1, s30  }
0xba: {  	s0 =	sor.u32 s3, s0;
	s1 =	sshll.u32 s1, $0x11  }
0xbb: {  	s0 =	sor.u32 s1, s0  }
0xbc: {  	s0 =	sadd.s32 $0x8F2B, s0  }
0xbd: {  	[sflag:s0] =	ssyncadd.remote.s32 $0x1  }
0xbe: {  	_ =	sfence.sel $0xFFFF  }
0xbf: {  	[dreg:$0x0] =	wrdreg $0xFFFFFFFF;
	(pc) =	sbr.abs _section_cstart, $3  }
0xc0: {  	[dreg:$0x1] =	wrdreg $0xFFFFFFFF  }
0xc1: {  	_ =	task.clear_ibuf [dreg:s7], $0x2FFFF;
	_ =	strace $0x9FFFFFFF  }
0xc2: {  	(tm) =	ssettm $0x7FFFFFFF  }
0xc3: {  	_ =	shalt  }
tec
execute0_lowered:
.L_overlay_start_1:
0x0: {  	(tag) =	ssettag $0x1  }
0x1: {  	s4 =	rddreg [dreg:$0x0]  }
0x2: {  	s7 =	rddreg [dreg:$0x1]  }
0x3: {  	s0 =	rddreg [dreg:$0x2];
	s2 =	simm.s32 $0x0;
	s3 =	srdreg.scid  }
0x4: {  	s1 =	stileid.u32;
	s11 =	simm.s32 $0x3408;
	s12 =	simm.s32 $0x10508  }
0x5: {  	s13 =	simm.s32 $0x18508;
	s14 =	simm.s32 $0x9C08;
	s15 =	simm.s32 $0x1  }
0x6: {  	s16 =	simm.s32 $0x10408;
	s17 =	simm.s32 $0x2;
	s18 =	simm.s32 $0x18708  }
0x7: {  	s19 =	simm.s32 $0x3;
	s20 =	simm.s32 $0x0;
	[smem:$0x7FF] =	sst s2  }
0x8: {  	s5 =	sand.u32 $0x1, s3;
	s30 =	sshll.u32 s1, $0x1;
	s3 =	sadd.s32 $0x828800, s4  }
0x9: {  	_ =	strace $0x8000004A;
	s6 =	sor.u32 s5, s30;
	s5 =	ssub.s32 $0x2, s5  }
0xa: {  	s8 =	sshll.u32 s6, $0xC;
	s9 =	smul.u32 $0x681, s6;
	s10 =	sshll.u32 s6, $0x6  }
0xb: {  	s31 =	sshrl.u32 s5, $0x1;
	s8 =	sadd.s32 s8, s4;
	s6 =	sadd.s32 s10, s4  }
0xc: {  	s7 =	sadd.s32 s7, s10;
	s10 =	simm.s32 $0x1A0;
	s4 =	sadd.s32 s9, s4  }
0xd: {  	v0 =	vlaneseq.u32;
	s9 =	ssub.s32 s5, s31;
	s5 =	sadd.s32 $0x7FAE00, s8;
	s6 =	sadd.s32 $0x81AE00, s6  }
0xe: {  	v0 =	vmul.u32 $0x10, v0;
	s4 =	sadd.s32 $0x81B600, s4;
	s8 =	smax.u32 s9, $0x1;
	s9 =	simm.s32 $0x4  }
.LBB2_1:
0xf: {  	[tilespmem:s2], [sflag:$0x4] =	stream.linear.gather [hbm4b:s4+s2], $0x3408, $0x38;
	[tilespmem:$0x18908] =	vst v63  }
0x10: {  	_ =	swait.ge [sflag:s9], $0x3408  }
0x11: {  	[sflag:s9] =	ssyncset.done $0x0  }
0x12: {  	[sflag:s9] =	ssyncadd.s32 $0xFFFFCBF8  }
0x13: {  	[tilespmem:s11], [sflag:$0x1] =	stream.indirect.gather [hbm4b:s3+s10], $0x40, s2, s10, $0xb8;
	[tilespmem:$0x18908] =	vst v63  }
0x14: {  	_ = 	snop  }
0x15: {  	[tilespmem:s12], [sflag:$0x4] =	stream.linear.gather [hbm4b:s5+s2], $0x8000, $0x38;
	[tilespmem:$0x18908] =	vst v63  }
0x16: {  	_ =	swait.ge [sflag:s9], $0x8000  }
0x17: {  	[sflag:s9] =	ssyncset.done $0x0  }
0x18: {  	[sflag:s9] =	ssyncadd.s32 $0xFFFF8000  }
0x19: {  	[tilespmem:s13], [sflag:$0x4] =	stream.linear.gather [hbm4b:s6+s2], $0x200, $0x38;
	[tilespmem:$0x18908] =	vst v63  }
0x1a: {  	_ =	swait.ge [sflag:s9], $0x200  }
0x1b: {  	s21 =	simm.s32 $0x10528;
	[sflag:s9] =	ssyncset.done $0x0  }
0x1c: {  	s22 =	simm.s32 $0x10938;
	s23 =	simm.s32 $0x0;
	[sflag:s9] =	ssyncadd.s32 $0xFFFFFE00  }
.LBB2_2:
0x1d: {  	s24 =	smul.u32 $0xD00, s23;
	_ =	sdelay $0x1  }
0x1e: {  	s24 =	sshra.s32 s24, $0x2  }
0x1f: {  	s25 =	sadd.s32 $0x1A0, s24  }
0x20: {  	[tilespmem:s14], [sflag:$0x2] =	stream.indirect.gather [hbm4b:s3+s10], $0x40, s25, s10, $0xb8;
	[tilespmem:$0x18908] =	vst v63  }
0x21: {  	_ =	swait.ge [sflag:s15], $0x6800  }
0x22: {  	[sflag:s15] =	ssyncset.done $0x0  }
0x23: {  	[sflag:s15] =	ssyncadd.s32 $0xFFFF9800  }
0x24: {  	v1 =	vld [tilespmem:s21+$0xFFFFFFF0]  }
0x25: {  	s25 =	simm.s32 $0x3748;
	v2 =	vld [tilespmem:s21+$0xFFFFFFE0]  }
0x26: {  	v3 =	vld [tilespmem:s25+$0x310]  }
0x27: {  	v4 =	vld [tilespmem:s25+$0x300]  }
0x28: {  	v5 =	vld [tilespmem:s25+$0x2A0]  }
0x29: {  	v6 =	vld [tilespmem:s25+$0x2C0]  }
0x2a: {  	v7 =	vld [tilespmem:s25+$0x260]  }
0x2b: {  	v8 =	vld [tilespmem:s25+$0x280]  }
0x2c: {  	v9 =	vld [tilespmem:s25+$0x220]  }
0x2d: {  	v10 =	vld [tilespmem:s25+$0x240]  }
0x2e: {  	v11 =	vld [tilespmem:s25+$0x1E0]  }
0x2f: {  	v12 =	vld [tilespmem:s25+$0x200]  }
0x30: {  	v13 =	vld [tilespmem:s25+$0x1A0]  }
0x31: {  	v14 =	vld [tilespmem:s25+$0x1C0]  }
0x32: {  	v15 =	vld [tilespmem:s25+$0x160]  }
0x33: {  	v16 =	vld [tilespmem:s25+$0x180]  }
0x34: {  	v17 =	vld [tilespmem:s25+$0x120]  }
0x35: {  	v18 =	vld [tilespmem:s25+$0x140]  }
0x36: {  	v19 =	vld [tilespmem:s25+$0xE0]  }
0x37: {  	v20 =	vld [tilespmem:s25+$0x100]  }
0x38: {  	v21 =	vld [tilespmem:s25+$0xA0]  }
0x39: {  	v22 =	vld [tilespmem:s25+$0xC0]  }
0x3a: {  	v23 =	vld [tilespmem:s25+$0x60]  }
0x3b: {  	v24 =	vld [tilespmem:s25+$0x80]  }
0x3c: {  	v25 =	vld [tilespmem:s25+$0x20]  }
0x3d: {  	v26 =	vld [tilespmem:s25+$0x40]  }
0x3e: {  	v27 =	vld [tilespmem:s25+$0xFFFFFFE0]  }
0x3f: {  	v28 =	vld [tilespmem:s25+$0x0]  }
0x40: {  	v29 =	vld [tilespmem:s25+$0xFFFFFFA0]  }
0x41: {  	v30 =	vld [tilespmem:s25+$0xFFFFFFC0]  }
0x42: {  	v31 =	vld [tilespmem:s25+$0xFFFFFF60]  }
0x43: {  	v32 =	vld [tilespmem:s25+$0xFFFFFF80]  }
0x44: {  	v33 =	vld [tilespmem:s25+$0xFFFFFF20]  }
0x45: {  	v34 =	vld [tilespmem:s25+$0xFFFFFF40]  }
0x46: {  	v35 =	vld [tilespmem:s25+$0xFFFFFEE0]  }
0x47: {  	v36 =	vld [tilespmem:s25+$0xFFFFFF00]  }
0x48: {  	v37 =	vld [tilespmem:s25+$0xFFFFFEA0]  }
0x49: {  	v38 =	vld [tilespmem:s25+$0xFFFFFEC0]  }
0x4a: {  	v39 =	vld [tilespmem:s25+$0xFFFFFE60]  }
0x4b: {  	v40 =	vld [tilespmem:s25+$0xFFFFFE80]  }
0x4c: {  	v41 =	vld [tilespmem:s25+$0xFFFFFE20]  }
0x4d: {  	v42 =	vld [tilespmem:s25+$0xFFFFFE40]  }
0x4e: {  	v43 =	vld [tilespmem:s25+$0xFFFFFDE0]  }
0x4f: {  	v44 =	vld [tilespmem:s25+$0xFFFFFE00]  }
0x50: {  	v45 =	vld [tilespmem:s25+$0xFFFFFDA0]  }
0x51: {  	v46 =	vld [tilespmem:s25+$0xFFFFFDC0]  }
0x52: {  	v47 =	vld [tilespmem:s25+$0xFFFFFD60]  }
0x53: {  	v48 =	vld [tilespmem:s25+$0xFFFFFD80]  }
0x54: {  	v49 =	vld [tilespmem:s25+$0xFFFFFD20]  }
0x55: {  	v50 =	vld [tilespmem:s25+$0xFFFFFD40]  }
0x56: {  	s28 =	simm.s32 $0x0;
	s29 =	simm.s32 $0x1;
	s26 =	smov.u32 s21;
	v51 =	vld [tilespmem:s25+$0xFFFFFCC0]  }
.LBB2_3:
0x57: {  	p0 =	sne.s32 s29, $0xF;
	v52 =	vld [tilespmem:s25+$0xFFFFFD00]  }
0x58: {  	v53 =	vld [tilespmem:s25+$0xFFFFFCD0]  }
0x59: {  	v54 =	vld [tilespmem:s25+$0xFFFFFCE0]  }
0x5a: {  	v55 =	vld [tilespmem:s25+$0xFFFFFD10]  }
0x5b: {  	v51 =	vadd.f32 $0.0e+00, v51;
	v56 =	vld [tilespmem:s25+$0xFFFFFCF0]  }
0x5c: {  	v57 =	vld [tilespmem:s25+$0xFFFFFD50]  }
0x5d: {  	v53 =	vadd.f32 $0.0e+00, v53;
	v51 =	vadd.f32 v52, v51;
	v52 =	vld [tilespmem:s25+$0xFFFFFD30]  }
0x5e: {  	v54 =	vadd.f32 $0.0e+00, v54;
	v58 =	vld [tilespmem:s25+$0xFFFFFD90]  }
0x5f: {  	v53 =	vadd.f32 v55, v53;
	v50 =	vadd.f32 v50, v51;
	v51 =	vld [tilespmem:s25+$0xFFFFFD70]  }
0x60: {  	v55 =	vadd.f32 $0.0e+00, v56;
	v49 =	vadd.f32 v49, v54;
	v54 =	vld [tilespmem:s25+$0xFFFFFDD0]  }
0x61: {  	v53 =	vadd.f32 v57, v53;
	v48 =	vadd.f32 v48, v50;
	v50 =	vld [tilespmem:s25+$0xFFFFFDB0]  }
0x62: {  	v52 =	vadd.f32 v52, v55;
	v47 =	vadd.f32 v47, v49;
	v49 =	vld [tilespmem:s25+$0xFFFFFE10]  }
0x63: {  	v53 =	vadd.f32 v58, v53;
	v46 =	vadd.f32 v46, v48;
	v48 =	vld [tilespmem:s25+$0xFFFFFDF0]  }
0x64: {  	v51 =	vadd.f32 v51, v52;
	v45 =	vadd.f32 v45, v47;
	v47 =	vld [tilespmem:s25+$0xFFFFFE50]  }
0x65: {  	v52 =	vadd.f32 v54, v53;
	v44 =	vadd.f32 v44, v46;
	v46 =	vld [tilespmem:s25+$0xFFFFFE30]  }
0x66: {  	v50 =	vadd.f32 v50, v51;
	v43 =	vadd.f32 v43, v45;
	v45 =	vld [tilespmem:s25+$0xFFFFFE90]  }
0x67: {  	v49 =	vadd.f32 v49, v52;
	v42 =	vadd.f32 v42, v44;
	v44 =	vld [tilespmem:s25+$0xFFFFFE70]  }
0x68: {  	v48 =	vadd.f32 v48, v50;
	v41 =	vadd.f32 v41, v43;
	v43 =	vld [tilespmem:s25+$0xFFFFFED0]  }
0x69: {  	v47 =	vadd.f32 v47, v49;
	v40 =	vadd.f32 v40, v42;
	v42 =	vld [tilespmem:s25+$0xFFFFFEB0]  }
0x6a: {  	v46 =	vadd.f32 v46, v48;
	v39 =	vadd.f32 v39, v41;
	v41 =	vld [tilespmem:s25+$0xFFFFFF10]  }
0x6b: {  	v45 =	vadd.f32 v45, v47;
	v38 =	vadd.f32 v38, v40;
	v40 =	vld [tilespmem:s25+$0xFFFFFEF0]  }
0x6c: {  	v44 =	vadd.f32 v44, v46;
	v37 =	vadd.f32 v37, v39;
	v39 =	vld [tilespmem:s25+$0xFFFFFF50]  }
0x6d: {  	v43 =	vadd.f32 v43, v45;
	v36 =	vadd.f32 v36, v38;
	v38 =	vld [tilespmem:s25+$0xFFFFFF30]  }
0x6e: {  	v42 =	vadd.f32 v42, v44;
	v35 =	vadd.f32 v35, v37;
	v37 =	vld [tilespmem:s25+$0xFFFFFF90]  }
0x6f: {  	v41 =	vadd.f32 v41, v43;
	v34 =	vadd.f32 v34, v36;
	v36 =	vld [tilespmem:s25+$0xFFFFFF70]  }
0x70: {  	v40 =	vadd.f32 v40, v42;
	v33 =	vadd.f32 v33, v35;
	v35 =	vld [tilespmem:s25+$0xFFFFFFD0]  }
0x71: {  	v39 =	vadd.f32 v39, v41;
	v32 =	vadd.f32 v32, v34;
	v34 =	vld [tilespmem:s25+$0xFFFFFFB0]  }
0x72: {  	v38 =	vadd.f32 v38, v40;
	v31 =	vadd.f32 v31, v33;
	v33 =	vld [tilespmem:s25+$0x10]  }
0x73: {  	v37 =	vadd.f32 v37, v39;
	v30 =	vadd.f32 v30, v32;
	v32 =	vld [tilespmem:s25+$0xFFFFFFF0]  }
0x74: {  	v36 =	vadd.f32 v36, v38;
	v29 =	vadd.f32 v29, v31;
	v31 =	vld [tilespmem:s25+$0x50]  }
0x75: {  	v35 =	vadd.f32 v35, v37;
	v28 =	vadd.f32 v28, v30;
	v30 =	vld [tilespmem:s25+$0x30]  }
0x76: {  	v34 =	vadd.f32 v34, v36;
	v27 =	vadd.f32 v27, v29;
	v29 =	vld [tilespmem:s25+$0x90]  }
0x77: {  	v33 =	vadd.f32 v33, v35;
	v26 =	vadd.f32 v26, v28;
	v28 =	vld [tilespmem:s25+$0x70]  }
0x78: {  	v32 =	vadd.f32 v32, v34;
	v25 =	vadd.f32 v25, v27;
	v27 =	vld [tilespmem:s25+$0xD0]  }
0x79: {  	v31 =	vadd.f32 v31, v33;
	v24 =	vadd.f32 v24, v26;
	v26 =	vld [tilespmem:s25+$0xB0]  }
0x7a: {  	v30 =	vadd.f32 v30, v32;
	v23 =	vadd.f32 v23, v25;
	v25 =	vld [tilespmem:s25+$0x110]  }
0x7b: {  	v29 =	vadd.f32 v29, v31;
	v22 =	vadd.f32 v22, v24;
	v24 =	vld [tilespmem:s25+$0xF0]  }
0x7c: {  	v28 =	vadd.f32 v28, v30;
	v21 =	vadd.f32 v21, v23;
	v23 =	vld [tilespmem:s25+$0x150]  }
0x7d: {  	v27 =	vadd.f32 v27, v29;
	v20 =	vadd.f32 v20, v22;
	v22 =	vld [tilespmem:s25+$0x130]  }
0x7e: {  	v26 =	vadd.f32 v26, v28;
	v19 =	vadd.f32 v19, v21;
	v21 =	vld [tilespmem:s25+$0x190]  }
0x7f: {  	v25 =	vadd.f32 v25, v27;
	v18 =	vadd.f32 v18, v20;
	v20 =	vld [tilespmem:s25+$0x170]  }
0x80: {  	v24 =	vadd.f32 v24, v26;
	v17 =	vadd.f32 v17, v19;
	v19 =	vld [tilespmem:s25+$0x1D0]  }
0x81: {  	v23 =	vadd.f32 v23, v25;
	v16 =	vadd.f32 v16, v18;
	v18 =	vld [tilespmem:s25+$0x1B0]  }
0x82: {  	v22 =	vadd.f32 v22, v24;
	v15 =	vadd.f32 v15, v17;
	v17 =	vld [tilespmem:s25+$0x210]  }
0x83: {  	v21 =	vadd.f32 v21, v23;
	v14 =	vadd.f32 v14, v16;
	v16 =	vld [tilespmem:s25+$0x1F0]  }
0x84: {  	v20 =	vadd.f32 v20, v22;
	v13 =	vadd.f32 v13, v15;
	v15 =	vld [tilespmem:s25+$0x250]  }
0x85: {  	v19 =	vadd.f32 v19, v21;
	v12 =	vadd.f32 v12, v14;
	v14 =	vld [tilespmem:s25+$0x230]  }
0x86: {  	v18 =	vadd.f32 v18, v20;
	v11 =	vadd.f32 v11, v13;
	v13 =	vld [tilespmem:s25+$0x290]  }
0x87: {  	v17 =	vadd.f32 v17, v19;
	v10 =	vadd.f32 v10, v12;
	v12 =	vld [tilespmem:s25+$0x270]  }
0x88: {  	v16 =	vadd.f32 v16, v18;
	v9 =	vadd.f32 v9, v11;
	v11 =	vld [tilespmem:s25+$0x2D0]  }
0x89: {  	v15 =	vadd.f32 v15, v17;
	v8 =	vadd.f32 v8, v10;
	v10 =	vld [tilespmem:s25+$0x2B0]  }
0x8a: {  	v14 =	vadd.f32 v14, v16;
	v7 =	vadd.f32 v7, v9;
	v9 =	vld [tilespmem:s25+$0x2E0]  }
0x8b: {  	v13 =	vadd.f32 v13, v15;
	v6 =	vadd.f32 v6, v8;
	v8 =	vld [tilespmem:s25+$0x2F0]  }
0x8c: {  	v12 =	vadd.f32 v12, v14;
	v5 =	vadd.f32 v5, v7;
	v7 =	vld [tilespmem:s25+$0x320]  }
0x8d: {  	v11 =	vadd.f32 v11, v13;
	v4 =	vadd.f32 v4, v6;
	v6 =	vld [tilespmem:s26+$0x0]  }
0x8e: {  	v13 =	vmov s28;
	s28 =	smov.u32 s29;
	v10 =	vadd.f32 v10, v12;
	v12 =	vld [tilespmem:s25+$0x330]  }
0x8f: {  	v5 =	vadd.f32 v9, v5;
	v3 =	vadd.f32 v3, v11;
	v2 =	vmul.f32 v2, v4  }
0x90: {  	v9 =	vand.u32 $0xF, v13;
	v4 =	vadd.f32 v8, v10;
	v8 =	vld [tilespmem:s26+$0x10]  }
0x91: {  	v5 =	vadd.f32 v7, v5;
	v2 =	vadd.f32 $0.0e+00, v2;
	v1 =	vmul.f32 v1, v3  }
0x92: {  	v3 =	vbroadcast v9, $0x0  }
0x93: {  	v4 =	vadd.f32 v12, v4;
	v1 =	vadd.f32 v1, v2;
	v2 =	vmul.f32 v6, v5  }
0x94: {  	v3 =	vor.u32 v0, v3  }
0x95: {  	v1 =	vadd.f32 v2, v1;
	v2 =	vmul.f32 v8, v4;
	_ =	sdelay $0x1  }
0x96: {  	v1 =	vadd.f32 v2, v1;
	_ =	sdelay $0x1  }
0x97: {  	s26 =	sadd.s32 $0x40, s26;
	[tilespmem:v3+s16+$0x0] =	vst.idx.msk $0xffff, v1  }
0x98: {  	v1 =	vld [tilespmem:s26+$0xFFFFFFF0]  }
0x99: {  	s25 =	sadd.s32 $0x680, s25;
	v2 =	vld [tilespmem:s26+$0xFFFFFFE0]  }
0x9a: {  	v3 =	vld [tilespmem:s25+$0x310]  }
0x9b: {  	v4 =	vld [tilespmem:s25+$0x300]  }
0x9c: {  	v5 =	vld [tilespmem:s25+$0x2A0]  }
0x9d: {  	v6 =	vld [tilespmem:s25+$0x2C0]  }
0x9e: {  	v7 =	vld [tilespmem:s25+$0x260]  }
0x9f: {  	v8 =	vld [tilespmem:s25+$0x280]  }
0xa0: {  	v9 =	vld [tilespmem:s25+$0x220]  }
0xa1: {  	v10 =	vld [tilespmem:s25+$0x240]  }
0xa2: {  	v11 =	vld [tilespmem:s25+$0x1E0]  }
0xa3: {  	v12 =	vld [tilespmem:s25+$0x200]  }
0xa4: {  	v13 =	vld [tilespmem:s25+$0x1A0]  }
0xa5: {  	v14 =	vld [tilespmem:s25+$0x1C0]  }
0xa6: {  	v15 =	vld [tilespmem:s25+$0x160]  }
0xa7: {  	v16 =	vld [tilespmem:s25+$0x180]  }
0xa8: {  	v17 =	vld [tilespmem:s25+$0x120]  }
0xa9: {  	v18 =	vld [tilespmem:s25+$0x140]  }
0xaa: {  	v19 =	vld [tilespmem:s25+$0xE0]  }
0xab: {  	v20 =	vld [tilespmem:s25+$0x100]  }
0xac: {  	v21 =	vld [tilespmem:s25+$0xA0]  }
0xad: {  	v22 =	vld [tilespmem:s25+$0xC0]  }
0xae: {  	v23 =	vld [tilespmem:s25+$0x60]  }
0xaf: {  	v24 =	vld [tilespmem:s25+$0x80]  }
0xb0: {  	v25 =	vld [tilespmem:s25+$0x20]  }
0xb1: {  	v26 =	vld [tilespmem:s25+$0x40]  }
0xb2: {  	v27 =	vld [tilespmem:s25+$0xFFFFFFE0]  }
0xb3: {  	v28 =	vld [tilespmem:s25+$0x0]  }
0xb4: {  	v29 =	vld [tilespmem:s25+$0xFFFFFFA0]  }
0xb5: {  	v30 =	vld [tilespmem:s25+$0xFFFFFFC0]  }
0xb6: {  	v31 =	vld [tilespmem:s25+$0xFFFFFF60]  }
0xb7: {  	v32 =	vld [tilespmem:s25+$0xFFFFFF80]  }
0xb8: {  	v33 =	vld [tilespmem:s25+$0xFFFFFF20]  }
0xb9: {  	v34 =	vld [tilespmem:s25+$0xFFFFFF40]  }
0xba: {  	v35 =	vld [tilespmem:s25+$0xFFFFFEE0]  }
0xbb: {  	v36 =	vld [tilespmem:s25+$0xFFFFFF00]  }
0xbc: {  	v37 =	vld [tilespmem:s25+$0xFFFFFEA0]  }
0xbd: {  	v38 =	vld [tilespmem:s25+$0xFFFFFEC0]  }
0xbe: {  	v39 =	vld [tilespmem:s25+$0xFFFFFE60]  }
0xbf: {  	v40 =	vld [tilespmem:s25+$0xFFFFFE80]  }
0xc0: {  	v41 =	vld [tilespmem:s25+$0xFFFFFE20]  }
0xc1: {  	v42 =	vld [tilespmem:s25+$0xFFFFFE40]  }
0xc2: {  	v43 =	vld [tilespmem:s25+$0xFFFFFDE0]  }
0xc3: {  	v44 =	vld [tilespmem:s25+$0xFFFFFE00]  }
0xc4: {  	v45 =	vld [tilespmem:s25+$0xFFFFFDA0]  }
0xc5: {  	v46 =	vld [tilespmem:s25+$0xFFFFFDC0]  }
.Ltmp0:
0xc6: {  	v47 =	vld [tilespmem:s25+$0xFFFFFD60];
	(pc) =	sbr.rel @p0 .LBB2_3-.Ltmp0, $4  }
0xc7: {  	v48 =	vld [tilespmem:s25+$0xFFFFFD80]  }
0xc8: {  	v49 =	vld [tilespmem:s25+$0xFFFFFD20]  }
0xc9: {  	v50 =	vld [tilespmem:s25+$0xFFFFFD40]  }
0xca: {  	s29 =	sadd.s32 $0x1, s29;
	v51 =	vld [tilespmem:s25+$0xFFFFFCC0]  }
0xcb: {  	v52 =	vld [tilespmem:s25+$0xFFFFFD00]  }
0xcc: {  	v53 =	vld [tilespmem:s25+$0xFFFFFCD0]  }
0xcd: {  	v54 =	vld [tilespmem:s25+$0xFFFFFCE0]  }
0xce: {  	v55 =	vld [tilespmem:s25+$0xFFFFFD10]  }
0xcf: {  	v56 =	vld [tilespmem:s25+$0xFFFFFCF0];
	v51 =	vadd.f32 $0.0e+00, v51  }
0xd0: {  	v57 =	vld [tilespmem:s25+$0xFFFFFD50]  }
0xd1: {  	v60 =	vld [tilespmem:s25+$0xFFFFFD30];
	v53 =	vadd.f32 $0.0e+00, v53;
	v51 =	vadd.f32 v52, v51  }
0xd2: {  	v58 =	vld [tilespmem:s25+$0xFFFFFD90];
	v54 =	vadd.f32 $0.0e+00, v54  }
0xd3: {  	v61 =	vld [tilespmem:s25+$0xFFFFFD70];
	v53 =	vadd.f32 v55, v53;
	v50 =	vadd.f32 v50, v51  }
0xd4: {  	v63 =	vld [tilespmem:s25+$0xFFFFFDD0];
	v62 =	vadd.f32 $0.0e+00, v56;
	v49 =	vadd.f32 v49, v54  }
0xd5: {  	v56 =	vld [tilespmem:s25+$0xFFFFFDB0];
	v53 =	vadd.f32 v57, v53;
	v48 =	vadd.f32 v48, v50  }
0xd6: {  	v52 =	vadd.f32 v60, v62;
	v47 =	vadd.f32 v47, v49;
	v57 =	vld [tilespmem:s25+$0xFFFFFE10]  }
0xd7: {  	v53 =	vadd.f32 v58, v53;
	v58 =	vld [tilespmem:s25+$0xFFFFFDF0];
	v46 =	vadd.f32 v46, v48  }
0xd8: {  	v59 =	vld [tilespmem:s25+$0xFFFFFE50];
	v51 =	vadd.f32 v61, v52;
	v45 =	vadd.f32 v45, v47  }
0xd9: {  	v61 =	vld [tilespmem:s25+$0xFFFFFE30];
	v60 =	vadd.f32 v63, v53;
	v44 =	vadd.f32 v44, v46  }
0xda: {  	v62 =	vld [tilespmem:s25+$0xFFFFFE90];
	v50 =	vadd.f32 v56, v51;
	v43 =	vadd.f32 v43, v45  }
0xdb: {  	v63 =	vld [tilespmem:s25+$0xFFFFFE70];
	v49 =	vadd.f32 v57, v60;
	v42 =	vadd.f32 v42, v44  }
0xdc: {  	v52 =	vld [tilespmem:s25+$0xFFFFFED0];
	v41 =	vadd.f32 v41, v43;
	v48 =	vadd.f32 v58, v50  }
0xdd: {  	v53 =	vld [tilespmem:s25+$0xFFFFFEB0];
	v47 =	vadd.f32 v59, v49;
	v40 =	vadd.f32 v40, v42  }
0xde: {  	v54 =	vld [tilespmem:s25+$0xFFFFFF10];
	v39 =	vadd.f32 v39, v41;
	v46 =	vadd.f32 v61, v48  }
0xdf: {  	v55 =	vld [tilespmem:s25+$0xFFFFFEF0];
	v45 =	vadd.f32 v62, v47;
	v38 =	vadd.f32 v38, v40  }
0xe0: {  	v56 =	vld [tilespmem:s25+$0xFFFFFF50];
	v37 =	vadd.f32 v37, v39;
	v44 =	vadd.f32 v63, v46  }
0xe1: {  	v57 =	vld [tilespmem:s25+$0xFFFFFF30];
	v43 =	vadd.f32 v52, v45;
	v36 =	vadd.f32 v36, v38  }
0xe2: {  	v58 =	vld [tilespmem:s25+$0xFFFFFF90];
	v35 =	vadd.f32 v35, v37;
	v42 =	vadd.f32 v53, v44  }
0xe3: {  	v59 =	vld [tilespmem:s25+$0xFFFFFF70];
	v41 =	vadd.f32 v54, v43;
	v34 =	vadd.f32 v34, v36  }
0xe4: {  	v60 =	vld [tilespmem:s25+$0xFFFFFFD0];
	v33 =	vadd.f32 v33, v35;
	v40 =	vadd.f32 v55, v42  }
0xe5: {  	v61 =	vld [tilespmem:s25+$0xFFFFFFB0];
	v39 =	vadd.f32 v56, v41;
	v32 =	vadd.f32 v32, v34  }
0xe6: {  	v62 =	vld [tilespmem:s25+$0x10];
	v31 =	vadd.f32 v31, v33;
	v38 =	vadd.f32 v57, v40  }
0xe7: {  	v63 =	vld [tilespmem:s25+$0xFFFFFFF0];
	v37 =	vadd.f32 v58, v39;
	v30 =	vadd.f32 v30, v32  }
0xe8: {  	v29 =	vadd.f32 v29, v31;
	v31 =	vld [tilespmem:s25+$0x50];
	v36 =	vadd.f32 v59, v38  }
0xe9: {  	v35 =	vadd.f32 v60, v37;
	v28 =	vadd.f32 v28, v30;
	v30 =	vld [tilespmem:s25+$0x30]  }
0xea: {  	v27 =	vadd.f32 v27, v29;
	v29 =	vld [tilespmem:s25+$0x90];
	v34 =	vadd.f32 v61, v36  }
0xeb: {  	v33 =	vadd.f32 v62, v35;
	v26 =	vadd.f32 v26, v28;
	v28 =	vld [tilespmem:s25+$0x70]  }
0xec: {  	v25 =	vadd.f32 v25, v27;
	v27 =	vld [tilespmem:s25+$0xD0];
	v32 =	vadd.f32 v63, v34  }
0xed: {  	v31 =	vadd.f32 v31, v33;
	v24 =	vadd.f32 v24, v26;
	v26 =	vld [tilespmem:s25+$0xB0]  }
0xee: {  	v23 =	vadd.f32 v23, v25;
	v25 =	vld [tilespmem:s25+$0x110];
	v30 =	vadd.f32 v30, v32  }
0xef: {  	v29 =	vadd.f32 v29, v31;
	v22 =	vadd.f32 v22, v24;
	v24 =	vld [tilespmem:s25+$0xF0]  }
0xf0: {  	v21 =	vadd.f32 v21, v23;
	v23 =	vld [tilespmem:s25+$0x150];
	v28 =	vadd.f32 v28, v30  }
0xf1: {  	v27 =	vadd.f32 v27, v29;
	v20 =	vadd.f32 v20, v22;
	v22 =	vld [tilespmem:s25+$0x130]  }
0xf2: {  	v19 =	vadd.f32 v19, v21;
	v21 =	vld [tilespmem:s25+$0x190];
	v26 =	vadd.f32 v26, v28  }
0xf3: {  	v25 =	vadd.f32 v25, v27;
	v18 =	vadd.f32 v18, v20;
	v20 =	vld [tilespmem:s25+$0x170]  }
0xf4: {  	v17 =	vadd.f32 v17, v19;
	v19 =	vld [tilespmem:s25+$0x1D0];
	v24 =	vadd.f32 v24, v26  }
0xf5: {  	v23 =	vadd.f32 v23, v25;
	v16 =	vadd.f32 v16, v18;
	v18 =	vld [tilespmem:s25+$0x1B0]  }
0xf6: {  	v15 =	vadd.f32 v15, v17;
	v17 =	vld [tilespmem:s25+$0x210];
	v22 =	vadd.f32 v22, v24  }
0xf7: {  	v21 =	vadd.f32 v21, v23;
	v14 =	vadd.f32 v14, v16;
	v16 =	vld [tilespmem:s25+$0x1F0]  }
0xf8: {  	v13 =	vadd.f32 v13, v15;
	v15 =	vld [tilespmem:s25+$0x250];
	v20 =	vadd.f32 v20, v22  }
0xf9: {  	v19 =	vadd.f32 v19, v21;
	v12 =	vadd.f32 v12, v14;
	v14 =	vld [tilespmem:s25+$0x230]  }
0xfa: {  	v11 =	vadd.f32 v11, v13;
	v13 =	vld [tilespmem:s25+$0x290];
	v18 =	vadd.f32 v18, v20  }
0xfb: {  	v17 =	vadd.f32 v17, v19;
	v10 =	vadd.f32 v10, v12;
	v12 =	vld [tilespmem:s25+$0x270]  }
0xfc: {  	v9 =	vadd.f32 v9, v11;
	v11 =	vld [tilespmem:s25+$0x2D0];
	v16 =	vadd.f32 v16, v18  }
0xfd: {  	v15 =	vadd.f32 v15, v17;
	v8 =	vadd.f32 v8, v10;
	v10 =	vld [tilespmem:s25+$0x2B0]  }
0xfe: {  	v7 =	vadd.f32 v7, v9;
	v9 =	vld [tilespmem:s25+$0x2E0];
	v14 =	vadd.f32 v14, v16  }
0xff: {  	v13 =	vadd.f32 v13, v15;
	v6 =	vadd.f32 v6, v8;
	v8 =	vld [tilespmem:s25+$0x2F0]  }
0x100: {  	v5 =	vadd.f32 v5, v7;
	v7 =	vld [tilespmem:s25+$0x320];
	v12 =	vadd.f32 v12, v14  }
0x101: {  	v11 =	vadd.f32 v11, v13;
	v4 =	vadd.f32 v4, v6;
	v6 =	vld [tilespmem:s26+$0x0]  }
0x102: {  	v13 =	vmov s28;
	v10 =	vadd.f32 v10, v12;
	v12 =	vld [tilespmem:s25+$0x330]  }
0x103: {  	v5 =	vadd.f32 v9, v5;
	v3 =	vadd.f32 v3, v11;
	v2 =	vmul.f32 v2, v4  }
0x104: {  	v9 =	vand.u32 $0xF, v13;
	v4 =	vadd.f32 v8, v10;
	v8 =	vld [tilespmem:s26+$0x10]  }
0x105: {  	v5 =	vadd.f32 v7, v5;
	v1 =	vmul.f32 v1, v3;
	v2 =	vadd.f32 $0.0e+00, v2  }
0x106: {  	v3 =	vbroadcast v9, $0x0  }
0x107: {  	v4 =	vadd.f32 v12, v4;
	v1 =	vadd.f32 v1, v2;
	v2 =	vmul.f32 v6, v5  }
0x108: {  	v3 =	vor.u32 v0, v3  }
0x109: {  	v1 =	vadd.f32 v2, v1;
	v2 =	vmul.f32 v8, v4;
	_ =	sdelay $0x1  }
0x10a: {  	v1 =	vadd.f32 v2, v1;
	_ =	sdelay $0x1  }
0x10b: {  	[tilespmem:v3+s16+$0x0] =	vst.idx.msk $0xffff, v1  }
0x10c: {  	v1 =	vld [tilespmem:$0x10408]  }
0x10d: {  	v2 =	vld [tilespmem:$0x10418];
	_ =	sdelay $0x1  }
0x10e: {  	v3 =	vld [tilespmem:$0x10428];
	_ =	sdelay $0x1  }
0x10f: {  	v4 =	vld [tilespmem:$0x10438]  }
0x110: {  	v1 =	vadd.f32 v2, v1  }
0x111: {  	v2 =	vld [tilespmem:$0x10448]  }
0x112: {  	v1 =	vadd.f32 v3, v1  }
0x113: {  	v3 =	vld [tilespmem:$0x10458]  }
0x114: {  	v1 =	vadd.f32 v4, v1  }
0x115: {  	v4 =	vld [tilespmem:$0x10468]  }
0x116: {  	v1 =	vadd.f32 v2, v1  }
0x117: {  	v2 =	vld [tilespmem:$0x10478]  }
0x118: {  	v1 =	vadd.f32 v3, v1  }
0x119: {  	v3 =	vld [tilespmem:$0x10488]  }
0x11a: {  	v1 =	vadd.f32 v4, v1  }
0x11b: {  	v4 =	vld [tilespmem:$0x10498]  }
0x11c: {  	v1 =	vadd.f32 v2, v1  }
0x11d: {  	v2 =	vld [tilespmem:$0x104A8]  }
0x11e: {  	v1 =	vadd.f32 v3, v1  }
0x11f: {  	v3 =	vld [tilespmem:$0x104B8]  }
0x120: {  	v1 =	vadd.f32 v4, v1  }
0x121: {  	v4 =	vld [tilespmem:$0x104C8]  }
0x122: {  	v1 =	vadd.f32 v2, v1  }
0x123: {  	v2 =	vld [tilespmem:$0x104D8]  }
0x124: {  	v1 =	vadd.f32 v3, v1  }
0x125: {  	v3 =	vld [tilespmem:$0x104E8]  }
0x126: {  	v1 =	vadd.f32 v4, v1  }
0x127: {  	v4 =	vld [tilespmem:$0x104F8]  }
0x128: {  	s31 =	sshll.u32 s23, $0x5;
	v1 =	vadd.f32 v2, v1  }
0x129: {  	v2 =	vld [tilespmem:s31+$0x18508]  }
0x12a: {  	v1 =	vadd.f32 v3, v1;
	_ =	sdelay $0x1  }
0x12b: {  	v1 =	vadd.f32 v4, v1;
	_ =	sdelay $0x1  }
0x12c: {  	s25 =	sshllo.u32 s23, $0x1;
	v1 =	vadd.f32 v2, v1  }
0x12d: {  	p0 =	sgt.u32 s25, $0x1E  }
0x12e: {  	s24 =	sadd.s32 @!p0 $0x340, s24;
	s26 =	simm.s32 @!p0 $0x1A0;
	s28 =	simm.s32 @!p0 $0x3408;
	[tilespmem:s31+$0x18708] =	vst v1  }
0x12f: {  	[tilespmem:s28], [sflag:$0x1] =	stream.indirect.gather @!p0 [hbm4b:s3+s26], $0x40, s24, s26, $0xb8;
	[tilespmem:$0x18908] =	vst v63  }
0x130: {  	_ =	swait.ge [sflag:s17], $0x6800  }
0x131: {  	[sflag:s17] =	ssyncset.done $0x0  }
0x132: {  	[sflag:s17] =	ssyncadd.s32 $0xFFFF9800  }
0x133: {  	v1 =	vld [tilespmem:s22+$0xFFFFFFE0]  }
0x134: {  	s24 =	simm.s32 $0x9F48;
	v2 =	vld [tilespmem:s22+$0xFFFFFFD0]  }
0x135: {  	v3 =	vld [tilespmem:s24+$0x310]  }
0x136: {  	v4 =	vld [tilespmem:s24+$0x300]  }
0x137: {  	v5 =	vld [tilespmem:s24+$0x2A0]  }
0x138: {  	v6 =	vld [tilespmem:s24+$0x2C0]  }
0x139: {  	v7 =	vld [tilespmem:s24+$0x260]  }
0x13a: {  	v8 =	vld [tilespmem:s24+$0x280]  }
0x13b: {  	v9 =	vld [tilespmem:s24+$0x220]  }
0x13c: {  	v10 =	vld [tilespmem:s24+$0x240]  }
0x13d: {  	v11 =	vld [tilespmem:s24+$0x1E0]  }
0x13e: {  	v12 =	vld [tilespmem:s24+$0x200]  }
0x13f: {  	v13 =	vld [tilespmem:s24+$0x1A0]  }
0x140: {  	v14 =	vld [tilespmem:s24+$0x1C0]  }
0x141: {  	v15 =	vld [tilespmem:s24+$0x160]  }
0x142: {  	v16 =	vld [tilespmem:s24+$0x180]  }
0x143: {  	v17 =	vld [tilespmem:s24+$0x120]  }
0x144: {  	v18 =	vld [tilespmem:s24+$0x140]  }
0x145: {  	v19 =	vld [tilespmem:s24+$0xE0]  }
0x146: {  	v20 =	vld [tilespmem:s24+$0x100]  }
0x147: {  	v21 =	vld [tilespmem:s24+$0xA0]  }
0x148: {  	v22 =	vld [tilespmem:s24+$0xC0]  }
0x149: {  	v23 =	vld [tilespmem:s24+$0x60]  }
0x14a: {  	v24 =	vld [tilespmem:s24+$0x80]  }
0x14b: {  	v25 =	vld [tilespmem:s24+$0x20]  }
0x14c: {  	v26 =	vld [tilespmem:s24+$0x40]  }
0x14d: {  	v27 =	vld [tilespmem:s24+$0xFFFFFFE0]  }
0x14e: {  	v28 =	vld [tilespmem:s24+$0x0]  }
0x14f: {  	v29 =	vld [tilespmem:s24+$0xFFFFFFA0]  }
0x150: {  	v30 =	vld [tilespmem:s24+$0xFFFFFFC0]  }
0x151: {  	v31 =	vld [tilespmem:s24+$0xFFFFFF60]  }
0x152: {  	v32 =	vld [tilespmem:s24+$0xFFFFFF80]  }
0x153: {  	v33 =	vld [tilespmem:s24+$0xFFFFFF20]  }
0x154: {  	v34 =	vld [tilespmem:s24+$0xFFFFFF40]  }
0x155: {  	v35 =	vld [tilespmem:s24+$0xFFFFFEE0]  }
0x156: {  	v36 =	vld [tilespmem:s24+$0xFFFFFF00]  }
0x157: {  	v37 =	vld [tilespmem:s24+$0xFFFFFEA0]  }
0x158: {  	v38 =	vld [tilespmem:s24+$0xFFFFFEC0]  }
0x159: {  	v39 =	vld [tilespmem:s24+$0xFFFFFE60]  }
0x15a: {  	v40 =	vld [tilespmem:s24+$0xFFFFFE80]  }
0x15b: {  	v41 =	vld [tilespmem:s24+$0xFFFFFE20]  }
0x15c: {  	v42 =	vld [tilespmem:s24+$0xFFFFFE40]  }
0x15d: {  	v43 =	vld [tilespmem:s24+$0xFFFFFDE0]  }
0x15e: {  	v44 =	vld [tilespmem:s24+$0xFFFFFE00]  }
0x15f: {  	v45 =	vld [tilespmem:s24+$0xFFFFFDA0]  }
0x160: {  	v46 =	vld [tilespmem:s24+$0xFFFFFDC0]  }
0x161: {  	v47 =	vld [tilespmem:s24+$0xFFFFFD60]  }
0x162: {  	v48 =	vld [tilespmem:s24+$0xFFFFFD80]  }
0x163: {  	v49 =	vld [tilespmem:s24+$0xFFFFFD20]  }
0x164: {  	v50 =	vld [tilespmem:s24+$0xFFFFFD40]  }
0x165: {  	s29 =	simm.s32 $0x1;
	s28 =	simm.s32 $0x0;
	s26 =	smov.u32 s22;
	v51 =	vld [tilespmem:s24+$0xFFFFFCC0]  }
.LBB2_5:
0x166: {  	p0 =	sne.s32 s29, $0xF;
	v52 =	vld [tilespmem:s24+$0xFFFFFD00]  }
0x167: {  	v53 =	vld [tilespmem:s24+$0xFFFFFCD0]  }
0x168: {  	v54 =	vld [tilespmem:s24+$0xFFFFFCE0]  }
0x169: {  	v55 =	vld [tilespmem:s24+$0xFFFFFD10]  }
0x16a: {  	v51 =	vadd.f32 $0.0e+00, v51;
	v56 =	vld [tilespmem:s24+$0xFFFFFCF0]  }
0x16b: {  	v57 =	vld [tilespmem:s24+$0xFFFFFD50]  }
0x16c: {  	v53 =	vadd.f32 $0.0e+00, v53;
	v51 =	vadd.f32 v52, v51;
	v52 =	vld [tilespmem:s24+$0xFFFFFD30]  }
0x16d: {  	v54 =	vadd.f32 $0.0e+00, v54;
	v58 =	vld [tilespmem:s24+$0xFFFFFD90]  }
0x16e: {  	v53 =	vadd.f32 v55, v53;
	v50 =	vadd.f32 v50, v51;
	v51 =	vld [tilespmem:s24+$0xFFFFFD70]  }
0x16f: {  	v55 =	vadd.f32 $0.0e+00, v56;
	v49 =	vadd.f32 v49, v54;
	v54 =	vld [tilespmem:s24+$0xFFFFFDD0]  }
0x170: {  	v53 =	vadd.f32 v57, v53;
	v48 =	vadd.f32 v48, v50;
	v50 =	vld [tilespmem:s24+$0xFFFFFDB0]  }
0x171: {  	v52 =	vadd.f32 v52, v55;
	v47 =	vadd.f32 v47, v49;
	v49 =	vld [tilespmem:s24+$0xFFFFFE10]  }
0x172: {  	v53 =	vadd.f32 v58, v53;
	v46 =	vadd.f32 v46, v48;
	v48 =	vld [tilespmem:s24+$0xFFFFFDF0]  }
0x173: {  	v51 =	vadd.f32 v51, v52;
	v45 =	vadd.f32 v45, v47;
	v47 =	vld [tilespmem:s24+$0xFFFFFE50]  }
0x174: {  	v52 =	vadd.f32 v54, v53;
	v44 =	vadd.f32 v44, v46;
	v46 =	vld [tilespmem:s24+$0xFFFFFE30]  }
0x175: {  	v50 =	vadd.f32 v50, v51;
	v43 =	vadd.f32 v43, v45;
	v45 =	vld [tilespmem:s24+$0xFFFFFE90]  }
0x176: {  	v49 =	vadd.f32 v49, v52;
	v42 =	vadd.f32 v42, v44;
	v44 =	vld [tilespmem:s24+$0xFFFFFE70]  }
0x177: {  	v48 =	vadd.f32 v48, v50;
	v41 =	vadd.f32 v41, v43;
	v43 =	vld [tilespmem:s24+$0xFFFFFED0]  }
0x178: {  	v47 =	vadd.f32 v47, v49;
	v40 =	vadd.f32 v40, v42;
	v42 =	vld [tilespmem:s24+$0xFFFFFEB0]  }
0x179: {  	v46 =	vadd.f32 v46, v48;
	v39 =	vadd.f32 v39, v41;
	v41 =	vld [tilespmem:s24+$0xFFFFFF10]  }
0x17a: {  	v45 =	vadd.f32 v45, v47;
	v38 =	vadd.f32 v38, v40;
	v40 =	vld [tilespmem:s24+$0xFFFFFEF0]  }
0x17b: {  	v44 =	vadd.f32 v44, v46;
	v37 =	vadd.f32 v37, v39;
	v39 =	vld [tilespmem:s24+$0xFFFFFF50]  }
0x17c: {  	v43 =	vadd.f32 v43, v45;
	v36 =	vadd.f32 v36, v38;
	v38 =	vld [tilespmem:s24+$0xFFFFFF30]  }
0x17d: {  	v42 =	vadd.f32 v42, v44;
	v35 =	vadd.f32 v35, v37;
	v37 =	vld [tilespmem:s24+$0xFFFFFF90]  }
0x17e: {  	v41 =	vadd.f32 v41, v43;
	v34 =	vadd.f32 v34, v36;
	v36 =	vld [tilespmem:s24+$0xFFFFFF70]  }
0x17f: {  	v40 =	vadd.f32 v40, v42;
	v33 =	vadd.f32 v33, v35;
	v35 =	vld [tilespmem:s24+$0xFFFFFFD0]  }
0x180: {  	v39 =	vadd.f32 v39, v41;
	v32 =	vadd.f32 v32, v34;
	v34 =	vld [tilespmem:s24+$0xFFFFFFB0]  }
0x181: {  	v38 =	vadd.f32 v38, v40;
	v31 =	vadd.f32 v31, v33;
	v33 =	vld [tilespmem:s24+$0x10]  }
0x182: {  	v37 =	vadd.f32 v37, v39;
	v30 =	vadd.f32 v30, v32;
	v32 =	vld [tilespmem:s24+$0xFFFFFFF0]  }
0x183: {  	v36 =	vadd.f32 v36, v38;
	v29 =	vadd.f32 v29, v31;
	v31 =	vld [tilespmem:s24+$0x50]  }
0x184: {  	v35 =	vadd.f32 v35, v37;
	v28 =	vadd.f32 v28, v30;
	v30 =	vld [tilespmem:s24+$0x30]  }
0x185: {  	v34 =	vadd.f32 v34, v36;
	v27 =	vadd.f32 v27, v29;
	v29 =	vld [tilespmem:s24+$0x90]  }
0x186: {  	v33 =	vadd.f32 v33, v35;
	v26 =	vadd.f32 v26, v28;
	v28 =	vld [tilespmem:s24+$0x70]  }
0x187: {  	v32 =	vadd.f32 v32, v34;
	v25 =	vadd.f32 v25, v27;
	v27 =	vld [tilespmem:s24+$0xD0]  }
0x188: {  	v31 =	vadd.f32 v31, v33;
	v24 =	vadd.f32 v24, v26;
	v26 =	vld [tilespmem:s24+$0xB0]  }
0x189: {  	v30 =	vadd.f32 v30, v32;
	v23 =	vadd.f32 v23, v25;
	v25 =	vld [tilespmem:s24+$0x110]  }
0x18a: {  	v29 =	vadd.f32 v29, v31;
	v22 =	vadd.f32 v22, v24;
	v24 =	vld [tilespmem:s24+$0xF0]  }
0x18b: {  	v28 =	vadd.f32 v28, v30;
	v21 =	vadd.f32 v21, v23;
	v23 =	vld [tilespmem:s24+$0x150]  }
0x18c: {  	v27 =	vadd.f32 v27, v29;
	v20 =	vadd.f32 v20, v22;
	v22 =	vld [tilespmem:s24+$0x130]  }
0x18d: {  	v26 =	vadd.f32 v26, v28;
	v19 =	vadd.f32 v19, v21;
	v21 =	vld [tilespmem:s24+$0x190]  }
0x18e: {  	v25 =	vadd.f32 v25, v27;
	v18 =	vadd.f32 v18, v20;
	v20 =	vld [tilespmem:s24+$0x170]  }
0x18f: {  	v24 =	vadd.f32 v24, v26;
	v17 =	vadd.f32 v17, v19;
	v19 =	vld [tilespmem:s24+$0x1D0]  }
0x190: {  	v23 =	vadd.f32 v23, v25;
	v16 =	vadd.f32 v16, v18;
	v18 =	vld [tilespmem:s24+$0x1B0]  }
0x191: {  	v22 =	vadd.f32 v22, v24;
	v15 =	vadd.f32 v15, v17;
	v17 =	vld [tilespmem:s24+$0x210]  }
0x192: {  	v21 =	vadd.f32 v21, v23;
	v14 =	vadd.f32 v14, v16;
	v16 =	vld [tilespmem:s24+$0x1F0]  }
0x193: {  	v20 =	vadd.f32 v20, v22;
	v13 =	vadd.f32 v13, v15;
	v15 =	vld [tilespmem:s24+$0x250]  }
0x194: {  	v19 =	vadd.f32 v19, v21;
	v12 =	vadd.f32 v12, v14;
	v14 =	vld [tilespmem:s24+$0x230]  }
0x195: {  	v18 =	vadd.f32 v18, v20;
	v11 =	vadd.f32 v11, v13;
	v13 =	vld [tilespmem:s24+$0x290]  }
0x196: {  	v17 =	vadd.f32 v17, v19;
	v10 =	vadd.f32 v10, v12;
	v12 =	vld [tilespmem:s24+$0x270]  }
0x197: {  	v16 =	vadd.f32 v16, v18;
	v9 =	vadd.f32 v9, v11;
	v11 =	vld [tilespmem:s24+$0x2D0]  }
0x198: {  	v15 =	vadd.f32 v15, v17;
	v8 =	vadd.f32 v8, v10;
	v10 =	vld [tilespmem:s24+$0x2B0]  }
0x199: {  	v14 =	vadd.f32 v14, v16;
	v7 =	vadd.f32 v7, v9;
	v9 =	vld [tilespmem:s24+$0x2E0]  }
0x19a: {  	v13 =	vadd.f32 v13, v15;
	v6 =	vadd.f32 v6, v8;
	v8 =	vld [tilespmem:s24+$0x2F0]  }
0x19b: {  	v12 =	vadd.f32 v12, v14;
	v5 =	vadd.f32 v5, v7;
	v7 =	vld [tilespmem:s24+$0x320]  }
0x19c: {  	v11 =	vadd.f32 v11, v13;
	v4 =	vadd.f32 v4, v6;
	v6 =	vld [tilespmem:s26+$0xFFFFFFF0]  }
0x19d: {  	v13 =	vmov s28;
	s28 =	smov.u32 s29;
	v10 =	vadd.f32 v10, v12;
	v12 =	vld [tilespmem:s24+$0x330]  }
0x19e: {  	v5 =	vadd.f32 v9, v5;
	v3 =	vadd.f32 v3, v11;
	v2 =	vmul.f32 v2, v4  }
0x19f: {  	v9 =	vand.u32 $0xF, v13;
	v4 =	vadd.f32 v8, v10;
	v8 =	vld [tilespmem:s26+$0x0]  }
0x1a0: {  	v5 =	vadd.f32 v7, v5;
	v2 =	vadd.f32 $0.0e+00, v2;
	v1 =	vmul.f32 v1, v3  }
0x1a1: {  	v3 =	vbroadcast v9, $0x0  }
0x1a2: {  	v4 =	vadd.f32 v12, v4;
	v1 =	vadd.f32 v1, v2;
	v2 =	vmul.f32 v6, v5  }
0x1a3: {  	v3 =	vor.u32 v0, v3  }
0x1a4: {  	v1 =	vadd.f32 v2, v1;
	v2 =	vmul.f32 v8, v4;
	_ =	sdelay $0x1  }
0x1a5: {  	v1 =	vadd.f32 v2, v1;
	_ =	sdelay $0x1  }
0x1a6: {  	s26 =	sadd.s32 $0x40, s26;
	[tilespmem:v3+s16+$0x0] =	vst.idx.msk $0xffff, v1  }
0x1a7: {  	v1 =	vld [tilespmem:s26+$0xFFFFFFE0]  }
0x1a8: {  	s24 =	sadd.s32 $0x680, s24;
	v2 =	vld [tilespmem:s26+$0xFFFFFFD0]  }
0x1a9: {  	v3 =	vld [tilespmem:s24+$0x310]  }
0x1aa: {  	v4 =	vld [tilespmem:s24+$0x300]  }
0x1ab: {  	v5 =	vld [tilespmem:s24+$0x2A0]  }
0x1ac: {  	v6 =	vld [tilespmem:s24+$0x2C0]  }
0x1ad: {  	v7 =	vld [tilespmem:s24+$0x260]  }
0x1ae: {  	v8 =	vld [tilespmem:s24+$0x280]  }
0x1af: {  	v9 =	vld [tilespmem:s24+$0x220]  }
0x1b0: {  	v10 =	vld [tilespmem:s24+$0x240]  }
0x1b1: {  	v11 =	vld [tilespmem:s24+$0x1E0]  }
0x1b2: {  	v12 =	vld [tilespmem:s24+$0x200]  }
0x1b3: {  	v13 =	vld [tilespmem:s24+$0x1A0]  }
0x1b4: {  	v14 =	vld [tilespmem:s24+$0x1C0]  }
0x1b5: {  	v15 =	vld [tilespmem:s24+$0x160]  }
0x1b6: {  	v16 =	vld [tilespmem:s24+$0x180]  }
0x1b7: {  	v17 =	vld [tilespmem:s24+$0x120]  }
0x1b8: {  	v18 =	vld [tilespmem:s24+$0x140]  }
0x1b9: {  	v19 =	vld [tilespmem:s24+$0xE0]  }
0x1ba: {  	v20 =	vld [tilespmem:s24+$0x100]  }
0x1bb: {  	v21 =	vld [tilespmem:s24+$0xA0]  }
0x1bc: {  	v22 =	vld [tilespmem:s24+$0xC0]  }
0x1bd: {  	v23 =	vld [tilespmem:s24+$0x60]  }
0x1be: {  	v24 =	vld [tilespmem:s24+$0x80]  }
0x1bf: {  	v25 =	vld [tilespmem:s24+$0x20]  }
0x1c0: {  	v26 =	vld [tilespmem:s24+$0x40]  }
0x1c1: {  	v27 =	vld [tilespmem:s24+$0xFFFFFFE0]  }
0x1c2: {  	v28 =	vld [tilespmem:s24+$0x0]  }
0x1c3: {  	v29 =	vld [tilespmem:s24+$0xFFFFFFA0]  }
0x1c4: {  	v30 =	vld [tilespmem:s24+$0xFFFFFFC0]  }
0x1c5: {  	v31 =	vld [tilespmem:s24+$0xFFFFFF60]  }
0x1c6: {  	v32 =	vld [tilespmem:s24+$0xFFFFFF80]  }
0x1c7: {  	v33 =	vld [tilespmem:s24+$0xFFFFFF20]  }
0x1c8: {  	v34 =	vld [tilespmem:s24+$0xFFFFFF40]  }
0x1c9: {  	v35 =	vld [tilespmem:s24+$0xFFFFFEE0]  }
0x1ca: {  	v36 =	vld [tilespmem:s24+$0xFFFFFF00]  }
0x1cb: {  	v37 =	vld [tilespmem:s24+$0xFFFFFEA0]  }
0x1cc: {  	v38 =	vld [tilespmem:s24+$0xFFFFFEC0]  }
0x1cd: {  	v39 =	vld [tilespmem:s24+$0xFFFFFE60]  }
0x1ce: {  	v40 =	vld [tilespmem:s24+$0xFFFFFE80]  }
0x1cf: {  	v41 =	vld [tilespmem:s24+$0xFFFFFE20]  }
0x1d0: {  	v42 =	vld [tilespmem:s24+$0xFFFFFE40]  }
0x1d1: {  	v43 =	vld [tilespmem:s24+$0xFFFFFDE0]  }
0x1d2: {  	v44 =	vld [tilespmem:s24+$0xFFFFFE00]  }
0x1d3: {  	v45 =	vld [tilespmem:s24+$0xFFFFFDA0]  }
0x1d4: {  	v46 =	vld [tilespmem:s24+$0xFFFFFDC0]  }
.Ltmp1:
0x1d5: {  	v47 =	vld [tilespmem:s24+$0xFFFFFD60];
	(pc) =	sbr.rel @p0 .LBB2_5-.Ltmp1, $4  }
0x1d6: {  	v48 =	vld [tilespmem:s24+$0xFFFFFD80]  }
0x1d7: {  	v49 =	vld [tilespmem:s24+$0xFFFFFD20]  }
0x1d8: {  	v50 =	vld [tilespmem:s24+$0xFFFFFD40]  }
0x1d9: {  	s29 =	sadd.s32 $0x1, s29;
	v51 =	vld [tilespmem:s24+$0xFFFFFCC0]  }
0x1da: {  	v52 =	vld [tilespmem:s24+$0xFFFFFD00]  }
0x1db: {  	v53 =	vld [tilespmem:s24+$0xFFFFFCD0]  }
0x1dc: {  	v54 =	vld [tilespmem:s24+$0xFFFFFCE0]  }
0x1dd: {  	v55 =	vld [tilespmem:s24+$0xFFFFFD10]  }
0x1de: {  	v56 =	vld [tilespmem:s24+$0xFFFFFCF0];
	v51 =	vadd.f32 $0.0e+00, v51  }
0x1df: {  	v57 =	vld [tilespmem:s24+$0xFFFFFD50]  }
0x1e0: {  	v63 =	vld [tilespmem:s24+$0xFFFFFD30];
	v53 =	vadd.f32 $0.0e+00, v53;
	v51 =	vadd.f32 v52, v51  }
0x1e1: {  	v58 =	vld [tilespmem:s24+$0xFFFFFD90];
	v54 =	vadd.f32 $0.0e+00, v54  }
0x1e2: {  	v59 =	vld [tilespmem:s24+$0xFFFFFD70];
	v53 =	vadd.f32 v55, v53;
	v50 =	vadd.f32 v50, v51  }
0x1e3: {  	v61 =	vld [tilespmem:s24+$0xFFFFFDD0];
	v60 =	vadd.f32 $0.0e+00, v56;
	v49 =	vadd.f32 v49, v54  }
0x1e4: {  	v62 =	vld [tilespmem:s24+$0xFFFFFDB0];
	v53 =	vadd.f32 v57, v53;
	v48 =	vadd.f32 v48, v50  }
0x1e5: {  	v52 =	vadd.f32 v63, v60;
	v63 =	vld [tilespmem:s24+$0xFFFFFE10];
	v47 =	vadd.f32 v47, v49  }
0x1e6: {  	v56 =	vld [tilespmem:s24+$0xFFFFFDF0];
	v53 =	vadd.f32 v58, v53;
	v46 =	vadd.f32 v46, v48  }
0x1e7: {  	v51 =	vadd.f32 v59, v52;
	v57 =	vld [tilespmem:s24+$0xFFFFFE50];
	v45 =	vadd.f32 v45, v47  }
0x1e8: {  	v59 =	vld [tilespmem:s24+$0xFFFFFE30];
	v58 =	vadd.f32 v61, v53;
	v44 =	vadd.f32 v44, v46  }
0x1e9: {  	v60 =	vld [tilespmem:s24+$0xFFFFFE90];
	v50 =	vadd.f32 v62, v51;
	v43 =	vadd.f32 v43, v45  }
0x1ea: {  	v61 =	vld [tilespmem:s24+$0xFFFFFE70];
	v49 =	vadd.f32 v63, v58;
	v42 =	vadd.f32 v42, v44  }
0x1eb: {  	v62 =	vld [tilespmem:s24+$0xFFFFFED0];
	v48 =	vadd.f32 v56, v50;
	v41 =	vadd.f32 v41, v43  }
0x1ec: {  	v63 =	vld [tilespmem:s24+$0xFFFFFEB0];
	v47 =	vadd.f32 v57, v49;
	v40 =	vadd.f32 v40, v42  }
0x1ed: {  	v46 =	vadd.f32 v59, v48;
	v39 =	vadd.f32 v39, v41;
	v49 =	vld [tilespmem:s24+$0xFFFFFF10]  }
0x1ee: {  	v50 =	vld [tilespmem:s24+$0xFFFFFEF0];
	v45 =	vadd.f32 v60, v47;
	v38 =	vadd.f32 v38, v40  }
0x1ef: {  	v51 =	vld [tilespmem:s24+$0xFFFFFF50];
	v44 =	vadd.f32 v61, v46;
	v37 =	vadd.f32 v37, v39  }
0x1f0: {  	v52 =	vld [tilespmem:s24+$0xFFFFFF30];
	v43 =	vadd.f32 v62, v45;
	v36 =	vadd.f32 v36, v38  }
0x1f1: {  	v53 =	vld [tilespmem:s24+$0xFFFFFF90];
	v42 =	vadd.f32 v63, v44;
	v35 =	vadd.f32 v35, v37  }
0x1f2: {  	v54 =	vld [tilespmem:s24+$0xFFFFFF70];
	v41 =	vadd.f32 v49, v43;
	v34 =	vadd.f32 v34, v36  }
0x1f3: {  	v55 =	vld [tilespmem:s24+$0xFFFFFFD0];
	v40 =	vadd.f32 v50, v42;
	v33 =	vadd.f32 v33, v35  }
0x1f4: {  	v56 =	vld [tilespmem:s24+$0xFFFFFFB0];
	v39 =	vadd.f32 v51, v41;
	v32 =	vadd.f32 v32, v34  }
0x1f5: {  	v57 =	vld [tilespmem:s24+$0x10];
	v38 =	vadd.f32 v52, v40;
	v31 =	vadd.f32 v31, v33  }
0x1f6: {  	v58 =	vld [tilespmem:s24+$0xFFFFFFF0];
	v37 =	vadd.f32 v53, v39;
	v30 =	vadd.f32 v30, v32  }
0x1f7: {  	v59 =	vld [tilespmem:s24+$0x50];
	v36 =	vadd.f32 v54, v38;
	v29 =	vadd.f32 v29, v31  }
0x1f8: {  	v60 =	vld [tilespmem:s24+$0x30];
	v35 =	vadd.f32 v55, v37;
	v28 =	vadd.f32 v28, v30  }
0x1f9: {  	v61 =	vld [tilespmem:s24+$0x90];
	v34 =	vadd.f32 v56, v36;
	v27 =	vadd.f32 v27, v29  }
0x1fa: {  	v62 =	vld [tilespmem:s24+$0x70];
	v33 =	vadd.f32 v57, v35;
	v26 =	vadd.f32 v26, v28  }
0x1fb: {  	v63 =	vld [tilespmem:s24+$0xD0];
	v32 =	vadd.f32 v58, v34;
	v25 =	vadd.f32 v25, v27  }
0x1fc: {  	v31 =	vadd.f32 v59, v33;
	v33 =	vld [tilespmem:s24+$0xB0];
	v24 =	vadd.f32 v24, v26  }
0x1fd: {  	v34 =	vld [tilespmem:s24+$0x110];
	v30 =	vadd.f32 v60, v32;
	v23 =	vadd.f32 v23, v25  }
0x1fe: {  	v35 =	vld [tilespmem:s24+$0xF0];
	v29 =	vadd.f32 v61, v31;
	v22 =	vadd.f32 v22, v24  }
0x1ff: {  	v36 =	vld [tilespmem:s24+$0x150];
	v28 =	vadd.f32 v62, v30;
	v21 =	vadd.f32 v21, v23  }
0x200: {  	v37 =	vld [tilespmem:s24+$0x130];
	v27 =	vadd.f32 v63, v29;
	v20 =	vadd.f32 v20, v22  }
0x201: {  	v38 =	vld [tilespmem:s24+$0x190];
	v19 =	vadd.f32 v19, v21;
	v26 =	vadd.f32 v33, v28  }
0x202: {  	v39 =	vld [tilespmem:s24+$0x170];
	v25 =	vadd.f32 v34, v27;
	v18 =	vadd.f32 v18, v20  }
0x203: {  	v40 =	vld [tilespmem:s24+$0x1D0];
	v17 =	vadd.f32 v17, v19;
	v24 =	vadd.f32 v35, v26  }
0x204: {  	v41 =	vld [tilespmem:s24+$0x1B0];
	v23 =	vadd.f32 v36, v25;
	v16 =	vadd.f32 v16, v18  }
0x205: {  	v42 =	vld [tilespmem:s24+$0x210];
	v15 =	vadd.f32 v15, v17;
	v22 =	vadd.f32 v37, v24  }
0x206: {  	v43 =	vld [tilespmem:s24+$0x1F0];
	v21 =	vadd.f32 v38, v23;
	v14 =	vadd.f32 v14, v16  }
0x207: {  	v44 =	vld [tilespmem:s24+$0x250];
	v13 =	vadd.f32 v13, v15;
	v20 =	vadd.f32 v39, v22  }
0x208: {  	v45 =	vld [tilespmem:s24+$0x230];
	v19 =	vadd.f32 v40, v21;
	v12 =	vadd.f32 v12, v14  }
0x209: {  	v46 =	vld [tilespmem:s24+$0x290];
	v11 =	vadd.f32 v11, v13;
	v18 =	vadd.f32 v41, v20  }
0x20a: {  	v47 =	vld [tilespmem:s24+$0x270];
	v17 =	vadd.f32 v42, v19;
	v10 =	vadd.f32 v10, v12  }
0x20b: {  	v48 =	vld [tilespmem:s24+$0x2D0];
	v9 =	vadd.f32 v9, v11;
	v16 =	vadd.f32 v43, v18  }
0x20c: {  	v50 =	vld [tilespmem:s24+$0x2E0];
	v15 =	vadd.f32 v44, v17;
	v8 =	vadd.f32 v8, v10  }
0x20d: {  	v49 =	vld [tilespmem:s24+$0x2B0];
	v7 =	vadd.f32 v7, v9;
	v14 =	vadd.f32 v45, v16  }
0x20e: {  	v52 =	vld [tilespmem:s24+$0x320];
	v13 =	vadd.f32 v46, v15;
	v6 =	vadd.f32 v6, v8  }
0x20f: {  	v51 =	vld [tilespmem:s24+$0x2F0];
	v5 =	vadd.f32 v5, v7;
	v12 =	vadd.f32 v47, v14  }
0x210: {  	v54 =	vld [tilespmem:s24+$0x330];
	v11 =	vadd.f32 v48, v13;
	v4 =	vadd.f32 v4, v6  }
0x211: {  	v53 =	vld [tilespmem:s26+$0xFFFFFFF0];
	v55 =	vmov s28;
	v5 =	vadd.f32 v50, v5  }
0x212: {  	v10 =	vadd.f32 v49, v12;
	v3 =	vadd.f32 v3, v11;
	v2 =	vmul.f32 v2, v4  }
0x213: {  	v58 =	vand.u32 $0xF, v55;
	v57 =	vld [tilespmem:s26+$0x0];
	v5 =	vadd.f32 v52, v5  }
0x214: {  	v56 =	vadd.f32 v51, v10;
	v1 =	vmul.f32 v1, v3;
	v2 =	vadd.f32 $0.0e+00, v2  }
0x215: {  	v3 =	vbroadcast v58, $0x0  }
0x216: {  	v4 =	vadd.f32 v54, v56;
	v1 =	vadd.f32 v1, v2;
	v2 =	vmul.f32 v53, v5  }
0x217: {  	v3 =	vor.u32 v0, v3  }
0x218: {  	v1 =	vadd.f32 v2, v1;
	v2 =	vmul.f32 v57, v4;
	_ =	sdelay $0x1  }
0x219: {  	v1 =	vadd.f32 v2, v1;
	_ =	sdelay $0x1  }
0x21a: {  	[tilespmem:v3+s16+$0x0] =	vst.idx.msk $0xffff, v1  }
0x21b: {  	v1 =	vld [tilespmem:$0x10408]  }
0x21c: {  	v2 =	vld [tilespmem:$0x10418];
	_ =	sdelay $0x1  }
0x21d: {  	v3 =	vld [tilespmem:$0x10428];
	_ =	sdelay $0x1  }
0x21e: {  	v59 =	vld [tilespmem:$0x10438]  }
0x21f: {  	v1 =	vadd.f32 v2, v1  }
0x220: {  	v2 =	vld [tilespmem:$0x10448]  }
0x221: {  	v1 =	vadd.f32 v3, v1  }
0x222: {  	v3 =	vld [tilespmem:$0x10458]  }
0x223: {  	v1 =	vadd.f32 v59, v1  }
0x224: {  	v60 =	vld [tilespmem:$0x10468]  }
0x225: {  	v1 =	vadd.f32 v2, v1  }
0x226: {  	v2 =	vld [tilespmem:$0x10478]  }
0x227: {  	v1 =	vadd.f32 v3, v1  }
0x228: {  	v3 =	vld [tilespmem:$0x10488]  }
0x229: {  	v1 =	vadd.f32 v60, v1  }
0x22a: {  	v61 =	vld [tilespmem:$0x10498]  }
0x22b: {  	v1 =	vadd.f32 v2, v1  }
0x22c: {  	v2 =	vld [tilespmem:$0x104A8]  }
0x22d: {  	v1 =	vadd.f32 v3, v1  }
0x22e: {  	v3 =	vld [tilespmem:$0x104B8]  }
0x22f: {  	v1 =	vadd.f32 v61, v1  }
0x230: {  	v62 =	vld [tilespmem:$0x104C8]  }
0x231: {  	v1 =	vadd.f32 v2, v1  }
0x232: {  	v2 =	vld [tilespmem:$0x104D8]  }
0x233: {  	v1 =	vadd.f32 v3, v1  }
0x234: {  	v3 =	vld [tilespmem:$0x104E8]  }
0x235: {  	v1 =	vadd.f32 v62, v1  }
0x236: {  	v63 =	vld [tilespmem:$0x104F8]  }
0x237: {  	s31 =	sshll.u32 s25, $0x4;
	v1 =	vadd.f32 v2, v1  }
0x238: {  	v2 =	vld [tilespmem:s31+$0x18508]  }
0x239: {  	s23 =	sadd.s32 $0x1, s23;
	v1 =	vadd.f32 v3, v1  }
0x23a: {  	p0 =	sne.s32 s23, $0x10  }
.Ltmp2:
0x23b: {  	v1 =	vadd.f32 v63, v1;
	(pc) =	sbr.rel @p0 .LBB2_2-.Ltmp2, $3  }
0x23c: {  	_ = 	snop  }
0x23d: {  	v1 =	vadd.f32 v2, v1;
	_ =	sdelay $0x1  }
0x23e: {  	s21 =	sadd.s32 $0x800, s21;
	s22 =	sadd.s32 $0x800, s22;
	[tilespmem:s31+$0x18708] =	vst v1  }
0x23f: {  	s20 =	sadd.s32 $0x1, s20  }
0x240: {  	p0 =	sne.s32 s20, s8  }
.Ltmp3:
0x241: {  	_ = 	snop;
	(pc) =	sbr.rel @p0 .LBB2_1-.Ltmp3, $4  }
0x242: {  	[hbm4b:s7+s2] =	stream.linear.scatter [tilespmem:s18], [sflag:$0x3], $0x200, $0x38;
	[tilespmem:$0x18908] =	vst v63  }
0x243: {  	_ =	swait.ge [sflag:s19], $0x200  }
0x244: {  	[sflag:s19] =	ssyncset.done $0x0  }
0x245: {  	[sflag:s19] =	ssyncadd.s32 $0xFFFFFE00  }
0x246: {  	_ =	sfence.sel $0x180000  }
0x247: {  	[bflag:$0x0] =	sbarrier.arrive $0xFFFF  }
0x248: {  	p0 =	sne.s32 s1, $0x0;
	_ =	strace $0x9000004A  }
0x249: {  	s0 =	sadd.s32 @!p0 $0x100000, s0;
	[bflag:$0x2] =	sbarrier.arrive $0xFFFF  }
0x24a: {  	[sflag:s0] =	ssyncadd.tile.s32 @!p0 $0x1;
	_ =	shalt  }
.Lfunc_end2:
_tile_overlayer_lowered:
.L_overlay_start_2:
0x24b: {  	(tag) =	ssettag $0x2  }
0x24c: {  	s0 =	rddreg [dreg:$0x0];
	s2 =	stileid.u32  }
0x24d: {  	s1 =	rddreg [dreg:$0x1];
	p0 =	sne.s32 s2, $0x0  }
0x24e: {  	s3 =	rddreg [dreg:$0x2];
	[bflag:$0x3] =	sbarrier.arrive $0xFFFF;
	s2 =	simm.s32 @!p0 $0x1C04  }
0x24f: {  	[timem:s3], [sflag:s2] =	dma.local @!p0 [hbm:s0], s1  }
0x250: {  	s0 =	simm.s32 @!p0 $0x4  }
0x251: {  	_ =	swait.ge @!p0 [sflag:s0], s1  }
0x252: {  	s1 =	ssub.s32 @!p0 $0x0, s1;
	[sflag:s0] =	ssyncset.done @!p0 $0x0  }
0x253: {  	[sflag:s0] =	ssyncadd.s32 @!p0 s1  }
0x254: {  	[bflag:$0x3] =	sbarrier.arrive $0xFFFF  }
0x255: {  	_ =	shalt  }

</sc_bundles>
